<compile_context>
chip_gen: v7x
topology: tpu7x:2x2x1
jax: 0.10.2.dev20260603
libtpu: 0.0.44.dev20260713+nightly
codegen_flags: <defaults>
</compile_context>

<pallas_src>
import functools

import jax
import jax.numpy as jnp
from jax import lax
from jax.experimental import pallas as pl
from jax.experimental.pallas import tpu as pltpu
from jax.experimental.pallas import tpu_sc as plsc

_BATCH = 16384
_DIM = 32
_NC = 2
_NS = 16
_NW = _NC * _NS
_BPW = _BATCH // _NW
_L = 16
_G = _BPW // _L
_ROWS = _BPW // 128


def _body(uid, iid, ut, it, out, uidx, iidx, urows, irows,
          outv, semu0, semi0, semu1, semi1):
    wid = lax.axis_index("s") * _NC + lax.axis_index("c")
    wrow = wid * _ROWS
    for r in range(_ROWS):
        pltpu.sync_copy(uid.at[wrow + r], uidx.at[pl.ds(r * 128, 128)])
        pltpu.sync_copy(iid.at[wrow + r], iidx.at[pl.ds(r * 128, 128)])

    lanes = lax.iota(jnp.int32, _L)
    sems = ((semu0, semi0), (semu1, semi1))

    def fetch_group(g, par):
        su, si = sems[par]
        uvec = uidx[pl.ds(g * _L, _L)]
        ivec = iidx[pl.ds(g * _L, _L)]
        for j in range(_L):
            slot = par * _L + j
            pltpu.async_copy(ut.at[pl.ds(uvec[j], 1)],
                             urows.at[pl.ds(slot, 1)], su)
            pltpu.async_copy(it.at[pl.ds(ivec[j], 1)],
                             irows.at[pl.ds(slot, 1)], si)

    def drain_group(par):
        su, si = sems[par]
        for j in range(_L):
            slot = par * _L + j
            pltpu.make_async_copy(ut.at[pl.ds(0, 1)],
                                  urows.at[pl.ds(slot, 1)], su).wait()
            pltpu.make_async_copy(it.at[pl.ds(0, 1)],
                                  irows.at[pl.ds(slot, 1)], si).wait()

    def compute_group(g, par):
        acc = jnp.zeros((_L,), jnp.float32)
        for j in range(_L):
            slot = par * _L + j
            u0 = urows[slot, pl.ds(0, _L)]
            u1 = urows[slot, pl.ds(_L, _L)]
            v0 = irows[slot, pl.ds(0, _L)]
            v1 = irows[slot, pl.ds(_L, _L)]
            s = u0 * v0 + u1 * v1
            acc = jnp.where(lanes == j, jnp.sum(s), acc)
        outv[pl.ds(g * _L, _L)] = acc

    def step(k, carry):
        g0 = 2 * k
        fetch_group(g0, 0)
        fetch_group(g0 + 1, 1)
        drain_group(0)
        compute_group(g0, 0)
        drain_group(1)
        compute_group(g0 + 1, 1)
        return carry

    lax.fori_loop(0, _G // 2, step, 0)

    for r in range(_ROWS):
        pltpu.sync_copy(outv.at[pl.ds(r * 128, 128)], out.at[wrow + r])


_course_rec = functools.partial(
    pl.kernel,
    out_type=jax.ShapeDtypeStruct((128, 128), jnp.float32),
    mesh=plsc.VectorSubcoreMesh(core_axis_name="c", subcore_axis_name="s"),
    compiler_params=pltpu.CompilerParams(needs_layout_passes=False),
    scratch_types=[
        pltpu.VMEM((_BPW,), jnp.int32),
        pltpu.VMEM((_BPW,), jnp.int32),
        pltpu.VMEM((2 * _L, _DIM), jnp.float32),
        pltpu.VMEM((2 * _L, _DIM), jnp.float32),
        pltpu.VMEM((_BPW,), jnp.float32),
        pltpu.SemaphoreType.DMA,
        pltpu.SemaphoreType.DMA,
        pltpu.SemaphoreType.DMA,
        pltpu.SemaphoreType.DMA,
    ],
)(_body)


def kernel(user_ids, item_ids, user_table, item_table):
    uid = jnp.reshape(user_ids, (128, 128))
    iid = jnp.reshape(item_ids, (128, 128))
    out = _course_rec(uid, iid, user_table, item_table)
    return jnp.reshape(out, (_BATCH,))

# --- scband reference (transcript-rebuilt; emitter-appended) ---
"""Pipeline reference for scband-course-rec-83554293776531 (READ-ONLY COPY).

The authoritative reference and input builder live on the scoring server;
editing this copy changes nothing except your own understanding.
"""

import jax, jax.numpy as jnp
import numpy as np

NUM_USERS = 1000000
NUM_ITEMS = 100000
EMBED_DIM = 32
BATCH = 16384

def setup_inputs(seed: int = 0) -> dict:
    key = jax.random.key(seed)
    k1, k2, k3, k4 = jax.random.split(key, 4)
    user_ids = jax.random.randint(k1, (BATCH,), 0, NUM_USERS, dtype=jnp.int64 if jax.config.jax_enable_x64 else jnp.int32)
    item_ids = jax.random.randint(k2, (BATCH,), 0, NUM_ITEMS, dtype=jnp.int64 if jax.config.jax_enable_x64 else jnp.int32)
    user_table = jax.random.normal(k3, (NUM_USERS, EMBED_DIM), dtype=jnp.float32)
    item_table = jax.random.normal(k4, (NUM_ITEMS, EMBED_DIM), dtype=jnp.float32)
    return {"user_ids": user_ids, "item_ids": item_ids, "user_table": user_table, "item_table": item_table}

def reference(user_ids, item_ids, user_table, item_table):
    user_vec = jnp.take(user_table, user_ids, axis=0)
    item_vec = jnp.take(item_table, item_ids, axis=0)
    rating = jnp.sum(user_vec * item_vec, axis=1)
    return rating

if __name__ == "__main__":
    import jax
    _d = setup_inputs()
    print(jax.jit(kernel)(*tuple(_d.values())))

</pallas_src>

<mosaic_0001>
#map = affine_map<(d0, d1) -> (0, 0)>
module attributes {stable_mosaic.version = 14 : i64} {
  func.func @_body(%arg0: i32, %arg1: i32, %arg2: memref<128x128xi32, #tpu.memory_space<hbm>>, %arg3: memref<128x128xi32, #tpu.memory_space<hbm>>, %arg4: memref<1000000x32xf32, #tpu.memory_space<hbm>>, %arg5: memref<100000x32xf32, #tpu.memory_space<hbm>>, %arg6: memref<128x128xf32, #tpu.memory_space<hbm>>, %arg7: memref<512xi32, #tpu.memory_space<vmem>>, %arg8: memref<512xi32, #tpu.memory_space<vmem>>, %arg9: memref<32x32xf32, #tpu.memory_space<vmem>>, %arg10: memref<32x32xf32, #tpu.memory_space<vmem>>, %arg11: memref<512xf32, #tpu.memory_space<vmem>>, %arg12: memref<!tpu.dma_semaphore, #tpu.memory_space<semaphore_mem>>, %arg13: memref<!tpu.dma_semaphore, #tpu.memory_space<semaphore_mem>>, %arg14: memref<!tpu.dma_semaphore, #tpu.memory_space<semaphore_mem>>, %arg15: memref<!tpu.dma_semaphore, #tpu.memory_space<semaphore_mem>>) attributes {dimension_semantics = [#tpu.dimension_semantics<core_parallel>, #tpu.dimension_semantics<subcore_parallel>], iteration_bounds = array<i64: 2, 16>, scalar_prefetch = 0 : i64, scratch_operands = 9 : i64, tpu.core_type = #tpu.core_type<sc_vector_subcore>, window_params = [{transform_indices = #map}, {transform_indices = #map}, {transform_indices = #map}, {transform_indices = #map}, {transform_indices = #map}]} {
    %mul3A = arith.constant 2 : i32
    %mul3A_0 = arith.muli %arg1, %mul3A : i32
    %add3A = arith.addi %mul3A_0, %arg0 : i32
    %mul3A_1 = arith.constant 4 : i32
    %mul3A_2 = arith.muli %add3A, %mul3A_1 : i32
    %add3A_3 = arith.constant 0 : i32
    %add3A_4 = arith.addi %mul3A_2, %add3A_3 : i32
    "tpu.region"() ({
      %run_scoped3A = tpu.sem_alloc : memref<!tpu.dma_semaphore, #tpu.memory_space<semaphore_mem>>
      %dma_start3A = arith.constant 0 : i32
      %dma_start3A_32 = tpu.memref_slice %arg7[%dma_start3A] : memref<512xi32, #tpu.memory_space<vmem>> -> memref<128xi32, #tpu.memory_space<vmem>>
      %dma_start3A_33 = arith.constant 0 : i32
      %dma_start3A_34 = tpu.memref_slice %arg2[%add3A_4, %dma_start3A_33] : memref<128x128xi32, #tpu.memory_space<hbm>> -> memref<1x128xi32, #tpu.memory_space<hbm>>
      %dma_start3A_35 = tpu.memref_squeeze %dma_start3A_34 : memref<1x128xi32, #tpu.memory_space<hbm>> -> memref<128xi32, #tpu.memory_space<hbm>>
      %dma_start3A_36 = arith.constant 0 : i32
      %dma_start3A_37 = tpu.memref_slice %arg7[%dma_start3A_36] : memref<512xi32, #tpu.memory_space<vmem>> -> memref<128xi32, #tpu.memory_space<vmem>>
      %dma_start3A_38 = arith.constant 0 : i32
      %dma_start3A_39 = tpu.memref_slice %arg2[%add3A_4, %dma_start3A_38] : memref<128x128xi32, #tpu.memory_space<hbm>> -> memref<1x128xi32, #tpu.memory_space<hbm>>
      %dma_start3A_40 = tpu.memref_squeeze %dma_start3A_39 : memref<1x128xi32, #tpu.memory_space<hbm>> -> memref<128xi32, #tpu.memory_space<hbm>>
      tpu.enqueue_dma source(%dma_start3A_40 : memref<128xi32, #tpu.memory_space<hbm>>) target(%dma_start3A_37 : memref<128xi32, #tpu.memory_space<vmem>>) target_semaphore(%run_scoped3A : memref<!tpu.dma_semaphore, #tpu.memory_space<semaphore_mem>>)
      %dma_wait3A = arith.constant 0 : i32
      %dma_wait3A_41 = tpu.memref_slice %arg7[%dma_wait3A] : memref<512xi32, #tpu.memory_space<vmem>> -> memref<128xi32, #tpu.memory_space<vmem>>
      %dma_wait3A_42 = arith.constant 0 : i32
      %dma_wait3A_43 = tpu.memref_slice %arg2[%add3A_4, %dma_wait3A_42] : memref<128x128xi32, #tpu.memory_space<hbm>> -> memref<1x128xi32, #tpu.memory_space<hbm>>
      %dma_wait3A_44 = tpu.memref_squeeze %dma_wait3A_43 : memref<1x128xi32, #tpu.memory_space<hbm>> -> memref<128xi32, #tpu.memory_space<hbm>>
      %dma_wait3A_45 = arith.constant 0 : i32
      %dma_wait3A_46 = tpu.memref_slice %arg7[%dma_wait3A_45] : memref<512xi32, #tpu.memory_space<vmem>> -> memref<128xi32, #tpu.memory_space<vmem>>
      %dma_wait3A_47 = arith.constant 0 : i32
      %dma_wait3A_48 = tpu.memref_slice %arg2[%add3A_4, %dma_wait3A_47] : memref<128x128xi32, #tpu.memory_space<hbm>> -> memref<1x128xi32, #tpu.memory_space<hbm>>
      %dma_wait3A_49 = tpu.memref_squeeze %dma_wait3A_48 : memref<1x128xi32, #tpu.memory_space<hbm>> -> memref<128xi32, #tpu.memory_space<hbm>>
      tpu.wait_dma2 semaphore(%run_scoped3A : memref<!tpu.dma_semaphore, #tpu.memory_space<semaphore_mem>>) src(%dma_wait3A_49 : memref<128xi32, #tpu.memory_space<hbm>>) dst(%dma_wait3A_46 : memref<128xi32, #tpu.memory_space<vmem>>)
      tpu.yield
    }) : () -> ()
    %add3A_5 = arith.constant 0 : i32
    %add3A_6 = arith.addi %mul3A_2, %add3A_5 : i32
    "tpu.region"() ({
      %run_scoped3A = tpu.sem_alloc : memref<!tpu.dma_semaphore, #tpu.memory_space<semaphore_mem>>
      %dma_start3A = arith.constant 0 : i32
      %dma_start3A_32 = tpu.memref_slice %arg8[%dma_start3A] : memref<512xi32, #tpu.memory_space<vmem>> -> memref<128xi32, #tpu.memory_space<vmem>>
      %dma_start3A_33 = arith.constant 0 : i32
      %dma_start3A_34 = tpu.memref_slice %arg3[%add3A_6, %dma_start3A_33] : memref<128x128xi32, #tpu.memory_space<hbm>> -> memref<1x128xi32, #tpu.memory_space<hbm>>
      %dma_start3A_35 = tpu.memref_squeeze %dma_start3A_34 : memref<1x128xi32, #tpu.memory_space<hbm>> -> memref<128xi32, #tpu.memory_space<hbm>>
      %dma_start3A_36 = arith.constant 0 : i32
      %dma_start3A_37 = tpu.memref_slice %arg8[%dma_start3A_36] : memref<512xi32, #tpu.memory_space<vmem>> -> memref<128xi32, #tpu.memory_space<vmem>>
      %dma_start3A_38 = arith.constant 0 : i32
      %dma_start3A_39 = tpu.memref_slice %arg3[%add3A_6, %dma_start3A_38] : memref<128x128xi32, #tpu.memory_space<hbm>> -> memref<1x128xi32, #tpu.memory_space<hbm>>
      %dma_start3A_40 = tpu.memref_squeeze %dma_start3A_39 : memref<1x128xi32, #tpu.memory_space<hbm>> -> memref<128xi32, #tpu.memory_space<hbm>>
      tpu.enqueue_dma source(%dma_start3A_40 : memref<128xi32, #tpu.memory_space<hbm>>) target(%dma_start3A_37 : memref<128xi32, #tpu.memory_space<vmem>>) target_semaphore(%run_scoped3A : memref<!tpu.dma_semaphore, #tpu.memory_space<semaphore_mem>>)
      %dma_wait3A = arith.constant 0 : i32
      %dma_wait3A_41 = tpu.memref_slice %arg8[%dma_wait3A] : memref<512xi32, #tpu.memory_space<vmem>> -> memref<128xi32, #tpu.memory_space<vmem>>
      %dma_wait3A_42 = arith.constant 0 : i32
      %dma_wait3A_43 = tpu.memref_slice %arg3[%add3A_6, %dma_wait3A_42] : memref<128x128xi32, #tpu.memory_space<hbm>> -> memref<1x128xi32, #tpu.memory_space<hbm>>
      %dma_wait3A_44 = tpu.memref_squeeze %dma_wait3A_43 : memref<1x128xi32, #tpu.memory_space<hbm>> -> memref<128xi32, #tpu.memory_space<hbm>>
      %dma_wait3A_45 = arith.constant 0 : i32
      %dma_wait3A_46 = tpu.memref_slice %arg8[%dma_wait3A_45] : memref<512xi32, #tpu.memory_space<vmem>> -> memref<128xi32, #tpu.memory_space<vmem>>
      %dma_wait3A_47 = arith.constant 0 : i32
      %dma_wait3A_48 = tpu.memref_slice %arg3[%add3A_6, %dma_wait3A_47] : memref<128x128xi32, #tpu.memory_space<hbm>> -> memref<1x128xi32, #tpu.memory_space<hbm>>
      %dma_wait3A_49 = tpu.memref_squeeze %dma_wait3A_48 : memref<1x128xi32, #tpu.memory_space<hbm>> -> memref<128xi32, #tpu.memory_space<hbm>>
      tpu.wait_dma2 semaphore(%run_scoped3A : memref<!tpu.dma_semaphore, #tpu.memory_space<semaphore_mem>>) src(%dma_wait3A_49 : memref<128xi32, #tpu.memory_space<hbm>>) dst(%dma_wait3A_46 : memref<128xi32, #tpu.memory_space<vmem>>)
      tpu.yield
    }) : () -> ()
    %add3A_7 = arith.constant 1 : i32
    %add3A_8 = arith.addi %mul3A_2, %add3A_7 : i32
    "tpu.region"() ({
      %run_scoped3A = tpu.sem_alloc : memref<!tpu.dma_semaphore, #tpu.memory_space<semaphore_mem>>
      %dma_start3A = arith.constant 128 : i32
      %dma_start3A_32 = tpu.memref_slice %arg7[%dma_start3A] : memref<512xi32, #tpu.memory_space<vmem>> -> memref<128xi32, #tpu.memory_space<vmem>>
      %dma_start3A_33 = arith.constant 0 : i32
      %dma_start3A_34 = tpu.memref_slice %arg2[%add3A_8, %dma_start3A_33] : memref<128x128xi32, #tpu.memory_space<hbm>> -> memref<1x128xi32, #tpu.memory_space<hbm>>
      %dma_start3A_35 = tpu.memref_squeeze %dma_start3A_34 : memref<1x128xi32, #tpu.memory_space<hbm>> -> memref<128xi32, #tpu.memory_space<hbm>>
      %dma_start3A_36 = arith.constant 128 : i32
      %dma_start3A_37 = tpu.memref_slice %arg7[%dma_start3A_36] : memref<512xi32, #tpu.memory_space<vmem>> -> memref<128xi32, #tpu.memory_space<vmem>>
      %dma_start3A_38 = arith.constant 0 : i32
      %dma_start3A_39 = tpu.memref_slice %arg2[%add3A_8, %dma_start3A_38] : memref<128x128xi32, #tpu.memory_space<hbm>> -> memref<1x128xi32, #tpu.memory_space<hbm>>
      %dma_start3A_40 = tpu.memref_squeeze %dma_start3A_39 : memref<1x128xi32, #tpu.memory_space<hbm>> -> memref<128xi32, #tpu.memory_space<hbm>>
      tpu.enqueue_dma source(%dma_start3A_40 : memref<128xi32, #tpu.memory_space<hbm>>) target(%dma_start3A_37 : memref<128xi32, #tpu.memory_space<vmem>>) target_semaphore(%run_scoped3A : memref<!tpu.dma_semaphore, #tpu.memory_space<semaphore_mem>>)
      %dma_wait3A = arith.constant 128 : i32
      %dma_wait3A_41 = tpu.memref_slice %arg7[%dma_wait3A] : memref<512xi32, #tpu.memory_space<vmem>> -> memref<128xi32, #tpu.memory_space<vmem>>
      %dma_wait3A_42 = arith.constant 0 : i32
      %dma_wait3A_43 = tpu.memref_slice %arg2[%add3A_8, %dma_wait3A_42] : memref<128x128xi32, #tpu.memory_space<hbm>> -> memref<1x128xi32, #tpu.memory_space<hbm>>
      %dma_wait3A_44 = tpu.memref_squeeze %dma_wait3A_43 : memref<1x128xi32, #tpu.memory_space<hbm>> -> memref<128xi32, #tpu.memory_space<hbm>>
      %dma_wait3A_45 = arith.constant 128 : i32
      %dma_wait3A_46 = tpu.memref_slice %arg7[%dma_wait3A_45] : memref<512xi32, #tpu.memory_space<vmem>> -> memref<128xi32, #tpu.memory_space<vmem>>
      %dma_wait3A_47 = arith.constant 0 : i32
      %dma_wait3A_48 = tpu.memref_slice %arg2[%add3A_8, %dma_wait3A_47] : memref<128x128xi32, #tpu.memory_space<hbm>> -> memref<1x128xi32, #tpu.memory_space<hbm>>
      %dma_wait3A_49 = tpu.memref_squeeze %dma_wait3A_48 : memref<1x128xi32, #tpu.memory_space<hbm>> -> memref<128xi32, #tpu.memory_space<hbm>>
      tpu.wait_dma2 semaphore(%run_scoped3A : memref<!tpu.dma_semaphore, #tpu.memory_space<semaphore_mem>>) src(%dma_wait3A_49 : memref<128xi32, #tpu.memory_space<hbm>>) dst(%dma_wait3A_46 : memref<128xi32, #tpu.memory_space<vmem>>)
      tpu.yield
    }) : () -> ()
    %add3A_9 = arith.constant 1 : i32
    %add3A_10 = arith.addi %mul3A_2, %add3A_9 : i32
    "tpu.region"() ({
      %run_scoped3A = tpu.sem_alloc : memref<!tpu.dma_semaphore, #tpu.memory_space<semaphore_mem>>
      %dma_start3A = arith.constant 128 : i32
      %dma_start3A_32 = tpu.memref_slice %arg8[%dma_start3A] : memref<512xi32, #tpu.memory_space<vmem>> -> memref<128xi32, #tpu.memory_space<vmem>>
      %dma_start3A_33 = arith.constant 0 : i32
      %dma_start3A_34 = tpu.memref_slice %arg3[%add3A_10, %dma_start3A_33] : memref<128x128xi32, #tpu.memory_space<hbm>> -> memref<1x128xi32, #tpu.memory_space<hbm>>
      %dma_start3A_35 = tpu.memref_squeeze %dma_start3A_34 : memref<1x128xi32, #tpu.memory_space<hbm>> -> memref<128xi32, #tpu.memory_space<hbm>>
      %dma_start3A_36 = arith.constant 128 : i32
      %dma_start3A_37 = tpu.memref_slice %arg8[%dma_start3A_36] : memref<512xi32, #tpu.memory_space<vmem>> -> memref<128xi32, #tpu.memory_space<vmem>>
      %dma_start3A_38 = arith.constant 0 : i32
      %dma_start3A_39 = tpu.memref_slice %arg3[%add3A_10, %dma_start3A_38] : memref<128x128xi32, #tpu.memory_space<hbm>> -> memref<1x128xi32, #tpu.memory_space<hbm>>
      %dma_start3A_40 = tpu.memref_squeeze %dma_start3A_39 : memref<1x128xi32, #tpu.memory_space<hbm>> -> memref<128xi32, #tpu.memory_space<hbm>>
      tpu.enqueue_dma source(%dma_start3A_40 : memref<128xi32, #tpu.memory_space<hbm>>) target(%dma_start3A_37 : memref<128xi32, #tpu.memory_space<vmem>>) target_semaphore(%run_scoped3A : memref<!tpu.dma_semaphore, #tpu.memory_space<semaphore_mem>>)
      %dma_wait3A = arith.constant 128 : i32
      %dma_wait3A_41 = tpu.memref_slice %arg8[%dma_wait3A] : memref<512xi32, #tpu.memory_space<vmem>> -> memref<128xi32, #tpu.memory_space<vmem>>
      %dma_wait3A_42 = arith.constant 0 : i32
      %dma_wait3A_43 = tpu.memref_slice %arg3[%add3A_10, %dma_wait3A_42] : memref<128x128xi32, #tpu.memory_space<hbm>> -> memref<1x128xi32, #tpu.memory_space<hbm>>
      %dma_wait3A_44 = tpu.memref_squeeze %dma_wait3A_43 : memref<1x128xi32, #tpu.memory_space<hbm>> -> memref<128xi32, #tpu.memory_space<hbm>>
      %dma_wait3A_45 = arith.constant 128 : i32
      %dma_wait3A_46 = tpu.memref_slice %arg8[%dma_wait3A_45] : memref<512xi32, #tpu.memory_space<vmem>> -> memref<128xi32, #tpu.memory_space<vmem>>
      %dma_wait3A_47 = arith.constant 0 : i32
      %dma_wait3A_48 = tpu.memref_slice %arg3[%add3A_10, %dma_wait3A_47] : memref<128x128xi32, #tpu.memory_space<hbm>> -> memref<1x128xi32, #tpu.memory_space<hbm>>
      %dma_wait3A_49 = tpu.memref_squeeze %dma_wait3A_48 : memref<1x128xi32, #tpu.memory_space<hbm>> -> memref<128xi32, #tpu.memory_space<hbm>>
      tpu.wait_dma2 semaphore(%run_scoped3A : memref<!tpu.dma_semaphore, #tpu.memory_space<semaphore_mem>>) src(%dma_wait3A_49 : memref<128xi32, #tpu.memory_space<hbm>>) dst(%dma_wait3A_46 : memref<128xi32, #tpu.memory_space<vmem>>)
      tpu.yield
    }) : () -> ()
    %add3A_11 = arith.constant 2 : i32
    %add3A_12 = arith.addi %mul3A_2, %add3A_11 : i32
    "tpu.region"() ({
      %run_scoped3A = tpu.sem_alloc : memref<!tpu.dma_semaphore, #tpu.memory_space<semaphore_mem>>
      %dma_start3A = arith.constant 256 : i32
      %dma_start3A_32 = tpu.memref_slice %arg7[%dma_start3A] : memref<512xi32, #tpu.memory_space<vmem>> -> memref<128xi32, #tpu.memory_space<vmem>>
      %dma_start3A_33 = arith.constant 0 : i32
      %dma_start3A_34 = tpu.memref_slice %arg2[%add3A_12, %dma_start3A_33] : memref<128x128xi32, #tpu.memory_space<hbm>> -> memref<1x128xi32, #tpu.memory_space<hbm>>
      %dma_start3A_35 = tpu.memref_squeeze %dma_start3A_34 : memref<1x128xi32, #tpu.memory_space<hbm>> -> memref<128xi32, #tpu.memory_space<hbm>>
      %dma_start3A_36 = arith.constant 256 : i32
      %dma_start3A_37 = tpu.memref_slice %arg7[%dma_start3A_36] : memref<512xi32, #tpu.memory_space<vmem>> -> memref<128xi32, #tpu.memory_space<vmem>>
      %dma_start3A_38 = arith.constant 0 : i32
      %dma_start3A_39 = tpu.memref_slice %arg2[%add3A_12, %dma_start3A_38] : memref<128x128xi32, #tpu.memory_space<hbm>> -> memref<1x128xi32, #tpu.memory_space<hbm>>
      %dma_start3A_40 = tpu.memref_squeeze %dma_start3A_39 : memref<1x128xi32, #tpu.memory_space<hbm>> -> memref<128xi32, #tpu.memory_space<hbm>>
      tpu.enqueue_dma source(%dma_start3A_40 : memref<128xi32, #tpu.memory_space<hbm>>) target(%dma_start3A_37 : memref<128xi32, #tpu.memory_space<vmem>>) target_semaphore(%run_scoped3A : memref<!tpu.dma_semaphore, #tpu.memory_space<semaphore_mem>>)
      %dma_wait3A = arith.constant 256 : i32
      %dma_wait3A_41 = tpu.memref_slice %arg7[%dma_wait3A] : memref<512xi32, #tpu.memory_space<vmem>> -> memref<128xi32, #tpu.memory_space<vmem>>
      %dma_wait3A_42 = arith.constant 0 : i32
      %dma_wait3A_43 = tpu.memref_slice %arg2[%add3A_12, %dma_wait3A_42] : memref<128x128xi32, #tpu.memory_space<hbm>> -> memref<1x128xi32, #tpu.memory_space<hbm>>
      %dma_wait3A_44 = tpu.memref_squeeze %dma_wait3A_43 : memref<1x128xi32, #tpu.memory_space<hbm>> -> memref<128xi32, #tpu.memory_space<hbm>>
      %dma_wait3A_45 = arith.constant 256 : i32
      %dma_wait3A_46 = tpu.memref_slice %arg7[%dma_wait3A_45] : memref<512xi32, #tpu.memory_space<vmem>> -> memref<128xi32, #tpu.memory_space<vmem>>
      %dma_wait3A_47 = arith.constant 0 : i32
      %dma_wait3A_48 = tpu.memref_slice %arg2[%add3A_12, %dma_wait3A_47] : memref<128x128xi32, #tpu.memory_space<hbm>> -> memref<1x128xi32, #tpu.memory_space<hbm>>
      %dma_wait3A_49 = tpu.memref_squeeze %dma_wait3A_48 : memref<1x128xi32, #tpu.memory_space<hbm>> -> memref<128xi32, #tpu.memory_space<hbm>>
      tpu.wait_dma2 semaphore(%run_scoped3A : memref<!tpu.dma_semaphore, #tpu.memory_space<semaphore_mem>>) src(%dma_wait3A_49 : memref<128xi32, #tpu.memory_space<hbm>>) dst(%dma_wait3A_46 : memref<128xi32, #tpu.memory_space<vmem>>)
      tpu.yield
    }) : () -> ()
    %add3A_13 = arith.constant 2 : i32
    %add3A_14 = arith.addi %mul3A_2, %add3A_13 : i32
    "tpu.region"() ({
      %run_scoped3A = tpu.sem_alloc : memref<!tpu.dma_semaphore, #tpu.memory_space<semaphore_mem>>
      %dma_start3A = arith.constant 256 : i32
      %dma_start3A_32 = tpu.memref_slice %arg8[%dma_start3A] : memref<512xi32, #tpu.memory_space<vmem>> -> memref<128xi32, #tpu.memory_space<vmem>>
      %dma_start3A_33 = arith.constant 0 : i32
      %dma_start3A_34 = tpu.memref_slice %arg3[%add3A_14, %dma_start3A_33] : memref<128x128xi32, #tpu.memory_space<hbm>> -> memref<1x128xi32, #tpu.memory_space<hbm>>
      %dma_start3A_35 = tpu.memref_squeeze %dma_start3A_34 : memref<1x128xi32, #tpu.memory_space<hbm>> -> memref<128xi32, #tpu.memory_space<hbm>>
      %dma_start3A_36 = arith.constant 256 : i32
      %dma_start3A_37 = tpu.memref_slice %arg8[%dma_start3A_36] : memref<512xi32, #tpu.memory_space<vmem>> -> memref<128xi32, #tpu.memory_space<vmem>>
      %dma_start3A_38 = arith.constant 0 : i32
      %dma_start3A_39 = tpu.memref_slice %arg3[%add3A_14, %dma_start3A_38] : memref<128x128xi32, #tpu.memory_space<hbm>> -> memref<1x128xi32, #tpu.memory_space<hbm>>
      %dma_start3A_40 = tpu.memref_squeeze %dma_start3A_39 : memref<1x128xi32, #tpu.memory_space<hbm>> -> memref<128xi32, #tpu.memory_space<hbm>>
      tpu.enqueue_dma source(%dma_start3A_40 : memref<128xi32, #tpu.memory_space<hbm>>) target(%dma_start3A_37 : memref<128xi32, #tpu.memory_space<vmem>>) target_semaphore(%run_scoped3A : memref<!tpu.dma_semaphore, #tpu.memory_space<semaphore_mem>>)
      %dma_wait3A = arith.constant 256 : i32
      %dma_wait3A_41 = tpu.memref_slice %arg8[%dma_wait3A] : memref<512xi32, #tpu.memory_space<vmem>> -> memref<128xi32, #tpu.memory_space<vmem>>
      %dma_wait3A_42 = arith.constant 0 : i32
      %dma_wait3A_43 = tpu.memref_slice %arg3[%add3A_14, %dma_wait3A_42] : memref<128x128xi32, #tpu.memory_space<hbm>> -> memref<1x128xi32, #tpu.memory_space<hbm>>
      %dma_wait3A_44 = tpu.memref_squeeze %dma_wait3A_43 : memref<1x128xi32, #tpu.memory_space<hbm>> -> memref<128xi32, #tpu.memory_space<hbm>>
      %dma_wait3A_45 = arith.constant 256 : i32
      %dma_wait3A_46 = tpu.memref_slice %arg8[%dma_wait3A_45] : memref<512xi32, #tpu.memory_space<vmem>> -> memref<128xi32, #tpu.memory_space<vmem>>
      %dma_wait3A_47 = arith.constant 0 : i32
      %dma_wait3A_48 = tpu.memref_slice %arg3[%add3A_14, %dma_wait3A_47] : memref<128x128xi32, #tpu.memory_space<hbm>> -> memref<1x128xi32, #tpu.memory_space<hbm>>
      %dma_wait3A_49 = tpu.memref_squeeze %dma_wait3A_48 : memref<1x128xi32, #tpu.memory_space<hbm>> -> memref<128xi32, #tpu.memory_space<hbm>>
      tpu.wait_dma2 semaphore(%run_scoped3A : memref<!tpu.dma_semaphore, #tpu.memory_space<semaphore_mem>>) src(%dma_wait3A_49 : memref<128xi32, #tpu.memory_space<hbm>>) dst(%dma_wait3A_46 : memref<128xi32, #tpu.memory_space<vmem>>)
      tpu.yield
    }) : () -> ()
    %add3A_15 = arith.constant 3 : i32
    %add3A_16 = arith.addi %mul3A_2, %add3A_15 : i32
    "tpu.region"() ({
      %run_scoped3A = tpu.sem_alloc : memref<!tpu.dma_semaphore, #tpu.memory_space<semaphore_mem>>
      %dma_start3A = arith.constant 384 : i32
      %dma_start3A_32 = tpu.memref_slice %arg7[%dma_start3A] : memref<512xi32, #tpu.memory_space<vmem>> -> memref<128xi32, #tpu.memory_space<vmem>>
      %dma_start3A_33 = arith.constant 0 : i32
      %dma_start3A_34 = tpu.memref_slice %arg2[%add3A_16, %dma_start3A_33] : memref<128x128xi32, #tpu.memory_space<hbm>> -> memref<1x128xi32, #tpu.memory_space<hbm>>
      %dma_start3A_35 = tpu.memref_squeeze %dma_start3A_34 : memref<1x128xi32, #tpu.memory_space<hbm>> -> memref<128xi32, #tpu.memory_space<hbm>>
      %dma_start3A_36 = arith.constant 384 : i32
      %dma_start3A_37 = tpu.memref_slice %arg7[%dma_start3A_36] : memref<512xi32, #tpu.memory_space<vmem>> -> memref<128xi32, #tpu.memory_space<vmem>>
      %dma_start3A_38 = arith.constant 0 : i32
      %dma_start3A_39 = tpu.memref_slice %arg2[%add3A_16, %dma_start3A_38] : memref<128x128xi32, #tpu.memory_space<hbm>> -> memref<1x128xi32, #tpu.memory_space<hbm>>
      %dma_start3A_40 = tpu.memref_squeeze %dma_start3A_39 : memref<1x128xi32, #tpu.memory_space<hbm>> -> memref<128xi32, #tpu.memory_space<hbm>>
      tpu.enqueue_dma source(%dma_start3A_40 : memref<128xi32, #tpu.memory_space<hbm>>) target(%dma_start3A_37 : memref<128xi32, #tpu.memory_space<vmem>>) target_semaphore(%run_scoped3A : memref<!tpu.dma_semaphore, #tpu.memory_space<semaphore_mem>>)
      %dma_wait3A = arith.constant 384 : i32
      %dma_wait3A_41 = tpu.memref_slice %arg7[%dma_wait3A] : memref<512xi32, #tpu.memory_space<vmem>> -> memref<128xi32, #tpu.memory_space<vmem>>
      %dma_wait3A_42 = arith.constant 0 : i32
      %dma_wait3A_43 = tpu.memref_slice %arg2[%add3A_16, %dma_wait3A_42] : memref<128x128xi32, #tpu.memory_space<hbm>> -> memref<1x128xi32, #tpu.memory_space<hbm>>
      %dma_wait3A_44 = tpu.memref_squeeze %dma_wait3A_43 : memref<1x128xi32, #tpu.memory_space<hbm>> -> memref<128xi32, #tpu.memory_space<hbm>>
      %dma_wait3A_45 = arith.constant 384 : i32
      %dma_wait3A_46 = tpu.memref_slice %arg7[%dma_wait3A_45] : memref<512xi32, #tpu.memory_space<vmem>> -> memref<128xi32, #tpu.memory_space<vmem>>
      %dma_wait3A_47 = arith.constant 0 : i32
      %dma_wait3A_48 = tpu.memref_slice %arg2[%add3A_16, %dma_wait3A_47] : memref<128x128xi32, #tpu.memory_space<hbm>> -> memref<1x128xi32, #tpu.memory_space<hbm>>
      %dma_wait3A_49 = tpu.memref_squeeze %dma_wait3A_48 : memref<1x128xi32, #tpu.memory_space<hbm>> -> memref<128xi32, #tpu.memory_space<hbm>>
      tpu.wait_dma2 semaphore(%run_scoped3A : memref<!tpu.dma_semaphore, #tpu.memory_space<semaphore_mem>>) src(%dma_wait3A_49 : memref<128xi32, #tpu.memory_space<hbm>>) dst(%dma_wait3A_46 : memref<128xi32, #tpu.memory_space<vmem>>)
      tpu.yield
    }) : () -> ()
    %add3A_17 = arith.constant 3 : i32
    %add3A_18 = arith.addi %mul3A_2, %add3A_17 : i32
    "tpu.region"() ({
      %run_scoped3A = tpu.sem_alloc : memref<!tpu.dma_semaphore, #tpu.memory_space<semaphore_mem>>
      %dma_start3A = arith.constant 384 : i32
      %dma_start3A_32 = tpu.memref_slice %arg8[%dma_start3A] : memref<512xi32, #tpu.memory_space<vmem>> -> memref<128xi32, #tpu.memory_space<vmem>>
      %dma_start3A_33 = arith.constant 0 : i32
      %dma_start3A_34 = tpu.memref_slice %arg3[%add3A_18, %dma_start3A_33] : memref<128x128xi32, #tpu.memory_space<hbm>> -> memref<1x128xi32, #tpu.memory_space<hbm>>
      %dma_start3A_35 = tpu.memref_squeeze %dma_start3A_34 : memref<1x128xi32, #tpu.memory_space<hbm>> -> memref<128xi32, #tpu.memory_space<hbm>>
      %dma_start3A_36 = arith.constant 384 : i32
      %dma_start3A_37 = tpu.memref_slice %arg8[%dma_start3A_36] : memref<512xi32, #tpu.memory_space<vmem>> -> memref<128xi32, #tpu.memory_space<vmem>>
      %dma_start3A_38 = arith.constant 0 : i32
      %dma_start3A_39 = tpu.memref_slice %arg3[%add3A_18, %dma_start3A_38] : memref<128x128xi32, #tpu.memory_space<hbm>> -> memref<1x128xi32, #tpu.memory_space<hbm>>
      %dma_start3A_40 = tpu.memref_squeeze %dma_start3A_39 : memref<1x128xi32, #tpu.memory_space<hbm>> -> memref<128xi32, #tpu.memory_space<hbm>>
      tpu.enqueue_dma source(%dma_start3A_40 : memref<128xi32, #tpu.memory_space<hbm>>) target(%dma_start3A_37 : memref<128xi32, #tpu.memory_space<vmem>>) target_semaphore(%run_scoped3A : memref<!tpu.dma_semaphore, #tpu.memory_space<semaphore_mem>>)
      %dma_wait3A = arith.constant 384 : i32
      %dma_wait3A_41 = tpu.memref_slice %arg8[%dma_wait3A] : memref<512xi32, #tpu.memory_space<vmem>> -> memref<128xi32, #tpu.memory_space<vmem>>
      %dma_wait3A_42 = arith.constant 0 : i32
      %dma_wait3A_43 = tpu.memref_slice %arg3[%add3A_18, %dma_wait3A_42] : memref<128x128xi32, #tpu.memory_space<hbm>> -> memref<1x128xi32, #tpu.memory_space<hbm>>
      %dma_wait3A_44 = tpu.memref_squeeze %dma_wait3A_43 : memref<1x128xi32, #tpu.memory_space<hbm>> -> memref<128xi32, #tpu.memory_space<hbm>>
      %dma_wait3A_45 = arith.constant 384 : i32
      %dma_wait3A_46 = tpu.memref_slice %arg8[%dma_wait3A_45] : memref<512xi32, #tpu.memory_space<vmem>> -> memref<128xi32, #tpu.memory_space<vmem>>
      %dma_wait3A_47 = arith.constant 0 : i32
      %dma_wait3A_48 = tpu.memref_slice %arg3[%add3A_18, %dma_wait3A_47] : memref<128x128xi32, #tpu.memory_space<hbm>> -> memref<1x128xi32, #tpu.memory_space<hbm>>
      %dma_wait3A_49 = tpu.memref_squeeze %dma_wait3A_48 : memref<1x128xi32, #tpu.memory_space<hbm>> -> memref<128xi32, #tpu.memory_space<hbm>>
      tpu.wait_dma2 semaphore(%run_scoped3A : memref<!tpu.dma_semaphore, #tpu.memory_space<semaphore_mem>>) src(%dma_wait3A_49 : memref<128xi32, #tpu.memory_space<hbm>>) dst(%dma_wait3A_46 : memref<128xi32, #tpu.memory_space<vmem>>)
      tpu.yield
    }) : () -> ()
    %iota3A = tpu.iota {dimensions = array<i32: 0>} : vector<16xi32>
    %scan3A = arith.constant 0 : i32
    %scan3A_19 = arith.constant 0 : i32
    %scan3A_20 = arith.constant 16 : i32
    %scan3A_21 = arith.addi %scan3A_19, %scan3A_20 : i32
    %scan3A_22 = arith.constant 1 : i32
    scf.for %scan3A_32 = %scan3A_19 to %scan3A_21 step %scan3A_22  : i32 {
      %mul3A_33 = arith.constant 2 : i32
      %mul3A_34 = arith.muli %mul3A_33, %scan3A_32 : i32
      %mul3A_35 = arith.constant 16 : i32
      %mul3A_36 = arith.muli %mul3A_34, %mul3A_35 : i32
      %get3A = arith.index_cast %mul3A_36 : i32 to index
      %get3A_37 = tpu.vector_load %arg7[%get3A] {strides = array<i32>} : memref<512xi32, #tpu.memory_space<vmem>>, vector<16xi32>,
      %mul3A_38 = arith.constant 16 : i32
      %mul3A_39 = arith.muli %mul3A_34, %mul3A_38 : i32
      %get3A_40 = arith.index_cast %mul3A_39 : i32 to index
      %get3A_41 = tpu.vector_load %arg8[%get3A_40] {strides = array<i32>} : memref<512xi32, #tpu.memory_space<vmem>>, vector<16xi32>,
      %slice3A = vector.extract_strided_slice %get3A_37 {offsets = [0], sizes = [1], strides = [1]} : vector<16xi32> to vector<1xi32>
      %squeeze3A = vector.extract %slice3A[0] : i32 from vector<1xi32>
      %dma_start3A = arith.constant 0 : i32
      %dma_start3A_42 = arith.constant 0 : i32
      %dma_start3A_43 = tpu.memref_slice %arg9[%dma_start3A, %dma_start3A_42] : memref<32x32xf32, #tpu.memory_space<vmem>> -> memref<1x32xf32, #tpu.memory_space<vmem>>
      %dma_start3A_44 = arith.constant 0 : i32
      %dma_start3A_45 = tpu.memref_slice %arg4[%squeeze3A, %dma_start3A_44] : memref<1000000x32xf32, #tpu.memory_space<hbm>> -> memref<1x32xf32, #tpu.memory_space<hbm>>
      %dma_start3A_46 = arith.constant 0 : i32
      %dma_start3A_47 = arith.constant 0 : i32
      %dma_start3A_48 = tpu.memref_slice %arg9[%dma_start3A_46, %dma_start3A_47] : memref<32x32xf32, #tpu.memory_space<vmem>> -> memref<1x32xf32, #tpu.memory_space<vmem>>
      %dma_start3A_49 = arith.constant 0 : i32
      %dma_start3A_50 = tpu.memref_slice %arg4[%squeeze3A, %dma_start3A_49] : memref<1000000x32xf32, #tpu.memory_space<hbm>> -> memref<1x32xf32, #tpu.memory_space<hbm>>
      tpu.enqueue_dma source(%dma_start3A_50 : memref<1x32xf32, #tpu.memory_space<hbm>>) target(%dma_start3A_48 : memref<1x32xf32, #tpu.memory_space<vmem>>) target_semaphore(%arg12 : memref<!tpu.dma_semaphore, #tpu.memory_space<semaphore_mem>>)
      %slice3A_51 = vector.extract_strided_slice %get3A_41 {offsets = [0], sizes = [1], strides = [1]} : vector<16xi32> to vector<1xi32>
      %squeeze3A_52 = vector.extract %slice3A_51[0] : i32 from vector<1xi32>
      %dma_start3A_53 = arith.constant 0 : i32
      %dma_start3A_54 = arith.constant 0 : i32
      %dma_start3A_55 = tpu.memref_slice %arg10[%dma_start3A_53, %dma_start3A_54] : memref<32x32xf32, #tpu.memory_space<vmem>> -> memref<1x32xf32, #tpu.memory_space<vmem>>
      %dma_start3A_56 = arith.constant 0 : i32
      %dma_start3A_57 = tpu.memref_slice %arg5[%squeeze3A_52, %dma_start3A_56] : memref<100000x32xf32, #tpu.memory_space<hbm>> -> memref<1x32xf32, #tpu.memory_space<hbm>>
      %dma_start3A_58 = arith.constant 0 : i32
      %dma_start3A_59 = arith.constant 0 : i32
      %dma_start3A_60 = tpu.memref_slice %arg10[%dma_start3A_58, %dma_start3A_59] : memref<32x32xf32, #tpu.memory_space<vmem>> -> memref<1x32xf32, #tpu.memory_space<vmem>>
      %dma_start3A_61 = arith.constant 0 : i32
      %dma_start3A_62 = tpu.memref_slice %arg5[%squeeze3A_52, %dma_start3A_61] : memref<100000x32xf32, #tpu.memory_space<hbm>> -> memref<1x32xf32, #tpu.memory_space<hbm>>
      tpu.enqueue_dma source(%dma_start3A_62 : memref<1x32xf32, #tpu.memory_space<hbm>>) target(%dma_start3A_60 : memref<1x32xf32, #tpu.memory_space<vmem>>) target_semaphore(%arg13 : memref<!tpu.dma_semaphore, #tpu.memory_space<semaphore_mem>>)
      %slice3A_63 = vector.extract_strided_slice %get3A_37 {offsets = [1], sizes = [1], strides = [1]} : vector<16xi32> to vector<1xi32>
      %squeeze3A_64 = vector.extract %slice3A_63[0] : i32 from vector<1xi32>
      %dma_start3A_65 = arith.constant 1 : i32
      %dma_start3A_66 = arith.constant 0 : i32
      %dma_start3A_67 = tpu.memref_slice %arg9[%dma_start3A_65, %dma_start3A_66] : memref<32x32xf32, #tpu.memory_space<vmem>> -> memref<1x32xf32, #tpu.memory_space<vmem>>
      %dma_start3A_68 = arith.constant 0 : i32
      %dma_start3A_69 = tpu.memref_slice %arg4[%squeeze3A_64, %dma_start3A_68] : memref<1000000x32xf32, #tpu.memory_space<hbm>> -> memref<1x32xf32, #tpu.memory_space<hbm>>
      %dma_start3A_70 = arith.constant 1 : i32
      %dma_start3A_71 = arith.constant 0 : i32
      %dma_start3A_72 = tpu.memref_slice %arg9[%dma_start3A_70, %dma_start3A_71] : memref<32x32xf32, #tpu.memory_space<vmem>> -> memref<1x32xf32, #tpu.memory_space<vmem>>
      %dma_start3A_73 = arith.constant 0 : i32
      %dma_start3A_74 = tpu.memref_slice %arg4[%squeeze3A_64, %dma_start3A_73] : memref<1000000x32xf32, #tpu.memory_space<hbm>> -> memref<1x32xf32, #tpu.memory_space<hbm>>
      tpu.enqueue_dma source(%dma_start3A_74 : memref<1x32xf32, #tpu.memory_space<hbm>>) target(%dma_start3A_72 : memref<1x32xf32, #tpu.memory_space<vmem>>) target_semaphore(%arg12 : memref<!tpu.dma_semaphore, #tpu.memory_space<semaphore_mem>>)
      %slice3A_75 = vector.extract_strided_slice %get3A_41 {offsets = [1], sizes = [1], strides = [1]} : vector<16xi32> to vector<1xi32>
      %squeeze3A_76 = vector.extract %slice3A_75[0] : i32 from vector<1xi32>
      %dma_start3A_77 = arith.constant 1 : i32
      %dma_start3A_78 = arith.constant 0 : i32
      %dma_start3A_79 = tpu.memref_slice %arg10[%dma_start3A_77, %dma_start3A_78] : memref<32x32xf32, #tpu.memory_space<vmem>> -> memref<1x32xf32, #tpu.memory_space<vmem>>
      %dma_start3A_80 = arith.constant 0 : i32
      %dma_start3A_81 = tpu.memref_slice %arg5[%squeeze3A_76, %dma_start3A_80] : memref<100000x32xf32, #tpu.memory_space<hbm>> -> memref<1x32xf32, #tpu.memory_space<hbm>>
      %dma_start3A_82 = arith.constant 1 : i32
      %dma_start3A_83 = arith.constant 0 : i32
      %dma_start3A_84 = tpu.memref_slice %arg10[%dma_start3A_82, %dma_start3A_83] : memref<32x32xf32, #tpu.memory_space<vmem>> -> memref<1x32xf32, #tpu.memory_space<vmem>>
      %dma_start3A_85 = arith.constant 0 : i32
      %dma_start3A_86 = tpu.memref_slice %arg5[%squeeze3A_76, %dma_start3A_85] : memref<100000x32xf32, #tpu.memory_space<hbm>> -> memref<1x32xf32, #tpu.memory_space<hbm>>
      tpu.enqueue_dma source(%dma_start3A_86 : memref<1x32xf32, #tpu.memory_space<hbm>>) target(%dma_start3A_84 : memref<1x32xf32, #tpu.memory_space<vmem>>) target_semaphore(%arg13 : memref<!tpu.dma_semaphore, #tpu.memory_space<semaphore_mem>>)
      %slice3A_87 = vector.extract_strided_slice %get3A_37 {offsets = [2], sizes = [1], strides = [1]} : vector<16xi32> to vector<1xi32>
      %squeeze3A_88 = vector.extract %slice3A_87[0] : i32 from vector<1xi32>
      %dma_start3A_89 = arith.constant 2 : i32
      %dma_start3A_90 = arith.constant 0 : i32
      %dma_start3A_91 = tpu.memref_slice %arg9[%dma_start3A_89, %dma_start3A_90] : memref<32x32xf32, #tpu.memory_space<vmem>> -> memref<1x32xf32, #tpu.memory_space<vmem>>
      %dma_start3A_92 = arith.constant 0 : i32
      %dma_start3A_93 = tpu.memref_slice %arg4[%squeeze3A_88, %dma_start3A_92] : memref<1000000x32xf32, #tpu.memory_space<hbm>> -> memref<1x32xf32, #tpu.memory_space<hbm>>
      %dma_start3A_94 = arith.constant 2 : i32
      %dma_start3A_95 = arith.constant 0 : i32
      %dma_start3A_96 = tpu.memref_slice %arg9[%dma_start3A_94, %dma_start3A_95] : memref<32x32xf32, #tpu.memory_space<vmem>> -> memref<1x32xf32, #tpu.memory_space<vmem>>
      %dma_start3A_97 = arith.constant 0 : i32
      %dma_start3A_98 = tpu.memref_slice %arg4[%squeeze3A_88, %dma_start3A_97] : memref<1000000x32xf32, #tpu.memory_space<hbm>> -> memref<1x32xf32, #tpu.memory_space<hbm>>
      tpu.enqueue_dma source(%dma_start3A_98 : memref<1x32xf32, #tpu.memory_space<hbm>>) target(%dma_start3A_96 : memref<1x32xf32, #tpu.memory_space<vmem>>) target_semaphore(%arg12 : memref<!tpu.dma_semaphore, #tpu.memory_space<semaphore_mem>>)
      %slice3A_99 = vector.extract_strided_slice %get3A_41 {offsets = [2], sizes = [1], strides = [1]} : vector<16xi32> to vector<1xi32>
      %squeeze3A_100 = vector.extract %slice3A_99[0] : i32 from vector<1xi32>
      %dma_start3A_101 = arith.constant 2 : i32
      %dma_start3A_102 = arith.constant 0 : i32
      %dma_start3A_103 = tpu.memref_slice %arg10[%dma_start3A_101, %dma_start3A_102] : memref<32x32xf32, #tpu.memory_space<vmem>> -> memref<1x32xf32, #tpu.memory_space<vmem>>
      %dma_start3A_104 = arith.constant 0 : i32
      %dma_start3A_105 = tpu.memref_slice %arg5[%squeeze3A_100, %dma_start3A_104] : memref<100000x32xf32, #tpu.memory_space<hbm>> -> memref<1x32xf32, #tpu.memory_space<hbm>>
      %dma_start3A_106 = arith.constant 2 : i32
      %dma_start3A_107 = arith.constant 0 : i32
      %dma_start3A_108 = tpu.memref_slice %arg10[%dma_start3A_106, %dma_start3A_107] : memref<32x32xf32, #tpu.memory_space<vmem>> -> memref<1x32xf32, #tpu.memory_space<vmem>>
      %dma_start3A_109 = arith.constant 0 : i32
      %dma_start3A_110 = tpu.memref_slice %arg5[%squeeze3A_100, %dma_start3A_109] : memref<100000x32xf32, #tpu.memory_space<hbm>> -> memref<1x32xf32, #tpu.memory_space<hbm>>
      tpu.enqueue_dma source(%dma_start3A_110 : memref<1x32xf32, #tpu.memory_space<hbm>>) target(%dma_start3A_108 : memref<1x32xf32, #tpu.memory_space<vmem>>) target_semaphore(%arg13 : memref<!tpu.dma_semaphore, #tpu.memory_space<semaphore_mem>>)
      %slice3A_111 = vector.extract_strided_slice %get3A_37 {offsets = [3], sizes = [1], strides = [1]} : vector<16xi32> to vector<1xi32>
      %squeeze3A_112 = vector.extract %slice3A_111[0] : i32 from vector<1xi32>
      %dma_start3A_113 = arith.constant 3 : i32
      %dma_start3A_114 = arith.constant 0 : i32
      %dma_start3A_115 = tpu.memref_slice %arg9[%dma_start3A_113, %dma_start3A_114] : memref<32x32xf32, #tpu.memory_space<vmem>> -> memref<1x32xf32, #tpu.memory_space<vmem>>
      %dma_start3A_116 = arith.constant 0 : i32
      %dma_start3A_117 = tpu.memref_slice %arg4[%squeeze3A_112, %dma_start3A_116] : memref<1000000x32xf32, #tpu.memory_space<hbm>> -> memref<1x32xf32, #tpu.memory_space<hbm>>
      %dma_start3A_118 = arith.constant 3 : i32
      %dma_start3A_119 = arith.constant 0 : i32
      %dma_start3A_120 = tpu.memref_slice %arg9[%dma_start3A_118, %dma_start3A_119] : memref<32x32xf32, #tpu.memory_space<vmem>> -> memref<1x32xf32, #tpu.memory_space<vmem>>
      %dma_start3A_121 = arith.constant 0 : i32
      %dma_start3A_122 = tpu.memref_slice %arg4[%squeeze3A_112, %dma_start3A_121] : memref<1000000x32xf32, #tpu.memory_space<hbm>> -> memref<1x32xf32, #tpu.memory_space<hbm>>
      tpu.enqueue_dma source(%dma_start3A_122 : memref<1x32xf32, #tpu.memory_space<hbm>>) target(%dma_start3A_120 : memref<1x32xf32, #tpu.memory_space<vmem>>) target_semaphore(%arg12 : memref<!tpu.dma_semaphore, #tpu.memory_space<semaphore_mem>>)
      %slice3A_123 = vector.extract_strided_slice %get3A_41 {offsets = [3], sizes = [1], strides = [1]} : vector<16xi32> to vector<1xi32>
      %squeeze3A_124 = vector.extract %slice3A_123[0] : i32 from vector<1xi32>
      %dma_start3A_125 = arith.constant 3 : i32
      %dma_start3A_126 = arith.constant 0 : i32
      %dma_start3A_127 = tpu.memref_slice %arg10[%dma_start3A_125, %dma_start3A_126] : memref<32x32xf32, #tpu.memory_space<vmem>> -> memref<1x32xf32, #tpu.memory_space<vmem>>
      %dma_start3A_128 = arith.constant 0 : i32
      %dma_start3A_129 = tpu.memref_slice %arg5[%squeeze3A_124, %dma_start3A_128] : memref<100000x32xf32, #tpu.memory_space<hbm>> -> memref<1x32xf32, #tpu.memory_space<hbm>>
      %dma_start3A_130 = arith.constant 3 : i32
      %dma_start3A_131 = arith.constant 0 : i32
      %dma_start3A_132 = tpu.memref_slice %arg10[%dma_start3A_130, %dma_start3A_131] : memref<32x32xf32, #tpu.memory_space<vmem>> -> memref<1x32xf32, #tpu.memory_space<vmem>>
      %dma_start3A_133 = arith.constant 0 : i32
      %dma_start3A_134 = tpu.memref_slice %arg5[%squeeze3A_124, %dma_start3A_133] : memref<100000x32xf32, #tpu.memory_space<hbm>> -> memref<1x32xf32, #tpu.memory_space<hbm>>
      tpu.enqueue_dma source(%dma_start3A_134 : memref<1x32xf32, #tpu.memory_space<hbm>>) target(%dma_start3A_132 : memref<1x32xf32, #tpu.memory_space<vmem>>) target_semaphore(%arg13 : memref<!tpu.dma_semaphore, #tpu.memory_space<semaphore_mem>>)
      %slice3A_135 = vector.extract_strided_slice %get3A_37 {offsets = [4], sizes = [1], strides = [1]} : vector<16xi32> to vector<1xi32>
      %squeeze3A_136 = vector.extract %slice3A_135[0] : i32 from vector<1xi32>
      %dma_start3A_137 = arith.constant 4 : i32
      %dma_start3A_138 = arith.constant 0 : i32
      %dma_start3A_139 = tpu.memref_slice %arg9[%dma_start3A_137, %dma_start3A_138] : memref<32x32xf32, #tpu.memory_space<vmem>> -> memref<1x32xf32, #tpu.memory_space<vmem>>
      %dma_start3A_140 = arith.constant 0 : i32
      %dma_start3A_141 = tpu.memref_slice %arg4[%squeeze3A_136, %dma_start3A_140] : memref<1000000x32xf32, #tpu.memory_space<hbm>> -> memref<1x32xf32, #tpu.memory_space<hbm>>
      %dma_start3A_142 = arith.constant 4 : i32
      %dma_start3A_143 = arith.constant 0 : i32
      %dma_start3A_144 = tpu.memref_slice %arg9[%dma_start3A_142, %dma_start3A_143] : memref<32x32xf32, #tpu.memory_space<vmem>> -> memref<1x32xf32, #tpu.memory_space<vmem>>
      %dma_start3A_145 = arith.constant 0 : i32
      %dma_start3A_146 = tpu.memref_slice %arg4[%squeeze3A_136, %dma_start3A_145] : memref<1000000x32xf32, #tpu.memory_space<hbm>> -> memref<1x32xf32, #tpu.memory_space<hbm>>
      tpu.enqueue_dma source(%dma_start3A_146 : memref<1x32xf32, #tpu.memory_space<hbm>>) target(%dma_start3A_144 : memref<1x32xf32, #tpu.memory_space<vmem>>) target_semaphore(%arg12 : memref<!tpu.dma_semaphore, #tpu.memory_space<semaphore_mem>>)
      %slice3A_147 = vector.extract_strided_slice %get3A_41 {offsets = [4], sizes = [1], strides = [1]} : vector<16xi32> to vector<1xi32>
      %squeeze3A_148 = vector.extract %slice3A_147[0] : i32 from vector<1xi32>
      %dma_start3A_149 = arith.constant 4 : i32
      %dma_start3A_150 = arith.constant 0 : i32
      %dma_start3A_151 = tpu.memref_slice %arg10[%dma_start3A_149, %dma_start3A_150] : memref<32x32xf32, #tpu.memory_space<vmem>> -> memref<1x32xf32, #tpu.memory_space<vmem>>
      %dma_start3A_152 = arith.constant 0 : i32
      %dma_start3A_153 = tpu.memref_slice %arg5[%squeeze3A_148, %dma_start3A_152] : memref<100000x32xf32, #tpu.memory_space<hbm>> -> memref<1x32xf32, #tpu.memory_space<hbm>>
      %dma_start3A_154 = arith.constant 4 : i32
      %dma_start3A_155 = arith.constant 0 : i32
      %dma_start3A_156 = tpu.memref_slice %arg10[%dma_start3A_154, %dma_start3A_155] : memref<32x32xf32, #tpu.memory_space<vmem>> -> memref<1x32xf32, #tpu.memory_space<vmem>>
      %dma_start3A_157 = arith.constant 0 : i32
      %dma_start3A_158 = tpu.memref_slice %arg5[%squeeze3A_148, %dma_start3A_157] : memref<100000x32xf32, #tpu.memory_space<hbm>> -> memref<1x32xf32, #tpu.memory_space<hbm>>
      tpu.enqueue_dma source(%dma_start3A_158 : memref<1x32xf32, #tpu.memory_space<hbm>>) target(%dma_start3A_156 : memref<1x32xf32, #tpu.memory_space<vmem>>) target_semaphore(%arg13 : memref<!tpu.dma_semaphore, #tpu.memory_space<semaphore_mem>>)
      %slice3A_159 = vector.extract_strided_slice %get3A_37 {offsets = [5], sizes = [1], strides = [1]} : vector<16xi32> to vector<1xi32>
      %squeeze3A_160 = vector.extract %slice3A_159[0] : i32 from vector<1xi32>
      %dma_start3A_161 = arith.constant 5 : i32
      %dma_start3A_162 = arith.constant 0 : i32
      %dma_start3A_163 = tpu.memref_slice %arg9[%dma_start3A_161, %dma_start3A_162] : memref<32x32xf32, #tpu.memory_space<vmem>> -> memref<1x32xf32, #tpu.memory_space<vmem>>
      %dma_start3A_164 = arith.constant 0 : i32
      %dma_start3A_165 = tpu.memref_slice %arg4[%squeeze3A_160, %dma_start3A_164] : memref<1000000x32xf32, #tpu.memory_space<hbm>> -> memref<1x32xf32, #tpu.memory_space<hbm>>
      %dma_start3A_166 = arith.constant 5 : i32
      %dma_start3A_167 = arith.constant 0 : i32
      %dma_start3A_168 = tpu.memref_slice %arg9[%dma_start3A_166, %dma_start3A_167] : memref<32x32xf32, #tpu.memory_space<vmem>> -> memref<1x32xf32, #tpu.memory_space<vmem>>
      %dma_start3A_169 = arith.constant 0 : i32
      %dma_start3A_170 = tpu.memref_slice %arg4[%squeeze3A_160, %dma_start3A_169] : memref<1000000x32xf32, #tpu.memory_space<hbm>> -> memref<1x32xf32, #tpu.memory_space<hbm>>
      tpu.enqueue_dma source(%dma_start3A_170 : memref<1x32xf32, #tpu.memory_space<hbm>>) target(%dma_start3A_168 : memref<1x32xf32, #tpu.memory_space<vmem>>) target_semaphore(%arg12 : memref<!tpu.dma_semaphore, #tpu.memory_space<semaphore_mem>>)
      %slice3A_171 = vector.extract_strided_slice %get3A_41 {offsets = [5], sizes = [1], strides = [1]} : vector<16xi32> to vector<1xi32>
      %squeeze3A_172 = vector.extract %slice3A_171[0] : i32 from vector<1xi32>
      %dma_start3A_173 = arith.constant 5 : i32
      %dma_start3A_174 = arith.constant 0 : i32
      %dma_start3A_175 = tpu.memref_slice %arg10[%dma_start3A_173, %dma_start3A_174] : memref<32x32xf32, #tpu.memory_space<vmem>> -> memref<1x32xf32, #tpu.memory_space<vmem>>
      %dma_start3A_176 = arith.constant 0 : i32
      %dma_start3A_177 = tpu.memref_slice %arg5[%squeeze3A_172, %dma_start3A_176] : memref<100000x32xf32, #tpu.memory_space<hbm>> -> memref<1x32xf32, #tpu.memory_space<hbm>>
      %dma_start3A_178 = arith.constant 5 : i32
      %dma_start3A_179 = arith.constant 0 : i32
      %dma_start3A_180 = tpu.memref_slice %arg10[%dma_start3A_178, %dma_start3A_179] : memref<32x32xf32, #tpu.memory_space<vmem>> -> memref<1x32xf32, #tpu.memory_space<vmem>>
      %dma_start3A_181 = arith.constant 0 : i32
      %dma_start3A_182 = tpu.memref_slice %arg5[%squeeze3A_172, %dma_start3A_181] : memref<100000x32xf32, #tpu.memory_space<hbm>> -> memref<1x32xf32, #tpu.memory_space<hbm>>
      tpu.enqueue_dma source(%dma_start3A_182 : memref<1x32xf32, #tpu.memory_space<hbm>>) target(%dma_start3A_180 : memref<1x32xf32, #tpu.memory_space<vmem>>) target_semaphore(%arg13 : memref<!tpu.dma_semaphore, #tpu.memory_space<semaphore_mem>>)
      %slice3A_183 = vector.extract_strided_slice %get3A_37 {offsets = [6], sizes = [1], strides = [1]} : vector<16xi32> to vector<1xi32>
      %squeeze3A_184 = vector.extract %slice3A_183[0] : i32 from vector<1xi32>
      %dma_start3A_185 = arith.constant 6 : i32
      %dma_start3A_186 = arith.constant 0 : i32
      %dma_start3A_187 = tpu.memref_slice %arg9[%dma_start3A_185, %dma_start3A_186] : memref<32x32xf32, #tpu.memory_space<vmem>> -> memref<1x32xf32, #tpu.memory_space<vmem>>
      %dma_start3A_188 = arith.constant 0 : i32
      %dma_start3A_189 = tpu.memref_slice %arg4[%squeeze3A_184, %dma_start3A_188] : memref<1000000x32xf32, #tpu.memory_space<hbm>> -> memref<1x32xf32, #tpu.memory_space<hbm>>
      %dma_start3A_190 = arith.constant 6 : i32
      %dma_start3A_191 = arith.constant 0 : i32
      %dma_start3A_192 = tpu.memref_slice %arg9[%dma_start3A_190, %dma_start3A_191] : memref<32x32xf32, #tpu.memory_space<vmem>> -> memref<1x32xf32, #tpu.memory_space<vmem>>
      %dma_start3A_193 = arith.constant 0 : i32
      %dma_start3A_194 = tpu.memref_slice %arg4[%squeeze3A_184, %dma_start3A_193] : memref<1000000x32xf32, #tpu.memory_space<hbm>> -> memref<1x32xf32, #tpu.memory_space<hbm>>
      tpu.enqueue_dma source(%dma_start3A_194 : memref<1x32xf32, #tpu.memory_space<hbm>>) target(%dma_start3A_192 : memref<1x32xf32, #tpu.memory_space<vmem>>) target_semaphore(%arg12 : memref<!tpu.dma_semaphore, #tpu.memory_space<semaphore_mem>>)
      %slice3A_195 = vector.extract_strided_slice %get3A_41 {offsets = [6], sizes = [1], strides = [1]} : vector<16xi32> to vector<1xi32>
      %squeeze3A_196 = vector.extract %slice3A_195[0] : i32 from vector<1xi32>
      %dma_start3A_197 = arith.constant 6 : i32
      %dma_start3A_198 = arith.constant 0 : i32
      %dma_start3A_199 = tpu.memref_slice %arg10[%dma_start3A_197, %dma_start3A_198] : memref<32x32xf32, #tpu.memory_space<vmem>> -> memref<1x32xf32, #tpu.memory_space<vmem>>
      %dma_start3A_200 = arith.constant 0 : i32
      %dma_start3A_201 = tpu.memref_slice %arg5[%squeeze3A_196, %dma_start3A_200] : memref<100000x32xf32, #tpu.memory_space<hbm>> -> memref<1x32xf32, #tpu.memory_space<hbm>>
      %dma_start3A_202 = arith.constant 6 : i32
      %dma_start3A_203 = arith.constant 0 : i32
      %dma_start3A_204 = tpu.memref_slice %arg10[%dma_start3A_202, %dma_start3A_203] : memref<32x32xf32, #tpu.memory_space<vmem>> -> memref<1x32xf32, #tpu.memory_space<vmem>>
      %dma_start3A_205 = arith.constant 0 : i32
      %dma_start3A_206 = tpu.memref_slice %arg5[%squeeze3A_196, %dma_start3A_205] : memref<100000x32xf32, #tpu.memory_space<hbm>> -> memref<1x32xf32, #tpu.memory_space<hbm>>
      tpu.enqueue_dma source(%dma_start3A_206 : memref<1x32xf32, #tpu.memory_space<hbm>>) target(%dma_start3A_204 : memref<1x32xf32, #tpu.memory_space<vmem>>) target_semaphore(%arg13 : memref<!tpu.dma_semaphore, #tpu.memory_space<semaphore_mem>>)
      %slice3A_207 = vector.extract_strided_slice %get3A_37 {offsets = [7], sizes = [1], strides = [1]} : vector<16xi32> to vector<1xi32>
      %squeeze3A_208 = vector.extract %slice3A_207[0] : i32 from vector<1xi32>
      %dma_start3A_209 = arith.constant 7 : i32
      %dma_start3A_210 = arith.constant 0 : i32
      %dma_start3A_211 = tpu.memref_slice %arg9[%dma_start3A_209, %dma_start3A_210] : memref<32x32xf32, #tpu.memory_space<vmem>> -> memref<1x32xf32, #tpu.memory_space<vmem>>
      %dma_start3A_212 = arith.constant 0 : i32
      %dma_start3A_213 = tpu.memref_slice %arg4[%squeeze3A_208, %dma_start3A_212] : memref<1000000x32xf32, #tpu.memory_space<hbm>> -> memref<1x32xf32, #tpu.memory_space<hbm>>
      %dma_start3A_214 = arith.constant 7 : i32
      %dma_start3A_215 = arith.constant 0 : i32
      %dma_start3A_216 = tpu.memref_slice %arg9[%dma_start3A_214, %dma_start3A_215] : memref<32x32xf32, #tpu.memory_space<vmem>> -> memref<1x32xf32, #tpu.memory_space<vmem>>
      %dma_start3A_217 = arith.constant 0 : i32
      %dma_start3A_218 = tpu.memref_slice %arg4[%squeeze3A_208, %dma_start3A_217] : memref<1000000x32xf32, #tpu.memory_space<hbm>> -> memref<1x32xf32, #tpu.memory_space<hbm>>
      tpu.enqueue_dma source(%dma_start3A_218 : memref<1x32xf32, #tpu.memory_space<hbm>>) target(%dma_start3A_216 : memref<1x32xf32, #tpu.memory_space<vmem>>) target_semaphore(%arg12 : memref<!tpu.dma_semaphore, #tpu.memory_space<semaphore_mem>>)
      %slice3A_219 = vector.extract_strided_slice %get3A_41 {offsets = [7], sizes = [1], strides = [1]} : vector<16xi32> to vector<1xi32>
      %squeeze3A_220 = vector.extract %slice3A_219[0] : i32 from vector<1xi32>
      %dma_start3A_221 = arith.constant 7 : i32
      %dma_start3A_222 = arith.constant 0 : i32
      %dma_start3A_223 = tpu.memref_slice %arg10[%dma_start3A_221, %dma_start3A_222] : memref<32x32xf32, #tpu.memory_space<vmem>> -> memref<1x32xf32, #tpu.memory_space<vmem>>
      %dma_start3A_224 = arith.constant 0 : i32
      %dma_start3A_225 = tpu.memref_slice %arg5[%squeeze3A_220, %dma_start3A_224] : memref<100000x32xf32, #tpu.memory_space<hbm>> -> memref<1x32xf32, #tpu.memory_space<hbm>>
      %dma_start3A_226 = arith.constant 7 : i32
      %dma_start3A_227 = arith.constant 0 : i32
      %dma_start3A_228 = tpu.memref_slice %arg10[%dma_start3A_226, %dma_start3A_227] : memref<32x32xf32, #tpu.memory_space<vmem>> -> memref<1x32xf32, #tpu.memory_space<vmem>>
      %dma_start3A_229 = arith.constant 0 : i32
      %dma_start3A_230 = tpu.memref_slice %arg5[%squeeze3A_220, %dma_start3A_229] : memref<100000x32xf32, #tpu.memory_space<hbm>> -> memref<1x32xf32, #tpu.memory_space<hbm>>
      tpu.enqueue_dma source(%dma_start3A_230 : memref<1x32xf32, #tpu.memory_space<hbm>>) target(%dma_start3A_228 : memref<1x32xf32, #tpu.memory_space<vmem>>) target_semaphore(%arg13 : memref<!tpu.dma_semaphore, #tpu.memory_space<semaphore_mem>>)
      %slice3A_231 = vector.extract_strided_slice %get3A_37 {offsets = [8], sizes = [1], strides = [1]} : vector<16xi32> to vector<1xi32>
      %squeeze3A_232 = vector.extract %slice3A_231[0] : i32 from vector<1xi32>
      %dma_start3A_233 = arith.constant 8 : i32
      %dma_start3A_234 = arith.constant 0 : i32
      %dma_start3A_235 = tpu.memref_slice %arg9[%dma_start3A_233, %dma_start3A_234] : memref<32x32xf32, #tpu.memory_space<vmem>> -> memref<1x32xf32, #tpu.memory_space<vmem>>
      %dma_start3A_236 = arith.constant 0 : i32
      %dma_start3A_237 = tpu.memref_slice %arg4[%squeeze3A_232, %dma_start3A_236] : memref<1000000x32xf32, #tpu.memory_space<hbm>> -> memref<1x32xf32, #tpu.memory_space<hbm>>
      %dma_start3A_238 = arith.constant 8 : i32
      %dma_start3A_239 = arith.constant 0 : i32
      %dma_start3A_240 = tpu.memref_slice %arg9[%dma_start3A_238, %dma_start3A_239] : memref<32x32xf32, #tpu.memory_space<vmem>> -> memref<1x32xf32, #tpu.memory_space<vmem>>
      %dma_start3A_241 = arith.constant 0 : i32
      %dma_start3A_242 = tpu.memref_slice %arg4[%squeeze3A_232, %dma_start3A_241] : memref<1000000x32xf32, #tpu.memory_space<hbm>> -> memref<1x32xf32, #tpu.memory_space<hbm>>
      tpu.enqueue_dma source(%dma_start3A_242 : memref<1x32xf32, #tpu.memory_space<hbm>>) target(%dma_start3A_240 : memref<1x32xf32, #tpu.memory_space<vmem>>) target_semaphore(%arg12 : memref<!tpu.dma_semaphore, #tpu.memory_space<semaphore_mem>>)
      %slice3A_243 = vector.extract_strided_slice %get3A_41 {offsets = [8], sizes = [1], strides = [1]} : vector<16xi32> to vector<1xi32>
      %squeeze3A_244 = vector.extract %slice3A_243[0] : i32 from vector<1xi32>
      %dma_start3A_245 = arith.constant 8 : i32
      %dma_start3A_246 = arith.constant 0 : i32
      %dma_start3A_247 = tpu.memref_slice %arg10[%dma_start3A_245, %dma_start3A_246] : memref<32x32xf32, #tpu.memory_space<vmem>> -> memref<1x32xf32, #tpu.memory_space<vmem>>
      %dma_start3A_248 = arith.constant 0 : i32
      %dma_start3A_249 = tpu.memref_slice %arg5[%squeeze3A_244, %dma_start3A_248] : memref<100000x32xf32, #tpu.memory_space<hbm>> -> memref<1x32xf32, #tpu.memory_space<hbm>>
      %dma_start3A_250 = arith.constant 8 : i32
      %dma_start3A_251 = arith.constant 0 : i32
      %dma_start3A_252 = tpu.memref_slice %arg10[%dma_start3A_250, %dma_start3A_251] : memref<32x32xf32, #tpu.memory_space<vmem>> -> memref<1x32xf32, #tpu.memory_space<vmem>>
      %dma_start3A_253 = arith.constant 0 : i32
      %dma_start3A_254 = tpu.memref_slice %arg5[%squeeze3A_244, %dma_start3A_253] : memref<100000x32xf32, #tpu.memory_space<hbm>> -> memref<1x32xf32, #tpu.memory_space<hbm>>
      tpu.enqueue_dma source(%dma_start3A_254 : memref<1x32xf32, #tpu.memory_space<hbm>>) target(%dma_start3A_252 : memref<1x32xf32, #tpu.memory_space<vmem>>) target_semaphore(%arg13 : memref<!tpu.dma_semaphore, #tpu.memory_space<semaphore_mem>>)
      %slice3A_255 = vector.extract_strided_slice %get3A_37 {offsets = [9], sizes = [1], strides = [1]} : vector<16xi32> to vector<1xi32>
      %squeeze3A_256 = vector.extract %slice3A_255[0] : i32 from vector<1xi32>
      %dma_start3A_257 = arith.constant 9 : i32
      %dma_start3A_258 = arith.constant 0 : i32
      %dma_start3A_259 = tpu.memref_slice %arg9[%dma_start3A_257, %dma_start3A_258] : memref<32x32xf32, #tpu.memory_space<vmem>> -> memref<1x32xf32, #tpu.memory_space<vmem>>
      %dma_start3A_260 = arith.constant 0 : i32
      %dma_start3A_261 = tpu.memref_slice %arg4[%squeeze3A_256, %dma_start3A_260] : memref<1000000x32xf32, #tpu.memory_space<hbm>> -> memref<1x32xf32, #tpu.memory_space<hbm>>
      %dma_start3A_262 = arith.constant 9 : i32
      %dma_start3A_263 = arith.constant 0 : i32
      %dma_start3A_264 = tpu.memref_slice %arg9[%dma_start3A_262, %dma_start3A_263] : memref<32x32xf32, #tpu.memory_space<vmem>> -> memref<1x32xf32, #tpu.memory_space<vmem>>
      %dma_start3A_265 = arith.constant 0 : i32
      %dma_start3A_266 = tpu.memref_slice %arg4[%squeeze3A_256, %dma_start3A_265] : memref<1000000x32xf32, #tpu.memory_space<hbm>> -> memref<1x32xf32, #tpu.memory_space<hbm>>
      tpu.enqueue_dma source(%dma_start3A_266 : memref<1x32xf32, #tpu.memory_space<hbm>>) target(%dma_start3A_264 : memref<1x32xf32, #tpu.memory_space<vmem>>) target_semaphore(%arg12 : memref<!tpu.dma_semaphore, #tpu.memory_space<semaphore_mem>>)
      %slice3A_267 = vector.extract_strided_slice %get3A_41 {offsets = [9], sizes = [1], strides = [1]} : vector<16xi32> to vector<1xi32>
      %squeeze3A_268 = vector.extract %slice3A_267[0] : i32 from vector<1xi32>
      %dma_start3A_269 = arith.constant 9 : i32
      %dma_start3A_270 = arith.constant 0 : i32
      %dma_start3A_271 = tpu.memref_slice %arg10[%dma_start3A_269, %dma_start3A_270] : memref<32x32xf32, #tpu.memory_space<vmem>> -> memref<1x32xf32, #tpu.memory_space<vmem>>
      %dma_start3A_272 = arith.constant 0 : i32
      %dma_start3A_273 = tpu.memref_slice %arg5[%squeeze3A_268, %dma_start3A_272] : memref<100000x32xf32, #tpu.memory_space<hbm>> -> memref<1x32xf32, #tpu.memory_space<hbm>>
      %dma_start3A_274 = arith.constant 9 : i32
      %dma_start3A_275 = arith.constant 0 : i32
      %dma_start3A_276 = tpu.memref_slice %arg10[%dma_start3A_274, %dma_start3A_275] : memref<32x32xf32, #tpu.memory_space<vmem>> -> memref<1x32xf32, #tpu.memory_space<vmem>>
      %dma_start3A_277 = arith.constant 0 : i32
      %dma_start3A_278 = tpu.memref_slice %arg5[%squeeze3A_268, %dma_start3A_277] : memref<100000x32xf32, #tpu.memory_space<hbm>> -> memref<1x32xf32, #tpu.memory_space<hbm>>
      tpu.enqueue_dma source(%dma_start3A_278 : memref<1x32xf32, #tpu.memory_space<hbm>>) target(%dma_start3A_276 : memref<1x32xf32, #tpu.memory_space<vmem>>) target_semaphore(%arg13 : memref<!tpu.dma_semaphore, #tpu.memory_space<semaphore_mem>>)
      %slice3A_279 = vector.extract_strided_slice %get3A_37 {offsets = [10], sizes = [1], strides = [1]} : vector<16xi32> to vector<1xi32>
      %squeeze3A_280 = vector.extract %slice3A_279[0] : i32 from vector<1xi32>
      %dma_start3A_281 = arith.constant 10 : i32
      %dma_start3A_282 = arith.constant 0 : i32
      %dma_start3A_283 = tpu.memref_slice %arg9[%dma_start3A_281, %dma_start3A_282] : memref<32x32xf32, #tpu.memory_space<vmem>> -> memref<1x32xf32, #tpu.memory_space<vmem>>
      %dma_start3A_284 = arith.constant 0 : i32
      %dma_start3A_285 = tpu.memref_slice %arg4[%squeeze3A_280, %dma_start3A_284] : memref<1000000x32xf32, #tpu.memory_space<hbm>> -> memref<1x32xf32, #tpu.memory_space<hbm>>
      %dma_start3A_286 = arith.constant 10 : i32
      %dma_start3A_287 = arith.constant 0 : i32
      %dma_start3A_288 = tpu.memref_slice %arg9[%dma_start3A_286, %dma_start3A_287] : memref<32x32xf32, #tpu.memory_space<vmem>> -> memref<1x32xf32, #tpu.memory_space<vmem>>
      %dma_start3A_289 = arith.constant 0 : i32
      %dma_start3A_290 = tpu.memref_slice %arg4[%squeeze3A_280, %dma_start3A_289] : memref<1000000x32xf32, #tpu.memory_space<hbm>> -> memref<1x32xf32, #tpu.memory_space<hbm>>
      tpu.enqueue_dma source(%dma_start3A_290 : memref<1x32xf32, #tpu.memory_space<hbm>>) target(%dma_start3A_288 : memref<1x32xf32, #tpu.memory_space<vmem>>) target_semaphore(%arg12 : memref<!tpu.dma_semaphore, #tpu.memory_space<semaphore_mem>>)
      %slice3A_291 = vector.extract_strided_slice %get3A_41 {offsets = [10], sizes = [1], strides = [1]} : vector<16xi32> to vector<1xi32>
      %squeeze3A_292 = vector.extract %slice3A_291[0] : i32 from vector<1xi32>
      %dma_start3A_293 = arith.constant 10 : i32
      %dma_start3A_294 = arith.constant 0 : i32
      %dma_start3A_295 = tpu.memref_slice %arg10[%dma_start3A_293, %dma_start3A_294] : memref<32x32xf32, #tpu.memory_space<vmem>> -> memref<1x32xf32, #tpu.memory_space<vmem>>
      %dma_start3A_296 = arith.constant 0 : i32
      %dma_start3A_297 = tpu.memref_slice %arg5[%squeeze3A_292, %dma_start3A_296] : memref<100000x32xf32, #tpu.memory_space<hbm>> -> memref<1x32xf32, #tpu.memory_space<hbm>>
      %dma_start3A_298 = arith.constant 10 : i32
      %dma_start3A_299 = arith.constant 0 : i32
      %dma_start3A_300 = tpu.memref_slice %arg10[%dma_start3A_298, %dma_start3A_299] : memref<32x32xf32, #tpu.memory_space<vmem>> -> memref<1x32xf32, #tpu.memory_space<vmem>>
      %dma_start3A_301 = arith.constant 0 : i32
      %dma_start3A_302 = tpu.memref_slice %arg5[%squeeze3A_292, %dma_start3A_301] : memref<100000x32xf32, #tpu.memory_space<hbm>> -> memref<1x32xf32, #tpu.memory_space<hbm>>
      tpu.enqueue_dma source(%dma_start3A_302 : memref<1x32xf32, #tpu.memory_space<hbm>>) target(%dma_start3A_300 : memref<1x32xf32, #tpu.memory_space<vmem>>) target_semaphore(%arg13 : memref<!tpu.dma_semaphore, #tpu.memory_space<semaphore_mem>>)
      %slice3A_303 = vector.extract_strided_slice %get3A_37 {offsets = [11], sizes = [1], strides = [1]} : vector<16xi32> to vector<1xi32>
      %squeeze3A_304 = vector.extract %slice3A_303[0] : i32 from vector<1xi32>
      %dma_start3A_305 = arith.constant 11 : i32
      %dma_start3A_306 = arith.constant 0 : i32
      %dma_start3A_307 = tpu.memref_slice %arg9[%dma_start3A_305, %dma_start3A_306] : memref<32x32xf32, #tpu.memory_space<vmem>> -> memref<1x32xf32, #tpu.memory_space<vmem>>
      %dma_start3A_308 = arith.constant 0 : i32
      %dma_start3A_309 = tpu.memref_slice %arg4[%squeeze3A_304, %dma_start3A_308] : memref<1000000x32xf32, #tpu.memory_space<hbm>> -> memref<1x32xf32, #tpu.memory_space<hbm>>
      %dma_start3A_310 = arith.constant 11 : i32
      %dma_start3A_311 = arith.constant 0 : i32
      %dma_start3A_312 = tpu.memref_slice %arg9[%dma_start3A_310, %dma_start3A_311] : memref<32x32xf32, #tpu.memory_space<vmem>> -> memref<1x32xf32, #tpu.memory_space<vmem>>
      %dma_start3A_313 = arith.constant 0 : i32
      %dma_start3A_314 = tpu.memref_slice %arg4[%squeeze3A_304, %dma_start3A_313] : memref<1000000x32xf32, #tpu.memory_space<hbm>> -> memref<1x32xf32, #tpu.memory_space<hbm>>
      tpu.enqueue_dma source(%dma_start3A_314 : memref<1x32xf32, #tpu.memory_space<hbm>>) target(%dma_start3A_312 : memref<1x32xf32, #tpu.memory_space<vmem>>) target_semaphore(%arg12 : memref<!tpu.dma_semaphore, #tpu.memory_space<semaphore_mem>>)
      %slice3A_315 = vector.extract_strided_slice %get3A_41 {offsets = [11], sizes = [1], strides = [1]} : vector<16xi32> to vector<1xi32>
      %squeeze3A_316 = vector.extract %slice3A_315[0] : i32 from vector<1xi32>
      %dma_start3A_317 = arith.constant 11 : i32
      %dma_start3A_318 = arith.constant 0 : i32
      %dma_start3A_319 = tpu.memref_slice %arg10[%dma_start3A_317, %dma_start3A_318] : memref<32x32xf32, #tpu.memory_space<vmem>> -> memref<1x32xf32, #tpu.memory_space<vmem>>
      %dma_start3A_320 = arith.constant 0 : i32
      %dma_start3A_321 = tpu.memref_slice %arg5[%squeeze3A_316, %dma_start3A_320] : memref<100000x32xf32, #tpu.memory_space<hbm>> -> memref<1x32xf32, #tpu.memory_space<hbm>>
      %dma_start3A_322 = arith.constant 11 : i32
      %dma_start3A_323 = arith.constant 0 : i32
      %dma_start3A_324 = tpu.memref_slice %arg10[%dma_start3A_322, %dma_start3A_323] : memref<32x32xf32, #tpu.memory_space<vmem>> -> memref<1x32xf32, #tpu.memory_space<vmem>>
      %dma_start3A_325 = arith.constant 0 : i32
      %dma_start3A_326 = tpu.memref_slice %arg5[%squeeze3A_316, %dma_start3A_325] : memref<100000x32xf32, #tpu.memory_space<hbm>> -> memref<1x32xf32, #tpu.memory_space<hbm>>
      tpu.enqueue_dma source(%dma_start3A_326 : memref<1x32xf32, #tpu.memory_space<hbm>>) target(%dma_start3A_324 : memref<1x32xf32, #tpu.memory_space<vmem>>) target_semaphore(%arg13 : memref<!tpu.dma_semaphore, #tpu.memory_space<semaphore_mem>>)
      %slice3A_327 = vector.extract_strided_slice %get3A_37 {offsets = [12], sizes = [1], strides = [1]} : vector<16xi32> to vector<1xi32>
      %squeeze3A_328 = vector.extract %slice3A_327[0] : i32 from vector<1xi32>
      %dma_start3A_329 = arith.constant 12 : i32
      %dma_start3A_330 = arith.constant 0 : i32
      %dma_start3A_331 = tpu.memref_slice %arg9[%dma_start3A_329, %dma_start3A_330] : memref<32x32xf32, #tpu.memory_space<vmem>> -> memref<1x32xf32, #tpu.memory_space<vmem>>
      %dma_start3A_332 = arith.constant 0 : i32
      %dma_start3A_333 = tpu.memref_slice %arg4[%squeeze3A_328, %dma_start3A_332] : memref<1000000x32xf32, #tpu.memory_space<hbm>> -> memref<1x32xf32, #tpu.memory_space<hbm>>
      %dma_start3A_334 = arith.constant 12 : i32
      %dma_start3A_335 = arith.constant 0 : i32
      %dma_start3A_336 = tpu.memref_slice %arg9[%dma_start3A_334, %dma_start3A_335] : memref<32x32xf32, #tpu.memory_space<vmem>> -> memref<1x32xf32, #tpu.memory_space<vmem>>
      %dma_start3A_337 = arith.constant 0 : i32
      %dma_start3A_338 = tpu.memref_slice %arg4[%squeeze3A_328, %dma_start3A_337] : memref<1000000x32xf32, #tpu.memory_space<hbm>> -> memref<1x32xf32, #tpu.memory_space<hbm>>
      tpu.enqueue_dma source(%dma_start3A_338 : memref<1x32xf32, #tpu.memory_space<hbm>>) target(%dma_start3A_336 : memref<1x32xf32, #tpu.memory_space<vmem>>) target_semaphore(%arg12 : memref<!tpu.dma_semaphore, #tpu.memory_space<semaphore_mem>>)
      %slice3A_339 = vector.extract_strided_slice %get3A_41 {offsets = [12], sizes = [1], strides = [1]} : vector<16xi32> to vector<1xi32>
      %squeeze3A_340 = vector.extract %slice3A_339[0] : i32 from vector<1xi32>
      %dma_start3A_341 = arith.constant 12 : i32
      %dma_start3A_342 = arith.constant 0 : i32
      %dma_start3A_343 = tpu.memref_slice %arg10[%dma_start3A_341, %dma_start3A_342] : memref<32x32xf32, #tpu.memory_space<vmem>> -> memref<1x32xf32, #tpu.memory_space<vmem>>
      %dma_start3A_344 = arith.constant 0 : i32
      %dma_start3A_345 = tpu.memref_slice %arg5[%squeeze3A_340, %dma_start3A_344] : memref<100000x32xf32, #tpu.memory_space<hbm>> -> memref<1x32xf32, #tpu.memory_space<hbm>>
      %dma_start3A_346 = arith.constant 12 : i32
      %dma_start3A_347 = arith.constant 0 : i32
      %dma_start3A_348 = tpu.memref_slice %arg10[%dma_start3A_346, %dma_start3A_347] : memref<32x32xf32, #tpu.memory_space<vmem>> -> memref<1x32xf32, #tpu.memory_space<vmem>>
      %dma_start3A_349 = arith.constant 0 : i32
      %dma_start3A_350 = tpu.memref_slice %arg5[%squeeze3A_340, %dma_start3A_349] : memref<100000x32xf32, #tpu.memory_space<hbm>> -> memref<1x32xf32, #tpu.memory_space<hbm>>
      tpu.enqueue_dma source(%dma_start3A_350 : memref<1x32xf32, #tpu.memory_space<hbm>>) target(%dma_start3A_348 : memref<1x32xf32, #tpu.memory_space<vmem>>) target_semaphore(%arg13 : memref<!tpu.dma_semaphore, #tpu.memory_space<semaphore_mem>>)
      %slice3A_351 = vector.extract_strided_slice %get3A_37 {offsets = [13], sizes = [1], strides = [1]} : vector<16xi32> to vector<1xi32>
      %squeeze3A_352 = vector.extract %slice3A_351[0] : i32 from vector<1xi32>
      %dma_start3A_353 = arith.constant 13 : i32
      %dma_start3A_354 = arith.constant 0 : i32
      %dma_start3A_355 = tpu.memref_slice %arg9[%dma_start3A_353, %dma_start3A_354] : memref<32x32xf32, #tpu.memory_space<vmem>> -> memref<1x32xf32, #tpu.memory_space<vmem>>
      %dma_start3A_356 = arith.constant 0 : i32
      %dma_start3A_357 = tpu.memref_slice %arg4[%squeeze3A_352, %dma_start3A_356] : memref<1000000x32xf32, #tpu.memory_space<hbm>> -> memref<1x32xf32, #tpu.memory_space<hbm>>
      %dma_start3A_358 = arith.constant 13 : i32
      %dma_start3A_359 = arith.constant 0 : i32
      %dma_start3A_360 = tpu.memref_slice %arg9[%dma_start3A_358, %dma_start3A_359] : memref<32x32xf32, #tpu.memory_space<vmem>> -> memref<1x32xf32, #tpu.memory_space<vmem>>
      %dma_start3A_361 = arith.constant 0 : i32
      %dma_start3A_362 = tpu.memref_slice %arg4[%squeeze3A_352, %dma_start3A_361] : memref<1000000x32xf32, #tpu.memory_space<hbm>> -> memref<1x32xf32, #tpu.memory_space<hbm>>
      tpu.enqueue_dma source(%dma_start3A_362 : memref<1x32xf32, #tpu.memory_space<hbm>>) target(%dma_start3A_360 : memref<1x32xf32, #tpu.memory_space<vmem>>) target_semaphore(%arg12 : memref<!tpu.dma_semaphore, #tpu.memory_space<semaphore_mem>>)
      %slice3A_363 = vector.extract_strided_slice %get3A_41 {offsets = [13], sizes = [1], strides = [1]} : vector<16xi32> to vector<1xi32>
      %squeeze3A_364 = vector.extract %slice3A_363[0] : i32 from vector<1xi32>
      %dma_start3A_365 = arith.constant 13 : i32
      %dma_start3A_366 = arith.constant 0 : i32
      %dma_start3A_367 = tpu.memref_slice %arg10[%dma_start3A_365, %dma_start3A_366] : memref<32x32xf32, #tpu.memory_space<vmem>> -> memref<1x32xf32, #tpu.memory_space<vmem>>
      %dma_start3A_368 = arith.constant 0 : i32
      %dma_start3A_369 = tpu.memref_slice %arg5[%squeeze3A_364, %dma_start3A_368] : memref<100000x32xf32, #tpu.memory_space<hbm>> -> memref<1x32xf32, #tpu.memory_space<hbm>>
      %dma_start3A_370 = arith.constant 13 : i32
      %dma_start3A_371 = arith.constant 0 : i32
      %dma_start3A_372 = tpu.memref_slice %arg10[%dma_start3A_370, %dma_start3A_371] : memref<32x32xf32, #tpu.memory_space<vmem>> -> memref<1x32xf32, #tpu.memory_space<vmem>>
      %dma_start3A_373 = arith.constant 0 : i32
      %dma_start3A_374 = tpu.memref_slice %arg5[%squeeze3A_364, %dma_start3A_373] : memref<100000x32xf32, #tpu.memory_space<hbm>> -> memref<1x32xf32, #tpu.memory_space<hbm>>
      tpu.enqueue_dma source(%dma_start3A_374 : memref<1x32xf32, #tpu.memory_space<hbm>>) target(%dma_start3A_372 : memref<1x32xf32, #tpu.memory_space<vmem>>) target_semaphore(%arg13 : memref<!tpu.dma_semaphore, #tpu.memory_space<semaphore_mem>>)
      %slice3A_375 = vector.extract_strided_slice %get3A_37 {offsets = [14], sizes = [1], strides = [1]} : vector<16xi32> to vector<1xi32>
      %squeeze3A_376 = vector.extract %slice3A_375[0] : i32 from vector<1xi32>
      %dma_start3A_377 = arith.constant 14 : i32
      %dma_start3A_378 = arith.constant 0 : i32
      %dma_start3A_379 = tpu.memref_slice %arg9[%dma_start3A_377, %dma_start3A_378] : memref<32x32xf32, #tpu.memory_space<vmem>> -> memref<1x32xf32, #tpu.memory_space<vmem>>
      %dma_start3A_380 = arith.constant 0 : i32
      %dma_start3A_381 = tpu.memref_slice %arg4[%squeeze3A_376, %dma_start3A_380] : memref<1000000x32xf32, #tpu.memory_space<hbm>> -> memref<1x32xf32, #tpu.memory_space<hbm>>
      %dma_start3A_382 = arith.constant 14 : i32
      %dma_start3A_383 = arith.constant 0 : i32
      %dma_start3A_384 = tpu.memref_slice %arg9[%dma_start3A_382, %dma_start3A_383] : memref<32x32xf32, #tpu.memory_space<vmem>> -> memref<1x32xf32, #tpu.memory_space<vmem>>
      %dma_start3A_385 = arith.constant 0 : i32
      %dma_start3A_386 = tpu.memref_slice %arg4[%squeeze3A_376, %dma_start3A_385] : memref<1000000x32xf32, #tpu.memory_space<hbm>> -> memref<1x32xf32, #tpu.memory_space<hbm>>
      tpu.enqueue_dma source(%dma_start3A_386 : memref<1x32xf32, #tpu.memory_space<hbm>>) target(%dma_start3A_384 : memref<1x32xf32, #tpu.memory_space<vmem>>) target_semaphore(%arg12 : memref<!tpu.dma_semaphore, #tpu.memory_space<semaphore_mem>>)
      %slice3A_387 = vector.extract_strided_slice %get3A_41 {offsets = [14], sizes = [1], strides = [1]} : vector<16xi32> to vector<1xi32>
      %squeeze3A_388 = vector.extract %slice3A_387[0] : i32 from vector<1xi32>
      %dma_start3A_389 = arith.constant 14 : i32
      %dma_start3A_390 = arith.constant 0 : i32
      %dma_start3A_391 = tpu.memref_slice %arg10[%dma_start3A_389, %dma_start3A_390] : memref<32x32xf32, #tpu.memory_space<vmem>> -> memref<1x32xf32, #tpu.memory_space<vmem>>
      %dma_start3A_392 = arith.constant 0 : i32
      %dma_start3A_393 = tpu.memref_slice %arg5[%squeeze3A_388, %dma_start3A_392] : memref<100000x32xf32, #tpu.memory_space<hbm>> -> memref<1x32xf32, #tpu.memory_space<hbm>>
      %dma_start3A_394 = arith.constant 14 : i32
      %dma_start3A_395 = arith.constant 0 : i32
      %dma_start3A_396 = tpu.memref_slice %arg10[%dma_start3A_394, %dma_start3A_395] : memref<32x32xf32, #tpu.memory_space<vmem>> -> memref<1x32xf32, #tpu.memory_space<vmem>>
      %dma_start3A_397 = arith.constant 0 : i32
      %dma_start3A_398 = tpu.memref_slice %arg5[%squeeze3A_388, %dma_start3A_397] : memref<100000x32xf32, #tpu.memory_space<hbm>> -> memref<1x32xf32, #tpu.memory_space<hbm>>
      tpu.enqueue_dma source(%dma_start3A_398 : memref<1x32xf32, #tpu.memory_space<hbm>>) target(%dma_start3A_396 : memref<1x32xf32, #tpu.memory_space<vmem>>) target_semaphore(%arg13 : memref<!tpu.dma_semaphore, #tpu.memory_space<semaphore_mem>>)
      %slice3A_399 = vector.extract_strided_slice %get3A_37 {offsets = [15], sizes = [1], strides = [1]} : vector<16xi32> to vector<1xi32>
      %squeeze3A_400 = vector.extract %slice3A_399[0] : i32 from vector<1xi32>
      %dma_start3A_401 = arith.constant 15 : i32
      %dma_start3A_402 = arith.constant 0 : i32
      %dma_start3A_403 = tpu.memref_slice %arg9[%dma_start3A_401, %dma_start3A_402] : memref<32x32xf32, #tpu.memory_space<vmem>> -> memref<1x32xf32, #tpu.memory_space<vmem>>
      %dma_start3A_404 = arith.constant 0 : i32
      %dma_start3A_405 = tpu.memref_slice %arg4[%squeeze3A_400, %dma_start3A_404] : memref<1000000x32xf32, #tpu.memory_space<hbm>> -> memref<1x32xf32, #tpu.memory_space<hbm>>
      %dma_start3A_406 = arith.constant 15 : i32
      %dma_start3A_407 = arith.constant 0 : i32
      %dma_start3A_408 = tpu.memref_slice %arg9[%dma_start3A_406, %dma_start3A_407] : memref<32x32xf32, #tpu.memory_space<vmem>> -> memref<1x32xf32, #tpu.memory_space<vmem>>
      %dma_start3A_409 = arith.constant 0 : i32
      %dma_start3A_410 = tpu.memref_slice %arg4[%squeeze3A_400, %dma_start3A_409] : memref<1000000x32xf32, #tpu.memory_space<hbm>> -> memref<1x32xf32, #tpu.memory_space<hbm>>
      tpu.enqueue_dma source(%dma_start3A_410 : memref<1x32xf32, #tpu.memory_space<hbm>>) target(%dma_start3A_408 : memref<1x32xf32, #tpu.memory_space<vmem>>) target_semaphore(%arg12 : memref<!tpu.dma_semaphore, #tpu.memory_space<semaphore_mem>>)
      %slice3A_411 = vector.extract_strided_slice %get3A_41 {offsets = [15], sizes = [1], strides = [1]} : vector<16xi32> to vector<1xi32>
      %squeeze3A_412 = vector.extract %slice3A_411[0] : i32 from vector<1xi32>
      %dma_start3A_413 = arith.constant 15 : i32
      %dma_start3A_414 = arith.constant 0 : i32
      %dma_start3A_415 = tpu.memref_slice %arg10[%dma_start3A_413, %dma_start3A_414] : memref<32x32xf32, #tpu.memory_space<vmem>> -> memref<1x32xf32, #tpu.memory_space<vmem>>
      %dma_start3A_416 = arith.constant 0 : i32
      %dma_start3A_417 = tpu.memref_slice %arg5[%squeeze3A_412, %dma_start3A_416] : memref<100000x32xf32, #tpu.memory_space<hbm>> -> memref<1x32xf32, #tpu.memory_space<hbm>>
      %dma_start3A_418 = arith.constant 15 : i32
      %dma_start3A_419 = arith.constant 0 : i32
      %dma_start3A_420 = tpu.memref_slice %arg10[%dma_start3A_418, %dma_start3A_419] : memref<32x32xf32, #tpu.memory_space<vmem>> -> memref<1x32xf32, #tpu.memory_space<vmem>>
      %dma_start3A_421 = arith.constant 0 : i32
      %dma_start3A_422 = tpu.memref_slice %arg5[%squeeze3A_412, %dma_start3A_421] : memref<100000x32xf32, #tpu.memory_space<hbm>> -> memref<1x32xf32, #tpu.memory_space<hbm>>
      tpu.enqueue_dma source(%dma_start3A_422 : memref<1x32xf32, #tpu.memory_space<hbm>>) target(%dma_start3A_420 : memref<1x32xf32, #tpu.memory_space<vmem>>) target_semaphore(%arg13 : memref<!tpu.dma_semaphore, #tpu.memory_space<semaphore_mem>>)
      %add3A_423 = arith.constant 1 : i32
      %add3A_424 = arith.addi %mul3A_34, %add3A_423 : i32
      %mul3A_425 = arith.constant 16 : i32
      %mul3A_426 = arith.muli %add3A_424, %mul3A_425 : i32
      %get3A_427 = arith.index_cast %mul3A_426 : i32 to index
      %get3A_428 = tpu.vector_load %arg7[%get3A_427] {strides = array<i32>} : memref<512xi32, #tpu.memory_space<vmem>>, vector<16xi32>,
      %mul3A_429 = arith.constant 16 : i32
      %mul3A_430 = arith.muli %add3A_424, %mul3A_429 : i32
      %get3A_431 = arith.index_cast %mul3A_430 : i32 to index
      %get3A_432 = tpu.vector_load %arg8[%get3A_431] {strides = array<i32>} : memref<512xi32, #tpu.memory_space<vmem>>, vector<16xi32>,
      %slice3A_433 = vector.extract_strided_slice %get3A_428 {offsets = [0], sizes = [1], strides = [1]} : vector<16xi32> to vector<1xi32>
      %squeeze3A_434 = vector.extract %slice3A_433[0] : i32 from vector<1xi32>
      %dma_start3A_435 = arith.constant 16 : i32
      %dma_start3A_436 = arith.constant 0 : i32
      %dma_start3A_437 = tpu.memref_slice %arg9[%dma_start3A_435, %dma_start3A_436] : memref<32x32xf32, #tpu.memory_space<vmem>> -> memref<1x32xf32, #tpu.memory_space<vmem>>
      %dma_start3A_438 = arith.constant 0 : i32
      %dma_start3A_439 = tpu.memref_slice %arg4[%squeeze3A_434, %dma_start3A_438] : memref<1000000x32xf32, #tpu.memory_space<hbm>> -> memref<1x32xf32, #tpu.memory_space<hbm>>
      %dma_start3A_440 = arith.constant 16 : i32
      %dma_start3A_441 = arith.constant 0 : i32
      %dma_start3A_442 = tpu.memref_slice %arg9[%dma_start3A_440, %dma_start3A_441] : memref<32x32xf32, #tpu.memory_space<vmem>> -> memref<1x32xf32, #tpu.memory_space<vmem>>
      %dma_start3A_443 = arith.constant 0 : i32
      %dma_start3A_444 = tpu.memref_slice %arg4[%squeeze3A_434, %dma_start3A_443] : memref<1000000x32xf32, #tpu.memory_space<hbm>> -> memref<1x32xf32, #tpu.memory_space<hbm>>
      tpu.enqueue_dma source(%dma_start3A_444 : memref<1x32xf32, #tpu.memory_space<hbm>>) target(%dma_start3A_442 : memref<1x32xf32, #tpu.memory_space<vmem>>) target_semaphore(%arg14 : memref<!tpu.dma_semaphore, #tpu.memory_space<semaphore_mem>>)
      %slice3A_445 = vector.extract_strided_slice %get3A_432 {offsets = [0], sizes = [1], strides = [1]} : vector<16xi32> to vector<1xi32>
      %squeeze3A_446 = vector.extract %slice3A_445[0] : i32 from vector<1xi32>
      %dma_start3A_447 = arith.constant 16 : i32
      %dma_start3A_448 = arith.constant 0 : i32
      %dma_start3A_449 = tpu.memref_slice %arg10[%dma_start3A_447, %dma_start3A_448] : memref<32x32xf32, #tpu.memory_space<vmem>> -> memref<1x32xf32, #tpu.memory_space<vmem>>
      %dma_start3A_450 = arith.constant 0 : i32
      %dma_start3A_451 = tpu.memref_slice %arg5[%squeeze3A_446, %dma_start3A_450] : memref<100000x32xf32, #tpu.memory_space<hbm>> -> memref<1x32xf32, #tpu.memory_space<hbm>>
      %dma_start3A_452 = arith.constant 16 : i32
      %dma_start3A_453 = arith.constant 0 : i32
      %dma_start3A_454 = tpu.memref_slice %arg10[%dma_start3A_452, %dma_start3A_453] : memref<32x32xf32, #tpu.memory_space<vmem>> -> memref<1x32xf32, #tpu.memory_space<vmem>>
      %dma_start3A_455 = arith.constant 0 : i32
      %dma_start3A_456 = tpu.memref_slice %arg5[%squeeze3A_446, %dma_start3A_455] : memref<100000x32xf32, #tpu.memory_space<hbm>> -> memref<1x32xf32, #tpu.memory_space<hbm>>
      tpu.enqueue_dma source(%dma_start3A_456 : memref<1x32xf32, #tpu.memory_space<hbm>>) target(%dma_start3A_454 : memref<1x32xf32, #tpu.memory_space<vmem>>) target_semaphore(%arg15 : memref<!tpu.dma_semaphore, #tpu.memory_space<semaphore_mem>>)
      %slice3A_457 = vector.extract_strided_slice %get3A_428 {offsets = [1], sizes = [1], strides = [1]} : vector<16xi32> to vector<1xi32>
      %squeeze3A_458 = vector.extract %slice3A_457[0] : i32 from vector<1xi32>
      %dma_start3A_459 = arith.constant 17 : i32
      %dma_start3A_460 = arith.constant 0 : i32
      %dma_start3A_461 = tpu.memref_slice %arg9[%dma_start3A_459, %dma_start3A_460] : memref<32x32xf32, #tpu.memory_space<vmem>> -> memref<1x32xf32, #tpu.memory_space<vmem>>
      %dma_start3A_462 = arith.constant 0 : i32
      %dma_start3A_463 = tpu.memref_slice %arg4[%squeeze3A_458, %dma_start3A_462] : memref<1000000x32xf32, #tpu.memory_space<hbm>> -> memref<1x32xf32, #tpu.memory_space<hbm>>
      %dma_start3A_464 = arith.constant 17 : i32
      %dma_start3A_465 = arith.constant 0 : i32
      %dma_start3A_466 = tpu.memref_slice %arg9[%dma_start3A_464, %dma_start3A_465] : memref<32x32xf32, #tpu.memory_space<vmem>> -> memref<1x32xf32, #tpu.memory_space<vmem>>
      %dma_start3A_467 = arith.constant 0 : i32
      %dma_start3A_468 = tpu.memref_slice %arg4[%squeeze3A_458, %dma_start3A_467] : memref<1000000x32xf32, #tpu.memory_space<hbm>> -> memref<1x32xf32, #tpu.memory_space<hbm>>
      tpu.enqueue_dma source(%dma_start3A_468 : memref<1x32xf32, #tpu.memory_space<hbm>>) target(%dma_start3A_466 : memref<1x32xf32, #tpu.memory_space<vmem>>) target_semaphore(%arg14 : memref<!tpu.dma_semaphore, #tpu.memory_space<semaphore_mem>>)
      %slice3A_469 = vector.extract_strided_slice %get3A_432 {offsets = [1], sizes = [1], strides = [1]} : vector<16xi32> to vector<1xi32>
      %squeeze3A_470 = vector.extract %slice3A_469[0] : i32 from vector<1xi32>
      %dma_start3A_471 = arith.constant 17 : i32
      %dma_start3A_472 = arith.constant 0 : i32
      %dma_start3A_473 = tpu.memref_slice %arg10[%dma_start3A_471, %dma_start3A_472] : memref<32x32xf32, #tpu.memory_space<vmem>> -> memref<1x32xf32, #tpu.memory_space<vmem>>
      %dma_start3A_474 = arith.constant 0 : i32
      %dma_start3A_475 = tpu.memref_slice %arg5[%squeeze3A_470, %dma_start3A_474] : memref<100000x32xf32, #tpu.memory_space<hbm>> -> memref<1x32xf32, #tpu.memory_space<hbm>>
      %dma_start3A_476 = arith.constant 17 : i32
      %dma_start3A_477 = arith.constant 0 : i32
      %dma_start3A_478 = tpu.memref_slice %arg10[%dma_start3A_476, %dma_start3A_477] : memref<32x32xf32, #tpu.memory_space<vmem>> -> memref<1x32xf32, #tpu.memory_space<vmem>>
      %dma_start3A_479 = arith.constant 0 : i32
      %dma_start3A_480 = tpu.memref_slice %arg5[%squeeze3A_470, %dma_start3A_479] : memref<100000x32xf32, #tpu.memory_space<hbm>> -> memref<1x32xf32, #tpu.memory_space<hbm>>
      tpu.enqueue_dma source(%dma_start3A_480 : memref<1x32xf32, #tpu.memory_space<hbm>>) target(%dma_start3A_478 : memref<1x32xf32, #tpu.memory_space<vmem>>) target_semaphore(%arg15 : memref<!tpu.dma_semaphore, #tpu.memory_space<semaphore_mem>>)
      %slice3A_481 = vector.extract_strided_slice %get3A_428 {offsets = [2], sizes = [1], strides = [1]} : vector<16xi32> to vector<1xi32>
      %squeeze3A_482 = vector.extract %slice3A_481[0] : i32 from vector<1xi32>
      %dma_start3A_483 = arith.constant 18 : i32
      %dma_start3A_484 = arith.constant 0 : i32
      %dma_start3A_485 = tpu.memref_slice %arg9[%dma_start3A_483, %dma_start3A_484] : memref<32x32xf32, #tpu.memory_space<vmem>> -> memref<1x32xf32, #tpu.memory_space<vmem>>
      %dma_start3A_486 = arith.constant 0 : i32
      %dma_start3A_487 = tpu.memref_slice %arg4[%squeeze3A_482, %dma_start3A_486] : memref<1000000x32xf32, #tpu.memory_space<hbm>> -> memref<1x32xf32, #tpu.memory_space<hbm>>
      %dma_start3A_488 = arith.constant 18 : i32
      %dma_start3A_489 = arith.constant 0 : i32
      %dma_start3A_490 = tpu.memref_slice %arg9[%dma_start3A_488, %dma_start3A_489] : memref<32x32xf32, #tpu.memory_space<vmem>> -> memref<1x32xf32, #tpu.memory_space<vmem>>
      %dma_start3A_491 = arith.constant 0 : i32
      %dma_start3A_492 = tpu.memref_slice %arg4[%squeeze3A_482, %dma_start3A_491] : memref<1000000x32xf32, #tpu.memory_space<hbm>> -> memref<1x32xf32, #tpu.memory_space<hbm>>
      tpu.enqueue_dma source(%dma_start3A_492 : memref<1x32xf32, #tpu.memory_space<hbm>>) target(%dma_start3A_490 : memref<1x32xf32, #tpu.memory_space<vmem>>) target_semaphore(%arg14 : memref<!tpu.dma_semaphore, #tpu.memory_space<semaphore_mem>>)
      %slice3A_493 = vector.extract_strided_slice %get3A_432 {offsets = [2], sizes = [1], strides = [1]} : vector<16xi32> to vector<1xi32>
      %squeeze3A_494 = vector.extract %slice3A_493[0] : i32 from vector<1xi32>
      %dma_start3A_495 = arith.constant 18 : i32
      %dma_start3A_496 = arith.constant 0 : i32
      %dma_start3A_497 = tpu.memref_slice %arg10[%dma_start3A_495, %dma_start3A_496] : memref<32x32xf32, #tpu.memory_space<vmem>> -> memref<1x32xf32, #tpu.memory_space<vmem>>
      %dma_start3A_498 = arith.constant 0 : i32
      %dma_start3A_499 = tpu.memref_slice %arg5[%squeeze3A_494, %dma_start3A_498] : memref<100000x32xf32, #tpu.memory_space<hbm>> -> memref<1x32xf32, #tpu.memory_space<hbm>>
      %dma_start3A_500 = arith.constant 18 : i32
      %dma_start3A_501 = arith.constant 0 : i32
      %dma_start3A_502 = tpu.memref_slice %arg10[%dma_start3A_500, %dma_start3A_501] : memref<32x32xf32, #tpu.memory_space<vmem>> -> memref<1x32xf32, #tpu.memory_space<vmem>>
      %dma_start3A_503 = arith.constant 0 : i32
      %dma_start3A_504 = tpu.memref_slice %arg5[%squeeze3A_494, %dma_start3A_503] : memref<100000x32xf32, #tpu.memory_space<hbm>> -> memref<1x32xf32, #tpu.memory_space<hbm>>
      tpu.enqueue_dma source(%dma_start3A_504 : memref<1x32xf32, #tpu.memory_space<hbm>>) target(%dma_start3A_502 : memref<1x32xf32, #tpu.memory_space<vmem>>) target_semaphore(%arg15 : memref<!tpu.dma_semaphore, #tpu.memory_space<semaphore_mem>>)
      %slice3A_505 = vector.extract_strided_slice %get3A_428 {offsets = [3], sizes = [1], strides = [1]} : vector<16xi32> to vector<1xi32>
      %squeeze3A_506 = vector.extract %slice3A_505[0] : i32 from vector<1xi32>
      %dma_start3A_507 = arith.constant 19 : i32
      %dma_start3A_508 = arith.constant 0 : i32
      %dma_start3A_509 = tpu.memref_slice %arg9[%dma_start3A_507, %dma_start3A_508] : memref<32x32xf32, #tpu.memory_space<vmem>> -> memref<1x32xf32, #tpu.memory_space<vmem>>
      %dma_start3A_510 = arith.constant 0 : i32
      %dma_start3A_511 = tpu.memref_slice %arg4[%squeeze3A_506, %dma_start3A_510] : memref<1000000x32xf32, #tpu.memory_space<hbm>> -> memref<1x32xf32, #tpu.memory_space<hbm>>
      %dma_start3A_512 = arith.constant 19 : i32
      %dma_start3A_513 = arith.constant 0 : i32
      %dma_start3A_514 = tpu.memref_slice %arg9[%dma_start3A_512, %dma_start3A_513] : memref<32x32xf32, #tpu.memory_space<vmem>> -> memref<1x32xf32, #tpu.memory_space<vmem>>
      %dma_start3A_515 = arith.constant 0 : i32
      %dma_start3A_516 = tpu.memref_slice %arg4[%squeeze3A_506, %dma_start3A_515] : memref<1000000x32xf32, #tpu.memory_space<hbm>> -> memref<1x32xf32, #tpu.memory_space<hbm>>
      tpu.enqueue_dma source(%dma_start3A_516 : memref<1x32xf32, #tpu.memory_space<hbm>>) target(%dma_start3A_514 : memref<1x32xf32, #tpu.memory_space<vmem>>) target_semaphore(%arg14 : memref<!tpu.dma_semaphore, #tpu.memory_space<semaphore_mem>>)
      %slice3A_517 = vector.extract_strided_slice %get3A_432 {offsets = [3], sizes = [1], strides = [1]} : vector<16xi32> to vector<1xi32>
      %squeeze3A_518 = vector.extract %slice3A_517[0] : i32 from vector<1xi32>
      %dma_start3A_519 = arith.constant 19 : i32
      %dma_start3A_520 = arith.constant 0 : i32
      %dma_start3A_521 = tpu.memref_slice %arg10[%dma_start3A_519, %dma_start3A_520] : memref<32x32xf32, #tpu.memory_space<vmem>> -> memref<1x32xf32, #tpu.memory_space<vmem>>
      %dma_start3A_522 = arith.constant 0 : i32
      %dma_start3A_523 = tpu.memref_slice %arg5[%squeeze3A_518, %dma_start3A_522] : memref<100000x32xf32, #tpu.memory_space<hbm>> -> memref<1x32xf32, #tpu.memory_space<hbm>>
      %dma_start3A_524 = arith.constant 19 : i32
      %dma_start3A_525 = arith.constant 0 : i32
      %dma_start3A_526 = tpu.memref_slice %arg10[%dma_start3A_524, %dma_start3A_525] : memref<32x32xf32, #tpu.memory_space<vmem>> -> memref<1x32xf32, #tpu.memory_space<vmem>>
      %dma_start3A_527 = arith.constant 0 : i32
      %dma_start3A_528 = tpu.memref_slice %arg5[%squeeze3A_518, %dma_start3A_527] : memref<100000x32xf32, #tpu.memory_space<hbm>> -> memref<1x32xf32, #tpu.memory_space<hbm>>
      tpu.enqueue_dma source(%dma_start3A_528 : memref<1x32xf32, #tpu.memory_space<hbm>>) target(%dma_start3A_526 : memref<1x32xf32, #tpu.memory_space<vmem>>) target_semaphore(%arg15 : memref<!tpu.dma_semaphore, #tpu.memory_space<semaphore_mem>>)
      %slice3A_529 = vector.extract_strided_slice %get3A_428 {offsets = [4], sizes = [1], strides = [1]} : vector<16xi32> to vector<1xi32>
      %squeeze3A_530 = vector.extract %slice3A_529[0] : i32 from vector<1xi32>
      %dma_start3A_531 = arith.constant 20 : i32
      %dma_start3A_532 = arith.constant 0 : i32
      %dma_start3A_533 = tpu.memref_slice %arg9[%dma_start3A_531, %dma_start3A_532] : memref<32x32xf32, #tpu.memory_space<vmem>> -> memref<1x32xf32, #tpu.memory_space<vmem>>
      %dma_start3A_534 = arith.constant 0 : i32
      %dma_start3A_535 = tpu.memref_slice %arg4[%squeeze3A_530, %dma_start3A_534] : memref<1000000x32xf32, #tpu.memory_space<hbm>> -> memref<1x32xf32, #tpu.memory_space<hbm>>
      %dma_start3A_536 = arith.constant 20 : i32
      %dma_start3A_537 = arith.constant 0 : i32
      %dma_start3A_538 = tpu.memref_slice %arg9[%dma_start3A_536, %dma_start3A_537] : memref<32x32xf32, #tpu.memory_space<vmem>> -> memref<1x32xf32, #tpu.memory_space<vmem>>
      %dma_start3A_539 = arith.constant 0 : i32
      %dma_start3A_540 = tpu.memref_slice %arg4[%squeeze3A_530, %dma_start3A_539] : memref<1000000x32xf32, #tpu.memory_space<hbm>> -> memref<1x32xf32, #tpu.memory_space<hbm>>
      tpu.enqueue_dma source(%dma_start3A_540 : memref<1x32xf32, #tpu.memory_space<hbm>>) target(%dma_start3A_538 : memref<1x32xf32, #tpu.memory_space<vmem>>) target_semaphore(%arg14 : memref<!tpu.dma_semaphore, #tpu.memory_space<semaphore_mem>>)
      %slice3A_541 = vector.extract_strided_slice %get3A_432 {offsets = [4], sizes = [1], strides = [1]} : vector<16xi32> to vector<1xi32>
      %squeeze3A_542 = vector.extract %slice3A_541[0] : i32 from vector<1xi32>
      %dma_start3A_543 = arith.constant 20 : i32
      %dma_start3A_544 = arith.constant 0 : i32
      %dma_start3A_545 = tpu.memref_slice %arg10[%dma_start3A_543, %dma_start3A_544] : memref<32x32xf32, #tpu.memory_space<vmem>> -> memref<1x32xf32, #tpu.memory_space<vmem>>
      %dma_start3A_546 = arith.constant 0 : i32
      %dma_start3A_547 = tpu.memref_slice %arg5[%squeeze3A_542, %dma_start3A_546] : memref<100000x32xf32, #tpu.memory_space<hbm>> -> memref<1x32xf32, #tpu.memory_space<hbm>>
      %dma_start3A_548 = arith.constant 20 : i32
      %dma_start3A_549 = arith.constant 0 : i32
      %dma_start3A_550 = tpu.memref_slice %arg10[%dma_start3A_548, %dma_start3A_549] : memref<32x32xf32, #tpu.memory_space<vmem>> -> memref<1x32xf32, #tpu.memory_space<vmem>>
      %dma_start3A_551 = arith.constant 0 : i32
      %dma_start3A_552 = tpu.memref_slice %arg5[%squeeze3A_542, %dma_start3A_551] : memref<100000x32xf32, #tpu.memory_space<hbm>> -> memref<1x32xf32, #tpu.memory_space<hbm>>
      tpu.enqueue_dma source(%dma_start3A_552 : memref<1x32xf32, #tpu.memory_space<hbm>>) target(%dma_start3A_550 : memref<1x32xf32, #tpu.memory_space<vmem>>) target_semaphore(%arg15 : memref<!tpu.dma_semaphore, #tpu.memory_space<semaphore_mem>>)
      %slice3A_553 = vector.extract_strided_slice %get3A_428 {offsets = [5], sizes = [1], strides = [1]} : vector<16xi32> to vector<1xi32>
      %squeeze3A_554 = vector.extract %slice3A_553[0] : i32 from vector<1xi32>
      %dma_start3A_555 = arith.constant 21 : i32
      %dma_start3A_556 = arith.constant 0 : i32
      %dma_start3A_557 = tpu.memref_slice %arg9[%dma_start3A_555, %dma_start3A_556] : memref<32x32xf32, #tpu.memory_space<vmem>> -> memref<1x32xf32, #tpu.memory_space<vmem>>
      %dma_start3A_558 = arith.constant 0 : i32
      %dma_start3A_559 = tpu.memref_slice %arg4[%squeeze3A_554, %dma_start3A_558] : memref<1000000x32xf32, #tpu.memory_space<hbm>> -> memref<1x32xf32, #tpu.memory_space<hbm>>
      %dma_start3A_560 = arith.constant 21 : i32
      %dma_start3A_561 = arith.constant 0 : i32
      %dma_start3A_562 = tpu.memref_slice %arg9[%dma_start3A_560, %dma_start3A_561] : memref<32x32xf32, #tpu.memory_space<vmem>> -> memref<1x32xf32, #tpu.memory_space<vmem>>
      %dma_start3A_563 = arith.constant 0 : i32
      %dma_start3A_564 = tpu.memref_slice %arg4[%squeeze3A_554, %dma_start3A_563] : memref<1000000x32xf32, #tpu.memory_space<hbm>> -> memref<1x32xf32, #tpu.memory_space<hbm>>
      tpu.enqueue_dma source(%dma_start3A_564 : memref<1x32xf32, #tpu.memory_space<hbm>>) target(%dma_start3A_562 : memref<1x32xf32, #tpu.memory_space<vmem>>) target_semaphore(%arg14 : memref<!tpu.dma_semaphore, #tpu.memory_space<semaphore_mem>>)
      %slice3A_565 = vector.extract_strided_slice %get3A_432 {offsets = [5], sizes = [1], strides = [1]} : vector<16xi32> to vector<1xi32>
      %squeeze3A_566 = vector.extract %slice3A_565[0] : i32 from vector<1xi32>
      %dma_start3A_567 = arith.constant 21 : i32
      %dma_start3A_568 = arith.constant 0 : i32
      %dma_start3A_569 = tpu.memref_slice %arg10[%dma_start3A_567, %dma_start3A_568] : memref<32x32xf32, #tpu.memory_space<vmem>> -> memref<1x32xf32, #tpu.memory_space<vmem>>
      %dma_start3A_570 = arith.constant 0 : i32
      %dma_start3A_571 = tpu.memref_slice %arg5[%squeeze3A_566, %dma_start3A_570] : memref<100000x32xf32, #tpu.memory_space<hbm>> -> memref<1x32xf32, #tpu.memory_space<hbm>>
      %dma_start3A_572 = arith.constant 21 : i32
      %dma_start3A_573 = arith.constant 0 : i32
      %dma_start3A_574 = tpu.memref_slice %arg10[%dma_start3A_572, %dma_start3A_573] : memref<32x32xf32, #tpu.memory_space<vmem>> -> memref<1x32xf32, #tpu.memory_space<vmem>>
      %dma_start3A_575 = arith.constant 0 : i32
      %dma_start3A_576 = tpu.memref_slice %arg5[%squeeze3A_566, %dma_start3A_575] : memref<100000x32xf32, #tpu.memory_space<hbm>> -> memref<1x32xf32, #tpu.memory_space<hbm>>
      tpu.enqueue_dma source(%dma_start3A_576 : memref<1x32xf32, #tpu.memory_space<hbm>>) target(%dma_start3A_574 : memref<1x32xf32, #tpu.memory_space<vmem>>) target_semaphore(%arg15 : memref<!tpu.dma_semaphore, #tpu.memory_space<semaphore_mem>>)
      %slice3A_577 = vector.extract_strided_slice %get3A_428 {offsets = [6], sizes = [1], strides = [1]} : vector<16xi32> to vector<1xi32>
      %squeeze3A_578 = vector.extract %slice3A_577[0] : i32 from vector<1xi32>
      %dma_start3A_579 = arith.constant 22 : i32
      %dma_start3A_580 = arith.constant 0 : i32
      %dma_start3A_581 = tpu.memref_slice %arg9[%dma_start3A_579, %dma_start3A_580] : memref<32x32xf32, #tpu.memory_space<vmem>> -> memref<1x32xf32, #tpu.memory_space<vmem>>
      %dma_start3A_582 = arith.constant 0 : i32
      %dma_start3A_583 = tpu.memref_slice %arg4[%squeeze3A_578, %dma_start3A_582] : memref<1000000x32xf32, #tpu.memory_space<hbm>> -> memref<1x32xf32, #tpu.memory_space<hbm>>
      %dma_start3A_584 = arith.constant 22 : i32
      %dma_start3A_585 = arith.constant 0 : i32
      %dma_start3A_586 = tpu.memref_slice %arg9[%dma_start3A_584, %dma_start3A_585] : memref<32x32xf32, #tpu.memory_space<vmem>> -> memref<1x32xf32, #tpu.memory_space<vmem>>
      %dma_start3A_587 = arith.constant 0 : i32
      %dma_start3A_588 = tpu.memref_slice %arg4[%squeeze3A_578, %dma_start3A_587] : memref<1000000x32xf32, #tpu.memory_space<hbm>> -> memref<1x32xf32, #tpu.memory_space<hbm>>
      tpu.enqueue_dma source(%dma_start3A_588 : memref<1x32xf32, #tpu.memory_space<hbm>>) target(%dma_start3A_586 : memref<1x32xf32, #tpu.memory_space<vmem>>) target_semaphore(%arg14 : memref<!tpu.dma_semaphore, #tpu.memory_space<semaphore_mem>>)
      %slice3A_589 = vector.extract_strided_slice %get3A_432 {offsets = [6], sizes = [1], strides = [1]} : vector<16xi32> to vector<1xi32>
      %squeeze3A_590 = vector.extract %slice3A_589[0] : i32 from vector<1xi32>
      %dma_start3A_591 = arith.constant 22 : i32
      %dma_start3A_592 = arith.constant 0 : i32
      %dma_start3A_593 = tpu.memref_slice %arg10[%dma_start3A_591, %dma_start3A_592] : memref<32x32xf32, #tpu.memory_space<vmem>> -> memref<1x32xf32, #tpu.memory_space<vmem>>
      %dma_start3A_594 = arith.constant 0 : i32
      %dma_start3A_595 = tpu.memref_slice %arg5[%squeeze3A_590, %dma_start3A_594] : memref<100000x32xf32, #tpu.memory_space<hbm>> -> memref<1x32xf32, #tpu.memory_space<hbm>>
      %dma_start3A_596 = arith.constant 22 : i32
      %dma_start3A_597 = arith.constant 0 : i32
      %dma_start3A_598 = tpu.memref_slice %arg10[%dma_start3A_596, %dma_start3A_597] : memref<32x32xf32, #tpu.memory_space<vmem>> -> memref<1x32xf32, #tpu.memory_space<vmem>>
      %dma_start3A_599 = arith.constant 0 : i32
      %dma_start3A_600 = tpu.memref_slice %arg5[%squeeze3A_590, %dma_start3A_599] : memref<100000x32xf32, #tpu.memory_space<hbm>> -> memref<1x32xf32, #tpu.memory_space<hbm>>
      tpu.enqueue_dma source(%dma_start3A_600 : memref<1x32xf32, #tpu.memory_space<hbm>>) target(%dma_start3A_598 : memref<1x32xf32, #tpu.memory_space<vmem>>) target_semaphore(%arg15 : memref<!tpu.dma_semaphore, #tpu.memory_space<semaphore_mem>>)
      %slice3A_601 = vector.extract_strided_slice %get3A_428 {offsets = [7], sizes = [1], strides = [1]} : vector<16xi32> to vector<1xi32>
      %squeeze3A_602 = vector.extract %slice3A_601[0] : i32 from vector<1xi32>
      %dma_start3A_603 = arith.constant 23 : i32
      %dma_start3A_604 = arith.constant 0 : i32
      %dma_start3A_605 = tpu.memref_slice %arg9[%dma_start3A_603, %dma_start3A_604] : memref<32x32xf32, #tpu.memory_space<vmem>> -> memref<1x32xf32, #tpu.memory_space<vmem>>
      %dma_start3A_606 = arith.constant 0 : i32
      %dma_start3A_607 = tpu.memref_slice %arg4[%squeeze3A_602, %dma_start3A_606] : memref<1000000x32xf32, #tpu.memory_space<hbm>> -> memref<1x32xf32, #tpu.memory_space<hbm>>
      %dma_start3A_608 = arith.constant 23 : i32
      %dma_start3A_609 = arith.constant 0 : i32
      %dma_start3A_610 = tpu.memref_slice %arg9[%dma_start3A_608, %dma_start3A_609] : memref<32x32xf32, #tpu.memory_space<vmem>> -> memref<1x32xf32, #tpu.memory_space<vmem>>
      %dma_start3A_611 = arith.constant 0 : i32
      %dma_start3A_612 = tpu.memref_slice %arg4[%squeeze3A_602, %dma_start3A_611] : memref<1000000x32xf32, #tpu.memory_space<hbm>> -> memref<1x32xf32, #tpu.memory_space<hbm>>
      tpu.enqueue_dma source(%dma_start3A_612 : memref<1x32xf32, #tpu.memory_space<hbm>>) target(%dma_start3A_610 : memref<1x32xf32, #tpu.memory_space<vmem>>) target_semaphore(%arg14 : memref<!tpu.dma_semaphore, #tpu.memory_space<semaphore_mem>>)
      %slice3A_613 = vector.extract_strided_slice %get3A_432 {offsets = [7], sizes = [1], strides = [1]} : vector<16xi32> to vector<1xi32>
      %squeeze3A_614 = vector.extract %slice3A_613[0] : i32 from vector<1xi32>
      %dma_start3A_615 = arith.constant 23 : i32
      %dma_start3A_616 = arith.constant 0 : i32
      %dma_start3A_617 = tpu.memref_slice %arg10[%dma_start3A_615, %dma_start3A_616] : memref<32x32xf32, #tpu.memory_space<vmem>> -> memref<1x32xf32, #tpu.memory_space<vmem>>
      %dma_start3A_618 = arith.constant 0 : i32
      %dma_start3A_619 = tpu.memref_slice %arg5[%squeeze3A_614, %dma_start3A_618] : memref<100000x32xf32, #tpu.memory_space<hbm>> -> memref<1x32xf32, #tpu.memory_space<hbm>>
      %dma_start3A_620 = arith.constant 23 : i32
      %dma_start3A_621 = arith.constant 0 : i32
      %dma_start3A_622 = tpu.memref_slice %arg10[%dma_start3A_620, %dma_start3A_621] : memref<32x32xf32, #tpu.memory_space<vmem>> -> memref<1x32xf32, #tpu.memory_space<vmem>>
      %dma_start3A_623 = arith.constant 0 : i32
      %dma_start3A_624 = tpu.memref_slice %arg5[%squeeze3A_614, %dma_start3A_623] : memref<100000x32xf32, #tpu.memory_space<hbm>> -> memref<1x32xf32, #tpu.memory_space<hbm>>
      tpu.enqueue_dma source(%dma_start3A_624 : memref<1x32xf32, #tpu.memory_space<hbm>>) target(%dma_start3A_622 : memref<1x32xf32, #tpu.memory_space<vmem>>) target_semaphore(%arg15 : memref<!tpu.dma_semaphore, #tpu.memory_space<semaphore_mem>>)
      %slice3A_625 = vector.extract_strided_slice %get3A_428 {offsets = [8], sizes = [1], strides = [1]} : vector<16xi32> to vector<1xi32>
      %squeeze3A_626 = vector.extract %slice3A_625[0] : i32 from vector<1xi32>
      %dma_start3A_627 = arith.constant 24 : i32
      %dma_start3A_628 = arith.constant 0 : i32
      %dma_start3A_629 = tpu.memref_slice %arg9[%dma_start3A_627, %dma_start3A_628] : memref<32x32xf32, #tpu.memory_space<vmem>> -> memref<1x32xf32, #tpu.memory_space<vmem>>
      %dma_start3A_630 = arith.constant 0 : i32
      %dma_start3A_631 = tpu.memref_slice %arg4[%squeeze3A_626, %dma_start3A_630] : memref<1000000x32xf32, #tpu.memory_space<hbm>> -> memref<1x32xf32, #tpu.memory_space<hbm>>
      %dma_start3A_632 = arith.constant 24 : i32
      %dma_start3A_633 = arith.constant 0 : i32
      %dma_start3A_634 = tpu.memref_slice %arg9[%dma_start3A_632, %dma_start3A_633] : memref<32x32xf32, #tpu.memory_space<vmem>> -> memref<1x32xf32, #tpu.memory_space<vmem>>
      %dma_start3A_635 = arith.constant 0 : i32
      %dma_start3A_636 = tpu.memref_slice %arg4[%squeeze3A_626, %dma_start3A_635] : memref<1000000x32xf32, #tpu.memory_space<hbm>> -> memref<1x32xf32, #tpu.memory_space<hbm>>
      tpu.enqueue_dma source(%dma_start3A_636 : memref<1x32xf32, #tpu.memory_space<hbm>>) target(%dma_start3A_634 : memref<1x32xf32, #tpu.memory_space<vmem>>) target_semaphore(%arg14 : memref<!tpu.dma_semaphore, #tpu.memory_space<semaphore_mem>>)
      %slice3A_637 = vector.extract_strided_slice %get3A_432 {offsets = [8], sizes = [1], strides = [1]} : vector<16xi32> to vector<1xi32>
      %squeeze3A_638 = vector.extract %slice3A_637[0] : i32 from vector<1xi32>
      %dma_start3A_639 = arith.constant 24 : i32
      %dma_start3A_640 = arith.constant 0 : i32
      %dma_start3A_641 = tpu.memref_slice %arg10[%dma_start3A_639, %dma_start3A_640] : memref<32x32xf32, #tpu.memory_space<vmem>> -> memref<1x32xf32, #tpu.memory_space<vmem>>
      %dma_start3A_642 = arith.constant 0 : i32
      %dma_start3A_643 = tpu.memref_slice %arg5[%squeeze3A_638, %dma_start3A_642] : memref<100000x32xf32, #tpu.memory_space<hbm>> -> memref<1x32xf32, #tpu.memory_space<hbm>>
      %dma_start3A_644 = arith.constant 24 : i32
      %dma_start3A_645 = arith.constant 0 : i32
      %dma_start3A_646 = tpu.memref_slice %arg10[%dma_start3A_644, %dma_start3A_645] : memref<32x32xf32, #tpu.memory_space<vmem>> -> memref<1x32xf32, #tpu.memory_space<vmem>>
      %dma_start3A_647 = arith.constant 0 : i32
      %dma_start3A_648 = tpu.memref_slice %arg5[%squeeze3A_638, %dma_start3A_647] : memref<100000x32xf32, #tpu.memory_space<hbm>> -> memref<1x32xf32, #tpu.memory_space<hbm>>
      tpu.enqueue_dma source(%dma_start3A_648 : memref<1x32xf32, #tpu.memory_space<hbm>>) target(%dma_start3A_646 : memref<1x32xf32, #tpu.memory_space<vmem>>) target_semaphore(%arg15 : memref<!tpu.dma_semaphore, #tpu.memory_space<semaphore_mem>>)
      %slice3A_649 = vector.extract_strided_slice %get3A_428 {offsets = [9], sizes = [1], strides = [1]} : vector<16xi32> to vector<1xi32>
      %squeeze3A_650 = vector.extract %slice3A_649[0] : i32 from vector<1xi32>
      %dma_start3A_651 = arith.constant 25 : i32
      %dma_start3A_652 = arith.constant 0 : i32
      %dma_start3A_653 = tpu.memref_slice %arg9[%dma_start3A_651, %dma_start3A_652] : memref<32x32xf32, #tpu.memory_space<vmem>> -> memref<1x32xf32, #tpu.memory_space<vmem>>
      %dma_start3A_654 = arith.constant 0 : i32
      %dma_start3A_655 = tpu.memref_slice %arg4[%squeeze3A_650, %dma_start3A_654] : memref<1000000x32xf32, #tpu.memory_space<hbm>> -> memref<1x32xf32, #tpu.memory_space<hbm>>
      %dma_start3A_656 = arith.constant 25 : i32
      %dma_start3A_657 = arith.constant 0 : i32
      %dma_start3A_658 = tpu.memref_slice %arg9[%dma_start3A_656, %dma_start3A_657] : memref<32x32xf32, #tpu.memory_space<vmem>> -> memref<1x32xf32, #tpu.memory_space<vmem>>
      %dma_start3A_659 = arith.constant 0 : i32
      %dma_start3A_660 = tpu.memref_slice %arg4[%squeeze3A_650, %dma_start3A_659] : memref<1000000x32xf32, #tpu.memory_space<hbm>> -> memref<1x32xf32, #tpu.memory_space<hbm>>
      tpu.enqueue_dma source(%dma_start3A_660 : memref<1x32xf32, #tpu.memory_space<hbm>>) target(%dma_start3A_658 : memref<1x32xf32, #tpu.memory_space<vmem>>) target_semaphore(%arg14 : memref<!tpu.dma_semaphore, #tpu.memory_space<semaphore_mem>>)
      %slice3A_661 = vector.extract_strided_slice %get3A_432 {offsets = [9], sizes = [1], strides = [1]} : vector<16xi32> to vector<1xi32>
      %squeeze3A_662 = vector.extract %slice3A_661[0] : i32 from vector<1xi32>
      %dma_start3A_663 = arith.constant 25 : i32
      %dma_start3A_664 = arith.constant 0 : i32
      %dma_start3A_665 = tpu.memref_slice %arg10[%dma_start3A_663, %dma_start3A_664] : memref<32x32xf32, #tpu.memory_space<vmem>> -> memref<1x32xf32, #tpu.memory_space<vmem>>
      %dma_start3A_666 = arith.constant 0 : i32
      %dma_start3A_667 = tpu.memref_slice %arg5[%squeeze3A_662, %dma_start3A_666] : memref<100000x32xf32, #tpu.memory_space<hbm>> -> memref<1x32xf32, #tpu.memory_space<hbm>>
      %dma_start3A_668 = arith.constant 25 : i32
      %dma_start3A_669 = arith.constant 0 : i32
      %dma_start3A_670 = tpu.memref_slice %arg10[%dma_start3A_668, %dma_start3A_669] : memref<32x32xf32, #tpu.memory_space<vmem>> -> memref<1x32xf32, #tpu.memory_space<vmem>>
      %dma_start3A_671 = arith.constant 0 : i32
      %dma_start3A_672 = tpu.memref_slice %arg5[%squeeze3A_662, %dma_start3A_671] : memref<100000x32xf32, #tpu.memory_space<hbm>> -> memref<1x32xf32, #tpu.memory_space<hbm>>
      tpu.enqueue_dma source(%dma_start3A_672 : memref<1x32xf32, #tpu.memory_space<hbm>>) target(%dma_start3A_670 : memref<1x32xf32, #tpu.memory_space<vmem>>) target_semaphore(%arg15 : memref<!tpu.dma_semaphore, #tpu.memory_space<semaphore_mem>>)
      %slice3A_673 = vector.extract_strided_slice %get3A_428 {offsets = [10], sizes = [1], strides = [1]} : vector<16xi32> to vector<1xi32>
      %squeeze3A_674 = vector.extract %slice3A_673[0] : i32 from vector<1xi32>
      %dma_start3A_675 = arith.constant 26 : i32
      %dma_start3A_676 = arith.constant 0 : i32
      %dma_start3A_677 = tpu.memref_slice %arg9[%dma_start3A_675, %dma_start3A_676] : memref<32x32xf32, #tpu.memory_space<vmem>> -> memref<1x32xf32, #tpu.memory_space<vmem>>
      %dma_start3A_678 = arith.constant 0 : i32
      %dma_start3A_679 = tpu.memref_slice %arg4[%squeeze3A_674, %dma_start3A_678] : memref<1000000x32xf32, #tpu.memory_space<hbm>> -> memref<1x32xf32, #tpu.memory_space<hbm>>
      %dma_start3A_680 = arith.constant 26 : i32
      %dma_start3A_681 = arith.constant 0 : i32
      %dma_start3A_682 = tpu.memref_slice %arg9[%dma_start3A_680, %dma_start3A_681] : memref<32x32xf32, #tpu.memory_space<vmem>> -> memref<1x32xf32, #tpu.memory_space<vmem>>
      %dma_start3A_683 = arith.constant 0 : i32
      %dma_start3A_684 = tpu.memref_slice %arg4[%squeeze3A_674, %dma_start3A_683] : memref<1000000x32xf32, #tpu.memory_space<hbm>> -> memref<1x32xf32, #tpu.memory_space<hbm>>
      tpu.enqueue_dma source(%dma_start3A_684 : memref<1x32xf32, #tpu.memory_space<hbm>>) target(%dma_start3A_682 : memref<1x32xf32, #tpu.memory_space<vmem>>) target_semaphore(%arg14 : memref<!tpu.dma_semaphore, #tpu.memory_space<semaphore_mem>>)
      %slice3A_685 = vector.extract_strided_slice %get3A_432 {offsets = [10], sizes = [1], strides = [1]} : vector<16xi32> to vector<1xi32>
      %squeeze3A_686 = vector.extract %slice3A_685[0] : i32 from vector<1xi32>
      %dma_start3A_687 = arith.constant 26 : i32
      %dma_start3A_688 = arith.constant 0 : i32
      %dma_start3A_689 = tpu.memref_slice %arg10[%dma_start3A_687, %dma_start3A_688] : memref<32x32xf32, #tpu.memory_space<vmem>> -> memref<1x32xf32, #tpu.memory_space<vmem>>
      %dma_start3A_690 = arith.constant 0 : i32
      %dma_start3A_691 = tpu.memref_slice %arg5[%squeeze3A_686, %dma_start3A_690] : memref<100000x32xf32, #tpu.memory_space<hbm>> -> memref<1x32xf32, #tpu.memory_space<hbm>>
      %dma_start3A_692 = arith.constant 26 : i32
      %dma_start3A_693 = arith.constant 0 : i32
      %dma_start3A_694 = tpu.memref_slice %arg10[%dma_start3A_692, %dma_start3A_693] : memref<32x32xf32, #tpu.memory_space<vmem>> -> memref<1x32xf32, #tpu.memory_space<vmem>>
      %dma_start3A_695 = arith.constant 0 : i32
      %dma_start3A_696 = tpu.memref_slice %arg5[%squeeze3A_686, %dma_start3A_695] : memref<100000x32xf32, #tpu.memory_space<hbm>> -> memref<1x32xf32, #tpu.memory_space<hbm>>
      tpu.enqueue_dma source(%dma_start3A_696 : memref<1x32xf32, #tpu.memory_space<hbm>>) target(%dma_start3A_694 : memref<1x32xf32, #tpu.memory_space<vmem>>) target_semaphore(%arg15 : memref<!tpu.dma_semaphore, #tpu.memory_space<semaphore_mem>>)
      %slice3A_697 = vector.extract_strided_slice %get3A_428 {offsets = [11], sizes = [1], strides = [1]} : vector<16xi32> to vector<1xi32>
      %squeeze3A_698 = vector.extract %slice3A_697[0] : i32 from vector<1xi32>
      %dma_start3A_699 = arith.constant 27 : i32
      %dma_start3A_700 = arith.constant 0 : i32
      %dma_start3A_701 = tpu.memref_slice %arg9[%dma_start3A_699, %dma_start3A_700] : memref<32x32xf32, #tpu.memory_space<vmem>> -> memref<1x32xf32, #tpu.memory_space<vmem>>
      %dma_start3A_702 = arith.constant 0 : i32
      %dma_start3A_703 = tpu.memref_slice %arg4[%squeeze3A_698, %dma_start3A_702] : memref<1000000x32xf32, #tpu.memory_space<hbm>> -> memref<1x32xf32, #tpu.memory_space<hbm>>
      %dma_start3A_704 = arith.constant 27 : i32
      %dma_start3A_705 = arith.constant 0 : i32
      %dma_start3A_706 = tpu.memref_slice %arg9[%dma_start3A_704, %dma_start3A_705] : memref<32x32xf32, #tpu.memory_space<vmem>> -> memref<1x32xf32, #tpu.memory_space<vmem>>
      %dma_start3A_707 = arith.constant 0 : i32
      %dma_start3A_708 = tpu.memref_slice %arg4[%squeeze3A_698, %dma_start3A_707] : memref<1000000x32xf32, #tpu.memory_space<hbm>> -> memref<1x32xf32, #tpu.memory_space<hbm>>
      tpu.enqueue_dma source(%dma_start3A_708 : memref<1x32xf32, #tpu.memory_space<hbm>>) target(%dma_start3A_706 : memref<1x32xf32, #tpu.memory_space<vmem>>) target_semaphore(%arg14 : memref<!tpu.dma_semaphore, #tpu.memory_space<semaphore_mem>>)
      %slice3A_709 = vector.extract_strided_slice %get3A_432 {offsets = [11], sizes = [1], strides = [1]} : vector<16xi32> to vector<1xi32>
      %squeeze3A_710 = vector.extract %slice3A_709[0] : i32 from vector<1xi32>
      %dma_start3A_711 = arith.constant 27 : i32
      %dma_start3A_712 = arith.constant 0 : i32
      %dma_start3A_713 = tpu.memref_slice %arg10[%dma_start3A_711, %dma_start3A_712] : memref<32x32xf32, #tpu.memory_space<vmem>> -> memref<1x32xf32, #tpu.memory_space<vmem>>
      %dma_start3A_714 = arith.constant 0 : i32
      %dma_start3A_715 = tpu.memref_slice %arg5[%squeeze3A_710, %dma_start3A_714] : memref<100000x32xf32, #tpu.memory_space<hbm>> -> memref<1x32xf32, #tpu.memory_space<hbm>>
      %dma_start3A_716 = arith.constant 27 : i32
      %dma_start3A_717 = arith.constant 0 : i32
      %dma_start3A_718 = tpu.memref_slice %arg10[%dma_start3A_716, %dma_start3A_717] : memref<32x32xf32, #tpu.memory_space<vmem>> -> memref<1x32xf32, #tpu.memory_space<vmem>>
      %dma_start3A_719 = arith.constant 0 : i32
      %dma_start3A_720 = tpu.memref_slice %arg5[%squeeze3A_710, %dma_start3A_719] : memref<100000x32xf32, #tpu.memory_space<hbm>> -> memref<1x32xf32, #tpu.memory_space<hbm>>
      tpu.enqueue_dma source(%dma_start3A_720 : memref<1x32xf32, #tpu.memory_space<hbm>>) target(%dma_start3A_718 : memref<1x32xf32, #tpu.memory_space<vmem>>) target_semaphore(%arg15 : memref<!tpu.dma_semaphore, #tpu.memory_space<semaphore_mem>>)
      %slice3A_721 = vector.extract_strided_slice %get3A_428 {offsets = [12], sizes = [1], strides = [1]} : vector<16xi32> to vector<1xi32>
      %squeeze3A_722 = vector.extract %slice3A_721[0] : i32 from vector<1xi32>
      %dma_start3A_723 = arith.constant 28 : i32
      %dma_start3A_724 = arith.constant 0 : i32
      %dma_start3A_725 = tpu.memref_slice %arg9[%dma_start3A_723, %dma_start3A_724] : memref<32x32xf32, #tpu.memory_space<vmem>> -> memref<1x32xf32, #tpu.memory_space<vmem>>
      %dma_start3A_726 = arith.constant 0 : i32
      %dma_start3A_727 = tpu.memref_slice %arg4[%squeeze3A_722, %dma_start3A_726] : memref<1000000x32xf32, #tpu.memory_space<hbm>> -> memref<1x32xf32, #tpu.memory_space<hbm>>
      %dma_start3A_728 = arith.constant 28 : i32
      %dma_start3A_729 = arith.constant 0 : i32
      %dma_start3A_730 = tpu.memref_slice %arg9[%dma_start3A_728, %dma_start3A_729] : memref<32x32xf32, #tpu.memory_space<vmem>> -> memref<1x32xf32, #tpu.memory_space<vmem>>
      %dma_start3A_731 = arith.constant 0 : i32
      %dma_start3A_732 = tpu.memref_slice %arg4[%squeeze3A_722, %dma_start3A_731] : memref<1000000x32xf32, #tpu.memory_space<hbm>> -> memref<1x32xf32, #tpu.memory_space<hbm>>
      tpu.enqueue_dma source(%dma_start3A_732 : memref<1x32xf32, #tpu.memory_space<hbm>>) target(%dma_start3A_730 : memref<1x32xf32, #tpu.memory_space<vmem>>) target_semaphore(%arg14 : memref<!tpu.dma_semaphore, #tpu.memory_space<semaphore_mem>>)
      %slice3A_733 = vector.extract_strided_slice %get3A_432 {offsets = [12], sizes = [1], strides = [1]} : vector<16xi32> to vector<1xi32>
      %squeeze3A_734 = vector.extract %slice3A_733[0] : i32 from vector<1xi32>
      %dma_start3A_735 = arith.constant 28 : i32
      %dma_start3A_736 = arith.constant 0 : i32
      %dma_start3A_737 = tpu.memref_slice %arg10[%dma_start3A_735, %dma_start3A_736] : memref<32x32xf32, #tpu.memory_space<vmem>> -> memref<1x32xf32, #tpu.memory_space<vmem>>
      %dma_start3A_738 = arith.constant 0 : i32
      %dma_start3A_739 = tpu.memref_slice %arg5[%squeeze3A_734, %dma_start3A_738] : memref<100000x32xf32, #tpu.memory_space<hbm>> -> memref<1x32xf32, #tpu.memory_space<hbm>>
      %dma_start3A_740 = arith.constant 28 : i32
      %dma_start3A_741 = arith.constant 0 : i32
      %dma_start3A_742 = tpu.memref_slice %arg10[%dma_start3A_740, %dma_start3A_741] : memref<32x32xf32, #tpu.memory_space<vmem>> -> memref<1x32xf32, #tpu.memory_space<vmem>>
      %dma_start3A_743 = arith.constant 0 : i32
      %dma_start3A_744 = tpu.memref_slice %arg5[%squeeze3A_734, %dma_start3A_743] : memref<100000x32xf32, #tpu.memory_space<hbm>> -> memref<1x32xf32, #tpu.memory_space<hbm>>
      tpu.enqueue_dma source(%dma_start3A_744 : memref<1x32xf32, #tpu.memory_space<hbm>>) target(%dma_start3A_742 : memref<1x32xf32, #tpu.memory_space<vmem>>) target_semaphore(%arg15 : memref<!tpu.dma_semaphore, #tpu.memory_space<semaphore_mem>>)
      %slice3A_745 = vector.extract_strided_slice %get3A_428 {offsets = [13], sizes = [1], strides = [1]} : vector<16xi32> to vector<1xi32>
      %squeeze3A_746 = vector.extract %slice3A_745[0] : i32 from vector<1xi32>
      %dma_start3A_747 = arith.constant 29 : i32
      %dma_start3A_748 = arith.constant 0 : i32
      %dma_start3A_749 = tpu.memref_slice %arg9[%dma_start3A_747, %dma_start3A_748] : memref<32x32xf32, #tpu.memory_space<vmem>> -> memref<1x32xf32, #tpu.memory_space<vmem>>
      %dma_start3A_750 = arith.constant 0 : i32
      %dma_start3A_751 = tpu.memref_slice %arg4[%squeeze3A_746, %dma_start3A_750] : memref<1000000x32xf32, #tpu.memory_space<hbm>> -> memref<1x32xf32, #tpu.memory_space<hbm>>
      %dma_start3A_752 = arith.constant 29 : i32
      %dma_start3A_753 = arith.constant 0 : i32
      %dma_start3A_754 = tpu.memref_slice %arg9[%dma_start3A_752, %dma_start3A_753] : memref<32x32xf32, #tpu.memory_space<vmem>> -> memref<1x32xf32, #tpu.memory_space<vmem>>
      %dma_start3A_755 = arith.constant 0 : i32
      %dma_start3A_756 = tpu.memref_slice %arg4[%squeeze3A_746, %dma_start3A_755] : memref<1000000x32xf32, #tpu.memory_space<hbm>> -> memref<1x32xf32, #tpu.memory_space<hbm>>
      tpu.enqueue_dma source(%dma_start3A_756 : memref<1x32xf32, #tpu.memory_space<hbm>>) target(%dma_start3A_754 : memref<1x32xf32, #tpu.memory_space<vmem>>) target_semaphore(%arg14 : memref<!tpu.dma_semaphore, #tpu.memory_space<semaphore_mem>>)
      %slice3A_757 = vector.extract_strided_slice %get3A_432 {offsets = [13], sizes = [1], strides = [1]} : vector<16xi32> to vector<1xi32>
      %squeeze3A_758 = vector.extract %slice3A_757[0] : i32 from vector<1xi32>
      %dma_start3A_759 = arith.constant 29 : i32
      %dma_start3A_760 = arith.constant 0 : i32
      %dma_start3A_761 = tpu.memref_slice %arg10[%dma_start3A_759, %dma_start3A_760] : memref<32x32xf32, #tpu.memory_space<vmem>> -> memref<1x32xf32, #tpu.memory_space<vmem>>
      %dma_start3A_762 = arith.constant 0 : i32
      %dma_start3A_763 = tpu.memref_slice %arg5[%squeeze3A_758, %dma_start3A_762] : memref<100000x32xf32, #tpu.memory_space<hbm>> -> memref<1x32xf32, #tpu.memory_space<hbm>>
      %dma_start3A_764 = arith.constant 29 : i32
      %dma_start3A_765 = arith.constant 0 : i32
      %dma_start3A_766 = tpu.memref_slice %arg10[%dma_start3A_764, %dma_start3A_765] : memref<32x32xf32, #tpu.memory_space<vmem>> -> memref<1x32xf32, #tpu.memory_space<vmem>>
      %dma_start3A_767 = arith.constant 0 : i32
      %dma_start3A_768 = tpu.memref_slice %arg5[%squeeze3A_758, %dma_start3A_767] : memref<100000x32xf32, #tpu.memory_space<hbm>> -> memref<1x32xf32, #tpu.memory_space<hbm>>
      tpu.enqueue_dma source(%dma_start3A_768 : memref<1x32xf32, #tpu.memory_space<hbm>>) target(%dma_start3A_766 : memref<1x32xf32, #tpu.memory_space<vmem>>) target_semaphore(%arg15 : memref<!tpu.dma_semaphore, #tpu.memory_space<semaphore_mem>>)
      %slice3A_769 = vector.extract_strided_slice %get3A_428 {offsets = [14], sizes = [1], strides = [1]} : vector<16xi32> to vector<1xi32>
      %squeeze3A_770 = vector.extract %slice3A_769[0] : i32 from vector<1xi32>
      %dma_start3A_771 = arith.constant 30 : i32
      %dma_start3A_772 = arith.constant 0 : i32
      %dma_start3A_773 = tpu.memref_slice %arg9[%dma_start3A_771, %dma_start3A_772] : memref<32x32xf32, #tpu.memory_space<vmem>> -> memref<1x32xf32, #tpu.memory_space<vmem>>
      %dma_start3A_774 = arith.constant 0 : i32
      %dma_start3A_775 = tpu.memref_slice %arg4[%squeeze3A_770, %dma_start3A_774] : memref<1000000x32xf32, #tpu.memory_space<hbm>> -> memref<1x32xf32, #tpu.memory_space<hbm>>
      %dma_start3A_776 = arith.constant 30 : i32
      %dma_start3A_777 = arith.constant 0 : i32
      %dma_start3A_778 = tpu.memref_slice %arg9[%dma_start3A_776, %dma_start3A_777] : memref<32x32xf32, #tpu.memory_space<vmem>> -> memref<1x32xf32, #tpu.memory_space<vmem>>
      %dma_start3A_779 = arith.constant 0 : i32
      %dma_start3A_780 = tpu.memref_slice %arg4[%squeeze3A_770, %dma_start3A_779] : memref<1000000x32xf32, #tpu.memory_space<hbm>> -> memref<1x32xf32, #tpu.memory_space<hbm>>
      tpu.enqueue_dma source(%dma_start3A_780 : memref<1x32xf32, #tpu.memory_space<hbm>>) target(%dma_start3A_778 : memref<1x32xf32, #tpu.memory_space<vmem>>) target_semaphore(%arg14 : memref<!tpu.dma_semaphore, #tpu.memory_space<semaphore_mem>>)
      %slice3A_781 = vector.extract_strided_slice %get3A_432 {offsets = [14], sizes = [1], strides = [1]} : vector<16xi32> to vector<1xi32>
      %squeeze3A_782 = vector.extract %slice3A_781[0] : i32 from vector<1xi32>
      %dma_start3A_783 = arith.constant 30 : i32
      %dma_start3A_784 = arith.constant 0 : i32
      %dma_start3A_785 = tpu.memref_slice %arg10[%dma_start3A_783, %dma_start3A_784] : memref<32x32xf32, #tpu.memory_space<vmem>> -> memref<1x32xf32, #tpu.memory_space<vmem>>
      %dma_start3A_786 = arith.constant 0 : i32
      %dma_start3A_787 = tpu.memref_slice %arg5[%squeeze3A_782, %dma_start3A_786] : memref<100000x32xf32, #tpu.memory_space<hbm>> -> memref<1x32xf32, #tpu.memory_space<hbm>>
      %dma_start3A_788 = arith.constant 30 : i32
      %dma_start3A_789 = arith.constant 0 : i32
      %dma_start3A_790 = tpu.memref_slice %arg10[%dma_start3A_788, %dma_start3A_789] : memref<32x32xf32, #tpu.memory_space<vmem>> -> memref<1x32xf32, #tpu.memory_space<vmem>>
      %dma_start3A_791 = arith.constant 0 : i32
      %dma_start3A_792 = tpu.memref_slice %arg5[%squeeze3A_782, %dma_start3A_791] : memref<100000x32xf32, #tpu.memory_space<hbm>> -> memref<1x32xf32, #tpu.memory_space<hbm>>
      tpu.enqueue_dma source(%dma_start3A_792 : memref<1x32xf32, #tpu.memory_space<hbm>>) target(%dma_start3A_790 : memref<1x32xf32, #tpu.memory_space<vmem>>) target_semaphore(%arg15 : memref<!tpu.dma_semaphore, #tpu.memory_space<semaphore_mem>>)
      %slice3A_793 = vector.extract_strided_slice %get3A_428 {offsets = [15], sizes = [1], strides = [1]} : vector<16xi32> to vector<1xi32>
      %squeeze3A_794 = vector.extract %slice3A_793[0] : i32 from vector<1xi32>
      %dma_start3A_795 = arith.constant 31 : i32
      %dma_start3A_796 = arith.constant 0 : i32
      %dma_start3A_797 = tpu.memref_slice %arg9[%dma_start3A_795, %dma_start3A_796] : memref<32x32xf32, #tpu.memory_space<vmem>> -> memref<1x32xf32, #tpu.memory_space<vmem>>
      %dma_start3A_798 = arith.constant 0 : i32
      %dma_start3A_799 = tpu.memref_slice %arg4[%squeeze3A_794, %dma_start3A_798] : memref<1000000x32xf32, #tpu.memory_space<hbm>> -> memref<1x32xf32, #tpu.memory_space<hbm>>
      %dma_start3A_800 = arith.constant 31 : i32
      %dma_start3A_801 = arith.constant 0 : i32
      %dma_start3A_802 = tpu.memref_slice %arg9[%dma_start3A_800, %dma_start3A_801] : memref<32x32xf32, #tpu.memory_space<vmem>> -> memref<1x32xf32, #tpu.memory_space<vmem>>
      %dma_start3A_803 = arith.constant 0 : i32
      %dma_start3A_804 = tpu.memref_slice %arg4[%squeeze3A_794, %dma_start3A_803] : memref<1000000x32xf32, #tpu.memory_space<hbm>> -> memref<1x32xf32, #tpu.memory_space<hbm>>
      tpu.enqueue_dma source(%dma_start3A_804 : memref<1x32xf32, #tpu.memory_space<hbm>>) target(%dma_start3A_802 : memref<1x32xf32, #tpu.memory_space<vmem>>) target_semaphore(%arg14 : memref<!tpu.dma_semaphore, #tpu.memory_space<semaphore_mem>>)
      %slice3A_805 = vector.extract_strided_slice %get3A_432 {offsets = [15], sizes = [1], strides = [1]} : vector<16xi32> to vector<1xi32>
      %squeeze3A_806 = vector.extract %slice3A_805[0] : i32 from vector<1xi32>
      %dma_start3A_807 = arith.constant 31 : i32
      %dma_start3A_808 = arith.constant 0 : i32
      %dma_start3A_809 = tpu.memref_slice %arg10[%dma_start3A_807, %dma_start3A_808] : memref<32x32xf32, #tpu.memory_space<vmem>> -> memref<1x32xf32, #tpu.memory_space<vmem>>
      %dma_start3A_810 = arith.constant 0 : i32
      %dma_start3A_811 = tpu.memref_slice %arg5[%squeeze3A_806, %dma_start3A_810] : memref<100000x32xf32, #tpu.memory_space<hbm>> -> memref<1x32xf32, #tpu.memory_space<hbm>>
      %dma_start3A_812 = arith.constant 31 : i32
      %dma_start3A_813 = arith.constant 0 : i32
      %dma_start3A_814 = tpu.memref_slice %arg10[%dma_start3A_812, %dma_start3A_813] : memref<32x32xf32, #tpu.memory_space<vmem>> -> memref<1x32xf32, #tpu.memory_space<vmem>>
      %dma_start3A_815 = arith.constant 0 : i32
      %dma_start3A_816 = tpu.memref_slice %arg5[%squeeze3A_806, %dma_start3A_815] : memref<100000x32xf32, #tpu.memory_space<hbm>> -> memref<1x32xf32, #tpu.memory_space<hbm>>
      tpu.enqueue_dma source(%dma_start3A_816 : memref<1x32xf32, #tpu.memory_space<hbm>>) target(%dma_start3A_814 : memref<1x32xf32, #tpu.memory_space<vmem>>) target_semaphore(%arg15 : memref<!tpu.dma_semaphore, #tpu.memory_space<semaphore_mem>>)
      %dma_wait3A = arith.constant 0 : i32
      %dma_wait3A_817 = arith.constant 0 : i32
      %dma_wait3A_818 = tpu.memref_slice %arg9[%dma_wait3A, %dma_wait3A_817] : memref<32x32xf32, #tpu.memory_space<vmem>> -> memref<1x32xf32, #tpu.memory_space<vmem>>
      %dma_wait3A_819 = arith.constant 0 : i32
      %dma_wait3A_820 = arith.constant 0 : i32
      %dma_wait3A_821 = tpu.memref_slice %arg4[%dma_wait3A_819, %dma_wait3A_820] : memref<1000000x32xf32, #tpu.memory_space<hbm>> -> memref<1x32xf32, #tpu.memory_space<hbm>>
      %dma_wait3A_822 = arith.constant 0 : i32
      %dma_wait3A_823 = arith.constant 0 : i32
      %dma_wait3A_824 = tpu.memref_slice %arg9[%dma_wait3A_822, %dma_wait3A_823] : memref<32x32xf32, #tpu.memory_space<vmem>> -> memref<1x32xf32, #tpu.memory_space<vmem>>
      %dma_wait3A_825 = arith.constant 0 : i32
      %dma_wait3A_826 = arith.constant 0 : i32
      %dma_wait3A_827 = tpu.memref_slice %arg4[%dma_wait3A_825, %dma_wait3A_826] : memref<1000000x32xf32, #tpu.memory_space<hbm>> -> memref<1x32xf32, #tpu.memory_space<hbm>>
      tpu.wait_dma2 semaphore(%arg12 : memref<!tpu.dma_semaphore, #tpu.memory_space<semaphore_mem>>) src(%dma_wait3A_827 : memref<1x32xf32, #tpu.memory_space<hbm>>) dst(%dma_wait3A_824 : memref<1x32xf32, #tpu.memory_space<vmem>>)
      %dma_wait3A_828 = arith.constant 0 : i32
      %dma_wait3A_829 = arith.constant 0 : i32
      %dma_wait3A_830 = tpu.memref_slice %arg10[%dma_wait3A_828, %dma_wait3A_829] : memref<32x32xf32, #tpu.memory_space<vmem>> -> memref<1x32xf32, #tpu.memory_space<vmem>>
      %dma_wait3A_831 = arith.constant 0 : i32
      %dma_wait3A_832 = arith.constant 0 : i32
      %dma_wait3A_833 = tpu.memref_slice %arg5[%dma_wait3A_831, %dma_wait3A_832] : memref<100000x32xf32, #tpu.memory_space<hbm>> -> memref<1x32xf32, #tpu.memory_space<hbm>>
      %dma_wait3A_834 = arith.constant 0 : i32
      %dma_wait3A_835 = arith.constant 0 : i32
      %dma_wait3A_836 = tpu.memref_slice %arg10[%dma_wait3A_834, %dma_wait3A_835] : memref<32x32xf32, #tpu.memory_space<vmem>> -> memref<1x32xf32, #tpu.memory_space<vmem>>
      %dma_wait3A_837 = arith.constant 0 : i32
      %dma_wait3A_838 = arith.constant 0 : i32
      %dma_wait3A_839 = tpu.memref_slice %arg5[%dma_wait3A_837, %dma_wait3A_838] : memref<100000x32xf32, #tpu.memory_space<hbm>> -> memref<1x32xf32, #tpu.memory_space<hbm>>
      tpu.wait_dma2 semaphore(%arg13 : memref<!tpu.dma_semaphore, #tpu.memory_space<semaphore_mem>>) src(%dma_wait3A_839 : memref<1x32xf32, #tpu.memory_space<hbm>>) dst(%dma_wait3A_836 : memref<1x32xf32, #tpu.memory_space<vmem>>)
      %dma_wait3A_840 = arith.constant 1 : i32
      %dma_wait3A_841 = arith.constant 0 : i32
      %dma_wait3A_842 = tpu.memref_slice %arg9[%dma_wait3A_840, %dma_wait3A_841] : memref<32x32xf32, #tpu.memory_space<vmem>> -> memref<1x32xf32, #tpu.memory_space<vmem>>
      %dma_wait3A_843 = arith.constant 0 : i32
      %dma_wait3A_844 = arith.constant 0 : i32
      %dma_wait3A_845 = tpu.memref_slice %arg4[%dma_wait3A_843, %dma_wait3A_844] : memref<1000000x32xf32, #tpu.memory_space<hbm>> -> memref<1x32xf32, #tpu.memory_space<hbm>>
      %dma_wait3A_846 = arith.constant 1 : i32
      %dma_wait3A_847 = arith.constant 0 : i32
      %dma_wait3A_848 = tpu.memref_slice %arg9[%dma_wait3A_846, %dma_wait3A_847] : memref<32x32xf32, #tpu.memory_space<vmem>> -> memref<1x32xf32, #tpu.memory_space<vmem>>
      %dma_wait3A_849 = arith.constant 0 : i32
      %dma_wait3A_850 = arith.constant 0 : i32
      %dma_wait3A_851 = tpu.memref_slice %arg4[%dma_wait3A_849, %dma_wait3A_850] : memref<1000000x32xf32, #tpu.memory_space<hbm>> -> memref<1x32xf32, #tpu.memory_space<hbm>>
      tpu.wait_dma2 semaphore(%arg12 : memref<!tpu.dma_semaphore, #tpu.memory_space<semaphore_mem>>) src(%dma_wait3A_851 : memref<1x32xf32, #tpu.memory_space<hbm>>) dst(%dma_wait3A_848 : memref<1x32xf32, #tpu.memory_space<vmem>>)
      %dma_wait3A_852 = arith.constant 1 : i32
      %dma_wait3A_853 = arith.constant 0 : i32
      %dma_wait3A_854 = tpu.memref_slice %arg10[%dma_wait3A_852, %dma_wait3A_853] : memref<32x32xf32, #tpu.memory_space<vmem>> -> memref<1x32xf32, #tpu.memory_space<vmem>>
      %dma_wait3A_855 = arith.constant 0 : i32
      %dma_wait3A_856 = arith.constant 0 : i32
      %dma_wait3A_857 = tpu.memref_slice %arg5[%dma_wait3A_855, %dma_wait3A_856] : memref<100000x32xf32, #tpu.memory_space<hbm>> -> memref<1x32xf32, #tpu.memory_space<hbm>>
      %dma_wait3A_858 = arith.constant 1 : i32
      %dma_wait3A_859 = arith.constant 0 : i32
      %dma_wait3A_860 = tpu.memref_slice %arg10[%dma_wait3A_858, %dma_wait3A_859] : memref<32x32xf32, #tpu.memory_space<vmem>> -> memref<1x32xf32, #tpu.memory_space<vmem>>
      %dma_wait3A_861 = arith.constant 0 : i32
      %dma_wait3A_862 = arith.constant 0 : i32
      %dma_wait3A_863 = tpu.memref_slice %arg5[%dma_wait3A_861, %dma_wait3A_862] : memref<100000x32xf32, #tpu.memory_space<hbm>> -> memref<1x32xf32, #tpu.memory_space<hbm>>
      tpu.wait_dma2 semaphore(%arg13 : memref<!tpu.dma_semaphore, #tpu.memory_space<semaphore_mem>>) src(%dma_wait3A_863 : memref<1x32xf32, #tpu.memory_space<hbm>>) dst(%dma_wait3A_860 : memref<1x32xf32, #tpu.memory_space<vmem>>)
      %dma_wait3A_864 = arith.constant 2 : i32
      %dma_wait3A_865 = arith.constant 0 : i32
      %dma_wait3A_866 = tpu.memref_slice %arg9[%dma_wait3A_864, %dma_wait3A_865] : memref<32x32xf32, #tpu.memory_space<vmem>> -> memref<1x32xf32, #tpu.memory_space<vmem>>
      %dma_wait3A_867 = arith.constant 0 : i32
      %dma_wait3A_868 = arith.constant 0 : i32
      %dma_wait3A_869 = tpu.memref_slice %arg4[%dma_wait3A_867, %dma_wait3A_868] : memref<1000000x32xf32, #tpu.memory_space<hbm>> -> memref<1x32xf32, #tpu.memory_space<hbm>>
      %dma_wait3A_870 = arith.constant 2 : i32
      %dma_wait3A_871 = arith.constant 0 : i32
      %dma_wait3A_872 = tpu.memref_slice %arg9[%dma_wait3A_870, %dma_wait3A_871] : memref<32x32xf32, #tpu.memory_space<vmem>> -> memref<1x32xf32, #tpu.memory_space<vmem>>
      %dma_wait3A_873 = arith.constant 0 : i32
      %dma_wait3A_874 = arith.constant 0 : i32
      %dma_wait3A_875 = tpu.memref_slice %arg4[%dma_wait3A_873, %dma_wait3A_874] : memref<1000000x32xf32, #tpu.memory_space<hbm>> -> memref<1x32xf32, #tpu.memory_space<hbm>>
      tpu.wait_dma2 semaphore(%arg12 : memref<!tpu.dma_semaphore, #tpu.memory_space<semaphore_mem>>) src(%dma_wait3A_875 : memref<1x32xf32, #tpu.memory_space<hbm>>) dst(%dma_wait3A_872 : memref<1x32xf32, #tpu.memory_space<vmem>>)
      %dma_wait3A_876 = arith.constant 2 : i32
      %dma_wait3A_877 = arith.constant 0 : i32
      %dma_wait3A_878 = tpu.memref_slice %arg10[%dma_wait3A_876, %dma_wait3A_877] : memref<32x32xf32, #tpu.memory_space<vmem>> -> memref<1x32xf32, #tpu.memory_space<vmem>>
      %dma_wait3A_879 = arith.constant 0 : i32
      %dma_wait3A_880 = arith.constant 0 : i32
      %dma_wait3A_881 = tpu.memref_slice %arg5[%dma_wait3A_879, %dma_wait3A_880] : memref<100000x32xf32, #tpu.memory_space<hbm>> -> memref<1x32xf32, #tpu.memory_space<hbm>>
      %dma_wait3A_882 = arith.constant 2 : i32
      %dma_wait3A_883 = arith.constant 0 : i32
      %dma_wait3A_884 = tpu.memref_slice %arg10[%dma_wait3A_882, %dma_wait3A_883] : memref<32x32xf32, #tpu.memory_space<vmem>> -> memref<1x32xf32, #tpu.memory_space<vmem>>
      %dma_wait3A_885 = arith.constant 0 : i32
      %dma_wait3A_886 = arith.constant 0 : i32
      %dma_wait3A_887 = tpu.memref_slice %arg5[%dma_wait3A_885, %dma_wait3A_886] : memref<100000x32xf32, #tpu.memory_space<hbm>> -> memref<1x32xf32, #tpu.memory_space<hbm>>
      tpu.wait_dma2 semaphore(%arg13 : memref<!tpu.dma_semaphore, #tpu.memory_space<semaphore_mem>>) src(%dma_wait3A_887 : memref<1x32xf32, #tpu.memory_space<hbm>>) dst(%dma_wait3A_884 : memref<1x32xf32, #tpu.memory_space<vmem>>)
      %dma_wait3A_888 = arith.constant 3 : i32
      %dma_wait3A_889 = arith.constant 0 : i32
      %dma_wait3A_890 = tpu.memref_slice %arg9[%dma_wait3A_888, %dma_wait3A_889] : memref<32x32xf32, #tpu.memory_space<vmem>> -> memref<1x32xf32, #tpu.memory_space<vmem>>
      %dma_wait3A_891 = arith.constant 0 : i32
      %dma_wait3A_892 = arith.constant 0 : i32
      %dma_wait3A_893 = tpu.memref_slice %arg4[%dma_wait3A_891, %dma_wait3A_892] : memref<1000000x32xf32, #tpu.memory_space<hbm>> -> memref<1x32xf32, #tpu.memory_space<hbm>>
      %dma_wait3A_894 = arith.constant 3 : i32
      %dma_wait3A_895 = arith.constant 0 : i32
      %dma_wait3A_896 = tpu.memref_slice %arg9[%dma_wait3A_894, %dma_wait3A_895] : memref<32x32xf32, #tpu.memory_space<vmem>> -> memref<1x32xf32, #tpu.memory_space<vmem>>
      %dma_wait3A_897 = arith.constant 0 : i32
      %dma_wait3A_898 = arith.constant 0 : i32
      %dma_wait3A_899 = tpu.memref_slice %arg4[%dma_wait3A_897, %dma_wait3A_898] : memref<1000000x32xf32, #tpu.memory_space<hbm>> -> memref<1x32xf32, #tpu.memory_space<hbm>>
      tpu.wait_dma2 semaphore(%arg12 : memref<!tpu.dma_semaphore, #tpu.memory_space<semaphore_mem>>) src(%dma_wait3A_899 : memref<1x32xf32, #tpu.memory_space<hbm>>) dst(%dma_wait3A_896 : memref<1x32xf32, #tpu.memory_space<vmem>>)
      %dma_wait3A_900 = arith.constant 3 : i32
      %dma_wait3A_901 = arith.constant 0 : i32
      %dma_wait3A_902 = tpu.memref_slice %arg10[%dma_wait3A_900, %dma_wait3A_901] : memref<32x32xf32, #tpu.memory_space<vmem>> -> memref<1x32xf32, #tpu.memory_space<vmem>>
      %dma_wait3A_903 = arith.constant 0 : i32
      %dma_wait3A_904 = arith.constant 0 : i32
      %dma_wait3A_905 = tpu.memref_slice %arg5[%dma_wait3A_903, %dma_wait3A_904] : memref<100000x32xf32, #tpu.memory_space<hbm>> -> memref<1x32xf32, #tpu.memory_space<hbm>>
      %dma_wait3A_906 = arith.constant 3 : i32
      %dma_wait3A_907 = arith.constant 0 : i32
      %dma_wait3A_908 = tpu.memref_slice %arg10[%dma_wait3A_906, %dma_wait3A_907] : memref<32x32xf32, #tpu.memory_space<vmem>> -> memref<1x32xf32, #tpu.memory_space<vmem>>
      %dma_wait3A_909 = arith.constant 0 : i32
      %dma_wait3A_910 = arith.constant 0 : i32
      %dma_wait3A_911 = tpu.memref_slice %arg5[%dma_wait3A_909, %dma_wait3A_910] : memref<100000x32xf32, #tpu.memory_space<hbm>> -> memref<1x32xf32, #tpu.memory_space<hbm>>
      tpu.wait_dma2 semaphore(%arg13 : memref<!tpu.dma_semaphore, #tpu.memory_space<semaphore_mem>>) src(%dma_wait3A_911 : memref<1x32xf32, #tpu.memory_space<hbm>>) dst(%dma_wait3A_908 : memref<1x32xf32, #tpu.memory_space<vmem>>)
      %dma_wait3A_912 = arith.constant 4 : i32
      %dma_wait3A_913 = arith.constant 0 : i32
      %dma_wait3A_914 = tpu.memref_slice %arg9[%dma_wait3A_912, %dma_wait3A_913] : memref<32x32xf32, #tpu.memory_space<vmem>> -> memref<1x32xf32, #tpu.memory_space<vmem>>
      %dma_wait3A_915 = arith.constant 0 : i32
      %dma_wait3A_916 = arith.constant 0 : i32
      %dma_wait3A_917 = tpu.memref_slice %arg4[%dma_wait3A_915, %dma_wait3A_916] : memref<1000000x32xf32, #tpu.memory_space<hbm>> -> memref<1x32xf32, #tpu.memory_space<hbm>>
      %dma_wait3A_918 = arith.constant 4 : i32
      %dma_wait3A_919 = arith.constant 0 : i32
      %dma_wait3A_920 = tpu.memref_slice %arg9[%dma_wait3A_918, %dma_wait3A_919] : memref<32x32xf32, #tpu.memory_space<vmem>> -> memref<1x32xf32, #tpu.memory_space<vmem>>
      %dma_wait3A_921 = arith.constant 0 : i32
      %dma_wait3A_922 = arith.constant 0 : i32
      %dma_wait3A_923 = tpu.memref_slice %arg4[%dma_wait3A_921, %dma_wait3A_922] : memref<1000000x32xf32, #tpu.memory_space<hbm>> -> memref<1x32xf32, #tpu.memory_space<hbm>>
      tpu.wait_dma2 semaphore(%arg12 : memref<!tpu.dma_semaphore, #tpu.memory_space<semaphore_mem>>) src(%dma_wait3A_923 : memref<1x32xf32, #tpu.memory_space<hbm>>) dst(%dma_wait3A_920 : memref<1x32xf32, #tpu.memory_space<vmem>>)
      %dma_wait3A_924 = arith.constant 4 : i32
      %dma_wait3A_925 = arith.constant 0 : i32
      %dma_wait3A_926 = tpu.memref_slice %arg10[%dma_wait3A_924, %dma_wait3A_925] : memref<32x32xf32, #tpu.memory_space<vmem>> -> memref<1x32xf32, #tpu.memory_space<vmem>>
      %dma_wait3A_927 = arith.constant 0 : i32
      %dma_wait3A_928 = arith.constant 0 : i32
      %dma_wait3A_929 = tpu.memref_slice %arg5[%dma_wait3A_927, %dma_wait3A_928] : memref<100000x32xf32, #tpu.memory_space<hbm>> -> memref<1x32xf32, #tpu.memory_space<hbm>>
      %dma_wait3A_930 = arith.constant 4 : i32
      %dma_wait3A_931 = arith.constant 0 : i32
      %dma_wait3A_932 = tpu.memref_slice %arg10[%dma_wait3A_930, %dma_wait3A_931] : memref<32x32xf32, #tpu.memory_space<vmem>> -> memref<1x32xf32, #tpu.memory_space<vmem>>
      %dma_wait3A_933 = arith.constant 0 : i32
      %dma_wait3A_934 = arith.constant 0 : i32
      %dma_wait3A_935 = tpu.memref_slice %arg5[%dma_wait3A_933, %dma_wait3A_934] : memref<100000x32xf32, #tpu.memory_space<hbm>> -> memref<1x32xf32, #tpu.memory_space<hbm>>
      tpu.wait_dma2 semaphore(%arg13 : memref<!tpu.dma_semaphore, #tpu.memory_space<semaphore_mem>>) src(%dma_wait3A_935 : memref<1x32xf32, #tpu.memory_space<hbm>>) dst(%dma_wait3A_932 : memref<1x32xf32, #tpu.memory_space<vmem>>)
      %dma_wait3A_936 = arith.constant 5 : i32
      %dma_wait3A_937 = arith.constant 0 : i32
      %dma_wait3A_938 = tpu.memref_slice %arg9[%dma_wait3A_936, %dma_wait3A_937] : memref<32x32xf32, #tpu.memory_space<vmem>> -> memref<1x32xf32, #tpu.memory_space<vmem>>
      %dma_wait3A_939 = arith.constant 0 : i32
      %dma_wait3A_940 = arith.constant 0 : i32
      %dma_wait3A_941 = tpu.memref_slice %arg4[%dma_wait3A_939, %dma_wait3A_940] : memref<1000000x32xf32, #tpu.memory_space<hbm>> -> memref<1x32xf32, #tpu.memory_space<hbm>>
      %dma_wait3A_942 = arith.constant 5 : i32
      %dma_wait3A_943 = arith.constant 0 : i32
      %dma_wait3A_944 = tpu.memref_slice %arg9[%dma_wait3A_942, %dma_wait3A_943] : memref<32x32xf32, #tpu.memory_space<vmem>> -> memref<1x32xf32, #tpu.memory_space<vmem>>
      %dma_wait3A_945 = arith.constant 0 : i32
      %dma_wait3A_946 = arith.constant 0 : i32
      %dma_wait3A_947 = tpu.memref_slice %arg4[%dma_wait3A_945, %dma_wait3A_946] : memref<1000000x32xf32, #tpu.memory_space<hbm>> -> memref<1x32xf32, #tpu.memory_space<hbm>>
      tpu.wait_dma2 semaphore(%arg12 : memref<!tpu.dma_semaphore, #tpu.memory_space<semaphore_mem>>) src(%dma_wait3A_947 : memref<1x32xf32, #tpu.memory_space<hbm>>) dst(%dma_wait3A_944 : memref<1x32xf32, #tpu.memory_space<vmem>>)
      %dma_wait3A_948 = arith.constant 5 : i32
      %dma_wait3A_949 = arith.constant 0 : i32
      %dma_wait3A_950 = tpu.memref_slice %arg10[%dma_wait3A_948, %dma_wait3A_949] : memref<32x32xf32, #tpu.memory_space<vmem>> -> memref<1x32xf32, #tpu.memory_space<vmem>>
      %dma_wait3A_951 = arith.constant 0 : i32
      %dma_wait3A_952 = arith.constant 0 : i32
      %dma_wait3A_953 = tpu.memref_slice %arg5[%dma_wait3A_951, %dma_wait3A_952] : memref<100000x32xf32, #tpu.memory_space<hbm>> -> memref<1x32xf32, #tpu.memory_space<hbm>>
      %dma_wait3A_954 = arith.constant 5 : i32
      %dma_wait3A_955 = arith.constant 0 : i32
      %dma_wait3A_956 = tpu.memref_slice %arg10[%dma_wait3A_954, %dma_wait3A_955] : memref<32x32xf32, #tpu.memory_space<vmem>> -> memref<1x32xf32, #tpu.memory_space<vmem>>
      %dma_wait3A_957 = arith.constant 0 : i32
      %dma_wait3A_958 = arith.constant 0 : i32
      %dma_wait3A_959 = tpu.memref_slice %arg5[%dma_wait3A_957, %dma_wait3A_958] : memref<100000x32xf32, #tpu.memory_space<hbm>> -> memref<1x32xf32, #tpu.memory_space<hbm>>
      tpu.wait_dma2 semaphore(%arg13 : memref<!tpu.dma_semaphore, #tpu.memory_space<semaphore_mem>>) src(%dma_wait3A_959 : memref<1x32xf32, #tpu.memory_space<hbm>>) dst(%dma_wait3A_956 : memref<1x32xf32, #tpu.memory_space<vmem>>)
      %dma_wait3A_960 = arith.constant 6 : i32
      %dma_wait3A_961 = arith.constant 0 : i32
      %dma_wait3A_962 = tpu.memref_slice %arg9[%dma_wait3A_960, %dma_wait3A_961] : memref<32x32xf32, #tpu.memory_space<vmem>> -> memref<1x32xf32, #tpu.memory_space<vmem>>
      %dma_wait3A_963 = arith.constant 0 : i32
      %dma_wait3A_964 = arith.constant 0 : i32
      %dma_wait3A_965 = tpu.memref_slice %arg4[%dma_wait3A_963, %dma_wait3A_964] : memref<1000000x32xf32, #tpu.memory_space<hbm>> -> memref<1x32xf32, #tpu.memory_space<hbm>>
      %dma_wait3A_966 = arith.constant 6 : i32
      %dma_wait3A_967 = arith.constant 0 : i32
      %dma_wait3A_968 = tpu.memref_slice %arg9[%dma_wait3A_966, %dma_wait3A_967] : memref<32x32xf32, #tpu.memory_space<vmem>> -> memref<1x32xf32, #tpu.memory_space<vmem>>
      %dma_wait3A_969 = arith.constant 0 : i32
      %dma_wait3A_970 = arith.constant 0 : i32
      %dma_wait3A_971 = tpu.memref_slice %arg4[%dma_wait3A_969, %dma_wait3A_970] : memref<1000000x32xf32, #tpu.memory_space<hbm>> -> memref<1x32xf32, #tpu.memory_space<hbm>>
      tpu.wait_dma2 semaphore(%arg12 : memref<!tpu.dma_semaphore, #tpu.memory_space<semaphore_mem>>) src(%dma_wait3A_971 : memref<1x32xf32, #tpu.memory_space<hbm>>) dst(%dma_wait3A_968 : memref<1x32xf32, #tpu.memory_space<vmem>>)
      %dma_wait3A_972 = arith.constant 6 : i32
      %dma_wait3A_973 = arith.constant 0 : i32
      %dma_wait3A_974 = tpu.memref_slice %arg10[%dma_wait3A_972, %dma_wait3A_973] : memref<32x32xf32, #tpu.memory_space<vmem>> -> memref<1x32xf32, #tpu.memory_space<vmem>>
      %dma_wait3A_975 = arith.constant 0 : i32
      %dma_wait3A_976 = arith.constant 0 : i32
      %dma_wait3A_977 = tpu.memref_slice %arg5[%dma_wait3A_975, %dma_wait3A_976] : memref<100000x32xf32, #tpu.memory_space<hbm>> -> memref<1x32xf32, #tpu.memory_space<hbm>>
      %dma_wait3A_978 = arith.constant 6 : i32
      %dma_wait3A_979 = arith.constant 0 : i32
      %dma_wait3A_980 = tpu.memref_slice %arg10[%dma_wait3A_978, %dma_wait3A_979] : memref<32x32xf32, #tpu.memory_space<vmem>> -> memref<1x32xf32, #tpu.memory_space<vmem>>
      %dma_wait3A_981 = arith.constant 0 : i32
      %dma_wait3A_982 = arith.constant 0 : i32
      %dma_wait3A_983 = tpu.memref_slice %arg5[%dma_wait3A_981, %dma_wait3A_982] : memref<100000x32xf32, #tpu.memory_space<hbm>> -> memref<1x32xf32, #tpu.memory_space<hbm>>
      tpu.wait_dma2 semaphore(%arg13 : memref<!tpu.dma_semaphore, #tpu.memory_space<semaphore_mem>>) src(%dma_wait3A_983 : memref<1x32xf32, #tpu.memory_space<hbm>>) dst(%dma_wait3A_980 : memref<1x32xf32, #tpu.memory_space<vmem>>)
      %dma_wait3A_984 = arith.constant 7 : i32
      %dma_wait3A_985 = arith.constant 0 : i32
      %dma_wait3A_986 = tpu.memref_slice %arg9[%dma_wait3A_984, %dma_wait3A_985] : memref<32x32xf32, #tpu.memory_space<vmem>> -> memref<1x32xf32, #tpu.memory_space<vmem>>
      %dma_wait3A_987 = arith.constant 0 : i32
      %dma_wait3A_988 = arith.constant 0 : i32
      %dma_wait3A_989 = tpu.memref_slice %arg4[%dma_wait3A_987, %dma_wait3A_988] : memref<1000000x32xf32, #tpu.memory_space<hbm>> -> memref<1x32xf32, #tpu.memory_space<hbm>>
      %dma_wait3A_990 = arith.constant 7 : i32
      %dma_wait3A_991 = arith.constant 0 : i32
      %dma_wait3A_992 = tpu.memref_slice %arg9[%dma_wait3A_990, %dma_wait3A_991] : memref<32x32xf32, #tpu.memory_space<vmem>> -> memref<1x32xf32, #tpu.memory_space<vmem>>
      %dma_wait3A_993 = arith.constant 0 : i32
      %dma_wait3A_994 = arith.constant 0 : i32
      %dma_wait3A_995 = tpu.memref_slice %arg4[%dma_wait3A_993, %dma_wait3A_994] : memref<1000000x32xf32, #tpu.memory_space<hbm>> -> memref<1x32xf32, #tpu.memory_space<hbm>>
      tpu.wait_dma2 semaphore(%arg12 : memref<!tpu.dma_semaphore, #tpu.memory_space<semaphore_mem>>) src(%dma_wait3A_995 : memref<1x32xf32, #tpu.memory_space<hbm>>) dst(%dma_wait3A_992 : memref<1x32xf32, #tpu.memory_space<vmem>>)
      %dma_wait3A_996 = arith.constant 7 : i32
      %dma_wait3A_997 = arith.constant 0 : i32
      %dma_wait3A_998 = tpu.memref_slice %arg10[%dma_wait3A_996, %dma_wait3A_997] : memref<32x32xf32, #tpu.memory_space<vmem>> -> memref<1x32xf32, #tpu.memory_space<vmem>>
      %dma_wait3A_999 = arith.constant 0 : i32
      %dma_wait3A_1000 = arith.constant 0 : i32
      %dma_wait3A_1001 = tpu.memref_slice %arg5[%dma_wait3A_999, %dma_wait3A_1000] : memref<100000x32xf32, #tpu.memory_space<hbm>> -> memref<1x32xf32, #tpu.memory_space<hbm>>
      %dma_wait3A_1002 = arith.constant 7 : i32
      %dma_wait3A_1003 = arith.constant 0 : i32
      %dma_wait3A_1004 = tpu.memref_slice %arg10[%dma_wait3A_1002, %dma_wait3A_1003] : memref<32x32xf32, #tpu.memory_space<vmem>> -> memref<1x32xf32, #tpu.memory_space<vmem>>
      %dma_wait3A_1005 = arith.constant 0 : i32
      %dma_wait3A_1006 = arith.constant 0 : i32
      %dma_wait3A_1007 = tpu.memref_slice %arg5[%dma_wait3A_1005, %dma_wait3A_1006] : memref<100000x32xf32, #tpu.memory_space<hbm>> -> memref<1x32xf32, #tpu.memory_space<hbm>>
      tpu.wait_dma2 semaphore(%arg13 : memref<!tpu.dma_semaphore, #tpu.memory_space<semaphore_mem>>) src(%dma_wait3A_1007 : memref<1x32xf32, #tpu.memory_space<hbm>>) dst(%dma_wait3A_1004 : memref<1x32xf32, #tpu.memory_space<vmem>>)
      %dma_wait3A_1008 = arith.constant 8 : i32
      %dma_wait3A_1009 = arith.constant 0 : i32
      %dma_wait3A_1010 = tpu.memref_slice %arg9[%dma_wait3A_1008, %dma_wait3A_1009] : memref<32x32xf32, #tpu.memory_space<vmem>> -> memref<1x32xf32, #tpu.memory_space<vmem>>
      %dma_wait3A_1011 = arith.constant 0 : i32
      %dma_wait3A_1012 = arith.constant 0 : i32
      %dma_wait3A_1013 = tpu.memref_slice %arg4[%dma_wait3A_1011, %dma_wait3A_1012] : memref<1000000x32xf32, #tpu.memory_space<hbm>> -> memref<1x32xf32, #tpu.memory_space<hbm>>
      %dma_wait3A_1014 = arith.constant 8 : i32
      %dma_wait3A_1015 = arith.constant 0 : i32
      %dma_wait3A_1016 = tpu.memref_slice %arg9[%dma_wait3A_1014, %dma_wait3A_1015] : memref<32x32xf32, #tpu.memory_space<vmem>> -> memref<1x32xf32, #tpu.memory_space<vmem>>
      %dma_wait3A_1017 = arith.constant 0 : i32
      %dma_wait3A_1018 = arith.constant 0 : i32
      %dma_wait3A_1019 = tpu.memref_slice %arg4[%dma_wait3A_1017, %dma_wait3A_1018] : memref<1000000x32xf32, #tpu.memory_space<hbm>> -> memref<1x32xf32, #tpu.memory_space<hbm>>
      tpu.wait_dma2 semaphore(%arg12 : memref<!tpu.dma_semaphore, #tpu.memory_space<semaphore_mem>>) src(%dma_wait3A_1019 : memref<1x32xf32, #tpu.memory_space<hbm>>) dst(%dma_wait3A_1016 : memref<1x32xf32, #tpu.memory_space<vmem>>)
      %dma_wait3A_1020 = arith.constant 8 : i32
      %dma_wait3A_1021 = arith.constant 0 : i32
      %dma_wait3A_1022 = tpu.memref_slice %arg10[%dma_wait3A_1020, %dma_wait3A_1021] : memref<32x32xf32, #tpu.memory_space<vmem>> -> memref<1x32xf32, #tpu.memory_space<vmem>>
      %dma_wait3A_1023 = arith.constant 0 : i32
      %dma_wait3A_1024 = arith.constant 0 : i32
      %dma_wait3A_1025 = tpu.memref_slice %arg5[%dma_wait3A_1023, %dma_wait3A_1024] : memref<100000x32xf32, #tpu.memory_space<hbm>> -> memref<1x32xf32, #tpu.memory_space<hbm>>
      %dma_wait3A_1026 = arith.constant 8 : i32
      %dma_wait3A_1027 = arith.constant 0 : i32
      %dma_wait3A_1028 = tpu.memref_slice %arg10[%dma_wait3A_1026, %dma_wait3A_1027] : memref<32x32xf32, #tpu.memory_space<vmem>> -> memref<1x32xf32, #tpu.memory_space<vmem>>
      %dma_wait3A_1029 = arith.constant 0 : i32
      %dma_wait3A_1030 = arith.constant 0 : i32
      %dma_wait3A_1031 = tpu.memref_slice %arg5[%dma_wait3A_1029, %dma_wait3A_1030] : memref<100000x32xf32, #tpu.memory_space<hbm>> -> memref<1x32xf32, #tpu.memory_space<hbm>>
      tpu.wait_dma2 semaphore(%arg13 : memref<!tpu.dma_semaphore, #tpu.memory_space<semaphore_mem>>) src(%dma_wait3A_1031 : memref<1x32xf32, #tpu.memory_space<hbm>>) dst(%dma_wait3A_1028 : memref<1x32xf32, #tpu.memory_space<vmem>>)
      %dma_wait3A_1032 = arith.constant 9 : i32
      %dma_wait3A_1033 = arith.constant 0 : i32
      %dma_wait3A_1034 = tpu.memref_slice %arg9[%dma_wait3A_1032, %dma_wait3A_1033] : memref<32x32xf32, #tpu.memory_space<vmem>> -> memref<1x32xf32, #tpu.memory_space<vmem>>
      %dma_wait3A_1035 = arith.constant 0 : i32
      %dma_wait3A_1036 = arith.constant 0 : i32
      %dma_wait3A_1037 = tpu.memref_slice %arg4[%dma_wait3A_1035, %dma_wait3A_1036] : memref<1000000x32xf32, #tpu.memory_space<hbm>> -> memref<1x32xf32, #tpu.memory_space<hbm>>
      %dma_wait3A_1038 = arith.constant 9 : i32
      %dma_wait3A_1039 = arith.constant 0 : i32
      %dma_wait3A_1040 = tpu.memref_slice %arg9[%dma_wait3A_1038, %dma_wait3A_1039] : memref<32x32xf32, #tpu.memory_space<vmem>> -> memref<1x32xf32, #tpu.memory_space<vmem>>
      %dma_wait3A_1041 = arith.constant 0 : i32
      %dma_wait3A_1042 = arith.constant 0 : i32
      %dma_wait3A_1043 = tpu.memref_slice %arg4[%dma_wait3A_1041, %dma_wait3A_1042] : memref<1000000x32xf32, #tpu.memory_space<hbm>> -> memref<1x32xf32, #tpu.memory_space<hbm>>
      tpu.wait_dma2 semaphore(%arg12 : memref<!tpu.dma_semaphore, #tpu.memory_space<semaphore_mem>>) src(%dma_wait3A_1043 : memref<1x32xf32, #tpu.memory_space<hbm>>) dst(%dma_wait3A_1040 : memref<1x32xf32, #tpu.memory_space<vmem>>)
      %dma_wait3A_1044 = arith.constant 9 : i32
      %dma_wait3A_1045 = arith.constant 0 : i32
      %dma_wait3A_1046 = tpu.memref_slice %arg10[%dma_wait3A_1044, %dma_wait3A_1045] : memref<32x32xf32, #tpu.memory_space<vmem>> -> memref<1x32xf32, #tpu.memory_space<vmem>>
      %dma_wait3A_1047 = arith.constant 0 : i32
      %dma_wait3A_1048 = arith.constant 0 : i32
      %dma_wait3A_1049 = tpu.memref_slice %arg5[%dma_wait3A_1047, %dma_wait3A_1048] : memref<100000x32xf32, #tpu.memory_space<hbm>> -> memref<1x32xf32, #tpu.memory_space<hbm>>
      %dma_wait3A_1050 = arith.constant 9 : i32
      %dma_wait3A_1051 = arith.constant 0 : i32
      %dma_wait3A_1052 = tpu.memref_slice %arg10[%dma_wait3A_1050, %dma_wait3A_1051] : memref<32x32xf32, #tpu.memory_space<vmem>> -> memref<1x32xf32, #tpu.memory_space<vmem>>
      %dma_wait3A_1053 = arith.constant 0 : i32
      %dma_wait3A_1054 = arith.constant 0 : i32
      %dma_wait3A_1055 = tpu.memref_slice %arg5[%dma_wait3A_1053, %dma_wait3A_1054] : memref<100000x32xf32, #tpu.memory_space<hbm>> -> memref<1x32xf32, #tpu.memory_space<hbm>>
      tpu.wait_dma2 semaphore(%arg13 : memref<!tpu.dma_semaphore, #tpu.memory_space<semaphore_mem>>) src(%dma_wait3A_1055 : memref<1x32xf32, #tpu.memory_space<hbm>>) dst(%dma_wait3A_1052 : memref<1x32xf32, #tpu.memory_space<vmem>>)
      %dma_wait3A_1056 = arith.constant 10 : i32
      %dma_wait3A_1057 = arith.constant 0 : i32
      %dma_wait3A_1058 = tpu.memref_slice %arg9[%dma_wait3A_1056, %dma_wait3A_1057] : memref<32x32xf32, #tpu.memory_space<vmem>> -> memref<1x32xf32, #tpu.memory_space<vmem>>
      %dma_wait3A_1059 = arith.constant 0 : i32
      %dma_wait3A_1060 = arith.constant 0 : i32
      %dma_wait3A_1061 = tpu.memref_slice %arg4[%dma_wait3A_1059, %dma_wait3A_1060] : memref<1000000x32xf32, #tpu.memory_space<hbm>> -> memref<1x32xf32, #tpu.memory_space<hbm>>
      %dma_wait3A_1062 = arith.constant 10 : i32
      %dma_wait3A_1063 = arith.constant 0 : i32
      %dma_wait3A_1064 = tpu.memref_slice %arg9[%dma_wait3A_1062, %dma_wait3A_1063] : memref<32x32xf32, #tpu.memory_space<vmem>> -> memref<1x32xf32, #tpu.memory_space<vmem>>
      %dma_wait3A_1065 = arith.constant 0 : i32
      %dma_wait3A_1066 = arith.constant 0 : i32
      %dma_wait3A_1067 = tpu.memref_slice %arg4[%dma_wait3A_1065, %dma_wait3A_1066] : memref<1000000x32xf32, #tpu.memory_space<hbm>> -> memref<1x32xf32, #tpu.memory_space<hbm>>
      tpu.wait_dma2 semaphore(%arg12 : memref<!tpu.dma_semaphore, #tpu.memory_space<semaphore_mem>>) src(%dma_wait3A_1067 : memref<1x32xf32, #tpu.memory_space<hbm>>) dst(%dma_wait3A_1064 : memref<1x32xf32, #tpu.memory_space<vmem>>)
      %dma_wait3A_1068 = arith.constant 10 : i32
      %dma_wait3A_1069 = arith.constant 0 : i32
      %dma_wait3A_1070 = tpu.memref_slice %arg10[%dma_wait3A_1068, %dma_wait3A_1069] : memref<32x32xf32, #tpu.memory_space<vmem>> -> memref<1x32xf32, #tpu.memory_space<vmem>>
      %dma_wait3A_1071 = arith.constant 0 : i32
      %dma_wait3A_1072 = arith.constant 0 : i32
      %dma_wait3A_1073 = tpu.memref_slice %arg5[%dma_wait3A_1071, %dma_wait3A_1072] : memref<100000x32xf32, #tpu.memory_space<hbm>> -> memref<1x32xf32, #tpu.memory_space<hbm>>
      %dma_wait3A_1074 = arith.constant 10 : i32
      %dma_wait3A_1075 = arith.constant 0 : i32
      %dma_wait3A_1076 = tpu.memref_slice %arg10[%dma_wait3A_1074, %dma_wait3A_1075] : memref<32x32xf32, #tpu.memory_space<vmem>> -> memref<1x32xf32, #tpu.memory_space<vmem>>
      %dma_wait3A_1077 = arith.constant 0 : i32
      %dma_wait3A_1078 = arith.constant 0 : i32
      %dma_wait3A_1079 = tpu.memref_slice %arg5[%dma_wait3A_1077, %dma_wait3A_1078] : memref<100000x32xf32, #tpu.memory_space<hbm>> -> memref<1x32xf32, #tpu.memory_space<hbm>>
      tpu.wait_dma2 semaphore(%arg13 : memref<!tpu.dma_semaphore, #tpu.memory_space<semaphore_mem>>) src(%dma_wait3A_1079 : memref<1x32xf32, #tpu.memory_space<hbm>>) dst(%dma_wait3A_1076 : memref<1x32xf32, #tpu.memory_space<vmem>>)
      %dma_wait3A_1080 = arith.constant 11 : i32
      %dma_wait3A_1081 = arith.constant 0 : i32
      %dma_wait3A_1082 = tpu.memref_slice %arg9[%dma_wait3A_1080, %dma_wait3A_1081] : memref<32x32xf32, #tpu.memory_space<vmem>> -> memref<1x32xf32, #tpu.memory_space<vmem>>
      %dma_wait3A_1083 = arith.constant 0 : i32
      %dma_wait3A_1084 = arith.constant 0 : i32
      %dma_wait3A_1085 = tpu.memref_slice %arg4[%dma_wait3A_1083, %dma_wait3A_1084] : memref<1000000x32xf32, #tpu.memory_space<hbm>> -> memref<1x32xf32, #tpu.memory_space<hbm>>
      %dma_wait3A_1086 = arith.constant 11 : i32
      %dma_wait3A_1087 = arith.constant 0 : i32
      %dma_wait3A_1088 = tpu.memref_slice %arg9[%dma_wait3A_1086, %dma_wait3A_1087] : memref<32x32xf32, #tpu.memory_space<vmem>> -> memref<1x32xf32, #tpu.memory_space<vmem>>
      %dma_wait3A_1089 = arith.constant 0 : i32
      %dma_wait3A_1090 = arith.constant 0 : i32
      %dma_wait3A_1091 = tpu.memref_slice %arg4[%dma_wait3A_1089, %dma_wait3A_1090] : memref<1000000x32xf32, #tpu.memory_space<hbm>> -> memref<1x32xf32, #tpu.memory_space<hbm>>
      tpu.wait_dma2 semaphore(%arg12 : memref<!tpu.dma_semaphore, #tpu.memory_space<semaphore_mem>>) src(%dma_wait3A_1091 : memref<1x32xf32, #tpu.memory_space<hbm>>) dst(%dma_wait3A_1088 : memref<1x32xf32, #tpu.memory_space<vmem>>)
      %dma_wait3A_1092 = arith.constant 11 : i32
      %dma_wait3A_1093 = arith.constant 0 : i32
      %dma_wait3A_1094 = tpu.memref_slice %arg10[%dma_wait3A_1092, %dma_wait3A_1093] : memref<32x32xf32, #tpu.memory_space<vmem>> -> memref<1x32xf32, #tpu.memory_space<vmem>>
      %dma_wait3A_1095 = arith.constant 0 : i32
      %dma_wait3A_1096 = arith.constant 0 : i32
      %dma_wait3A_1097 = tpu.memref_slice %arg5[%dma_wait3A_1095, %dma_wait3A_1096] : memref<100000x32xf32, #tpu.memory_space<hbm>> -> memref<1x32xf32, #tpu.memory_space<hbm>>
      %dma_wait3A_1098 = arith.constant 11 : i32
      %dma_wait3A_1099 = arith.constant 0 : i32
      %dma_wait3A_1100 = tpu.memref_slice %arg10[%dma_wait3A_1098, %dma_wait3A_1099] : memref<32x32xf32, #tpu.memory_space<vmem>> -> memref<1x32xf32, #tpu.memory_space<vmem>>
      %dma_wait3A_1101 = arith.constant 0 : i32
      %dma_wait3A_1102 = arith.constant 0 : i32
      %dma_wait3A_1103 = tpu.memref_slice %arg5[%dma_wait3A_1101, %dma_wait3A_1102] : memref<100000x32xf32, #tpu.memory_space<hbm>> -> memref<1x32xf32, #tpu.memory_space<hbm>>
      tpu.wait_dma2 semaphore(%arg13 : memref<!tpu.dma_semaphore, #tpu.memory_space<semaphore_mem>>) src(%dma_wait3A_1103 : memref<1x32xf32, #tpu.memory_space<hbm>>) dst(%dma_wait3A_1100 : memref<1x32xf32, #tpu.memory_space<vmem>>)
      %dma_wait3A_1104 = arith.constant 12 : i32
      %dma_wait3A_1105 = arith.constant 0 : i32
      %dma_wait3A_1106 = tpu.memref_slice %arg9[%dma_wait3A_1104, %dma_wait3A_1105] : memref<32x32xf32, #tpu.memory_space<vmem>> -> memref<1x32xf32, #tpu.memory_space<vmem>>
      %dma_wait3A_1107 = arith.constant 0 : i32
      %dma_wait3A_1108 = arith.constant 0 : i32
      %dma_wait3A_1109 = tpu.memref_slice %arg4[%dma_wait3A_1107, %dma_wait3A_1108] : memref<1000000x32xf32, #tpu.memory_space<hbm>> -> memref<1x32xf32, #tpu.memory_space<hbm>>
      %dma_wait3A_1110 = arith.constant 12 : i32
      %dma_wait3A_1111 = arith.constant 0 : i32
      %dma_wait3A_1112 = tpu.memref_slice %arg9[%dma_wait3A_1110, %dma_wait3A_1111] : memref<32x32xf32, #tpu.memory_space<vmem>> -> memref<1x32xf32, #tpu.memory_space<vmem>>
      %dma_wait3A_1113 = arith.constant 0 : i32
      %dma_wait3A_1114 = arith.constant 0 : i32
      %dma_wait3A_1115 = tpu.memref_slice %arg4[%dma_wait3A_1113, %dma_wait3A_1114] : memref<1000000x32xf32, #tpu.memory_space<hbm>> -> memref<1x32xf32, #tpu.memory_space<hbm>>
      tpu.wait_dma2 semaphore(%arg12 : memref<!tpu.dma_semaphore, #tpu.memory_space<semaphore_mem>>) src(%dma_wait3A_1115 : memref<1x32xf32, #tpu.memory_space<hbm>>) dst(%dma_wait3A_1112 : memref<1x32xf32, #tpu.memory_space<vmem>>)
      %dma_wait3A_1116 = arith.constant 12 : i32
      %dma_wait3A_1117 = arith.constant 0 : i32
      %dma_wait3A_1118 = tpu.memref_slice %arg10[%dma_wait3A_1116, %dma_wait3A_1117] : memref<32x32xf32, #tpu.memory_space<vmem>> -> memref<1x32xf32, #tpu.memory_space<vmem>>
      %dma_wait3A_1119 = arith.constant 0 : i32
      %dma_wait3A_1120 = arith.constant 0 : i32
      %dma_wait3A_1121 = tpu.memref_slice %arg5[%dma_wait3A_1119, %dma_wait3A_1120] : memref<100000x32xf32, #tpu.memory_space<hbm>> -> memref<1x32xf32, #tpu.memory_space<hbm>>
      %dma_wait3A_1122 = arith.constant 12 : i32
      %dma_wait3A_1123 = arith.constant 0 : i32
      %dma_wait3A_1124 = tpu.memref_slice %arg10[%dma_wait3A_1122, %dma_wait3A_1123] : memref<32x32xf32, #tpu.memory_space<vmem>> -> memref<1x32xf32, #tpu.memory_space<vmem>>
      %dma_wait3A_1125 = arith.constant 0 : i32
      %dma_wait3A_1126 = arith.constant 0 : i32
      %dma_wait3A_1127 = tpu.memref_slice %arg5[%dma_wait3A_1125, %dma_wait3A_1126] : memref<100000x32xf32, #tpu.memory_space<hbm>> -> memref<1x32xf32, #tpu.memory_space<hbm>>
      tpu.wait_dma2 semaphore(%arg13 : memref<!tpu.dma_semaphore, #tpu.memory_space<semaphore_mem>>) src(%dma_wait3A_1127 : memref<1x32xf32, #tpu.memory_space<hbm>>) dst(%dma_wait3A_1124 : memref<1x32xf32, #tpu.memory_space<vmem>>)
      %dma_wait3A_1128 = arith.constant 13 : i32
      %dma_wait3A_1129 = arith.constant 0 : i32
      %dma_wait3A_1130 = tpu.memref_slice %arg9[%dma_wait3A_1128, %dma_wait3A_1129] : memref<32x32xf32, #tpu.memory_space<vmem>> -> memref<1x32xf32, #tpu.memory_space<vmem>>
      %dma_wait3A_1131 = arith.constant 0 : i32
      %dma_wait3A_1132 = arith.constant 0 : i32
      %dma_wait3A_1133 = tpu.memref_slice %arg4[%dma_wait3A_1131, %dma_wait3A_1132] : memref<1000000x32xf32, #tpu.memory_space<hbm>> -> memref<1x32xf32, #tpu.memory_space<hbm>>
      %dma_wait3A_1134 = arith.constant 13 : i32
      %dma_wait3A_1135 = arith.constant 0 : i32
      %dma_wait3A_1136 = tpu.memref_slice %arg9[%dma_wait3A_1134, %dma_wait3A_1135] : memref<32x32xf32, #tpu.memory_space<vmem>> -> memref<1x32xf32, #tpu.memory_space<vmem>>
      %dma_wait3A_1137 = arith.constant 0 : i32
      %dma_wait3A_1138 = arith.constant 0 : i32
      %dma_wait3A_1139 = tpu.memref_slice %arg4[%dma_wait3A_1137, %dma_wait3A_1138] : memref<1000000x32xf32, #tpu.memory_space<hbm>> -> memref<1x32xf32, #tpu.memory_space<hbm>>
      tpu.wait_dma2 semaphore(%arg12 : memref<!tpu.dma_semaphore, #tpu.memory_space<semaphore_mem>>) src(%dma_wait3A_1139 : memref<1x32xf32, #tpu.memory_space<hbm>>) dst(%dma_wait3A_1136 : memref<1x32xf32, #tpu.memory_space<vmem>>)
      %dma_wait3A_1140 = arith.constant 13 : i32
      %dma_wait3A_1141 = arith.constant 0 : i32
      %dma_wait3A_1142 = tpu.memref_slice %arg10[%dma_wait3A_1140, %dma_wait3A_1141] : memref<32x32xf32, #tpu.memory_space<vmem>> -> memref<1x32xf32, #tpu.memory_space<vmem>>
      %dma_wait3A_1143 = arith.constant 0 : i32
      %dma_wait3A_1144 = arith.constant 0 : i32
      %dma_wait3A_1145 = tpu.memref_slice %arg5[%dma_wait3A_1143, %dma_wait3A_1144] : memref<100000x32xf32, #tpu.memory_space<hbm>> -> memref<1x32xf32, #tpu.memory_space<hbm>>
      %dma_wait3A_1146 = arith.constant 13 : i32
      %dma_wait3A_1147 = arith.constant 0 : i32
      %dma_wait3A_1148 = tpu.memref_slice %arg10[%dma_wait3A_1146, %dma_wait3A_1147] : memref<32x32xf32, #tpu.memory_space<vmem>> -> memref<1x32xf32, #tpu.memory_space<vmem>>
      %dma_wait3A_1149 = arith.constant 0 : i32
      %dma_wait3A_1150 = arith.constant 0 : i32
      %dma_wait3A_1151 = tpu.memref_slice %arg5[%dma_wait3A_1149, %dma_wait3A_1150] : memref<100000x32xf32, #tpu.memory_space<hbm>> -> memref<1x32xf32, #tpu.memory_space<hbm>>
      tpu.wait_dma2 semaphore(%arg13 : memref<!tpu.dma_semaphore, #tpu.memory_space<semaphore_mem>>) src(%dma_wait3A_1151 : memref<1x32xf32, #tpu.memory_space<hbm>>) dst(%dma_wait3A_1148 : memref<1x32xf32, #tpu.memory_space<vmem>>)
      %dma_wait3A_1152 = arith.constant 14 : i32
      %dma_wait3A_1153 = arith.constant 0 : i32
      %dma_wait3A_1154 = tpu.memref_slice %arg9[%dma_wait3A_1152, %dma_wait3A_1153] : memref<32x32xf32, #tpu.memory_space<vmem>> -> memref<1x32xf32, #tpu.memory_space<vmem>>
      %dma_wait3A_1155 = arith.constant 0 : i32
      %dma_wait3A_1156 = arith.constant 0 : i32
      %dma_wait3A_1157 = tpu.memref_slice %arg4[%dma_wait3A_1155, %dma_wait3A_1156] : memref<1000000x32xf32, #tpu.memory_space<hbm>> -> memref<1x32xf32, #tpu.memory_space<hbm>>
      %dma_wait3A_1158 = arith.constant 14 : i32
      %dma_wait3A_1159 = arith.constant 0 : i32
      %dma_wait3A_1160 = tpu.memref_slice %arg9[%dma_wait3A_1158, %dma_wait3A_1159] : memref<32x32xf32, #tpu.memory_space<vmem>> -> memref<1x32xf32, #tpu.memory_space<vmem>>
      %dma_wait3A_1161 = arith.constant 0 : i32
      %dma_wait3A_1162 = arith.constant 0 : i32
      %dma_wait3A_1163 = tpu.memref_slice %arg4[%dma_wait3A_1161, %dma_wait3A_1162] : memref<1000000x32xf32, #tpu.memory_space<hbm>> -> memref<1x32xf32, #tpu.memory_space<hbm>>
      tpu.wait_dma2 semaphore(%arg12 : memref<!tpu.dma_semaphore, #tpu.memory_space<semaphore_mem>>) src(%dma_wait3A_1163 : memref<1x32xf32, #tpu.memory_space<hbm>>) dst(%dma_wait3A_1160 : memref<1x32xf32, #tpu.memory_space<vmem>>)
      %dma_wait3A_1164 = arith.constant 14 : i32
      %dma_wait3A_1165 = arith.constant 0 : i32
      %dma_wait3A_1166 = tpu.memref_slice %arg10[%dma_wait3A_1164, %dma_wait3A_1165] : memref<32x32xf32, #tpu.memory_space<vmem>> -> memref<1x32xf32, #tpu.memory_space<vmem>>
      %dma_wait3A_1167 = arith.constant 0 : i32
      %dma_wait3A_1168 = arith.constant 0 : i32
      %dma_wait3A_1169 = tpu.memref_slice %arg5[%dma_wait3A_1167, %dma_wait3A_1168] : memref<100000x32xf32, #tpu.memory_space<hbm>> -> memref<1x32xf32, #tpu.memory_space<hbm>>
      %dma_wait3A_1170 = arith.constant 14 : i32
      %dma_wait3A_1171 = arith.constant 0 : i32
      %dma_wait3A_1172 = tpu.memref_slice %arg10[%dma_wait3A_1170, %dma_wait3A_1171] : memref<32x32xf32, #tpu.memory_space<vmem>> -> memref<1x32xf32, #tpu.memory_space<vmem>>
      %dma_wait3A_1173 = arith.constant 0 : i32
      %dma_wait3A_1174 = arith.constant 0 : i32
      %dma_wait3A_1175 = tpu.memref_slice %arg5[%dma_wait3A_1173, %dma_wait3A_1174] : memref<100000x32xf32, #tpu.memory_space<hbm>> -> memref<1x32xf32, #tpu.memory_space<hbm>>
      tpu.wait_dma2 semaphore(%arg13 : memref<!tpu.dma_semaphore, #tpu.memory_space<semaphore_mem>>) src(%dma_wait3A_1175 : memref<1x32xf32, #tpu.memory_space<hbm>>) dst(%dma_wait3A_1172 : memref<1x32xf32, #tpu.memory_space<vmem>>)
      %dma_wait3A_1176 = arith.constant 15 : i32
      %dma_wait3A_1177 = arith.constant 0 : i32
      %dma_wait3A_1178 = tpu.memref_slice %arg9[%dma_wait3A_1176, %dma_wait3A_1177] : memref<32x32xf32, #tpu.memory_space<vmem>> -> memref<1x32xf32, #tpu.memory_space<vmem>>
      %dma_wait3A_1179 = arith.constant 0 : i32
      %dma_wait3A_1180 = arith.constant 0 : i32
      %dma_wait3A_1181 = tpu.memref_slice %arg4[%dma_wait3A_1179, %dma_wait3A_1180] : memref<1000000x32xf32, #tpu.memory_space<hbm>> -> memref<1x32xf32, #tpu.memory_space<hbm>>
      %dma_wait3A_1182 = arith.constant 15 : i32
      %dma_wait3A_1183 = arith.constant 0 : i32
      %dma_wait3A_1184 = tpu.memref_slice %arg9[%dma_wait3A_1182, %dma_wait3A_1183] : memref<32x32xf32, #tpu.memory_space<vmem>> -> memref<1x32xf32, #tpu.memory_space<vmem>>
      %dma_wait3A_1185 = arith.constant 0 : i32
      %dma_wait3A_1186 = arith.constant 0 : i32
      %dma_wait3A_1187 = tpu.memref_slice %arg4[%dma_wait3A_1185, %dma_wait3A_1186] : memref<1000000x32xf32, #tpu.memory_space<hbm>> -> memref<1x32xf32, #tpu.memory_space<hbm>>
      tpu.wait_dma2 semaphore(%arg12 : memref<!tpu.dma_semaphore, #tpu.memory_space<semaphore_mem>>) src(%dma_wait3A_1187 : memref<1x32xf32, #tpu.memory_space<hbm>>) dst(%dma_wait3A_1184 : memref<1x32xf32, #tpu.memory_space<vmem>>)
      %dma_wait3A_1188 = arith.constant 15 : i32
      %dma_wait3A_1189 = arith.constant 0 : i32
      %dma_wait3A_1190 = tpu.memref_slice %arg10[%dma_wait3A_1188, %dma_wait3A_1189] : memref<32x32xf32, #tpu.memory_space<vmem>> -> memref<1x32xf32, #tpu.memory_space<vmem>>
      %dma_wait3A_1191 = arith.constant 0 : i32
      %dma_wait3A_1192 = arith.constant 0 : i32
      %dma_wait3A_1193 = tpu.memref_slice %arg5[%dma_wait3A_1191, %dma_wait3A_1192] : memref<100000x32xf32, #tpu.memory_space<hbm>> -> memref<1x32xf32, #tpu.memory_space<hbm>>
      %dma_wait3A_1194 = arith.constant 15 : i32
      %dma_wait3A_1195 = arith.constant 0 : i32
      %dma_wait3A_1196 = tpu.memref_slice %arg10[%dma_wait3A_1194, %dma_wait3A_1195] : memref<32x32xf32, #tpu.memory_space<vmem>> -> memref<1x32xf32, #tpu.memory_space<vmem>>
      %dma_wait3A_1197 = arith.constant 0 : i32
      %dma_wait3A_1198 = arith.constant 0 : i32
      %dma_wait3A_1199 = tpu.memref_slice %arg5[%dma_wait3A_1197, %dma_wait3A_1198] : memref<100000x32xf32, #tpu.memory_space<hbm>> -> memref<1x32xf32, #tpu.memory_space<hbm>>
      tpu.wait_dma2 semaphore(%arg13 : memref<!tpu.dma_semaphore, #tpu.memory_space<semaphore_mem>>) src(%dma_wait3A_1199 : memref<1x32xf32, #tpu.memory_space<hbm>>) dst(%dma_wait3A_1196 : memref<1x32xf32, #tpu.memory_space<vmem>>)
      %broadcast_in_dim3A = arith.constant 0.000000e+00 : f32
      %broadcast_in_dim3A_1200 = vector.broadcast %broadcast_in_dim3A : f32 to vector<16xf32>
      %get3A_1201 = arith.constant 0 : i32
      %get3A_1202 = arith.index_cast %get3A_1201 : i32 to index
      %get3A_1203 = arith.constant 0 : index
      %get3A_1204 = tpu.vector_load %arg9[%get3A_1202, %get3A_1203] {strides = array<i32>} : memref<32x32xf32, #tpu.memory_space<vmem>>, vector<16xf32>,
      %get3A_1205 = arith.constant 0 : i32
      %get3A_1206 = arith.index_cast %get3A_1205 : i32 to index
      %get3A_1207 = arith.constant 16 : index
      %get3A_1208 = tpu.vector_load %arg9[%get3A_1206, %get3A_1207] {strides = array<i32>} : memref<32x32xf32, #tpu.memory_space<vmem>>, vector<16xf32>,
      %get3A_1209 = arith.constant 0 : i32
      %get3A_1210 = arith.index_cast %get3A_1209 : i32 to index
      %get3A_1211 = arith.constant 0 : index
      %get3A_1212 = tpu.vector_load %arg10[%get3A_1210, %get3A_1211] {strides = array<i32>} : memref<32x32xf32, #tpu.memory_space<vmem>>, vector<16xf32>,
      %get3A_1213 = arith.constant 0 : i32
      %get3A_1214 = arith.index_cast %get3A_1213 : i32 to index
      %get3A_1215 = arith.constant 16 : index
      %get3A_1216 = tpu.vector_load %arg10[%get3A_1214, %get3A_1215] {strides = array<i32>} : memref<32x32xf32, #tpu.memory_space<vmem>>, vector<16xf32>,
      %mul3A_1217 = arith.mulf %get3A_1204, %get3A_1212 : vector<16xf32>
      %mul3A_1218 = arith.mulf %get3A_1208, %get3A_1216 : vector<16xf32>
      %add3A_1219 = arith.addf %mul3A_1217, %mul3A_1218 : vector<16xf32>
      %eq3A = arith.constant 0 : i32
      %eq3A_1220 = vector.broadcast %eq3A : i32 to vector<16xi32>
      %eq3A_1221 = arith.cmpi eq, %iota3A, %eq3A_1220 : vector<16xi32>
      %reduce_sum3A = arith.constant true
      %reduce_sum3A_1222 = vector.broadcast %reduce_sum3A : i1 to vector<16xi1>
      %reduce_sum3A_1223 = tpu.scan <sum>, %add3A_1219 masked %reduce_sum3A_1222 : vector<16xf32>, vector<16xi1> -> vector<16xf32>
      %reduce_sum3A_1224 = vector.extract %reduce_sum3A_1223[15] : f32 from vector<16xf32>
      %broadcast_in_dim3A_1225 = vector.broadcast %reduce_sum3A_1224 : f32 to vector<16xf32>
      %select_n3A = arith.select %eq3A_1221, %broadcast_in_dim3A_1225, %broadcast_in_dim3A_1200 : vector<16xi1>, vector<16xf32>
      %get3A_1226 = arith.constant 1 : i32
      %get3A_1227 = arith.index_cast %get3A_1226 : i32 to index
      %get3A_1228 = arith.constant 0 : index
      %get3A_1229 = tpu.vector_load %arg9[%get3A_1227, %get3A_1228] {strides = array<i32>} : memref<32x32xf32, #tpu.memory_space<vmem>>, vector<16xf32>,
      %get3A_1230 = arith.constant 1 : i32
      %get3A_1231 = arith.index_cast %get3A_1230 : i32 to index
      %get3A_1232 = arith.constant 16 : index
      %get3A_1233 = tpu.vector_load %arg9[%get3A_1231, %get3A_1232] {strides = array<i32>} : memref<32x32xf32, #tpu.memory_space<vmem>>, vector<16xf32>,
      %get3A_1234 = arith.constant 1 : i32
      %get3A_1235 = arith.index_cast %get3A_1234 : i32 to index
      %get3A_1236 = arith.constant 0 : index
      %get3A_1237 = tpu.vector_load %arg10[%get3A_1235, %get3A_1236] {strides = array<i32>} : memref<32x32xf32, #tpu.memory_space<vmem>>, vector<16xf32>,
      %get3A_1238 = arith.constant 1 : i32
      %get3A_1239 = arith.index_cast %get3A_1238 : i32 to index
      %get3A_1240 = arith.constant 16 : index
      %get3A_1241 = tpu.vector_load %arg10[%get3A_1239, %get3A_1240] {strides = array<i32>} : memref<32x32xf32, #tpu.memory_space<vmem>>, vector<16xf32>,
      %mul3A_1242 = arith.mulf %get3A_1229, %get3A_1237 : vector<16xf32>
      %mul3A_1243 = arith.mulf %get3A_1233, %get3A_1241 : vector<16xf32>
      %add3A_1244 = arith.addf %mul3A_1242, %mul3A_1243 : vector<16xf32>
      %eq3A_1245 = arith.constant 1 : i32
      %eq3A_1246 = vector.broadcast %eq3A_1245 : i32 to vector<16xi32>
      %eq3A_1247 = arith.cmpi eq, %iota3A, %eq3A_1246 : vector<16xi32>
      %reduce_sum3A_1248 = arith.constant true
      %reduce_sum3A_1249 = vector.broadcast %reduce_sum3A_1248 : i1 to vector<16xi1>
      %reduce_sum3A_1250 = tpu.scan <sum>, %add3A_1244 masked %reduce_sum3A_1249 : vector<16xf32>, vector<16xi1> -> vector<16xf32>
      %reduce_sum3A_1251 = vector.extract %reduce_sum3A_1250[15] : f32 from vector<16xf32>
      %broadcast_in_dim3A_1252 = vector.broadcast %reduce_sum3A_1251 : f32 to vector<16xf32>
      %select_n3A_1253 = arith.select %eq3A_1247, %broadcast_in_dim3A_1252, %select_n3A : vector<16xi1>, vector<16xf32>
      %get3A_1254 = arith.constant 2 : i32
      %get3A_1255 = arith.index_cast %get3A_1254 : i32 to index
      %get3A_1256 = arith.constant 0 : index
      %get3A_1257 = tpu.vector_load %arg9[%get3A_1255, %get3A_1256] {strides = array<i32>} : memref<32x32xf32, #tpu.memory_space<vmem>>, vector<16xf32>,
      %get3A_1258 = arith.constant 2 : i32
      %get3A_1259 = arith.index_cast %get3A_1258 : i32 to index
      %get3A_1260 = arith.constant 16 : index
      %get3A_1261 = tpu.vector_load %arg9[%get3A_1259, %get3A_1260] {strides = array<i32>} : memref<32x32xf32, #tpu.memory_space<vmem>>, vector<16xf32>,
      %get3A_1262 = arith.constant 2 : i32
      %get3A_1263 = arith.index_cast %get3A_1262 : i32 to index
      %get3A_1264 = arith.constant 0 : index
      %get3A_1265 = tpu.vector_load %arg10[%get3A_1263, %get3A_1264] {strides = array<i32>} : memref<32x32xf32, #tpu.memory_space<vmem>>, vector<16xf32>,
      %get3A_1266 = arith.constant 2 : i32
      %get3A_1267 = arith.index_cast %get3A_1266 : i32 to index
      %get3A_1268 = arith.constant 16 : index
      %get3A_1269 = tpu.vector_load %arg10[%get3A_1267, %get3A_1268] {strides = array<i32>} : memref<32x32xf32, #tpu.memory_space<vmem>>, vector<16xf32>,
      %mul3A_1270 = arith.mulf %get3A_1257, %get3A_1265 : vector<16xf32>
      %mul3A_1271 = arith.mulf %get3A_1261, %get3A_1269 : vector<16xf32>
      %add3A_1272 = arith.addf %mul3A_1270, %mul3A_1271 : vector<16xf32>
      %eq3A_1273 = arith.constant 2 : i32
      %eq3A_1274 = vector.broadcast %eq3A_1273 : i32 to vector<16xi32>
      %eq3A_1275 = arith.cmpi eq, %iota3A, %eq3A_1274 : vector<16xi32>
      %reduce_sum3A_1276 = arith.constant true
      %reduce_sum3A_1277 = vector.broadcast %reduce_sum3A_1276 : i1 to vector<16xi1>
      %reduce_sum3A_1278 = tpu.scan <sum>, %add3A_1272 masked %reduce_sum3A_1277 : vector<16xf32>, vector<16xi1> -> vector<16xf32>
      %reduce_sum3A_1279 = vector.extract %reduce_sum3A_1278[15] : f32 from vector<16xf32>
      %broadcast_in_dim3A_1280 = vector.broadcast %reduce_sum3A_1279 : f32 to vector<16xf32>
      %select_n3A_1281 = arith.select %eq3A_1275, %broadcast_in_dim3A_1280, %select_n3A_1253 : vector<16xi1>, vector<16xf32>
      %get3A_1282 = arith.constant 3 : i32
      %get3A_1283 = arith.index_cast %get3A_1282 : i32 to index
      %get3A_1284 = arith.constant 0 : index
      %get3A_1285 = tpu.vector_load %arg9[%get3A_1283, %get3A_1284] {strides = array<i32>} : memref<32x32xf32, #tpu.memory_space<vmem>>, vector<16xf32>,
      %get3A_1286 = arith.constant 3 : i32
      %get3A_1287 = arith.index_cast %get3A_1286 : i32 to index
      %get3A_1288 = arith.constant 16 : index
      %get3A_1289 = tpu.vector_load %arg9[%get3A_1287, %get3A_1288] {strides = array<i32>} : memref<32x32xf32, #tpu.memory_space<vmem>>, vector<16xf32>,
      %get3A_1290 = arith.constant 3 : i32
      %get3A_1291 = arith.index_cast %get3A_1290 : i32 to index
      %get3A_1292 = arith.constant 0 : index
      %get3A_1293 = tpu.vector_load %arg10[%get3A_1291, %get3A_1292] {strides = array<i32>} : memref<32x32xf32, #tpu.memory_space<vmem>>, vector<16xf32>,
      %get3A_1294 = arith.constant 3 : i32
      %get3A_1295 = arith.index_cast %get3A_1294 : i32 to index
      %get3A_1296 = arith.constant 16 : index
      %get3A_1297 = tpu.vector_load %arg10[%get3A_1295, %get3A_1296] {strides = array<i32>} : memref<32x32xf32, #tpu.memory_space<vmem>>, vector<16xf32>,
      %mul3A_1298 = arith.mulf %get3A_1285, %get3A_1293 : vector<16xf32>
      %mul3A_1299 = arith.mulf %get3A_1289, %get3A_1297 : vector<16xf32>
      %add3A_1300 = arith.addf %mul3A_1298, %mul3A_1299 : vector<16xf32>
      %eq3A_1301 = arith.constant 3 : i32
      %eq3A_1302 = vector.broadcast %eq3A_1301 : i32 to vector<16xi32>
      %eq3A_1303 = arith.cmpi eq, %iota3A, %eq3A_1302 : vector<16xi32>
      %reduce_sum3A_1304 = arith.constant true
      %reduce_sum3A_1305 = vector.broadcast %reduce_sum3A_1304 : i1 to vector<16xi1>
      %reduce_sum3A_1306 = tpu.scan <sum>, %add3A_1300 masked %reduce_sum3A_1305 : vector<16xf32>, vector<16xi1> -> vector<16xf32>
      %reduce_sum3A_1307 = vector.extract %reduce_sum3A_1306[15] : f32 from vector<16xf32>
      %broadcast_in_dim3A_1308 = vector.broadcast %reduce_sum3A_1307 : f32 to vector<16xf32>
      %select_n3A_1309 = arith.select %eq3A_1303, %broadcast_in_dim3A_1308, %select_n3A_1281 : vector<16xi1>, vector<16xf32>
      %get3A_1310 = arith.constant 4 : i32
      %get3A_1311 = arith.index_cast %get3A_1310 : i32 to index
      %get3A_1312 = arith.constant 0 : index
      %get3A_1313 = tpu.vector_load %arg9[%get3A_1311, %get3A_1312] {strides = array<i32>} : memref<32x32xf32, #tpu.memory_space<vmem>>, vector<16xf32>,
      %get3A_1314 = arith.constant 4 : i32
      %get3A_1315 = arith.index_cast %get3A_1314 : i32 to index
      %get3A_1316 = arith.constant 16 : index
      %get3A_1317 = tpu.vector_load %arg9[%get3A_1315, %get3A_1316] {strides = array<i32>} : memref<32x32xf32, #tpu.memory_space<vmem>>, vector<16xf32>,
      %get3A_1318 = arith.constant 4 : i32
      %get3A_1319 = arith.index_cast %get3A_1318 : i32 to index
      %get3A_1320 = arith.constant 0 : index
      %get3A_1321 = tpu.vector_load %arg10[%get3A_1319, %get3A_1320] {strides = array<i32>} : memref<32x32xf32, #tpu.memory_space<vmem>>, vector<16xf32>,
      %get3A_1322 = arith.constant 4 : i32
      %get3A_1323 = arith.index_cast %get3A_1322 : i32 to index
      %get3A_1324 = arith.constant 16 : index
      %get3A_1325 = tpu.vector_load %arg10[%get3A_1323, %get3A_1324] {strides = array<i32>} : memref<32x32xf32, #tpu.memory_space<vmem>>, vector<16xf32>,
      %mul3A_1326 = arith.mulf %get3A_1313, %get3A_1321 : vector<16xf32>
      %mul3A_1327 = arith.mulf %get3A_1317, %get3A_1325 : vector<16xf32>
      %add3A_1328 = arith.addf %mul3A_1326, %mul3A_1327 : vector<16xf32>
      %eq3A_1329 = arith.constant 4 : i32
      %eq3A_1330 = vector.broadcast %eq3A_1329 : i32 to vector<16xi32>
      %eq3A_1331 = arith.cmpi eq, %iota3A, %eq3A_1330 : vector<16xi32>
      %reduce_sum3A_1332 = arith.constant true
      %reduce_sum3A_1333 = vector.broadcast %reduce_sum3A_1332 : i1 to vector<16xi1>
      %reduce_sum3A_1334 = tpu.scan <sum>, %add3A_1328 masked %reduce_sum3A_1333 : vector<16xf32>, vector<16xi1> -> vector<16xf32>
      %reduce_sum3A_1335 = vector.extract %reduce_sum3A_1334[15] : f32 from vector<16xf32>
      %broadcast_in_dim3A_1336 = vector.broadcast %reduce_sum3A_1335 : f32 to vector<16xf32>
      %select_n3A_1337 = arith.select %eq3A_1331, %broadcast_in_dim3A_1336, %select_n3A_1309 : vector<16xi1>, vector<16xf32>
      %get3A_1338 = arith.constant 5 : i32
      %get3A_1339 = arith.index_cast %get3A_1338 : i32 to index
      %get3A_1340 = arith.constant 0 : index
      %get3A_1341 = tpu.vector_load %arg9[%get3A_1339, %get3A_1340] {strides = array<i32>} : memref<32x32xf32, #tpu.memory_space<vmem>>, vector<16xf32>,
      %get3A_1342 = arith.constant 5 : i32
      %get3A_1343 = arith.index_cast %get3A_1342 : i32 to index
      %get3A_1344 = arith.constant 16 : index
      %get3A_1345 = tpu.vector_load %arg9[%get3A_1343, %get3A_1344] {strides = array<i32>} : memref<32x32xf32, #tpu.memory_space<vmem>>, vector<16xf32>,
      %get3A_1346 = arith.constant 5 : i32
      %get3A_1347 = arith.index_cast %get3A_1346 : i32 to index
      %get3A_1348 = arith.constant 0 : index
      %get3A_1349 = tpu.vector_load %arg10[%get3A_1347, %get3A_1348] {strides = array<i32>} : memref<32x32xf32, #tpu.memory_space<vmem>>, vector<16xf32>,
      %get3A_1350 = arith.constant 5 : i32
      %get3A_1351 = arith.index_cast %get3A_1350 : i32 to index
      %get3A_1352 = arith.constant 16 : index
      %get3A_1353 = tpu.vector_load %arg10[%get3A_1351, %get3A_1352] {strides = array<i32>} : memref<32x32xf32, #tpu.memory_space<vmem>>, vector<16xf32>,
      %mul3A_1354 = arith.mulf %get3A_1341, %get3A_1349 : vector<16xf32>
      %mul3A_1355 = arith.mulf %get3A_1345, %get3A_1353 : vector<16xf32>
      %add3A_1356 = arith.addf %mul3A_1354, %mul3A_1355 : vector<16xf32>
      %eq3A_1357 = arith.constant 5 : i32
      %eq3A_1358 = vector.broadcast %eq3A_1357 : i32 to vector<16xi32>
      %eq3A_1359 = arith.cmpi eq, %iota3A, %eq3A_1358 : vector<16xi32>
      %reduce_sum3A_1360 = arith.constant true
      %reduce_sum3A_1361 = vector.broadcast %reduce_sum3A_1360 : i1 to vector<16xi1>
      %reduce_sum3A_1362 = tpu.scan <sum>, %add3A_1356 masked %reduce_sum3A_1361 : vector<16xf32>, vector<16xi1> -> vector<16xf32>
      %reduce_sum3A_1363 = vector.extract %reduce_sum3A_1362[15] : f32 from vector<16xf32>
      %broadcast_in_dim3A_1364 = vector.broadcast %reduce_sum3A_1363 : f32 to vector<16xf32>
      %select_n3A_1365 = arith.select %eq3A_1359, %broadcast_in_dim3A_1364, %select_n3A_1337 : vector<16xi1>, vector<16xf32>
      %get3A_1366 = arith.constant 6 : i32
      %get3A_1367 = arith.index_cast %get3A_1366 : i32 to index
      %get3A_1368 = arith.constant 0 : index
      %get3A_1369 = tpu.vector_load %arg9[%get3A_1367, %get3A_1368] {strides = array<i32>} : memref<32x32xf32, #tpu.memory_space<vmem>>, vector<16xf32>,
      %get3A_1370 = arith.constant 6 : i32
      %get3A_1371 = arith.index_cast %get3A_1370 : i32 to index
      %get3A_1372 = arith.constant 16 : index
      %get3A_1373 = tpu.vector_load %arg9[%get3A_1371, %get3A_1372] {strides = array<i32>} : memref<32x32xf32, #tpu.memory_space<vmem>>, vector<16xf32>,
      %get3A_1374 = arith.constant 6 : i32
      %get3A_1375 = arith.index_cast %get3A_1374 : i32 to index
      %get3A_1376 = arith.constant 0 : index
      %get3A_1377 = tpu.vector_load %arg10[%get3A_1375, %get3A_1376] {strides = array<i32>} : memref<32x32xf32, #tpu.memory_space<vmem>>, vector<16xf32>,
      %get3A_1378 = arith.constant 6 : i32
      %get3A_1379 = arith.index_cast %get3A_1378 : i32 to index
      %get3A_1380 = arith.constant 16 : index
      %get3A_1381 = tpu.vector_load %arg10[%get3A_1379, %get3A_1380] {strides = array<i32>} : memref<32x32xf32, #tpu.memory_space<vmem>>, vector<16xf32>,
      %mul3A_1382 = arith.mulf %get3A_1369, %get3A_1377 : vector<16xf32>
      %mul3A_1383 = arith.mulf %get3A_1373, %get3A_1381 : vector<16xf32>
      %add3A_1384 = arith.addf %mul3A_1382, %mul3A_1383 : vector<16xf32>
      %eq3A_1385 = arith.constant 6 : i32
      %eq3A_1386 = vector.broadcast %eq3A_1385 : i32 to vector<16xi32>
      %eq3A_1387 = arith.cmpi eq, %iota3A, %eq3A_1386 : vector<16xi32>
      %reduce_sum3A_1388 = arith.constant true
      %reduce_sum3A_1389 = vector.broadcast %reduce_sum3A_1388 : i1 to vector<16xi1>
      %reduce_sum3A_1390 = tpu.scan <sum>, %add3A_1384 masked %reduce_sum3A_1389 : vector<16xf32>, vector<16xi1> -> vector<16xf32>
      %reduce_sum3A_1391 = vector.extract %reduce_sum3A_1390[15] : f32 from vector<16xf32>
      %broadcast_in_dim3A_1392 = vector.broadcast %reduce_sum3A_1391 : f32 to vector<16xf32>
      %select_n3A_1393 = arith.select %eq3A_1387, %broadcast_in_dim3A_1392, %select_n3A_1365 : vector<16xi1>, vector<16xf32>
      %get3A_1394 = arith.constant 7 : i32
      %get3A_1395 = arith.index_cast %get3A_1394 : i32 to index
      %get3A_1396 = arith.constant 0 : index
      %get3A_1397 = tpu.vector_load %arg9[%get3A_1395, %get3A_1396] {strides = array<i32>} : memref<32x32xf32, #tpu.memory_space<vmem>>, vector<16xf32>,
      %get3A_1398 = arith.constant 7 : i32
      %get3A_1399 = arith.index_cast %get3A_1398 : i32 to index
      %get3A_1400 = arith.constant 16 : index
      %get3A_1401 = tpu.vector_load %arg9[%get3A_1399, %get3A_1400] {strides = array<i32>} : memref<32x32xf32, #tpu.memory_space<vmem>>, vector<16xf32>,
      %get3A_1402 = arith.constant 7 : i32
      %get3A_1403 = arith.index_cast %get3A_1402 : i32 to index
      %get3A_1404 = arith.constant 0 : index
      %get3A_1405 = tpu.vector_load %arg10[%get3A_1403, %get3A_1404] {strides = array<i32>} : memref<32x32xf32, #tpu.memory_space<vmem>>, vector<16xf32>,
      %get3A_1406 = arith.constant 7 : i32
      %get3A_1407 = arith.index_cast %get3A_1406 : i32 to index
      %get3A_1408 = arith.constant 16 : index
      %get3A_1409 = tpu.vector_load %arg10[%get3A_1407, %get3A_1408] {strides = array<i32>} : memref<32x32xf32, #tpu.memory_space<vmem>>, vector<16xf32>,
      %mul3A_1410 = arith.mulf %get3A_1397, %get3A_1405 : vector<16xf32>
      %mul3A_1411 = arith.mulf %get3A_1401, %get3A_1409 : vector<16xf32>
      %add3A_1412 = arith.addf %mul3A_1410, %mul3A_1411 : vector<16xf32>
      %eq3A_1413 = arith.constant 7 : i32
      %eq3A_1414 = vector.broadcast %eq3A_1413 : i32 to vector<16xi32>
      %eq3A_1415 = arith.cmpi eq, %iota3A, %eq3A_1414 : vector<16xi32>
      %reduce_sum3A_1416 = arith.constant true
      %reduce_sum3A_1417 = vector.broadcast %reduce_sum3A_1416 : i1 to vector<16xi1>
      %reduce_sum3A_1418 = tpu.scan <sum>, %add3A_1412 masked %reduce_sum3A_1417 : vector<16xf32>, vector<16xi1> -> vector<16xf32>
      %reduce_sum3A_1419 = vector.extract %reduce_sum3A_1418[15] : f32 from vector<16xf32>
      %broadcast_in_dim3A_1420 = vector.broadcast %reduce_sum3A_1419 : f32 to vector<16xf32>
      %select_n3A_1421 = arith.select %eq3A_1415, %broadcast_in_dim3A_1420, %select_n3A_1393 : vector<16xi1>, vector<16xf32>
      %get3A_1422 = arith.constant 8 : i32
      %get3A_1423 = arith.index_cast %get3A_1422 : i32 to index
      %get3A_1424 = arith.constant 0 : index
      %get3A_1425 = tpu.vector_load %arg9[%get3A_1423, %get3A_1424] {strides = array<i32>} : memref<32x32xf32, #tpu.memory_space<vmem>>, vector<16xf32>,
      %get3A_1426 = arith.constant 8 : i32
      %get3A_1427 = arith.index_cast %get3A_1426 : i32 to index
      %get3A_1428 = arith.constant 16 : index
      %get3A_1429 = tpu.vector_load %arg9[%get3A_1427, %get3A_1428] {strides = array<i32>} : memref<32x32xf32, #tpu.memory_space<vmem>>, vector<16xf32>,
      %get3A_1430 = arith.constant 8 : i32
      %get3A_1431 = arith.index_cast %get3A_1430 : i32 to index
      %get3A_1432 = arith.constant 0 : index
      %get3A_1433 = tpu.vector_load %arg10[%get3A_1431, %get3A_1432] {strides = array<i32>} : memref<32x32xf32, #tpu.memory_space<vmem>>, vector<16xf32>,
      %get3A_1434 = arith.constant 8 : i32
      %get3A_1435 = arith.index_cast %get3A_1434 : i32 to index
      %get3A_1436 = arith.constant 16 : index
      %get3A_1437 = tpu.vector_load %arg10[%get3A_1435, %get3A_1436] {strides = array<i32>} : memref<32x32xf32, #tpu.memory_space<vmem>>, vector<16xf32>,
      %mul3A_1438 = arith.mulf %get3A_1425, %get3A_1433 : vector<16xf32>
      %mul3A_1439 = arith.mulf %get3A_1429, %get3A_1437 : vector<16xf32>
      %add3A_1440 = arith.addf %mul3A_1438, %mul3A_1439 : vector<16xf32>
      %eq3A_1441 = arith.constant 8 : i32
      %eq3A_1442 = vector.broadcast %eq3A_1441 : i32 to vector<16xi32>
      %eq3A_1443 = arith.cmpi eq, %iota3A, %eq3A_1442 : vector<16xi32>
      %reduce_sum3A_1444 = arith.constant true
      %reduce_sum3A_1445 = vector.broadcast %reduce_sum3A_1444 : i1 to vector<16xi1>
      %reduce_sum3A_1446 = tpu.scan <sum>, %add3A_1440 masked %reduce_sum3A_1445 : vector<16xf32>, vector<16xi1> -> vector<16xf32>
      %reduce_sum3A_1447 = vector.extract %reduce_sum3A_1446[15] : f32 from vector<16xf32>
      %broadcast_in_dim3A_1448 = vector.broadcast %reduce_sum3A_1447 : f32 to vector<16xf32>
      %select_n3A_1449 = arith.select %eq3A_1443, %broadcast_in_dim3A_1448, %select_n3A_1421 : vector<16xi1>, vector<16xf32>
      %get3A_1450 = arith.constant 9 : i32
      %get3A_1451 = arith.index_cast %get3A_1450 : i32 to index
      %get3A_1452 = arith.constant 0 : index
      %get3A_1453 = tpu.vector_load %arg9[%get3A_1451, %get3A_1452] {strides = array<i32>} : memref<32x32xf32, #tpu.memory_space<vmem>>, vector<16xf32>,
      %get3A_1454 = arith.constant 9 : i32
      %get3A_1455 = arith.index_cast %get3A_1454 : i32 to index
      %get3A_1456 = arith.constant 16 : index
      %get3A_1457 = tpu.vector_load %arg9[%get3A_1455, %get3A_1456] {strides = array<i32>} : memref<32x32xf32, #tpu.memory_space<vmem>>, vector<16xf32>,
      %get3A_1458 = arith.constant 9 : i32
      %get3A_1459 = arith.index_cast %get3A_1458 : i32 to index
      %get3A_1460 = arith.constant 0 : index
      %get3A_1461 = tpu.vector_load %arg10[%get3A_1459, %get3A_1460] {strides = array<i32>} : memref<32x32xf32, #tpu.memory_space<vmem>>, vector<16xf32>,
      %get3A_1462 = arith.constant 9 : i32
      %get3A_1463 = arith.index_cast %get3A_1462 : i32 to index
      %get3A_1464 = arith.constant 16 : index
      %get3A_1465 = tpu.vector_load %arg10[%get3A_1463, %get3A_1464] {strides = array<i32>} : memref<32x32xf32, #tpu.memory_space<vmem>>, vector<16xf32>,
      %mul3A_1466 = arith.mulf %get3A_1453, %get3A_1461 : vector<16xf32>
      %mul3A_1467 = arith.mulf %get3A_1457, %get3A_1465 : vector<16xf32>
      %add3A_1468 = arith.addf %mul3A_1466, %mul3A_1467 : vector<16xf32>
      %eq3A_1469 = arith.constant 9 : i32
      %eq3A_1470 = vector.broadcast %eq3A_1469 : i32 to vector<16xi32>
      %eq3A_1471 = arith.cmpi eq, %iota3A, %eq3A_1470 : vector<16xi32>
      %reduce_sum3A_1472 = arith.constant true
      %reduce_sum3A_1473 = vector.broadcast %reduce_sum3A_1472 : i1 to vector<16xi1>
      %reduce_sum3A_1474 = tpu.scan <sum>, %add3A_1468 masked %reduce_sum3A_1473 : vector<16xf32>, vector<16xi1> -> vector<16xf32>
      %reduce_sum3A_1475 = vector.extract %reduce_sum3A_1474[15] : f32 from vector<16xf32>
      %broadcast_in_dim3A_1476 = vector.broadcast %reduce_sum3A_1475 : f32 to vector<16xf32>
      %select_n3A_1477 = arith.select %eq3A_1471, %broadcast_in_dim3A_1476, %select_n3A_1449 : vector<16xi1>, vector<16xf32>
      %get3A_1478 = arith.constant 10 : i32
      %get3A_1479 = arith.index_cast %get3A_1478 : i32 to index
      %get3A_1480 = arith.constant 0 : index
      %get3A_1481 = tpu.vector_load %arg9[%get3A_1479, %get3A_1480] {strides = array<i32>} : memref<32x32xf32, #tpu.memory_space<vmem>>, vector<16xf32>,
      %get3A_1482 = arith.constant 10 : i32
      %get3A_1483 = arith.index_cast %get3A_1482 : i32 to index
      %get3A_1484 = arith.constant 16 : index
      %get3A_1485 = tpu.vector_load %arg9[%get3A_1483, %get3A_1484] {strides = array<i32>} : memref<32x32xf32, #tpu.memory_space<vmem>>, vector<16xf32>,
      %get3A_1486 = arith.constant 10 : i32
      %get3A_1487 = arith.index_cast %get3A_1486 : i32 to index
      %get3A_1488 = arith.constant 0 : index
      %get3A_1489 = tpu.vector_load %arg10[%get3A_1487, %get3A_1488] {strides = array<i32>} : memref<32x32xf32, #tpu.memory_space<vmem>>, vector<16xf32>,
      %get3A_1490 = arith.constant 10 : i32
      %get3A_1491 = arith.index_cast %get3A_1490 : i32 to index
      %get3A_1492 = arith.constant 16 : index
      %get3A_1493 = tpu.vector_load %arg10[%get3A_1491, %get3A_1492] {strides = array<i32>} : memref<32x32xf32, #tpu.memory_space<vmem>>, vector<16xf32>,
      %mul3A_1494 = arith.mulf %get3A_1481, %get3A_1489 : vector<16xf32>
      %mul3A_1495 = arith.mulf %get3A_1485, %get3A_1493 : vector<16xf32>
      %add3A_1496 = arith.addf %mul3A_1494, %mul3A_1495 : vector<16xf32>
      %eq3A_1497 = arith.constant 10 : i32
      %eq3A_1498 = vector.broadcast %eq3A_1497 : i32 to vector<16xi32>
      %eq3A_1499 = arith.cmpi eq, %iota3A, %eq3A_1498 : vector<16xi32>
      %reduce_sum3A_1500 = arith.constant true
      %reduce_sum3A_1501 = vector.broadcast %reduce_sum3A_1500 : i1 to vector<16xi1>
      %reduce_sum3A_1502 = tpu.scan <sum>, %add3A_1496 masked %reduce_sum3A_1501 : vector<16xf32>, vector<16xi1> -> vector<16xf32>
      %reduce_sum3A_1503 = vector.extract %reduce_sum3A_1502[15] : f32 from vector<16xf32>
      %broadcast_in_dim3A_1504 = vector.broadcast %reduce_sum3A_1503 : f32 to vector<16xf32>
      %select_n3A_1505 = arith.select %eq3A_1499, %broadcast_in_dim3A_1504, %select_n3A_1477 : vector<16xi1>, vector<16xf32>
      %get3A_1506 = arith.constant 11 : i32
      %get3A_1507 = arith.index_cast %get3A_1506 : i32 to index
      %get3A_1508 = arith.constant 0 : index
      %get3A_1509 = tpu.vector_load %arg9[%get3A_1507, %get3A_1508] {strides = array<i32>} : memref<32x32xf32, #tpu.memory_space<vmem>>, vector<16xf32>,
      %get3A_1510 = arith.constant 11 : i32
      %get3A_1511 = arith.index_cast %get3A_1510 : i32 to index
      %get3A_1512 = arith.constant 16 : index
      %get3A_1513 = tpu.vector_load %arg9[%get3A_1511, %get3A_1512] {strides = array<i32>} : memref<32x32xf32, #tpu.memory_space<vmem>>, vector<16xf32>,
      %get3A_1514 = arith.constant 11 : i32
      %get3A_1515 = arith.index_cast %get3A_1514 : i32 to index
      %get3A_1516 = arith.constant 0 : index
      %get3A_1517 = tpu.vector_load %arg10[%get3A_1515, %get3A_1516] {strides = array<i32>} : memref<32x32xf32, #tpu.memory_space<vmem>>, vector<16xf32>,
      %get3A_1518 = arith.constant 11 : i32
      %get3A_1519 = arith.index_cast %get3A_1518 : i32 to index
      %get3A_1520 = arith.constant 16 : index
      %get3A_1521 = tpu.vector_load %arg10[%get3A_1519, %get3A_1520] {strides = array<i32>} : memref<32x32xf32, #tpu.memory_space<vmem>>, vector<16xf32>,
      %mul3A_1522 = arith.mulf %get3A_1509, %get3A_1517 : vector<16xf32>
      %mul3A_1523 = arith.mulf %get3A_1513, %get3A_1521 : vector<16xf32>
      %add3A_1524 = arith.addf %mul3A_1522, %mul3A_1523 : vector<16xf32>
      %eq3A_1525 = arith.constant 11 : i32
      %eq3A_1526 = vector.broadcast %eq3A_1525 : i32 to vector<16xi32>
      %eq3A_1527 = arith.cmpi eq, %iota3A, %eq3A_1526 : vector<16xi32>
      %reduce_sum3A_1528 = arith.constant true
      %reduce_sum3A_1529 = vector.broadcast %reduce_sum3A_1528 : i1 to vector<16xi1>
      %reduce_sum3A_1530 = tpu.scan <sum>, %add3A_1524 masked %reduce_sum3A_1529 : vector<16xf32>, vector<16xi1> -> vector<16xf32>
      %reduce_sum3A_1531 = vector.extract %reduce_sum3A_1530[15] : f32 from vector<16xf32>
      %broadcast_in_dim3A_1532 = vector.broadcast %reduce_sum3A_1531 : f32 to vector<16xf32>
      %select_n3A_1533 = arith.select %eq3A_1527, %broadcast_in_dim3A_1532, %select_n3A_1505 : vector<16xi1>, vector<16xf32>
      %get3A_1534 = arith.constant 12 : i32
      %get3A_1535 = arith.index_cast %get3A_1534 : i32 to index
      %get3A_1536 = arith.constant 0 : index
      %get3A_1537 = tpu.vector_load %arg9[%get3A_1535, %get3A_1536] {strides = array<i32>} : memref<32x32xf32, #tpu.memory_space<vmem>>, vector<16xf32>,
      %get3A_1538 = arith.constant 12 : i32
      %get3A_1539 = arith.index_cast %get3A_1538 : i32 to index
      %get3A_1540 = arith.constant 16 : index
      %get3A_1541 = tpu.vector_load %arg9[%get3A_1539, %get3A_1540] {strides = array<i32>} : memref<32x32xf32, #tpu.memory_space<vmem>>, vector<16xf32>,
      %get3A_1542 = arith.constant 12 : i32
      %get3A_1543 = arith.index_cast %get3A_1542 : i32 to index
      %get3A_1544 = arith.constant 0 : index
      %get3A_1545 = tpu.vector_load %arg10[%get3A_1543, %get3A_1544] {strides = array<i32>} : memref<32x32xf32, #tpu.memory_space<vmem>>, vector<16xf32>,
      %get3A_1546 = arith.constant 12 : i32
      %get3A_1547 = arith.index_cast %get3A_1546 : i32 to index
      %get3A_1548 = arith.constant 16 : index
      %get3A_1549 = tpu.vector_load %arg10[%get3A_1547, %get3A_1548] {strides = array<i32>} : memref<32x32xf32, #tpu.memory_space<vmem>>, vector<16xf32>,
      %mul3A_1550 = arith.mulf %get3A_1537, %get3A_1545 : vector<16xf32>
      %mul3A_1551 = arith.mulf %get3A_1541, %get3A_1549 : vector<16xf32>
      %add3A_1552 = arith.addf %mul3A_1550, %mul3A_1551 : vector<16xf32>
      %eq3A_1553 = arith.constant 12 : i32
      %eq3A_1554 = vector.broadcast %eq3A_1553 : i32 to vector<16xi32>
      %eq3A_1555 = arith.cmpi eq, %iota3A, %eq3A_1554 : vector<16xi32>
      %reduce_sum3A_1556 = arith.constant true
      %reduce_sum3A_1557 = vector.broadcast %reduce_sum3A_1556 : i1 to vector<16xi1>
      %reduce_sum3A_1558 = tpu.scan <sum>, %add3A_1552 masked %reduce_sum3A_1557 : vector<16xf32>, vector<16xi1> -> vector<16xf32>
      %reduce_sum3A_1559 = vector.extract %reduce_sum3A_1558[15] : f32 from vector<16xf32>
      %broadcast_in_dim3A_1560 = vector.broadcast %reduce_sum3A_1559 : f32 to vector<16xf32>
      %select_n3A_1561 = arith.select %eq3A_1555, %broadcast_in_dim3A_1560, %select_n3A_1533 : vector<16xi1>, vector<16xf32>
      %get3A_1562 = arith.constant 13 : i32
      %get3A_1563 = arith.index_cast %get3A_1562 : i32 to index
      %get3A_1564 = arith.constant 0 : index
      %get3A_1565 = tpu.vector_load %arg9[%get3A_1563, %get3A_1564] {strides = array<i32>} : memref<32x32xf32, #tpu.memory_space<vmem>>, vector<16xf32>,
      %get3A_1566 = arith.constant 13 : i32
      %get3A_1567 = arith.index_cast %get3A_1566 : i32 to index
      %get3A_1568 = arith.constant 16 : index
      %get3A_1569 = tpu.vector_load %arg9[%get3A_1567, %get3A_1568] {strides = array<i32>} : memref<32x32xf32, #tpu.memory_space<vmem>>, vector<16xf32>,
      %get3A_1570 = arith.constant 13 : i32
      %get3A_1571 = arith.index_cast %get3A_1570 : i32 to index
      %get3A_1572 = arith.constant 0 : index
      %get3A_1573 = tpu.vector_load %arg10[%get3A_1571, %get3A_1572] {strides = array<i32>} : memref<32x32xf32, #tpu.memory_space<vmem>>, vector<16xf32>,
      %get3A_1574 = arith.constant 13 : i32
      %get3A_1575 = arith.index_cast %get3A_1574 : i32 to index
      %get3A_1576 = arith.constant 16 : index
      %get3A_1577 = tpu.vector_load %arg10[%get3A_1575, %get3A_1576] {strides = array<i32>} : memref<32x32xf32, #tpu.memory_space<vmem>>, vector<16xf32>,
      %mul3A_1578 = arith.mulf %get3A_1565, %get3A_1573 : vector<16xf32>
      %mul3A_1579 = arith.mulf %get3A_1569, %get3A_1577 : vector<16xf32>
      %add3A_1580 = arith.addf %mul3A_1578, %mul3A_1579 : vector<16xf32>
      %eq3A_1581 = arith.constant 13 : i32
      %eq3A_1582 = vector.broadcast %eq3A_1581 : i32 to vector<16xi32>
      %eq3A_1583 = arith.cmpi eq, %iota3A, %eq3A_1582 : vector<16xi32>
      %reduce_sum3A_1584 = arith.constant true
      %reduce_sum3A_1585 = vector.broadcast %reduce_sum3A_1584 : i1 to vector<16xi1>
      %reduce_sum3A_1586 = tpu.scan <sum>, %add3A_1580 masked %reduce_sum3A_1585 : vector<16xf32>, vector<16xi1> -> vector<16xf32>
      %reduce_sum3A_1587 = vector.extract %reduce_sum3A_1586[15] : f32 from vector<16xf32>
      %broadcast_in_dim3A_1588 = vector.broadcast %reduce_sum3A_1587 : f32 to vector<16xf32>
      %select_n3A_1589 = arith.select %eq3A_1583, %broadcast_in_dim3A_1588, %select_n3A_1561 : vector<16xi1>, vector<16xf32>
      %get3A_1590 = arith.constant 14 : i32
      %get3A_1591 = arith.index_cast %get3A_1590 : i32 to index
      %get3A_1592 = arith.constant 0 : index
      %get3A_1593 = tpu.vector_load %arg9[%get3A_1591, %get3A_1592] {strides = array<i32>} : memref<32x32xf32, #tpu.memory_space<vmem>>, vector<16xf32>,
      %get3A_1594 = arith.constant 14 : i32
      %get3A_1595 = arith.index_cast %get3A_1594 : i32 to index
      %get3A_1596 = arith.constant 16 : index
      %get3A_1597 = tpu.vector_load %arg9[%get3A_1595, %get3A_1596] {strides = array<i32>} : memref<32x32xf32, #tpu.memory_space<vmem>>, vector<16xf32>,
      %get3A_1598 = arith.constant 14 : i32
      %get3A_1599 = arith.index_cast %get3A_1598 : i32 to index
      %get3A_1600 = arith.constant 0 : index
      %get3A_1601 = tpu.vector_load %arg10[%get3A_1599, %get3A_1600] {strides = array<i32>} : memref<32x32xf32, #tpu.memory_space<vmem>>, vector<16xf32>,
      %get3A_1602 = arith.constant 14 : i32
      %get3A_1603 = arith.index_cast %get3A_1602 : i32 to index
      %get3A_1604 = arith.constant 16 : index
      %get3A_1605 = tpu.vector_load %arg10[%get3A_1603, %get3A_1604] {strides = array<i32>} : memref<32x32xf32, #tpu.memory_space<vmem>>, vector<16xf32>,
      %mul3A_1606 = arith.mulf %get3A_1593, %get3A_1601 : vector<16xf32>
      %mul3A_1607 = arith.mulf %get3A_1597, %get3A_1605 : vector<16xf32>
      %add3A_1608 = arith.addf %mul3A_1606, %mul3A_1607 : vector<16xf32>
      %eq3A_1609 = arith.constant 14 : i32
      %eq3A_1610 = vector.broadcast %eq3A_1609 : i32 to vector<16xi32>
      %eq3A_1611 = arith.cmpi eq, %iota3A, %eq3A_1610 : vector<16xi32>
      %reduce_sum3A_1612 = arith.constant true
      %reduce_sum3A_1613 = vector.broadcast %reduce_sum3A_1612 : i1 to vector<16xi1>
      %reduce_sum3A_1614 = tpu.scan <sum>, %add3A_1608 masked %reduce_sum3A_1613 : vector<16xf32>, vector<16xi1> -> vector<16xf32>
      %reduce_sum3A_1615 = vector.extract %reduce_sum3A_1614[15] : f32 from vector<16xf32>
      %broadcast_in_dim3A_1616 = vector.broadcast %reduce_sum3A_1615 : f32 to vector<16xf32>
      %select_n3A_1617 = arith.select %eq3A_1611, %broadcast_in_dim3A_1616, %select_n3A_1589 : vector<16xi1>, vector<16xf32>
      %get3A_1618 = arith.constant 15 : i32
      %get3A_1619 = arith.index_cast %get3A_1618 : i32 to index
      %get3A_1620 = arith.constant 0 : index
      %get3A_1621 = tpu.vector_load %arg9[%get3A_1619, %get3A_1620] {strides = array<i32>} : memref<32x32xf32, #tpu.memory_space<vmem>>, vector<16xf32>,
      %get3A_1622 = arith.constant 15 : i32
      %get3A_1623 = arith.index_cast %get3A_1622 : i32 to index
      %get3A_1624 = arith.constant 16 : index
      %get3A_1625 = tpu.vector_load %arg9[%get3A_1623, %get3A_1624] {strides = array<i32>} : memref<32x32xf32, #tpu.memory_space<vmem>>, vector<16xf32>,
      %get3A_1626 = arith.constant 15 : i32
      %get3A_1627 = arith.index_cast %get3A_1626 : i32 to index
      %get3A_1628 = arith.constant 0 : index
      %get3A_1629 = tpu.vector_load %arg10[%get3A_1627, %get3A_1628] {strides = array<i32>} : memref<32x32xf32, #tpu.memory_space<vmem>>, vector<16xf32>,
      %get3A_1630 = arith.constant 15 : i32
      %get3A_1631 = arith.index_cast %get3A_1630 : i32 to index
      %get3A_1632 = arith.constant 16 : index
      %get3A_1633 = tpu.vector_load %arg10[%get3A_1631, %get3A_1632] {strides = array<i32>} : memref<32x32xf32, #tpu.memory_space<vmem>>, vector<16xf32>,
      %mul3A_1634 = arith.mulf %get3A_1621, %get3A_1629 : vector<16xf32>
      %mul3A_1635 = arith.mulf %get3A_1625, %get3A_1633 : vector<16xf32>
      %add3A_1636 = arith.addf %mul3A_1634, %mul3A_1635 : vector<16xf32>
      %eq3A_1637 = arith.constant 15 : i32
      %eq3A_1638 = vector.broadcast %eq3A_1637 : i32 to vector<16xi32>
      %eq3A_1639 = arith.cmpi eq, %iota3A, %eq3A_1638 : vector<16xi32>
      %reduce_sum3A_1640 = arith.constant true
      %reduce_sum3A_1641 = vector.broadcast %reduce_sum3A_1640 : i1 to vector<16xi1>
      %reduce_sum3A_1642 = tpu.scan <sum>, %add3A_1636 masked %reduce_sum3A_1641 : vector<16xf32>, vector<16xi1> -> vector<16xf32>
      %reduce_sum3A_1643 = vector.extract %reduce_sum3A_1642[15] : f32 from vector<16xf32>
      %broadcast_in_dim3A_1644 = vector.broadcast %reduce_sum3A_1643 : f32 to vector<16xf32>
      %select_n3A_1645 = arith.select %eq3A_1639, %broadcast_in_dim3A_1644, %select_n3A_1617 : vector<16xi1>, vector<16xf32>
      %mul3A_1646 = arith.constant 16 : i32
      %mul3A_1647 = arith.muli %mul3A_34, %mul3A_1646 : i32
      %swap3A = arith.index_cast %mul3A_1647 : i32 to index
      %swap3A_1648 = tpu.vector_load %arg11[%swap3A] {strides = array<i32>} : memref<512xf32, #tpu.memory_space<vmem>>, vector<16xf32>,
      tpu.vector_store %arg11[%swap3A], %select_n3A_1645 {strides = array<i32>} : memref<512xf32, #tpu.memory_space<vmem>>, vector<16xf32>,
      %dma_wait3A_1649 = arith.constant 16 : i32
      %dma_wait3A_1650 = arith.constant 0 : i32
      %dma_wait3A_1651 = tpu.memref_slice %arg9[%dma_wait3A_1649, %dma_wait3A_1650] : memref<32x32xf32, #tpu.memory_space<vmem>> -> memref<1x32xf32, #tpu.memory_space<vmem>>
      %dma_wait3A_1652 = arith.constant 0 : i32
      %dma_wait3A_1653 = arith.constant 0 : i32
      %dma_wait3A_1654 = tpu.memref_slice %arg4[%dma_wait3A_1652, %dma_wait3A_1653] : memref<1000000x32xf32, #tpu.memory_space<hbm>> -> memref<1x32xf32, #tpu.memory_space<hbm>>
      %dma_wait3A_1655 = arith.constant 16 : i32
      %dma_wait3A_1656 = arith.constant 0 : i32
      %dma_wait3A_1657 = tpu.memref_slice %arg9[%dma_wait3A_1655, %dma_wait3A_1656] : memref<32x32xf32, #tpu.memory_space<vmem>> -> memref<1x32xf32, #tpu.memory_space<vmem>>
      %dma_wait3A_1658 = arith.constant 0 : i32
      %dma_wait3A_1659 = arith.constant 0 : i32
      %dma_wait3A_1660 = tpu.memref_slice %arg4[%dma_wait3A_1658, %dma_wait3A_1659] : memref<1000000x32xf32, #tpu.memory_space<hbm>> -> memref<1x32xf32, #tpu.memory_space<hbm>>
      tpu.wait_dma2 semaphore(%arg14 : memref<!tpu.dma_semaphore, #tpu.memory_space<semaphore_mem>>) src(%dma_wait3A_1660 : memref<1x32xf32, #tpu.memory_space<hbm>>) dst(%dma_wait3A_1657 : memref<1x32xf32, #tpu.memory_space<vmem>>)
      %dma_wait3A_1661 = arith.constant 16 : i32
      %dma_wait3A_1662 = arith.constant 0 : i32
      %dma_wait3A_1663 = tpu.memref_slice %arg10[%dma_wait3A_1661, %dma_wait3A_1662] : memref<32x32xf32, #tpu.memory_space<vmem>> -> memref<1x32xf32, #tpu.memory_space<vmem>>
      %dma_wait3A_1664 = arith.constant 0 : i32
      %dma_wait3A_1665 = arith.constant 0 : i32
      %dma_wait3A_1666 = tpu.memref_slice %arg5[%dma_wait3A_1664, %dma_wait3A_1665] : memref<100000x32xf32, #tpu.memory_space<hbm>> -> memref<1x32xf32, #tpu.memory_space<hbm>>
      %dma_wait3A_1667 = arith.constant 16 : i32
      %dma_wait3A_1668 = arith.constant 0 : i32
      %dma_wait3A_1669 = tpu.memref_slice %arg10[%dma_wait3A_1667, %dma_wait3A_1668] : memref<32x32xf32, #tpu.memory_space<vmem>> -> memref<1x32xf32, #tpu.memory_space<vmem>>
      %dma_wait3A_1670 = arith.constant 0 : i32
      %dma_wait3A_1671 = arith.constant 0 : i32
      %dma_wait3A_1672 = tpu.memref_slice %arg5[%dma_wait3A_1670, %dma_wait3A_1671] : memref<100000x32xf32, #tpu.memory_space<hbm>> -> memref<1x32xf32, #tpu.memory_space<hbm>>
      tpu.wait_dma2 semaphore(%arg15 : memref<!tpu.dma_semaphore, #tpu.memory_space<semaphore_mem>>) src(%dma_wait3A_1672 : memref<1x32xf32, #tpu.memory_space<hbm>>) dst(%dma_wait3A_1669 : memref<1x32xf32, #tpu.memory_space<vmem>>)
      %dma_wait3A_1673 = arith.constant 17 : i32
      %dma_wait3A_1674 = arith.constant 0 : i32
      %dma_wait3A_1675 = tpu.memref_slice %arg9[%dma_wait3A_1673, %dma_wait3A_1674] : memref<32x32xf32, #tpu.memory_space<vmem>> -> memref<1x32xf32, #tpu.memory_space<vmem>>
      %dma_wait3A_1676 = arith.constant 0 : i32
      %dma_wait3A_1677 = arith.constant 0 : i32
      %dma_wait3A_1678 = tpu.memref_slice %arg4[%dma_wait3A_1676, %dma_wait3A_1677] : memref<1000000x32xf32, #tpu.memory_space<hbm>> -> memref<1x32xf32, #tpu.memory_space<hbm>>
      %dma_wait3A_1679 = arith.constant 17 : i32
      %dma_wait3A_1680 = arith.constant 0 : i32
      %dma_wait3A_1681 = tpu.memref_slice %arg9[%dma_wait3A_1679, %dma_wait3A_1680] : memref<32x32xf32, #tpu.memory_space<vmem>> -> memref<1x32xf32, #tpu.memory_space<vmem>>
      %dma_wait3A_1682 = arith.constant 0 : i32
      %dma_wait3A_1683 = arith.constant 0 : i32
      %dma_wait3A_1684 = tpu.memref_slice %arg4[%dma_wait3A_1682, %dma_wait3A_1683] : memref<1000000x32xf32, #tpu.memory_space<hbm>> -> memref<1x32xf32, #tpu.memory_space<hbm>>
      tpu.wait_dma2 semaphore(%arg14 : memref<!tpu.dma_semaphore, #tpu.memory_space<semaphore_mem>>) src(%dma_wait3A_1684 : memref<1x32xf32, #tpu.memory_space<hbm>>) dst(%dma_wait3A_1681 : memref<1x32xf32, #tpu.memory_space<vmem>>)
      %dma_wait3A_1685 = arith.constant 17 : i32
      %dma_wait3A_1686 = arith.constant 0 : i32
      %dma_wait3A_1687 = tpu.memref_slice %arg10[%dma_wait3A_1685, %dma_wait3A_1686] : memref<32x32xf32, #tpu.memory_space<vmem>> -> memref<1x32xf32, #tpu.memory_space<vmem>>
      %dma_wait3A_1688 = arith.constant 0 : i32
      %dma_wait3A_1689 = arith.constant 0 : i32
      %dma_wait3A_1690 = tpu.memref_slice %arg5[%dma_wait3A_1688, %dma_wait3A_1689] : memref<100000x32xf32, #tpu.memory_space<hbm>> -> memref<1x32xf32, #tpu.memory_space<hbm>>
      %dma_wait3A_1691 = arith.constant 17 : i32
      %dma_wait3A_1692 = arith.constant 0 : i32
      %dma_wait3A_1693 = tpu.memref_slice %arg10[%dma_wait3A_1691, %dma_wait3A_1692] : memref<32x32xf32, #tpu.memory_space<vmem>> -> memref<1x32xf32, #tpu.memory_space<vmem>>
      %dma_wait3A_1694 = arith.constant 0 : i32
      %dma_wait3A_1695 = arith.constant 0 : i32
      %dma_wait3A_1696 = tpu.memref_slice %arg5[%dma_wait3A_1694, %dma_wait3A_1695] : memref<100000x32xf32, #tpu.memory_space<hbm>> -> memref<1x32xf32, #tpu.memory_space<hbm>>
      tpu.wait_dma2 semaphore(%arg15 : memref<!tpu.dma_semaphore, #tpu.memory_space<semaphore_mem>>) src(%dma_wait3A_1696 : memref<1x32xf32, #tpu.memory_space<hbm>>) dst(%dma_wait3A_1693 : memref<1x32xf32, #tpu.memory_space<vmem>>)
      %dma_wait3A_1697 = arith.constant 18 : i32
      %dma_wait3A_1698 = arith.constant 0 : i32
      %dma_wait3A_1699 = tpu.memref_slice %arg9[%dma_wait3A_1697, %dma_wait3A_1698] : memref<32x32xf32, #tpu.memory_space<vmem>> -> memref<1x32xf32, #tpu.memory_space<vmem>>
      %dma_wait3A_1700 = arith.constant 0 : i32
      %dma_wait3A_1701 = arith.constant 0 : i32
      %dma_wait3A_1702 = tpu.memref_slice %arg4[%dma_wait3A_1700, %dma_wait3A_1701] : memref<1000000x32xf32, #tpu.memory_space<hbm>> -> memref<1x32xf32, #tpu.memory_space<hbm>>
      %dma_wait3A_1703 = arith.constant 18 : i32
      %dma_wait3A_1704 = arith.constant 0 : i32
      %dma_wait3A_1705 = tpu.memref_slice %arg9[%dma_wait3A_1703, %dma_wait3A_1704] : memref<32x32xf32, #tpu.memory_space<vmem>> -> memref<1x32xf32, #tpu.memory_space<vmem>>
      %dma_wait3A_1706 = arith.constant 0 : i32
      %dma_wait3A_1707 = arith.constant 0 : i32
      %dma_wait3A_1708 = tpu.memref_slice %arg4[%dma_wait3A_1706, %dma_wait3A_1707] : memref<1000000x32xf32, #tpu.memory_space<hbm>> -> memref<1x32xf32, #tpu.memory_space<hbm>>
      tpu.wait_dma2 semaphore(%arg14 : memref<!tpu.dma_semaphore, #tpu.memory_space<semaphore_mem>>) src(%dma_wait3A_1708 : memref<1x32xf32, #tpu.memory_space<hbm>>) dst(%dma_wait3A_1705 : memref<1x32xf32, #tpu.memory_space<vmem>>)
      %dma_wait3A_1709 = arith.constant 18 : i32
      %dma_wait3A_1710 = arith.constant 0 : i32
      %dma_wait3A_1711 = tpu.memref_slice %arg10[%dma_wait3A_1709, %dma_wait3A_1710] : memref<32x32xf32, #tpu.memory_space<vmem>> -> memref<1x32xf32, #tpu.memory_space<vmem>>
      %dma_wait3A_1712 = arith.constant 0 : i32
      %dma_wait3A_1713 = arith.constant 0 : i32
      %dma_wait3A_1714 = tpu.memref_slice %arg5[%dma_wait3A_1712, %dma_wait3A_1713] : memref<100000x32xf32, #tpu.memory_space<hbm>> -> memref<1x32xf32, #tpu.memory_space<hbm>>
      %dma_wait3A_1715 = arith.constant 18 : i32
      %dma_wait3A_1716 = arith.constant 0 : i32
      %dma_wait3A_1717 = tpu.memref_slice %arg10[%dma_wait3A_1715, %dma_wait3A_1716] : memref<32x32xf32, #tpu.memory_space<vmem>> -> memref<1x32xf32, #tpu.memory_space<vmem>>
      %dma_wait3A_1718 = arith.constant 0 : i32
      %dma_wait3A_1719 = arith.constant 0 : i32
      %dma_wait3A_1720 = tpu.memref_slice %arg5[%dma_wait3A_1718, %dma_wait3A_1719] : memref<100000x32xf32, #tpu.memory_space<hbm>> -> memref<1x32xf32, #tpu.memory_space<hbm>>
      tpu.wait_dma2 semaphore(%arg15 : memref<!tpu.dma_semaphore, #tpu.memory_space<semaphore_mem>>) src(%dma_wait3A_1720 : memref<1x32xf32, #tpu.memory_space<hbm>>) dst(%dma_wait3A_1717 : memref<1x32xf32, #tpu.memory_space<vmem>>)
      %dma_wait3A_1721 = arith.constant 19 : i32
      %dma_wait3A_1722 = arith.constant 0 : i32
      %dma_wait3A_1723 = tpu.memref_slice %arg9[%dma_wait3A_1721, %dma_wait3A_1722] : memref<32x32xf32, #tpu.memory_space<vmem>> -> memref<1x32xf32, #tpu.memory_space<vmem>>
      %dma_wait3A_1724 = arith.constant 0 : i32
      %dma_wait3A_1725 = arith.constant 0 : i32
      %dma_wait3A_1726 = tpu.memref_slice %arg4[%dma_wait3A_1724, %dma_wait3A_1725] : memref<1000000x32xf32, #tpu.memory_space<hbm>> -> memref<1x32xf32, #tpu.memory_space<hbm>>
      %dma_wait3A_1727 = arith.constant 19 : i32
      %dma_wait3A_1728 = arith.constant 0 : i32
      %dma_wait3A_1729 = tpu.memref_slice %arg9[%dma_wait3A_1727, %dma_wait3A_1728] : memref<32x32xf32, #tpu.memory_space<vmem>> -> memref<1x32xf32, #tpu.memory_space<vmem>>
      %dma_wait3A_1730 = arith.constant 0 : i32
      %dma_wait3A_1731 = arith.constant 0 : i32
      %dma_wait3A_1732 = tpu.memref_slice %arg4[%dma_wait3A_1730, %dma_wait3A_1731] : memref<1000000x32xf32, #tpu.memory_space<hbm>> -> memref<1x32xf32, #tpu.memory_space<hbm>>
      tpu.wait_dma2 semaphore(%arg14 : memref<!tpu.dma_semaphore, #tpu.memory_space<semaphore_mem>>) src(%dma_wait3A_1732 : memref<1x32xf32, #tpu.memory_space<hbm>>) dst(%dma_wait3A_1729 : memref<1x32xf32, #tpu.memory_space<vmem>>)
      %dma_wait3A_1733 = arith.constant 19 : i32
      %dma_wait3A_1734 = arith.constant 0 : i32
      %dma_wait3A_1735 = tpu.memref_slice %arg10[%dma_wait3A_1733, %dma_wait3A_1734] : memref<32x32xf32, #tpu.memory_space<vmem>> -> memref<1x32xf32, #tpu.memory_space<vmem>>
      %dma_wait3A_1736 = arith.constant 0 : i32
      %dma_wait3A_1737 = arith.constant 0 : i32
      %dma_wait3A_1738 = tpu.memref_slice %arg5[%dma_wait3A_1736, %dma_wait3A_1737] : memref<100000x32xf32, #tpu.memory_space<hbm>> -> memref<1x32xf32, #tpu.memory_space<hbm>>
      %dma_wait3A_1739 = arith.constant 19 : i32
      %dma_wait3A_1740 = arith.constant 0 : i32
      %dma_wait3A_1741 = tpu.memref_slice %arg10[%dma_wait3A_1739, %dma_wait3A_1740] : memref<32x32xf32, #tpu.memory_space<vmem>> -> memref<1x32xf32, #tpu.memory_space<vmem>>
      %dma_wait3A_1742 = arith.constant 0 : i32
      %dma_wait3A_1743 = arith.constant 0 : i32
      %dma_wait3A_1744 = tpu.memref_slice %arg5[%dma_wait3A_1742, %dma_wait3A_1743] : memref<100000x32xf32, #tpu.memory_space<hbm>> -> memref<1x32xf32, #tpu.memory_space<hbm>>
      tpu.wait_dma2 semaphore(%arg15 : memref<!tpu.dma_semaphore, #tpu.memory_space<semaphore_mem>>) src(%dma_wait3A_1744 : memref<1x32xf32, #tpu.memory_space<hbm>>) dst(%dma_wait3A_1741 : memref<1x32xf32, #tpu.memory_space<vmem>>)
      %dma_wait3A_1745 = arith.constant 20 : i32
      %dma_wait3A_1746 = arith.constant 0 : i32
      %dma_wait3A_1747 = tpu.memref_slice %arg9[%dma_wait3A_1745, %dma_wait3A_1746] : memref<32x32xf32, #tpu.memory_space<vmem>> -> memref<1x32xf32, #tpu.memory_space<vmem>>
      %dma_wait3A_1748 = arith.constant 0 : i32
      %dma_wait3A_1749 = arith.constant 0 : i32
      %dma_wait3A_1750 = tpu.memref_slice %arg4[%dma_wait3A_1748, %dma_wait3A_1749] : memref<1000000x32xf32, #tpu.memory_space<hbm>> -> memref<1x32xf32, #tpu.memory_space<hbm>>
      %dma_wait3A_1751 = arith.constant 20 : i32
      %dma_wait3A_1752 = arith.constant 0 : i32
      %dma_wait3A_1753 = tpu.memref_slice %arg9[%dma_wait3A_1751, %dma_wait3A_1752] : memref<32x32xf32, #tpu.memory_space<vmem>> -> memref<1x32xf32, #tpu.memory_space<vmem>>
      %dma_wait3A_1754 = arith.constant 0 : i32
      %dma_wait3A_1755 = arith.constant 0 : i32
      %dma_wait3A_1756 = tpu.memref_slice %arg4[%dma_wait3A_1754, %dma_wait3A_1755] : memref<1000000x32xf32, #tpu.memory_space<hbm>> -> memref<1x32xf32, #tpu.memory_space<hbm>>
      tpu.wait_dma2 semaphore(%arg14 : memref<!tpu.dma_semaphore, #tpu.memory_space<semaphore_mem>>) src(%dma_wait3A_1756 : memref<1x32xf32, #tpu.memory_space<hbm>>) dst(%dma_wait3A_1753 : memref<1x32xf32, #tpu.memory_space<vmem>>)
      %dma_wait3A_1757 = arith.constant 20 : i32
      %dma_wait3A_1758 = arith.constant 0 : i32
      %dma_wait3A_1759 = tpu.memref_slice %arg10[%dma_wait3A_1757, %dma_wait3A_1758] : memref<32x32xf32, #tpu.memory_space<vmem>> -> memref<1x32xf32, #tpu.memory_space<vmem>>
      %dma_wait3A_1760 = arith.constant 0 : i32
      %dma_wait3A_1761 = arith.constant 0 : i32
      %dma_wait3A_1762 = tpu.memref_slice %arg5[%dma_wait3A_1760, %dma_wait3A_1761] : memref<100000x32xf32, #tpu.memory_space<hbm>> -> memref<1x32xf32, #tpu.memory_space<hbm>>
      %dma_wait3A_1763 = arith.constant 20 : i32
      %dma_wait3A_1764 = arith.constant 0 : i32
      %dma_wait3A_1765 = tpu.memref_slice %arg10[%dma_wait3A_1763, %dma_wait3A_1764] : memref<32x32xf32, #tpu.memory_space<vmem>> -> memref<1x32xf32, #tpu.memory_space<vmem>>
      %dma_wait3A_1766 = arith.constant 0 : i32
      %dma_wait3A_1767 = arith.constant 0 : i32
      %dma_wait3A_1768 = tpu.memref_slice %arg5[%dma_wait3A_1766, %dma_wait3A_1767] : memref<100000x32xf32, #tpu.memory_space<hbm>> -> memref<1x32xf32, #tpu.memory_space<hbm>>
      tpu.wait_dma2 semaphore(%arg15 : memref<!tpu.dma_semaphore, #tpu.memory_space<semaphore_mem>>) src(%dma_wait3A_1768 : memref<1x32xf32, #tpu.memory_space<hbm>>) dst(%dma_wait3A_1765 : memref<1x32xf32, #tpu.memory_space<vmem>>)
      %dma_wait3A_1769 = arith.constant 21 : i32
      %dma_wait3A_1770 = arith.constant 0 : i32
      %dma_wait3A_1771 = tpu.memref_slice %arg9[%dma_wait3A_1769, %dma_wait3A_1770] : memref<32x32xf32, #tpu.memory_space<vmem>> -> memref<1x32xf32, #tpu.memory_space<vmem>>
      %dma_wait3A_1772 = arith.constant 0 : i32
      %dma_wait3A_1773 = arith.constant 0 : i32
      %dma_wait3A_1774 = tpu.memref_slice %arg4[%dma_wait3A_1772, %dma_wait3A_1773] : memref<1000000x32xf32, #tpu.memory_space<hbm>> -> memref<1x32xf32, #tpu.memory_space<hbm>>
      %dma_wait3A_1775 = arith.constant 21 : i32
      %dma_wait3A_1776 = arith.constant 0 : i32
      %dma_wait3A_1777 = tpu.memref_slice %arg9[%dma_wait3A_1775, %dma_wait3A_1776] : memref<32x32xf32, #tpu.memory_space<vmem>> -> memref<1x32xf32, #tpu.memory_space<vmem>>
      %dma_wait3A_1778 = arith.constant 0 : i32
      %dma_wait3A_1779 = arith.constant 0 : i32
      %dma_wait3A_1780 = tpu.memref_slice %arg4[%dma_wait3A_1778, %dma_wait3A_1779] : memref<1000000x32xf32, #tpu.memory_space<hbm>> -> memref<1x32xf32, #tpu.memory_space<hbm>>
      tpu.wait_dma2 semaphore(%arg14 : memref<!tpu.dma_semaphore, #tpu.memory_space<semaphore_mem>>) src(%dma_wait3A_1780 : memref<1x32xf32, #tpu.memory_space<hbm>>) dst(%dma_wait3A_1777 : memref<1x32xf32, #tpu.memory_space<vmem>>)
      %dma_wait3A_1781 = arith.constant 21 : i32
      %dma_wait3A_1782 = arith.constant 0 : i32
      %dma_wait3A_1783 = tpu.memref_slice %arg10[%dma_wait3A_1781, %dma_wait3A_1782] : memref<32x32xf32, #tpu.memory_space<vmem>> -> memref<1x32xf32, #tpu.memory_space<vmem>>
      %dma_wait3A_1784 = arith.constant 0 : i32
      %dma_wait3A_1785 = arith.constant 0 : i32
      %dma_wait3A_1786 = tpu.memref_slice %arg5[%dma_wait3A_1784, %dma_wait3A_1785] : memref<100000x32xf32, #tpu.memory_space<hbm>> -> memref<1x32xf32, #tpu.memory_space<hbm>>
      %dma_wait3A_1787 = arith.constant 21 : i32
      %dma_wait3A_1788 = arith.constant 0 : i32
      %dma_wait3A_1789 = tpu.memref_slice %arg10[%dma_wait3A_1787, %dma_wait3A_1788] : memref<32x32xf32, #tpu.memory_space<vmem>> -> memref<1x32xf32, #tpu.memory_space<vmem>>
      %dma_wait3A_1790 = arith.constant 0 : i32
      %dma_wait3A_1791 = arith.constant 0 : i32
      %dma_wait3A_1792 = tpu.memref_slice %arg5[%dma_wait3A_1790, %dma_wait3A_1791] : memref<100000x32xf32, #tpu.memory_space<hbm>> -> memref<1x32xf32, #tpu.memory_space<hbm>>
      tpu.wait_dma2 semaphore(%arg15 : memref<!tpu.dma_semaphore, #tpu.memory_space<semaphore_mem>>) src(%dma_wait3A_1792 : memref<1x32xf32, #tpu.memory_space<hbm>>) dst(%dma_wait3A_1789 : memref<1x32xf32, #tpu.memory_space<vmem>>)
      %dma_wait3A_1793 = arith.constant 22 : i32
      %dma_wait3A_1794 = arith.constant 0 : i32
      %dma_wait3A_1795 = tpu.memref_slice %arg9[%dma_wait3A_1793, %dma_wait3A_1794] : memref<32x32xf32, #tpu.memory_space<vmem>> -> memref<1x32xf32, #tpu.memory_space<vmem>>
      %dma_wait3A_1796 = arith.constant 0 : i32
      %dma_wait3A_1797 = arith.constant 0 : i32
      %dma_wait3A_1798 = tpu.memref_slice %arg4[%dma_wait3A_1796, %dma_wait3A_1797] : memref<1000000x32xf32, #tpu.memory_space<hbm>> -> memref<1x32xf32, #tpu.memory_space<hbm>>
      %dma_wait3A_1799 = arith.constant 22 : i32
      %dma_wait3A_1800 = arith.constant 0 : i32
      %dma_wait3A_1801 = tpu.memref_slice %arg9[%dma_wait3A_1799, %dma_wait3A_1800] : memref<32x32xf32, #tpu.memory_space<vmem>> -> memref<1x32xf32, #tpu.memory_space<vmem>>
      %dma_wait3A_1802 = arith.constant 0 : i32
      %dma_wait3A_1803 = arith.constant 0 : i32
      %dma_wait3A_1804 = tpu.memref_slice %arg4[%dma_wait3A_1802, %dma_wait3A_1803] : memref<1000000x32xf32, #tpu.memory_space<hbm>> -> memref<1x32xf32, #tpu.memory_space<hbm>>
      tpu.wait_dma2 semaphore(%arg14 : memref<!tpu.dma_semaphore, #tpu.memory_space<semaphore_mem>>) src(%dma_wait3A_1804 : memref<1x32xf32, #tpu.memory_space<hbm>>) dst(%dma_wait3A_1801 : memref<1x32xf32, #tpu.memory_space<vmem>>)
      %dma_wait3A_1805 = arith.constant 22 : i32
      %dma_wait3A_1806 = arith.constant 0 : i32
      %dma_wait3A_1807 = tpu.memref_slice %arg10[%dma_wait3A_1805, %dma_wait3A_1806] : memref<32x32xf32, #tpu.memory_space<vmem>> -> memref<1x32xf32, #tpu.memory_space<vmem>>
      %dma_wait3A_1808 = arith.constant 0 : i32
      %dma_wait3A_1809 = arith.constant 0 : i32
      %dma_wait3A_1810 = tpu.memref_slice %arg5[%dma_wait3A_1808, %dma_wait3A_1809] : memref<100000x32xf32, #tpu.memory_space<hbm>> -> memref<1x32xf32, #tpu.memory_space<hbm>>
      %dma_wait3A_1811 = arith.constant 22 : i32
      %dma_wait3A_1812 = arith.constant 0 : i32
      %dma_wait3A_1813 = tpu.memref_slice %arg10[%dma_wait3A_1811, %dma_wait3A_1812] : memref<32x32xf32, #tpu.memory_space<vmem>> -> memref<1x32xf32, #tpu.memory_space<vmem>>
      %dma_wait3A_1814 = arith.constant 0 : i32
      %dma_wait3A_1815 = arith.constant 0 : i32
      %dma_wait3A_1816 = tpu.memref_slice %arg5[%dma_wait3A_1814, %dma_wait3A_1815] : memref<100000x32xf32, #tpu.memory_space<hbm>> -> memref<1x32xf32, #tpu.memory_space<hbm>>
      tpu.wait_dma2 semaphore(%arg15 : memref<!tpu.dma_semaphore, #tpu.memory_space<semaphore_mem>>) src(%dma_wait3A_1816 : memref<1x32xf32, #tpu.memory_space<hbm>>) dst(%dma_wait3A_1813 : memref<1x32xf32, #tpu.memory_space<vmem>>)
      %dma_wait3A_1817 = arith.constant 23 : i32
      %dma_wait3A_1818 = arith.constant 0 : i32
      %dma_wait3A_1819 = tpu.memref_slice %arg9[%dma_wait3A_1817, %dma_wait3A_1818] : memref<32x32xf32, #tpu.memory_space<vmem>> -> memref<1x32xf32, #tpu.memory_space<vmem>>
      %dma_wait3A_1820 = arith.constant 0 : i32
      %dma_wait3A_1821 = arith.constant 0 : i32
      %dma_wait3A_1822 = tpu.memref_slice %arg4[%dma_wait3A_1820, %dma_wait3A_1821] : memref<1000000x32xf32, #tpu.memory_space<hbm>> -> memref<1x32xf32, #tpu.memory_space<hbm>>
      %dma_wait3A_1823 = arith.constant 23 : i32
      %dma_wait3A_1824 = arith.constant 0 : i32
      %dma_wait3A_1825 = tpu.memref_slice %arg9[%dma_wait3A_1823, %dma_wait3A_1824] : memref<32x32xf32, #tpu.memory_space<vmem>> -> memref<1x32xf32, #tpu.memory_space<vmem>>
      %dma_wait3A_1826 = arith.constant 0 : i32
      %dma_wait3A_1827 = arith.constant 0 : i32
      %dma_wait3A_1828 = tpu.memref_slice %arg4[%dma_wait3A_1826, %dma_wait3A_1827] : memref<1000000x32xf32, #tpu.memory_space<hbm>> -> memref<1x32xf32, #tpu.memory_space<hbm>>
      tpu.wait_dma2 semaphore(%arg14 : memref<!tpu.dma_semaphore, #tpu.memory_space<semaphore_mem>>) src(%dma_wait3A_1828 : memref<1x32xf32, #tpu.memory_space<hbm>>) dst(%dma_wait3A_1825 : memref<1x32xf32, #tpu.memory_space<vmem>>)
      %dma_wait3A_1829 = arith.constant 23 : i32
      %dma_wait3A_1830 = arith.constant 0 : i32
      %dma_wait3A_1831 = tpu.memref_slice %arg10[%dma_wait3A_1829, %dma_wait3A_1830] : memref<32x32xf32, #tpu.memory_space<vmem>> -> memref<1x32xf32, #tpu.memory_space<vmem>>
      %dma_wait3A_1832 = arith.constant 0 : i32
      %dma_wait3A_1833 = arith.constant 0 : i32
      %dma_wait3A_1834 = tpu.memref_slice %arg5[%dma_wait3A_1832, %dma_wait3A_1833] : memref<100000x32xf32, #tpu.memory_space<hbm>> -> memref<1x32xf32, #tpu.memory_space<hbm>>
      %dma_wait3A_1835 = arith.constant 23 : i32
      %dma_wait3A_1836 = arith.constant 0 : i32
      %dma_wait3A_1837 = tpu.memref_slice %arg10[%dma_wait3A_1835, %dma_wait3A_1836] : memref<32x32xf32, #tpu.memory_space<vmem>> -> memref<1x32xf32, #tpu.memory_space<vmem>>
      %dma_wait3A_1838 = arith.constant 0 : i32
      %dma_wait3A_1839 = arith.constant 0 : i32
      %dma_wait3A_1840 = tpu.memref_slice %arg5[%dma_wait3A_1838, %dma_wait3A_1839] : memref<100000x32xf32, #tpu.memory_space<hbm>> -> memref<1x32xf32, #tpu.memory_space<hbm>>
      tpu.wait_dma2 semaphore(%arg15 : memref<!tpu.dma_semaphore, #tpu.memory_space<semaphore_mem>>) src(%dma_wait3A_1840 : memref<1x32xf32, #tpu.memory_space<hbm>>) dst(%dma_wait3A_1837 : memref<1x32xf32, #tpu.memory_space<vmem>>)
      %dma_wait3A_1841 = arith.constant 24 : i32
      %dma_wait3A_1842 = arith.constant 0 : i32
      %dma_wait3A_1843 = tpu.memref_slice %arg9[%dma_wait3A_1841, %dma_wait3A_1842] : memref<32x32xf32, #tpu.memory_space<vmem>> -> memref<1x32xf32, #tpu.memory_space<vmem>>
      %dma_wait3A_1844 = arith.constant 0 : i32
      %dma_wait3A_1845 = arith.constant 0 : i32
      %dma_wait3A_1846 = tpu.memref_slice %arg4[%dma_wait3A_1844, %dma_wait3A_1845] : memref<1000000x32xf32, #tpu.memory_space<hbm>> -> memref<1x32xf32, #tpu.memory_space<hbm>>
      %dma_wait3A_1847 = arith.constant 24 : i32
      %dma_wait3A_1848 = arith.constant 0 : i32
      %dma_wait3A_1849 = tpu.memref_slice %arg9[%dma_wait3A_1847, %dma_wait3A_1848] : memref<32x32xf32, #tpu.memory_space<vmem>> -> memref<1x32xf32, #tpu.memory_space<vmem>>
      %dma_wait3A_1850 = arith.constant 0 : i32
      %dma_wait3A_1851 = arith.constant 0 : i32
      %dma_wait3A_1852 = tpu.memref_slice %arg4[%dma_wait3A_1850, %dma_wait3A_1851] : memref<1000000x32xf32, #tpu.memory_space<hbm>> -> memref<1x32xf32, #tpu.memory_space<hbm>>
      tpu.wait_dma2 semaphore(%arg14 : memref<!tpu.dma_semaphore, #tpu.memory_space<semaphore_mem>>) src(%dma_wait3A_1852 : memref<1x32xf32, #tpu.memory_space<hbm>>) dst(%dma_wait3A_1849 : memref<1x32xf32, #tpu.memory_space<vmem>>)
      %dma_wait3A_1853 = arith.constant 24 : i32
      %dma_wait3A_1854 = arith.constant 0 : i32
      %dma_wait3A_1855 = tpu.memref_slice %arg10[%dma_wait3A_1853, %dma_wait3A_1854] : memref<32x32xf32, #tpu.memory_space<vmem>> -> memref<1x32xf32, #tpu.memory_space<vmem>>
      %dma_wait3A_1856 = arith.constant 0 : i32
      %dma_wait3A_1857 = arith.constant 0 : i32
      %dma_wait3A_1858 = tpu.memref_slice %arg5[%dma_wait3A_1856, %dma_wait3A_1857] : memref<100000x32xf32, #tpu.memory_space<hbm>> -> memref<1x32xf32, #tpu.memory_space<hbm>>
      %dma_wait3A_1859 = arith.constant 24 : i32
      %dma_wait3A_1860 = arith.constant 0 : i32
      %dma_wait3A_1861 = tpu.memref_slice %arg10[%dma_wait3A_1859, %dma_wait3A_1860] : memref<32x32xf32, #tpu.memory_space<vmem>> -> memref<1x32xf32, #tpu.memory_space<vmem>>
      %dma_wait3A_1862 = arith.constant 0 : i32
      %dma_wait3A_1863 = arith.constant 0 : i32
      %dma_wait3A_1864 = tpu.memref_slice %arg5[%dma_wait3A_1862, %dma_wait3A_1863] : memref<100000x32xf32, #tpu.memory_space<hbm>> -> memref<1x32xf32, #tpu.memory_space<hbm>>
      tpu.wait_dma2 semaphore(%arg15 : memref<!tpu.dma_semaphore, #tpu.memory_space<semaphore_mem>>) src(%dma_wait3A_1864 : memref<1x32xf32, #tpu.memory_space<hbm>>) dst(%dma_wait3A_1861 : memref<1x32xf32, #tpu.memory_space<vmem>>)
      %dma_wait3A_1865 = arith.constant 25 : i32
      %dma_wait3A_1866 = arith.constant 0 : i32
      %dma_wait3A_1867 = tpu.memref_slice %arg9[%dma_wait3A_1865, %dma_wait3A_1866] : memref<32x32xf32, #tpu.memory_space<vmem>> -> memref<1x32xf32, #tpu.memory_space<vmem>>
      %dma_wait3A_1868 = arith.constant 0 : i32
      %dma_wait3A_1869 = arith.constant 0 : i32
      %dma_wait3A_1870 = tpu.memref_slice %arg4[%dma_wait3A_1868, %dma_wait3A_1869] : memref<1000000x32xf32, #tpu.memory_space<hbm>> -> memref<1x32xf32, #tpu.memory_space<hbm>>
      %dma_wait3A_1871 = arith.constant 25 : i32
      %dma_wait3A_1872 = arith.constant 0 : i32
      %dma_wait3A_1873 = tpu.memref_slice %arg9[%dma_wait3A_1871, %dma_wait3A_1872] : memref<32x32xf32, #tpu.memory_space<vmem>> -> memref<1x32xf32, #tpu.memory_space<vmem>>
      %dma_wait3A_1874 = arith.constant 0 : i32
      %dma_wait3A_1875 = arith.constant 0 : i32
      %dma_wait3A_1876 = tpu.memref_slice %arg4[%dma_wait3A_1874, %dma_wait3A_1875] : memref<1000000x32xf32, #tpu.memory_space<hbm>> -> memref<1x32xf32, #tpu.memory_space<hbm>>
      tpu.wait_dma2 semaphore(%arg14 : memref<!tpu.dma_semaphore, #tpu.memory_space<semaphore_mem>>) src(%dma_wait3A_1876 : memref<1x32xf32, #tpu.memory_space<hbm>>) dst(%dma_wait3A_1873 : memref<1x32xf32, #tpu.memory_space<vmem>>)
      %dma_wait3A_1877 = arith.constant 25 : i32
      %dma_wait3A_1878 = arith.constant 0 : i32
      %dma_wait3A_1879 = tpu.memref_slice %arg10[%dma_wait3A_1877, %dma_wait3A_1878] : memref<32x32xf32, #tpu.memory_space<vmem>> -> memref<1x32xf32, #tpu.memory_space<vmem>>
      %dma_wait3A_1880 = arith.constant 0 : i32
      %dma_wait3A_1881 = arith.constant 0 : i32
      %dma_wait3A_1882 = tpu.memref_slice %arg5[%dma_wait3A_1880, %dma_wait3A_1881] : memref<100000x32xf32, #tpu.memory_space<hbm>> -> memref<1x32xf32, #tpu.memory_space<hbm>>
      %dma_wait3A_1883 = arith.constant 25 : i32
      %dma_wait3A_1884 = arith.constant 0 : i32
      %dma_wait3A_1885 = tpu.memref_slice %arg10[%dma_wait3A_1883, %dma_wait3A_1884] : memref<32x32xf32, #tpu.memory_space<vmem>> -> memref<1x32xf32, #tpu.memory_space<vmem>>
      %dma_wait3A_1886 = arith.constant 0 : i32
      %dma_wait3A_1887 = arith.constant 0 : i32
      %dma_wait3A_1888 = tpu.memref_slice %arg5[%dma_wait3A_1886, %dma_wait3A_1887] : memref<100000x32xf32, #tpu.memory_space<hbm>> -> memref<1x32xf32, #tpu.memory_space<hbm>>
      tpu.wait_dma2 semaphore(%arg15 : memref<!tpu.dma_semaphore, #tpu.memory_space<semaphore_mem>>) src(%dma_wait3A_1888 : memref<1x32xf32, #tpu.memory_space<hbm>>) dst(%dma_wait3A_1885 : memref<1x32xf32, #tpu.memory_space<vmem>>)
      %dma_wait3A_1889 = arith.constant 26 : i32
      %dma_wait3A_1890 = arith.constant 0 : i32
      %dma_wait3A_1891 = tpu.memref_slice %arg9[%dma_wait3A_1889, %dma_wait3A_1890] : memref<32x32xf32, #tpu.memory_space<vmem>> -> memref<1x32xf32, #tpu.memory_space<vmem>>
      %dma_wait3A_1892 = arith.constant 0 : i32
      %dma_wait3A_1893 = arith.constant 0 : i32
      %dma_wait3A_1894 = tpu.memref_slice %arg4[%dma_wait3A_1892, %dma_wait3A_1893] : memref<1000000x32xf32, #tpu.memory_space<hbm>> -> memref<1x32xf32, #tpu.memory_space<hbm>>
      %dma_wait3A_1895 = arith.constant 26 : i32
      %dma_wait3A_1896 = arith.constant 0 : i32
      %dma_wait3A_1897 = tpu.memref_slice %arg9[%dma_wait3A_1895, %dma_wait3A_1896] : memref<32x32xf32, #tpu.memory_space<vmem>> -> memref<1x32xf32, #tpu.memory_space<vmem>>
      %dma_wait3A_1898 = arith.constant 0 : i32
      %dma_wait3A_1899 = arith.constant 0 : i32
      %dma_wait3A_1900 = tpu.memref_slice %arg4[%dma_wait3A_1898, %dma_wait3A_1899] : memref<1000000x32xf32, #tpu.memory_space<hbm>> -> memref<1x32xf32, #tpu.memory_space<hbm>>
      tpu.wait_dma2 semaphore(%arg14 : memref<!tpu.dma_semaphore, #tpu.memory_space<semaphore_mem>>) src(%dma_wait3A_1900 : memref<1x32xf32, #tpu.memory_space<hbm>>) dst(%dma_wait3A_1897 : memref<1x32xf32, #tpu.memory_space<vmem>>)
      %dma_wait3A_1901 = arith.constant 26 : i32
      %dma_wait3A_1902 = arith.constant 0 : i32
      %dma_wait3A_1903 = tpu.memref_slice %arg10[%dma_wait3A_1901, %dma_wait3A_1902] : memref<32x32xf32, #tpu.memory_space<vmem>> -> memref<1x32xf32, #tpu.memory_space<vmem>>
      %dma_wait3A_1904 = arith.constant 0 : i32
      %dma_wait3A_1905 = arith.constant 0 : i32
      %dma_wait3A_1906 = tpu.memref_slice %arg5[%dma_wait3A_1904, %dma_wait3A_1905] : memref<100000x32xf32, #tpu.memory_space<hbm>> -> memref<1x32xf32, #tpu.memory_space<hbm>>
      %dma_wait3A_1907 = arith.constant 26 : i32
      %dma_wait3A_1908 = arith.constant 0 : i32
      %dma_wait3A_1909 = tpu.memref_slice %arg10[%dma_wait3A_1907, %dma_wait3A_1908] : memref<32x32xf32, #tpu.memory_space<vmem>> -> memref<1x32xf32, #tpu.memory_space<vmem>>
      %dma_wait3A_1910 = arith.constant 0 : i32
      %dma_wait3A_1911 = arith.constant 0 : i32
      %dma_wait3A_1912 = tpu.memref_slice %arg5[%dma_wait3A_1910, %dma_wait3A_1911] : memref<100000x32xf32, #tpu.memory_space<hbm>> -> memref<1x32xf32, #tpu.memory_space<hbm>>
      tpu.wait_dma2 semaphore(%arg15 : memref<!tpu.dma_semaphore, #tpu.memory_space<semaphore_mem>>) src(%dma_wait3A_1912 : memref<1x32xf32, #tpu.memory_space<hbm>>) dst(%dma_wait3A_1909 : memref<1x32xf32, #tpu.memory_space<vmem>>)
      %dma_wait3A_1913 = arith.constant 27 : i32
      %dma_wait3A_1914 = arith.constant 0 : i32
      %dma_wait3A_1915 = tpu.memref_slice %arg9[%dma_wait3A_1913, %dma_wait3A_1914] : memref<32x32xf32, #tpu.memory_space<vmem>> -> memref<1x32xf32, #tpu.memory_space<vmem>>
      %dma_wait3A_1916 = arith.constant 0 : i32
      %dma_wait3A_1917 = arith.constant 0 : i32
      %dma_wait3A_1918 = tpu.memref_slice %arg4[%dma_wait3A_1916, %dma_wait3A_1917] : memref<1000000x32xf32, #tpu.memory_space<hbm>> -> memref<1x32xf32, #tpu.memory_space<hbm>>
      %dma_wait3A_1919 = arith.constant 27 : i32
      %dma_wait3A_1920 = arith.constant 0 : i32
      %dma_wait3A_1921 = tpu.memref_slice %arg9[%dma_wait3A_1919, %dma_wait3A_1920] : memref<32x32xf32, #tpu.memory_space<vmem>> -> memref<1x32xf32, #tpu.memory_space<vmem>>
      %dma_wait3A_1922 = arith.constant 0 : i32
      %dma_wait3A_1923 = arith.constant 0 : i32
      %dma_wait3A_1924 = tpu.memref_slice %arg4[%dma_wait3A_1922, %dma_wait3A_1923] : memref<1000000x32xf32, #tpu.memory_space<hbm>> -> memref<1x32xf32, #tpu.memory_space<hbm>>
      tpu.wait_dma2 semaphore(%arg14 : memref<!tpu.dma_semaphore, #tpu.memory_space<semaphore_mem>>) src(%dma_wait3A_1924 : memref<1x32xf32, #tpu.memory_space<hbm>>) dst(%dma_wait3A_1921 : memref<1x32xf32, #tpu.memory_space<vmem>>)
      %dma_wait3A_1925 = arith.constant 27 : i32
      %dma_wait3A_1926 = arith.constant 0 : i32
      %dma_wait3A_1927 = tpu.memref_slice %arg10[%dma_wait3A_1925, %dma_wait3A_1926] : memref<32x32xf32, #tpu.memory_space<vmem>> -> memref<1x32xf32, #tpu.memory_space<vmem>>
      %dma_wait3A_1928 = arith.constant 0 : i32
      %dma_wait3A_1929 = arith.constant 0 : i32
      %dma_wait3A_1930 = tpu.memref_slice %arg5[%dma_wait3A_1928, %dma_wait3A_1929] : memref<100000x32xf32, #tpu.memory_space<hbm>> -> memref<1x32xf32, #tpu.memory_space<hbm>>
      %dma_wait3A_1931 = arith.constant 27 : i32
      %dma_wait3A_1932 = arith.constant 0 : i32
      %dma_wait3A_1933 = tpu.memref_slice %arg10[%dma_wait3A_1931, %dma_wait3A_1932] : memref<32x32xf32, #tpu.memory_space<vmem>> -> memref<1x32xf32, #tpu.memory_space<vmem>>
      %dma_wait3A_1934 = arith.constant 0 : i32
      %dma_wait3A_1935 = arith.constant 0 : i32
      %dma_wait3A_1936 = tpu.memref_slice %arg5[%dma_wait3A_1934, %dma_wait3A_1935] : memref<100000x32xf32, #tpu.memory_space<hbm>> -> memref<1x32xf32, #tpu.memory_space<hbm>>
      tpu.wait_dma2 semaphore(%arg15 : memref<!tpu.dma_semaphore, #tpu.memory_space<semaphore_mem>>) src(%dma_wait3A_1936 : memref<1x32xf32, #tpu.memory_space<hbm>>) dst(%dma_wait3A_1933 : memref<1x32xf32, #tpu.memory_space<vmem>>)
      %dma_wait3A_1937 = arith.constant 28 : i32
      %dma_wait3A_1938 = arith.constant 0 : i32
      %dma_wait3A_1939 = tpu.memref_slice %arg9[%dma_wait3A_1937, %dma_wait3A_1938] : memref<32x32xf32, #tpu.memory_space<vmem>> -> memref<1x32xf32, #tpu.memory_space<vmem>>
      %dma_wait3A_1940 = arith.constant 0 : i32
      %dma_wait3A_1941 = arith.constant 0 : i32
      %dma_wait3A_1942 = tpu.memref_slice %arg4[%dma_wait3A_1940, %dma_wait3A_1941] : memref<1000000x32xf32, #tpu.memory_space<hbm>> -> memref<1x32xf32, #tpu.memory_space<hbm>>
      %dma_wait3A_1943 = arith.constant 28 : i32
      %dma_wait3A_1944 = arith.constant 0 : i32
      %dma_wait3A_1945 = tpu.memref_slice %arg9[%dma_wait3A_1943, %dma_wait3A_1944] : memref<32x32xf32, #tpu.memory_space<vmem>> -> memref<1x32xf32, #tpu.memory_space<vmem>>
      %dma_wait3A_1946 = arith.constant 0 : i32
      %dma_wait3A_1947 = arith.constant 0 : i32
      %dma_wait3A_1948 = tpu.memref_slice %arg4[%dma_wait3A_1946, %dma_wait3A_1947] : memref<1000000x32xf32, #tpu.memory_space<hbm>> -> memref<1x32xf32, #tpu.memory_space<hbm>>
      tpu.wait_dma2 semaphore(%arg14 : memref<!tpu.dma_semaphore, #tpu.memory_space<semaphore_mem>>) src(%dma_wait3A_1948 : memref<1x32xf32, #tpu.memory_space<hbm>>) dst(%dma_wait3A_1945 : memref<1x32xf32, #tpu.memory_space<vmem>>)
      %dma_wait3A_1949 = arith.constant 28 : i32
      %dma_wait3A_1950 = arith.constant 0 : i32
      %dma_wait3A_1951 = tpu.memref_slice %arg10[%dma_wait3A_1949, %dma_wait3A_1950] : memref<32x32xf32, #tpu.memory_space<vmem>> -> memref<1x32xf32, #tpu.memory_space<vmem>>
      %dma_wait3A_1952 = arith.constant 0 : i32
      %dma_wait3A_1953 = arith.constant 0 : i32
      %dma_wait3A_1954 = tpu.memref_slice %arg5[%dma_wait3A_1952, %dma_wait3A_1953] : memref<100000x32xf32, #tpu.memory_space<hbm>> -> memref<1x32xf32, #tpu.memory_space<hbm>>
      %dma_wait3A_1955 = arith.constant 28 : i32
      %dma_wait3A_1956 = arith.constant 0 : i32
      %dma_wait3A_1957 = tpu.memref_slice %arg10[%dma_wait3A_1955, %dma_wait3A_1956] : memref<32x32xf32, #tpu.memory_space<vmem>> -> memref<1x32xf32, #tpu.memory_space<vmem>>
      %dma_wait3A_1958 = arith.constant 0 : i32
      %dma_wait3A_1959 = arith.constant 0 : i32
      %dma_wait3A_1960 = tpu.memref_slice %arg5[%dma_wait3A_1958, %dma_wait3A_1959] : memref<100000x32xf32, #tpu.memory_space<hbm>> -> memref<1x32xf32, #tpu.memory_space<hbm>>
      tpu.wait_dma2 semaphore(%arg15 : memref<!tpu.dma_semaphore, #tpu.memory_space<semaphore_mem>>) src(%dma_wait3A_1960 : memref<1x32xf32, #tpu.memory_space<hbm>>) dst(%dma_wait3A_1957 : memref<1x32xf32, #tpu.memory_space<vmem>>)
      %dma_wait3A_1961 = arith.constant 29 : i32
      %dma_wait3A_1962 = arith.constant 0 : i32
      %dma_wait3A_1963 = tpu.memref_slice %arg9[%dma_wait3A_1961, %dma_wait3A_1962] : memref<32x32xf32, #tpu.memory_space<vmem>> -> memref<1x32xf32, #tpu.memory_space<vmem>>
      %dma_wait3A_1964 = arith.constant 0 : i32
      %dma_wait3A_1965 = arith.constant 0 : i32
      %dma_wait3A_1966 = tpu.memref_slice %arg4[%dma_wait3A_1964, %dma_wait3A_1965] : memref<1000000x32xf32, #tpu.memory_space<hbm>> -> memref<1x32xf32, #tpu.memory_space<hbm>>
      %dma_wait3A_1967 = arith.constant 29 : i32
      %dma_wait3A_1968 = arith.constant 0 : i32
      %dma_wait3A_1969 = tpu.memref_slice %arg9[%dma_wait3A_1967, %dma_wait3A_1968] : memref<32x32xf32, #tpu.memory_space<vmem>> -> memref<1x32xf32, #tpu.memory_space<vmem>>
      %dma_wait3A_1970 = arith.constant 0 : i32
      %dma_wait3A_1971 = arith.constant 0 : i32
      %dma_wait3A_1972 = tpu.memref_slice %arg4[%dma_wait3A_1970, %dma_wait3A_1971] : memref<1000000x32xf32, #tpu.memory_space<hbm>> -> memref<1x32xf32, #tpu.memory_space<hbm>>
      tpu.wait_dma2 semaphore(%arg14 : memref<!tpu.dma_semaphore, #tpu.memory_space<semaphore_mem>>) src(%dma_wait3A_1972 : memref<1x32xf32, #tpu.memory_space<hbm>>) dst(%dma_wait3A_1969 : memref<1x32xf32, #tpu.memory_space<vmem>>)
      %dma_wait3A_1973 = arith.constant 29 : i32
      %dma_wait3A_1974 = arith.constant 0 : i32
      %dma_wait3A_1975 = tpu.memref_slice %arg10[%dma_wait3A_1973, %dma_wait3A_1974] : memref<32x32xf32, #tpu.memory_space<vmem>> -> memref<1x32xf32, #tpu.memory_space<vmem>>
      %dma_wait3A_1976 = arith.constant 0 : i32
      %dma_wait3A_1977 = arith.constant 0 : i32
      %dma_wait3A_1978 = tpu.memref_slice %arg5[%dma_wait3A_1976, %dma_wait3A_1977] : memref<100000x32xf32, #tpu.memory_space<hbm>> -> memref<1x32xf32, #tpu.memory_space<hbm>>
      %dma_wait3A_1979 = arith.constant 29 : i32
      %dma_wait3A_1980 = arith.constant 0 : i32
      %dma_wait3A_1981 = tpu.memref_slice %arg10[%dma_wait3A_1979, %dma_wait3A_1980] : memref<32x32xf32, #tpu.memory_space<vmem>> -> memref<1x32xf32, #tpu.memory_space<vmem>>
      %dma_wait3A_1982 = arith.constant 0 : i32
      %dma_wait3A_1983 = arith.constant 0 : i32
      %dma_wait3A_1984 = tpu.memref_slice %arg5[%dma_wait3A_1982, %dma_wait3A_1983] : memref<100000x32xf32, #tpu.memory_space<hbm>> -> memref<1x32xf32, #tpu.memory_space<hbm>>
      tpu.wait_dma2 semaphore(%arg15 : memref<!tpu.dma_semaphore, #tpu.memory_space<semaphore_mem>>) src(%dma_wait3A_1984 : memref<1x32xf32, #tpu.memory_space<hbm>>) dst(%dma_wait3A_1981 : memref<1x32xf32, #tpu.memory_space<vmem>>)
      %dma_wait3A_1985 = arith.constant 30 : i32
      %dma_wait3A_1986 = arith.constant 0 : i32
      %dma_wait3A_1987 = tpu.memref_slice %arg9[%dma_wait3A_1985, %dma_wait3A_1986] : memref<32x32xf32, #tpu.memory_space<vmem>> -> memref<1x32xf32, #tpu.memory_space<vmem>>
      %dma_wait3A_1988 = arith.constant 0 : i32
      %dma_wait3A_1989 = arith.constant 0 : i32
      %dma_wait3A_1990 = tpu.memref_slice %arg4[%dma_wait3A_1988, %dma_wait3A_1989] : memref<1000000x32xf32, #tpu.memory_space<hbm>> -> memref<1x32xf32, #tpu.memory_space<hbm>>
      %dma_wait3A_1991 = arith.constant 30 : i32
      %dma_wait3A_1992 = arith.constant 0 : i32
      %dma_wait3A_1993 = tpu.memref_slice %arg9[%dma_wait3A_1991, %dma_wait3A_1992] : memref<32x32xf32, #tpu.memory_space<vmem>> -> memref<1x32xf32, #tpu.memory_space<vmem>>
      %dma_wait3A_1994 = arith.constant 0 : i32
      %dma_wait3A_1995 = arith.constant 0 : i32
      %dma_wait3A_1996 = tpu.memref_slice %arg4[%dma_wait3A_1994, %dma_wait3A_1995] : memref<1000000x32xf32, #tpu.memory_space<hbm>> -> memref<1x32xf32, #tpu.memory_space<hbm>>
      tpu.wait_dma2 semaphore(%arg14 : memref<!tpu.dma_semaphore, #tpu.memory_space<semaphore_mem>>) src(%dma_wait3A_1996 : memref<1x32xf32, #tpu.memory_space<hbm>>) dst(%dma_wait3A_1993 : memref<1x32xf32, #tpu.memory_space<vmem>>)
      %dma_wait3A_1997 = arith.constant 30 : i32
      %dma_wait3A_1998 = arith.constant 0 : i32
      %dma_wait3A_1999 = tpu.memref_slice %arg10[%dma_wait3A_1997, %dma_wait3A_1998] : memref<32x32xf32, #tpu.memory_space<vmem>> -> memref<1x32xf32, #tpu.memory_space<vmem>>
      %dma_wait3A_2000 = arith.constant 0 : i32
      %dma_wait3A_2001 = arith.constant 0 : i32
      %dma_wait3A_2002 = tpu.memref_slice %arg5[%dma_wait3A_2000, %dma_wait3A_2001] : memref<100000x32xf32, #tpu.memory_space<hbm>> -> memref<1x32xf32, #tpu.memory_space<hbm>>
      %dma_wait3A_2003 = arith.constant 30 : i32
      %dma_wait3A_2004 = arith.constant 0 : i32
      %dma_wait3A_2005 = tpu.memref_slice %arg10[%dma_wait3A_2003, %dma_wait3A_2004] : memref<32x32xf32, #tpu.memory_space<vmem>> -> memref<1x32xf32, #tpu.memory_space<vmem>>
      %dma_wait3A_2006 = arith.constant 0 : i32
      %dma_wait3A_2007 = arith.constant 0 : i32
      %dma_wait3A_2008 = tpu.memref_slice %arg5[%dma_wait3A_2006, %dma_wait3A_2007] : memref<100000x32xf32, #tpu.memory_space<hbm>> -> memref<1x32xf32, #tpu.memory_space<hbm>>
      tpu.wait_dma2 semaphore(%arg15 : memref<!tpu.dma_semaphore, #tpu.memory_space<semaphore_mem>>) src(%dma_wait3A_2008 : memref<1x32xf32, #tpu.memory_space<hbm>>) dst(%dma_wait3A_2005 : memref<1x32xf32, #tpu.memory_space<vmem>>)
      %dma_wait3A_2009 = arith.constant 31 : i32
      %dma_wait3A_2010 = arith.constant 0 : i32
      %dma_wait3A_2011 = tpu.memref_slice %arg9[%dma_wait3A_2009, %dma_wait3A_2010] : memref<32x32xf32, #tpu.memory_space<vmem>> -> memref<1x32xf32, #tpu.memory_space<vmem>>
      %dma_wait3A_2012 = arith.constant 0 : i32
      %dma_wait3A_2013 = arith.constant 0 : i32
      %dma_wait3A_2014 = tpu.memref_slice %arg4[%dma_wait3A_2012, %dma_wait3A_2013] : memref<1000000x32xf32, #tpu.memory_space<hbm>> -> memref<1x32xf32, #tpu.memory_space<hbm>>
      %dma_wait3A_2015 = arith.constant 31 : i32
      %dma_wait3A_2016 = arith.constant 0 : i32
      %dma_wait3A_2017 = tpu.memref_slice %arg9[%dma_wait3A_2015, %dma_wait3A_2016] : memref<32x32xf32, #tpu.memory_space<vmem>> -> memref<1x32xf32, #tpu.memory_space<vmem>>
      %dma_wait3A_2018 = arith.constant 0 : i32
      %dma_wait3A_2019 = arith.constant 0 : i32
      %dma_wait3A_2020 = tpu.memref_slice %arg4[%dma_wait3A_2018, %dma_wait3A_2019] : memref<1000000x32xf32, #tpu.memory_space<hbm>> -> memref<1x32xf32, #tpu.memory_space<hbm>>
      tpu.wait_dma2 semaphore(%arg14 : memref<!tpu.dma_semaphore, #tpu.memory_space<semaphore_mem>>) src(%dma_wait3A_2020 : memref<1x32xf32, #tpu.memory_space<hbm>>) dst(%dma_wait3A_2017 : memref<1x32xf32, #tpu.memory_space<vmem>>)
      %dma_wait3A_2021 = arith.constant 31 : i32
      %dma_wait3A_2022 = arith.constant 0 : i32
      %dma_wait3A_2023 = tpu.memref_slice %arg10[%dma_wait3A_2021, %dma_wait3A_2022] : memref<32x32xf32, #tpu.memory_space<vmem>> -> memref<1x32xf32, #tpu.memory_space<vmem>>
      %dma_wait3A_2024 = arith.constant 0 : i32
      %dma_wait3A_2025 = arith.constant 0 : i32
      %dma_wait3A_2026 = tpu.memref_slice %arg5[%dma_wait3A_2024, %dma_wait3A_2025] : memref<100000x32xf32, #tpu.memory_space<hbm>> -> memref<1x32xf32, #tpu.memory_space<hbm>>
      %dma_wait3A_2027 = arith.constant 31 : i32
      %dma_wait3A_2028 = arith.constant 0 : i32
      %dma_wait3A_2029 = tpu.memref_slice %arg10[%dma_wait3A_2027, %dma_wait3A_2028] : memref<32x32xf32, #tpu.memory_space<vmem>> -> memref<1x32xf32, #tpu.memory_space<vmem>>
      %dma_wait3A_2030 = arith.constant 0 : i32
      %dma_wait3A_2031 = arith.constant 0 : i32
      %dma_wait3A_2032 = tpu.memref_slice %arg5[%dma_wait3A_2030, %dma_wait3A_2031] : memref<100000x32xf32, #tpu.memory_space<hbm>> -> memref<1x32xf32, #tpu.memory_space<hbm>>
      tpu.wait_dma2 semaphore(%arg15 : memref<!tpu.dma_semaphore, #tpu.memory_space<semaphore_mem>>) src(%dma_wait3A_2032 : memref<1x32xf32, #tpu.memory_space<hbm>>) dst(%dma_wait3A_2029 : memref<1x32xf32, #tpu.memory_space<vmem>>)
      %add3A_2033 = arith.constant 1 : i32
      %add3A_2034 = arith.addi %mul3A_34, %add3A_2033 : i32
      %broadcast_in_dim3A_2035 = arith.constant 0.000000e+00 : f32
      %broadcast_in_dim3A_2036 = vector.broadcast %broadcast_in_dim3A_2035 : f32 to vector<16xf32>
      %get3A_2037 = arith.constant 16 : i32
      %get3A_2038 = arith.index_cast %get3A_2037 : i32 to index
      %get3A_2039 = arith.constant 0 : index
      %get3A_2040 = tpu.vector_load %arg9[%get3A_2038, %get3A_2039] {strides = array<i32>} : memref<32x32xf32, #tpu.memory_space<vmem>>, vector<16xf32>,
      %get3A_2041 = arith.constant 16 : i32
      %get3A_2042 = arith.index_cast %get3A_2041 : i32 to index
      %get3A_2043 = arith.constant 16 : index
      %get3A_2044 = tpu.vector_load %arg9[%get3A_2042, %get3A_2043] {strides = array<i32>} : memref<32x32xf32, #tpu.memory_space<vmem>>, vector<16xf32>,
      %get3A_2045 = arith.constant 16 : i32
      %get3A_2046 = arith.index_cast %get3A_2045 : i32 to index
      %get3A_2047 = arith.constant 0 : index
      %get3A_2048 = tpu.vector_load %arg10[%get3A_2046, %get3A_2047] {strides = array<i32>} : memref<32x32xf32, #tpu.memory_space<vmem>>, vector<16xf32>,
      %get3A_2049 = arith.constant 16 : i32
      %get3A_2050 = arith.index_cast %get3A_2049 : i32 to index
      %get3A_2051 = arith.constant 16 : index
      %get3A_2052 = tpu.vector_load %arg10[%get3A_2050, %get3A_2051] {strides = array<i32>} : memref<32x32xf32, #tpu.memory_space<vmem>>, vector<16xf32>,
      %mul3A_2053 = arith.mulf %get3A_2040, %get3A_2048 : vector<16xf32>
      %mul3A_2054 = arith.mulf %get3A_2044, %get3A_2052 : vector<16xf32>
      %add3A_2055 = arith.addf %mul3A_2053, %mul3A_2054 : vector<16xf32>
      %eq3A_2056 = arith.constant 0 : i32
      %eq3A_2057 = vector.broadcast %eq3A_2056 : i32 to vector<16xi32>
      %eq3A_2058 = arith.cmpi eq, %iota3A, %eq3A_2057 : vector<16xi32>
      %reduce_sum3A_2059 = arith.constant true
      %reduce_sum3A_2060 = vector.broadcast %reduce_sum3A_2059 : i1 to vector<16xi1>
      %reduce_sum3A_2061 = tpu.scan <sum>, %add3A_2055 masked %reduce_sum3A_2060 : vector<16xf32>, vector<16xi1> -> vector<16xf32>
      %reduce_sum3A_2062 = vector.extract %reduce_sum3A_2061[15] : f32 from vector<16xf32>
      %broadcast_in_dim3A_2063 = vector.broadcast %reduce_sum3A_2062 : f32 to vector<16xf32>
      %select_n3A_2064 = arith.select %eq3A_2058, %broadcast_in_dim3A_2063, %broadcast_in_dim3A_2036 : vector<16xi1>, vector<16xf32>
      %get3A_2065 = arith.constant 17 : i32
      %get3A_2066 = arith.index_cast %get3A_2065 : i32 to index
      %get3A_2067 = arith.constant 0 : index
      %get3A_2068 = tpu.vector_load %arg9[%get3A_2066, %get3A_2067] {strides = array<i32>} : memref<32x32xf32, #tpu.memory_space<vmem>>, vector<16xf32>,
      %get3A_2069 = arith.constant 17 : i32
      %get3A_2070 = arith.index_cast %get3A_2069 : i32 to index
      %get3A_2071 = arith.constant 16 : index
      %get3A_2072 = tpu.vector_load %arg9[%get3A_2070, %get3A_2071] {strides = array<i32>} : memref<32x32xf32, #tpu.memory_space<vmem>>, vector<16xf32>,
      %get3A_2073 = arith.constant 17 : i32
      %get3A_2074 = arith.index_cast %get3A_2073 : i32 to index
      %get3A_2075 = arith.constant 0 : index
      %get3A_2076 = tpu.vector_load %arg10[%get3A_2074, %get3A_2075] {strides = array<i32>} : memref<32x32xf32, #tpu.memory_space<vmem>>, vector<16xf32>,
      %get3A_2077 = arith.constant 17 : i32
      %get3A_2078 = arith.index_cast %get3A_2077 : i32 to index
      %get3A_2079 = arith.constant 16 : index
      %get3A_2080 = tpu.vector_load %arg10[%get3A_2078, %get3A_2079] {strides = array<i32>} : memref<32x32xf32, #tpu.memory_space<vmem>>, vector<16xf32>,
      %mul3A_2081 = arith.mulf %get3A_2068, %get3A_2076 : vector<16xf32>
      %mul3A_2082 = arith.mulf %get3A_2072, %get3A_2080 : vector<16xf32>
      %add3A_2083 = arith.addf %mul3A_2081, %mul3A_2082 : vector<16xf32>
      %eq3A_2084 = arith.constant 1 : i32
      %eq3A_2085 = vector.broadcast %eq3A_2084 : i32 to vector<16xi32>
      %eq3A_2086 = arith.cmpi eq, %iota3A, %eq3A_2085 : vector<16xi32>
      %reduce_sum3A_2087 = arith.constant true
      %reduce_sum3A_2088 = vector.broadcast %reduce_sum3A_2087 : i1 to vector<16xi1>
      %reduce_sum3A_2089 = tpu.scan <sum>, %add3A_2083 masked %reduce_sum3A_2088 : vector<16xf32>, vector<16xi1> -> vector<16xf32>
      %reduce_sum3A_2090 = vector.extract %reduce_sum3A_2089[15] : f32 from vector<16xf32>
      %broadcast_in_dim3A_2091 = vector.broadcast %reduce_sum3A_2090 : f32 to vector<16xf32>
      %select_n3A_2092 = arith.select %eq3A_2086, %broadcast_in_dim3A_2091, %select_n3A_2064 : vector<16xi1>, vector<16xf32>
      %get3A_2093 = arith.constant 18 : i32
      %get3A_2094 = arith.index_cast %get3A_2093 : i32 to index
      %get3A_2095 = arith.constant 0 : index
      %get3A_2096 = tpu.vector_load %arg9[%get3A_2094, %get3A_2095] {strides = array<i32>} : memref<32x32xf32, #tpu.memory_space<vmem>>, vector<16xf32>,
      %get3A_2097 = arith.constant 18 : i32
      %get3A_2098 = arith.index_cast %get3A_2097 : i32 to index
      %get3A_2099 = arith.constant 16 : index
      %get3A_2100 = tpu.vector_load %arg9[%get3A_2098, %get3A_2099] {strides = array<i32>} : memref<32x32xf32, #tpu.memory_space<vmem>>, vector<16xf32>,
      %get3A_2101 = arith.constant 18 : i32
      %get3A_2102 = arith.index_cast %get3A_2101 : i32 to index
      %get3A_2103 = arith.constant 0 : index
      %get3A_2104 = tpu.vector_load %arg10[%get3A_2102, %get3A_2103] {strides = array<i32>} : memref<32x32xf32, #tpu.memory_space<vmem>>, vector<16xf32>,
      %get3A_2105 = arith.constant 18 : i32
      %get3A_2106 = arith.index_cast %get3A_2105 : i32 to index
      %get3A_2107 = arith.constant 16 : index
      %get3A_2108 = tpu.vector_load %arg10[%get3A_2106, %get3A_2107] {strides = array<i32>} : memref<32x32xf32, #tpu.memory_space<vmem>>, vector<16xf32>,
      %mul3A_2109 = arith.mulf %get3A_2096, %get3A_2104 : vector<16xf32>
      %mul3A_2110 = arith.mulf %get3A_2100, %get3A_2108 : vector<16xf32>
      %add3A_2111 = arith.addf %mul3A_2109, %mul3A_2110 : vector<16xf32>
      %eq3A_2112 = arith.constant 2 : i32
      %eq3A_2113 = vector.broadcast %eq3A_2112 : i32 to vector<16xi32>
      %eq3A_2114 = arith.cmpi eq, %iota3A, %eq3A_2113 : vector<16xi32>
      %reduce_sum3A_2115 = arith.constant true
      %reduce_sum3A_2116 = vector.broadcast %reduce_sum3A_2115 : i1 to vector<16xi1>
      %reduce_sum3A_2117 = tpu.scan <sum>, %add3A_2111 masked %reduce_sum3A_2116 : vector<16xf32>, vector<16xi1> -> vector<16xf32>
      %reduce_sum3A_2118 = vector.extract %reduce_sum3A_2117[15] : f32 from vector<16xf32>
      %broadcast_in_dim3A_2119 = vector.broadcast %reduce_sum3A_2118 : f32 to vector<16xf32>
      %select_n3A_2120 = arith.select %eq3A_2114, %broadcast_in_dim3A_2119, %select_n3A_2092 : vector<16xi1>, vector<16xf32>
      %get3A_2121 = arith.constant 19 : i32
      %get3A_2122 = arith.index_cast %get3A_2121 : i32 to index
      %get3A_2123 = arith.constant 0 : index
      %get3A_2124 = tpu.vector_load %arg9[%get3A_2122, %get3A_2123] {strides = array<i32>} : memref<32x32xf32, #tpu.memory_space<vmem>>, vector<16xf32>,
      %get3A_2125 = arith.constant 19 : i32
      %get3A_2126 = arith.index_cast %get3A_2125 : i32 to index
      %get3A_2127 = arith.constant 16 : index
      %get3A_2128 = tpu.vector_load %arg9[%get3A_2126, %get3A_2127] {strides = array<i32>} : memref<32x32xf32, #tpu.memory_space<vmem>>, vector<16xf32>,
      %get3A_2129 = arith.constant 19 : i32
      %get3A_2130 = arith.index_cast %get3A_2129 : i32 to index
      %get3A_2131 = arith.constant 0 : index
      %get3A_2132 = tpu.vector_load %arg10[%get3A_2130, %get3A_2131] {strides = array<i32>} : memref<32x32xf32, #tpu.memory_space<vmem>>, vector<16xf32>,
      %get3A_2133 = arith.constant 19 : i32
      %get3A_2134 = arith.index_cast %get3A_2133 : i32 to index
      %get3A_2135 = arith.constant 16 : index
      %get3A_2136 = tpu.vector_load %arg10[%get3A_2134, %get3A_2135] {strides = array<i32>} : memref<32x32xf32, #tpu.memory_space<vmem>>, vector<16xf32>,
      %mul3A_2137 = arith.mulf %get3A_2124, %get3A_2132 : vector<16xf32>
      %mul3A_2138 = arith.mulf %get3A_2128, %get3A_2136 : vector<16xf32>
      %add3A_2139 = arith.addf %mul3A_2137, %mul3A_2138 : vector<16xf32>
      %eq3A_2140 = arith.constant 3 : i32
      %eq3A_2141 = vector.broadcast %eq3A_2140 : i32 to vector<16xi32>
      %eq3A_2142 = arith.cmpi eq, %iota3A, %eq3A_2141 : vector<16xi32>
      %reduce_sum3A_2143 = arith.constant true
      %reduce_sum3A_2144 = vector.broadcast %reduce_sum3A_2143 : i1 to vector<16xi1>
      %reduce_sum3A_2145 = tpu.scan <sum>, %add3A_2139 masked %reduce_sum3A_2144 : vector<16xf32>, vector<16xi1> -> vector<16xf32>
      %reduce_sum3A_2146 = vector.extract %reduce_sum3A_2145[15] : f32 from vector<16xf32>
      %broadcast_in_dim3A_2147 = vector.broadcast %reduce_sum3A_2146 : f32 to vector<16xf32>
      %select_n3A_2148 = arith.select %eq3A_2142, %broadcast_in_dim3A_2147, %select_n3A_2120 : vector<16xi1>, vector<16xf32>
      %get3A_2149 = arith.constant 20 : i32
      %get3A_2150 = arith.index_cast %get3A_2149 : i32 to index
      %get3A_2151 = arith.constant 0 : index
      %get3A_2152 = tpu.vector_load %arg9[%get3A_2150, %get3A_2151] {strides = array<i32>} : memref<32x32xf32, #tpu.memory_space<vmem>>, vector<16xf32>,
      %get3A_2153 = arith.constant 20 : i32
      %get3A_2154 = arith.index_cast %get3A_2153 : i32 to index
      %get3A_2155 = arith.constant 16 : index
      %get3A_2156 = tpu.vector_load %arg9[%get3A_2154, %get3A_2155] {strides = array<i32>} : memref<32x32xf32, #tpu.memory_space<vmem>>, vector<16xf32>,
      %get3A_2157 = arith.constant 20 : i32
      %get3A_2158 = arith.index_cast %get3A_2157 : i32 to index
      %get3A_2159 = arith.constant 0 : index
      %get3A_2160 = tpu.vector_load %arg10[%get3A_2158, %get3A_2159] {strides = array<i32>} : memref<32x32xf32, #tpu.memory_space<vmem>>, vector<16xf32>,
      %get3A_2161 = arith.constant 20 : i32
      %get3A_2162 = arith.index_cast %get3A_2161 : i32 to index
      %get3A_2163 = arith.constant 16 : index
      %get3A_2164 = tpu.vector_load %arg10[%get3A_2162, %get3A_2163] {strides = array<i32>} : memref<32x32xf32, #tpu.memory_space<vmem>>, vector<16xf32>,
      %mul3A_2165 = arith.mulf %get3A_2152, %get3A_2160 : vector<16xf32>
      %mul3A_2166 = arith.mulf %get3A_2156, %get3A_2164 : vector<16xf32>
      %add3A_2167 = arith.addf %mul3A_2165, %mul3A_2166 : vector<16xf32>
      %eq3A_2168 = arith.constant 4 : i32
      %eq3A_2169 = vector.broadcast %eq3A_2168 : i32 to vector<16xi32>
      %eq3A_2170 = arith.cmpi eq, %iota3A, %eq3A_2169 : vector<16xi32>
      %reduce_sum3A_2171 = arith.constant true
      %reduce_sum3A_2172 = vector.broadcast %reduce_sum3A_2171 : i1 to vector<16xi1>
      %reduce_sum3A_2173 = tpu.scan <sum>, %add3A_2167 masked %reduce_sum3A_2172 : vector<16xf32>, vector<16xi1> -> vector<16xf32>
      %reduce_sum3A_2174 = vector.extract %reduce_sum3A_2173[15] : f32 from vector<16xf32>
      %broadcast_in_dim3A_2175 = vector.broadcast %reduce_sum3A_2174 : f32 to vector<16xf32>
      %select_n3A_2176 = arith.select %eq3A_2170, %broadcast_in_dim3A_2175, %select_n3A_2148 : vector<16xi1>, vector<16xf32>
      %get3A_2177 = arith.constant 21 : i32
      %get3A_2178 = arith.index_cast %get3A_2177 : i32 to index
      %get3A_2179 = arith.constant 0 : index
      %get3A_2180 = tpu.vector_load %arg9[%get3A_2178, %get3A_2179] {strides = array<i32>} : memref<32x32xf32, #tpu.memory_space<vmem>>, vector<16xf32>,
      %get3A_2181 = arith.constant 21 : i32
      %get3A_2182 = arith.index_cast %get3A_2181 : i32 to index
      %get3A_2183 = arith.constant 16 : index
      %get3A_2184 = tpu.vector_load %arg9[%get3A_2182, %get3A_2183] {strides = array<i32>} : memref<32x32xf32, #tpu.memory_space<vmem>>, vector<16xf32>,
      %get3A_2185 = arith.constant 21 : i32
      %get3A_2186 = arith.index_cast %get3A_2185 : i32 to index
      %get3A_2187 = arith.constant 0 : index
      %get3A_2188 = tpu.vector_load %arg10[%get3A_2186, %get3A_2187] {strides = array<i32>} : memref<32x32xf32, #tpu.memory_space<vmem>>, vector<16xf32>,
      %get3A_2189 = arith.constant 21 : i32
      %get3A_2190 = arith.index_cast %get3A_2189 : i32 to index
      %get3A_2191 = arith.constant 16 : index
      %get3A_2192 = tpu.vector_load %arg10[%get3A_2190, %get3A_2191] {strides = array<i32>} : memref<32x32xf32, #tpu.memory_space<vmem>>, vector<16xf32>,
      %mul3A_2193 = arith.mulf %get3A_2180, %get3A_2188 : vector<16xf32>
      %mul3A_2194 = arith.mulf %get3A_2184, %get3A_2192 : vector<16xf32>
      %add3A_2195 = arith.addf %mul3A_2193, %mul3A_2194 : vector<16xf32>
      %eq3A_2196 = arith.constant 5 : i32
      %eq3A_2197 = vector.broadcast %eq3A_2196 : i32 to vector<16xi32>
      %eq3A_2198 = arith.cmpi eq, %iota3A, %eq3A_2197 : vector<16xi32>
      %reduce_sum3A_2199 = arith.constant true
      %reduce_sum3A_2200 = vector.broadcast %reduce_sum3A_2199 : i1 to vector<16xi1>
      %reduce_sum3A_2201 = tpu.scan <sum>, %add3A_2195 masked %reduce_sum3A_2200 : vector<16xf32>, vector<16xi1> -> vector<16xf32>
      %reduce_sum3A_2202 = vector.extract %reduce_sum3A_2201[15] : f32 from vector<16xf32>
      %broadcast_in_dim3A_2203 = vector.broadcast %reduce_sum3A_2202 : f32 to vector<16xf32>
      %select_n3A_2204 = arith.select %eq3A_2198, %broadcast_in_dim3A_2203, %select_n3A_2176 : vector<16xi1>, vector<16xf32>
      %get3A_2205 = arith.constant 22 : i32
      %get3A_2206 = arith.index_cast %get3A_2205 : i32 to index
      %get3A_2207 = arith.constant 0 : index
      %get3A_2208 = tpu.vector_load %arg9[%get3A_2206, %get3A_2207] {strides = array<i32>} : memref<32x32xf32, #tpu.memory_space<vmem>>, vector<16xf32>,
      %get3A_2209 = arith.constant 22 : i32
      %get3A_2210 = arith.index_cast %get3A_2209 : i32 to index
      %get3A_2211 = arith.constant 16 : index
      %get3A_2212 = tpu.vector_load %arg9[%get3A_2210, %get3A_2211] {strides = array<i32>} : memref<32x32xf32, #tpu.memory_space<vmem>>, vector<16xf32>,
      %get3A_2213 = arith.constant 22 : i32
      %get3A_2214 = arith.index_cast %get3A_2213 : i32 to index
      %get3A_2215 = arith.constant 0 : index
      %get3A_2216 = tpu.vector_load %arg10[%get3A_2214, %get3A_2215] {strides = array<i32>} : memref<32x32xf32, #tpu.memory_space<vmem>>, vector<16xf32>,
      %get3A_2217 = arith.constant 22 : i32
      %get3A_2218 = arith.index_cast %get3A_2217 : i32 to index
      %get3A_2219 = arith.constant 16 : index
      %get3A_2220 = tpu.vector_load %arg10[%get3A_2218, %get3A_2219] {strides = array<i32>} : memref<32x32xf32, #tpu.memory_space<vmem>>, vector<16xf32>,
      %mul3A_2221 = arith.mulf %get3A_2208, %get3A_2216 : vector<16xf32>
      %mul3A_2222 = arith.mulf %get3A_2212, %get3A_2220 : vector<16xf32>
      %add3A_2223 = arith.addf %mul3A_2221, %mul3A_2222 : vector<16xf32>
      %eq3A_2224 = arith.constant 6 : i32
      %eq3A_2225 = vector.broadcast %eq3A_2224 : i32 to vector<16xi32>
      %eq3A_2226 = arith.cmpi eq, %iota3A, %eq3A_2225 : vector<16xi32>
      %reduce_sum3A_2227 = arith.constant true
      %reduce_sum3A_2228 = vector.broadcast %reduce_sum3A_2227 : i1 to vector<16xi1>
      %reduce_sum3A_2229 = tpu.scan <sum>, %add3A_2223 masked %reduce_sum3A_2228 : vector<16xf32>, vector<16xi1> -> vector<16xf32>
      %reduce_sum3A_2230 = vector.extract %reduce_sum3A_2229[15] : f32 from vector<16xf32>
      %broadcast_in_dim3A_2231 = vector.broadcast %reduce_sum3A_2230 : f32 to vector<16xf32>
      %select_n3A_2232 = arith.select %eq3A_2226, %broadcast_in_dim3A_2231, %select_n3A_2204 : vector<16xi1>, vector<16xf32>
      %get3A_2233 = arith.constant 23 : i32
      %get3A_2234 = arith.index_cast %get3A_2233 : i32 to index
      %get3A_2235 = arith.constant 0 : index
      %get3A_2236 = tpu.vector_load %arg9[%get3A_2234, %get3A_2235] {strides = array<i32>} : memref<32x32xf32, #tpu.memory_space<vmem>>, vector<16xf32>,
      %get3A_2237 = arith.constant 23 : i32
      %get3A_2238 = arith.index_cast %get3A_2237 : i32 to index
      %get3A_2239 = arith.constant 16 : index
      %get3A_2240 = tpu.vector_load %arg9[%get3A_2238, %get3A_2239] {strides = array<i32>} : memref<32x32xf32, #tpu.memory_space<vmem>>, vector<16xf32>,
      %get3A_2241 = arith.constant 23 : i32
      %get3A_2242 = arith.index_cast %get3A_2241 : i32 to index
      %get3A_2243 = arith.constant 0 : index
      %get3A_2244 = tpu.vector_load %arg10[%get3A_2242, %get3A_2243] {strides = array<i32>} : memref<32x32xf32, #tpu.memory_space<vmem>>, vector<16xf32>,
      %get3A_2245 = arith.constant 23 : i32
      %get3A_2246 = arith.index_cast %get3A_2245 : i32 to index
      %get3A_2247 = arith.constant 16 : index
      %get3A_2248 = tpu.vector_load %arg10[%get3A_2246, %get3A_2247] {strides = array<i32>} : memref<32x32xf32, #tpu.memory_space<vmem>>, vector<16xf32>,
      %mul3A_2249 = arith.mulf %get3A_2236, %get3A_2244 : vector<16xf32>
      %mul3A_2250 = arith.mulf %get3A_2240, %get3A_2248 : vector<16xf32>
      %add3A_2251 = arith.addf %mul3A_2249, %mul3A_2250 : vector<16xf32>
      %eq3A_2252 = arith.constant 7 : i32
      %eq3A_2253 = vector.broadcast %eq3A_2252 : i32 to vector<16xi32>
      %eq3A_2254 = arith.cmpi eq, %iota3A, %eq3A_2253 : vector<16xi32>
      %reduce_sum3A_2255 = arith.constant true
      %reduce_sum3A_2256 = vector.broadcast %reduce_sum3A_2255 : i1 to vector<16xi1>
      %reduce_sum3A_2257 = tpu.scan <sum>, %add3A_2251 masked %reduce_sum3A_2256 : vector<16xf32>, vector<16xi1> -> vector<16xf32>
      %reduce_sum3A_2258 = vector.extract %reduce_sum3A_2257[15] : f32 from vector<16xf32>
      %broadcast_in_dim3A_2259 = vector.broadcast %reduce_sum3A_2258 : f32 to vector<16xf32>
      %select_n3A_2260 = arith.select %eq3A_2254, %broadcast_in_dim3A_2259, %select_n3A_2232 : vector<16xi1>, vector<16xf32>
      %get3A_2261 = arith.constant 24 : i32
      %get3A_2262 = arith.index_cast %get3A_2261 : i32 to index
      %get3A_2263 = arith.constant 0 : index
      %get3A_2264 = tpu.vector_load %arg9[%get3A_2262, %get3A_2263] {strides = array<i32>} : memref<32x32xf32, #tpu.memory_space<vmem>>, vector<16xf32>,
      %get3A_2265 = arith.constant 24 : i32
      %get3A_2266 = arith.index_cast %get3A_2265 : i32 to index
      %get3A_2267 = arith.constant 16 : index
      %get3A_2268 = tpu.vector_load %arg9[%get3A_2266, %get3A_2267] {strides = array<i32>} : memref<32x32xf32, #tpu.memory_space<vmem>>, vector<16xf32>,
      %get3A_2269 = arith.constant 24 : i32
      %get3A_2270 = arith.index_cast %get3A_2269 : i32 to index
      %get3A_2271 = arith.constant 0 : index
      %get3A_2272 = tpu.vector_load %arg10[%get3A_2270, %get3A_2271] {strides = array<i32>} : memref<32x32xf32, #tpu.memory_space<vmem>>, vector<16xf32>,
      %get3A_2273 = arith.constant 24 : i32
      %get3A_2274 = arith.index_cast %get3A_2273 : i32 to index
      %get3A_2275 = arith.constant 16 : index
      %get3A_2276 = tpu.vector_load %arg10[%get3A_2274, %get3A_2275] {strides = array<i32>} : memref<32x32xf32, #tpu.memory_space<vmem>>, vector<16xf32>,
      %mul3A_2277 = arith.mulf %get3A_2264, %get3A_2272 : vector<16xf32>
      %mul3A_2278 = arith.mulf %get3A_2268, %get3A_2276 : vector<16xf32>
      %add3A_2279 = arith.addf %mul3A_2277, %mul3A_2278 : vector<16xf32>
      %eq3A_2280 = arith.constant 8 : i32
      %eq3A_2281 = vector.broadcast %eq3A_2280 : i32 to vector<16xi32>
      %eq3A_2282 = arith.cmpi eq, %iota3A, %eq3A_2281 : vector<16xi32>
      %reduce_sum3A_2283 = arith.constant true
      %reduce_sum3A_2284 = vector.broadcast %reduce_sum3A_2283 : i1 to vector<16xi1>
      %reduce_sum3A_2285 = tpu.scan <sum>, %add3A_2279 masked %reduce_sum3A_2284 : vector<16xf32>, vector<16xi1> -> vector<16xf32>
      %reduce_sum3A_2286 = vector.extract %reduce_sum3A_2285[15] : f32 from vector<16xf32>
      %broadcast_in_dim3A_2287 = vector.broadcast %reduce_sum3A_2286 : f32 to vector<16xf32>
      %select_n3A_2288 = arith.select %eq3A_2282, %broadcast_in_dim3A_2287, %select_n3A_2260 : vector<16xi1>, vector<16xf32>
      %get3A_2289 = arith.constant 25 : i32
      %get3A_2290 = arith.index_cast %get3A_2289 : i32 to index
      %get3A_2291 = arith.constant 0 : index
      %get3A_2292 = tpu.vector_load %arg9[%get3A_2290, %get3A_2291] {strides = array<i32>} : memref<32x32xf32, #tpu.memory_space<vmem>>, vector<16xf32>,
      %get3A_2293 = arith.constant 25 : i32
      %get3A_2294 = arith.index_cast %get3A_2293 : i32 to index
      %get3A_2295 = arith.constant 16 : index
      %get3A_2296 = tpu.vector_load %arg9[%get3A_2294, %get3A_2295] {strides = array<i32>} : memref<32x32xf32, #tpu.memory_space<vmem>>, vector<16xf32>,
      %get3A_2297 = arith.constant 25 : i32
      %get3A_2298 = arith.index_cast %get3A_2297 : i32 to index
      %get3A_2299 = arith.constant 0 : index
      %get3A_2300 = tpu.vector_load %arg10[%get3A_2298, %get3A_2299] {strides = array<i32>} : memref<32x32xf32, #tpu.memory_space<vmem>>, vector<16xf32>,
      %get3A_2301 = arith.constant 25 : i32
      %get3A_2302 = arith.index_cast %get3A_2301 : i32 to index
      %get3A_2303 = arith.constant 16 : index
      %get3A_2304 = tpu.vector_load %arg10[%get3A_2302, %get3A_2303] {strides = array<i32>} : memref<32x32xf32, #tpu.memory_space<vmem>>, vector<16xf32>,
      %mul3A_2305 = arith.mulf %get3A_2292, %get3A_2300 : vector<16xf32>
      %mul3A_2306 = arith.mulf %get3A_2296, %get3A_2304 : vector<16xf32>
      %add3A_2307 = arith.addf %mul3A_2305, %mul3A_2306 : vector<16xf32>
      %eq3A_2308 = arith.constant 9 : i32
      %eq3A_2309 = vector.broadcast %eq3A_2308 : i32 to vector<16xi32>
      %eq3A_2310 = arith.cmpi eq, %iota3A, %eq3A_2309 : vector<16xi32>
      %reduce_sum3A_2311 = arith.constant true
      %reduce_sum3A_2312 = vector.broadcast %reduce_sum3A_2311 : i1 to vector<16xi1>
      %reduce_sum3A_2313 = tpu.scan <sum>, %add3A_2307 masked %reduce_sum3A_2312 : vector<16xf32>, vector<16xi1> -> vector<16xf32>
      %reduce_sum3A_2314 = vector.extract %reduce_sum3A_2313[15] : f32 from vector<16xf32>
      %broadcast_in_dim3A_2315 = vector.broadcast %reduce_sum3A_2314 : f32 to vector<16xf32>
      %select_n3A_2316 = arith.select %eq3A_2310, %broadcast_in_dim3A_2315, %select_n3A_2288 : vector<16xi1>, vector<16xf32>
      %get3A_2317 = arith.constant 26 : i32
      %get3A_2318 = arith.index_cast %get3A_2317 : i32 to index
      %get3A_2319 = arith.constant 0 : index
      %get3A_2320 = tpu.vector_load %arg9[%get3A_2318, %get3A_2319] {strides = array<i32>} : memref<32x32xf32, #tpu.memory_space<vmem>>, vector<16xf32>,
      %get3A_2321 = arith.constant 26 : i32
      %get3A_2322 = arith.index_cast %get3A_2321 : i32 to index
      %get3A_2323 = arith.constant 16 : index
      %get3A_2324 = tpu.vector_load %arg9[%get3A_2322, %get3A_2323] {strides = array<i32>} : memref<32x32xf32, #tpu.memory_space<vmem>>, vector<16xf32>,
      %get3A_2325 = arith.constant 26 : i32
      %get3A_2326 = arith.index_cast %get3A_2325 : i32 to index
      %get3A_2327 = arith.constant 0 : index
      %get3A_2328 = tpu.vector_load %arg10[%get3A_2326, %get3A_2327] {strides = array<i32>} : memref<32x32xf32, #tpu.memory_space<vmem>>, vector<16xf32>,
      %get3A_2329 = arith.constant 26 : i32
      %get3A_2330 = arith.index_cast %get3A_2329 : i32 to index
      %get3A_2331 = arith.constant 16 : index
      %get3A_2332 = tpu.vector_load %arg10[%get3A_2330, %get3A_2331] {strides = array<i32>} : memref<32x32xf32, #tpu.memory_space<vmem>>, vector<16xf32>,
      %mul3A_2333 = arith.mulf %get3A_2320, %get3A_2328 : vector<16xf32>
      %mul3A_2334 = arith.mulf %get3A_2324, %get3A_2332 : vector<16xf32>
      %add3A_2335 = arith.addf %mul3A_2333, %mul3A_2334 : vector<16xf32>
      %eq3A_2336 = arith.constant 10 : i32
      %eq3A_2337 = vector.broadcast %eq3A_2336 : i32 to vector<16xi32>
      %eq3A_2338 = arith.cmpi eq, %iota3A, %eq3A_2337 : vector<16xi32>
      %reduce_sum3A_2339 = arith.constant true
      %reduce_sum3A_2340 = vector.broadcast %reduce_sum3A_2339 : i1 to vector<16xi1>
      %reduce_sum3A_2341 = tpu.scan <sum>, %add3A_2335 masked %reduce_sum3A_2340 : vector<16xf32>, vector<16xi1> -> vector<16xf32>
      %reduce_sum3A_2342 = vector.extract %reduce_sum3A_2341[15] : f32 from vector<16xf32>
      %broadcast_in_dim3A_2343 = vector.broadcast %reduce_sum3A_2342 : f32 to vector<16xf32>
      %select_n3A_2344 = arith.select %eq3A_2338, %broadcast_in_dim3A_2343, %select_n3A_2316 : vector<16xi1>, vector<16xf32>
      %get3A_2345 = arith.constant 27 : i32
      %get3A_2346 = arith.index_cast %get3A_2345 : i32 to index
      %get3A_2347 = arith.constant 0 : index
      %get3A_2348 = tpu.vector_load %arg9[%get3A_2346, %get3A_2347] {strides = array<i32>} : memref<32x32xf32, #tpu.memory_space<vmem>>, vector<16xf32>,
      %get3A_2349 = arith.constant 27 : i32
      %get3A_2350 = arith.index_cast %get3A_2349 : i32 to index
      %get3A_2351 = arith.constant 16 : index
      %get3A_2352 = tpu.vector_load %arg9[%get3A_2350, %get3A_2351] {strides = array<i32>} : memref<32x32xf32, #tpu.memory_space<vmem>>, vector<16xf32>,
      %get3A_2353 = arith.constant 27 : i32
      %get3A_2354 = arith.index_cast %get3A_2353 : i32 to index
      %get3A_2355 = arith.constant 0 : index
      %get3A_2356 = tpu.vector_load %arg10[%get3A_2354, %get3A_2355] {strides = array<i32>} : memref<32x32xf32, #tpu.memory_space<vmem>>, vector<16xf32>,
      %get3A_2357 = arith.constant 27 : i32
      %get3A_2358 = arith.index_cast %get3A_2357 : i32 to index
      %get3A_2359 = arith.constant 16 : index
      %get3A_2360 = tpu.vector_load %arg10[%get3A_2358, %get3A_2359] {strides = array<i32>} : memref<32x32xf32, #tpu.memory_space<vmem>>, vector<16xf32>,
      %mul3A_2361 = arith.mulf %get3A_2348, %get3A_2356 : vector<16xf32>
      %mul3A_2362 = arith.mulf %get3A_2352, %get3A_2360 : vector<16xf32>
      %add3A_2363 = arith.addf %mul3A_2361, %mul3A_2362 : vector<16xf32>
      %eq3A_2364 = arith.constant 11 : i32
      %eq3A_2365 = vector.broadcast %eq3A_2364 : i32 to vector<16xi32>
      %eq3A_2366 = arith.cmpi eq, %iota3A, %eq3A_2365 : vector<16xi32>
      %reduce_sum3A_2367 = arith.constant true
      %reduce_sum3A_2368 = vector.broadcast %reduce_sum3A_2367 : i1 to vector<16xi1>
      %reduce_sum3A_2369 = tpu.scan <sum>, %add3A_2363 masked %reduce_sum3A_2368 : vector<16xf32>, vector<16xi1> -> vector<16xf32>
      %reduce_sum3A_2370 = vector.extract %reduce_sum3A_2369[15] : f32 from vector<16xf32>
      %broadcast_in_dim3A_2371 = vector.broadcast %reduce_sum3A_2370 : f32 to vector<16xf32>
      %select_n3A_2372 = arith.select %eq3A_2366, %broadcast_in_dim3A_2371, %select_n3A_2344 : vector<16xi1>, vector<16xf32>
      %get3A_2373 = arith.constant 28 : i32
      %get3A_2374 = arith.index_cast %get3A_2373 : i32 to index
      %get3A_2375 = arith.constant 0 : index
      %get3A_2376 = tpu.vector_load %arg9[%get3A_2374, %get3A_2375] {strides = array<i32>} : memref<32x32xf32, #tpu.memory_space<vmem>>, vector<16xf32>,
      %get3A_2377 = arith.constant 28 : i32
      %get3A_2378 = arith.index_cast %get3A_2377 : i32 to index
      %get3A_2379 = arith.constant 16 : index
      %get3A_2380 = tpu.vector_load %arg9[%get3A_2378, %get3A_2379] {strides = array<i32>} : memref<32x32xf32, #tpu.memory_space<vmem>>, vector<16xf32>,
      %get3A_2381 = arith.constant 28 : i32
      %get3A_2382 = arith.index_cast %get3A_2381 : i32 to index
      %get3A_2383 = arith.constant 0 : index
      %get3A_2384 = tpu.vector_load %arg10[%get3A_2382, %get3A_2383] {strides = array<i32>} : memref<32x32xf32, #tpu.memory_space<vmem>>, vector<16xf32>,
      %get3A_2385 = arith.constant 28 : i32
      %get3A_2386 = arith.index_cast %get3A_2385 : i32 to index
      %get3A_2387 = arith.constant 16 : index
      %get3A_2388 = tpu.vector_load %arg10[%get3A_2386, %get3A_2387] {strides = array<i32>} : memref<32x32xf32, #tpu.memory_space<vmem>>, vector<16xf32>,
      %mul3A_2389 = arith.mulf %get3A_2376, %get3A_2384 : vector<16xf32>
      %mul3A_2390 = arith.mulf %get3A_2380, %get3A_2388 : vector<16xf32>
      %add3A_2391 = arith.addf %mul3A_2389, %mul3A_2390 : vector<16xf32>
      %eq3A_2392 = arith.constant 12 : i32
      %eq3A_2393 = vector.broadcast %eq3A_2392 : i32 to vector<16xi32>
      %eq3A_2394 = arith.cmpi eq, %iota3A, %eq3A_2393 : vector<16xi32>
      %reduce_sum3A_2395 = arith.constant true
      %reduce_sum3A_2396 = vector.broadcast %reduce_sum3A_2395 : i1 to vector<16xi1>
      %reduce_sum3A_2397 = tpu.scan <sum>, %add3A_2391 masked %reduce_sum3A_2396 : vector<16xf32>, vector<16xi1> -> vector<16xf32>
      %reduce_sum3A_2398 = vector.extract %reduce_sum3A_2397[15] : f32 from vector<16xf32>
      %broadcast_in_dim3A_2399 = vector.broadcast %reduce_sum3A_2398 : f32 to vector<16xf32>
      %select_n3A_2400 = arith.select %eq3A_2394, %broadcast_in_dim3A_2399, %select_n3A_2372 : vector<16xi1>, vector<16xf32>
      %get3A_2401 = arith.constant 29 : i32
      %get3A_2402 = arith.index_cast %get3A_2401 : i32 to index
      %get3A_2403 = arith.constant 0 : index
      %get3A_2404 = tpu.vector_load %arg9[%get3A_2402, %get3A_2403] {strides = array<i32>} : memref<32x32xf32, #tpu.memory_space<vmem>>, vector<16xf32>,
      %get3A_2405 = arith.constant 29 : i32
      %get3A_2406 = arith.index_cast %get3A_2405 : i32 to index
      %get3A_2407 = arith.constant 16 : index
      %get3A_2408 = tpu.vector_load %arg9[%get3A_2406, %get3A_2407] {strides = array<i32>} : memref<32x32xf32, #tpu.memory_space<vmem>>, vector<16xf32>,
      %get3A_2409 = arith.constant 29 : i32
      %get3A_2410 = arith.index_cast %get3A_2409 : i32 to index
      %get3A_2411 = arith.constant 0 : index
      %get3A_2412 = tpu.vector_load %arg10[%get3A_2410, %get3A_2411] {strides = array<i32>} : memref<32x32xf32, #tpu.memory_space<vmem>>, vector<16xf32>,
      %get3A_2413 = arith.constant 29 : i32
      %get3A_2414 = arith.index_cast %get3A_2413 : i32 to index
      %get3A_2415 = arith.constant 16 : index
      %get3A_2416 = tpu.vector_load %arg10[%get3A_2414, %get3A_2415] {strides = array<i32>} : memref<32x32xf32, #tpu.memory_space<vmem>>, vector<16xf32>,
      %mul3A_2417 = arith.mulf %get3A_2404, %get3A_2412 : vector<16xf32>
      %mul3A_2418 = arith.mulf %get3A_2408, %get3A_2416 : vector<16xf32>
      %add3A_2419 = arith.addf %mul3A_2417, %mul3A_2418 : vector<16xf32>
      %eq3A_2420 = arith.constant 13 : i32
      %eq3A_2421 = vector.broadcast %eq3A_2420 : i32 to vector<16xi32>
      %eq3A_2422 = arith.cmpi eq, %iota3A, %eq3A_2421 : vector<16xi32>
      %reduce_sum3A_2423 = arith.constant true
      %reduce_sum3A_2424 = vector.broadcast %reduce_sum3A_2423 : i1 to vector<16xi1>
      %reduce_sum3A_2425 = tpu.scan <sum>, %add3A_2419 masked %reduce_sum3A_2424 : vector<16xf32>, vector<16xi1> -> vector<16xf32>
      %reduce_sum3A_2426 = vector.extract %reduce_sum3A_2425[15] : f32 from vector<16xf32>
      %broadcast_in_dim3A_2427 = vector.broadcast %reduce_sum3A_2426 : f32 to vector<16xf32>
      %select_n3A_2428 = arith.select %eq3A_2422, %broadcast_in_dim3A_2427, %select_n3A_2400 : vector<16xi1>, vector<16xf32>
      %get3A_2429 = arith.constant 30 : i32
      %get3A_2430 = arith.index_cast %get3A_2429 : i32 to index
      %get3A_2431 = arith.constant 0 : index
      %get3A_2432 = tpu.vector_load %arg9[%get3A_2430, %get3A_2431] {strides = array<i32>} : memref<32x32xf32, #tpu.memory_space<vmem>>, vector<16xf32>,
      %get3A_2433 = arith.constant 30 : i32
      %get3A_2434 = arith.index_cast %get3A_2433 : i32 to index
      %get3A_2435 = arith.constant 16 : index
      %get3A_2436 = tpu.vector_load %arg9[%get3A_2434, %get3A_2435] {strides = array<i32>} : memref<32x32xf32, #tpu.memory_space<vmem>>, vector<16xf32>,
      %get3A_2437 = arith.constant 30 : i32
      %get3A_2438 = arith.index_cast %get3A_2437 : i32 to index
      %get3A_2439 = arith.constant 0 : index
      %get3A_2440 = tpu.vector_load %arg10[%get3A_2438, %get3A_2439] {strides = array<i32>} : memref<32x32xf32, #tpu.memory_space<vmem>>, vector<16xf32>,
      %get3A_2441 = arith.constant 30 : i32
      %get3A_2442 = arith.index_cast %get3A_2441 : i32 to index
      %get3A_2443 = arith.constant 16 : index
      %get3A_2444 = tpu.vector_load %arg10[%get3A_2442, %get3A_2443] {strides = array<i32>} : memref<32x32xf32, #tpu.memory_space<vmem>>, vector<16xf32>,
      %mul3A_2445 = arith.mulf %get3A_2432, %get3A_2440 : vector<16xf32>
      %mul3A_2446 = arith.mulf %get3A_2436, %get3A_2444 : vector<16xf32>
      %add3A_2447 = arith.addf %mul3A_2445, %mul3A_2446 : vector<16xf32>
      %eq3A_2448 = arith.constant 14 : i32
      %eq3A_2449 = vector.broadcast %eq3A_2448 : i32 to vector<16xi32>
      %eq3A_2450 = arith.cmpi eq, %iota3A, %eq3A_2449 : vector<16xi32>
      %reduce_sum3A_2451 = arith.constant true
      %reduce_sum3A_2452 = vector.broadcast %reduce_sum3A_2451 : i1 to vector<16xi1>
      %reduce_sum3A_2453 = tpu.scan <sum>, %add3A_2447 masked %reduce_sum3A_2452 : vector<16xf32>, vector<16xi1> -> vector<16xf32>
      %reduce_sum3A_2454 = vector.extract %reduce_sum3A_2453[15] : f32 from vector<16xf32>
      %broadcast_in_dim3A_2455 = vector.broadcast %reduce_sum3A_2454 : f32 to vector<16xf32>
      %select_n3A_2456 = arith.select %eq3A_2450, %broadcast_in_dim3A_2455, %select_n3A_2428 : vector<16xi1>, vector<16xf32>
      %get3A_2457 = arith.constant 31 : i32
      %get3A_2458 = arith.index_cast %get3A_2457 : i32 to index
      %get3A_2459 = arith.constant 0 : index
      %get3A_2460 = tpu.vector_load %arg9[%get3A_2458, %get3A_2459] {strides = array<i32>} : memref<32x32xf32, #tpu.memory_space<vmem>>, vector<16xf32>,
      %get3A_2461 = arith.constant 31 : i32
      %get3A_2462 = arith.index_cast %get3A_2461 : i32 to index
      %get3A_2463 = arith.constant 16 : index
      %get3A_2464 = tpu.vector_load %arg9[%get3A_2462, %get3A_2463] {strides = array<i32>} : memref<32x32xf32, #tpu.memory_space<vmem>>, vector<16xf32>,
      %get3A_2465 = arith.constant 31 : i32
      %get3A_2466 = arith.index_cast %get3A_2465 : i32 to index
      %get3A_2467 = arith.constant 0 : index
      %get3A_2468 = tpu.vector_load %arg10[%get3A_2466, %get3A_2467] {strides = array<i32>} : memref<32x32xf32, #tpu.memory_space<vmem>>, vector<16xf32>,
      %get3A_2469 = arith.constant 31 : i32
      %get3A_2470 = arith.index_cast %get3A_2469 : i32 to index
      %get3A_2471 = arith.constant 16 : index
      %get3A_2472 = tpu.vector_load %arg10[%get3A_2470, %get3A_2471] {strides = array<i32>} : memref<32x32xf32, #tpu.memory_space<vmem>>, vector<16xf32>,
      %mul3A_2473 = arith.mulf %get3A_2460, %get3A_2468 : vector<16xf32>
      %mul3A_2474 = arith.mulf %get3A_2464, %get3A_2472 : vector<16xf32>
      %add3A_2475 = arith.addf %mul3A_2473, %mul3A_2474 : vector<16xf32>
      %eq3A_2476 = arith.constant 15 : i32
      %eq3A_2477 = vector.broadcast %eq3A_2476 : i32 to vector<16xi32>
      %eq3A_2478 = arith.cmpi eq, %iota3A, %eq3A_2477 : vector<16xi32>
      %reduce_sum3A_2479 = arith.constant true
      %reduce_sum3A_2480 = vector.broadcast %reduce_sum3A_2479 : i1 to vector<16xi1>
      %reduce_sum3A_2481 = tpu.scan <sum>, %add3A_2475 masked %reduce_sum3A_2480 : vector<16xf32>, vector<16xi1> -> vector<16xf32>
      %reduce_sum3A_2482 = vector.extract %reduce_sum3A_2481[15] : f32 from vector<16xf32>
      %broadcast_in_dim3A_2483 = vector.broadcast %reduce_sum3A_2482 : f32 to vector<16xf32>
      %select_n3A_2484 = arith.select %eq3A_2478, %broadcast_in_dim3A_2483, %select_n3A_2456 : vector<16xi1>, vector<16xf32>
      %mul3A_2485 = arith.constant 16 : i32
      %mul3A_2486 = arith.muli %add3A_2034, %mul3A_2485 : i32
      %swap3A_2487 = arith.index_cast %mul3A_2486 : i32 to index
      %swap3A_2488 = tpu.vector_load %arg11[%swap3A_2487] {strides = array<i32>} : memref<512xf32, #tpu.memory_space<vmem>>, vector<16xf32>,
      tpu.vector_store %arg11[%swap3A_2487], %select_n3A_2484 {strides = array<i32>} : memref<512xf32, #tpu.memory_space<vmem>>, vector<16xf32>,
    }
    %scan3A_23 = arith.constant 16 : i32
    %add3A_24 = arith.constant 0 : i32
    %add3A_25 = arith.addi %mul3A_2, %add3A_24 : i32
    "tpu.region"() ({
      %run_scoped3A = tpu.sem_alloc : memref<!tpu.dma_semaphore, #tpu.memory_space<semaphore_mem>>
      %dma_start3A = arith.constant 0 : i32
      %dma_start3A_32 = tpu.memref_slice %arg11[%dma_start3A] : memref<512xf32, #tpu.memory_space<vmem>> -> memref<128xf32, #tpu.memory_space<vmem>>
      %dma_start3A_33 = arith.constant 0 : i32
      %dma_start3A_34 = tpu.memref_slice %arg6[%add3A_25, %dma_start3A_33] : memref<128x128xf32, #tpu.memory_space<hbm>> -> memref<1x128xf32, #tpu.memory_space<hbm>>
      %dma_start3A_35 = tpu.memref_squeeze %dma_start3A_34 : memref<1x128xf32, #tpu.memory_space<hbm>> -> memref<128xf32, #tpu.memory_space<hbm>>
      %dma_start3A_36 = arith.constant 0 : i32
      %dma_start3A_37 = tpu.memref_slice %arg6[%add3A_25, %dma_start3A_36] : memref<128x128xf32, #tpu.memory_space<hbm>> -> memref<1x128xf32, #tpu.memory_space<hbm>>
      %dma_start3A_38 = tpu.memref_squeeze %dma_start3A_37 : memref<1x128xf32, #tpu.memory_space<hbm>> -> memref<128xf32, #tpu.memory_space<hbm>>
      %dma_start3A_39 = arith.constant 0 : i32
      %dma_start3A_40 = tpu.memref_slice %arg11[%dma_start3A_39] : memref<512xf32, #tpu.memory_space<vmem>> -> memref<128xf32, #tpu.memory_space<vmem>>
      tpu.enqueue_dma source(%dma_start3A_40 : memref<128xf32, #tpu.memory_space<vmem>>) target(%dma_start3A_38 : memref<128xf32, #tpu.memory_space<hbm>>) target_semaphore(%run_scoped3A : memref<!tpu.dma_semaphore, #tpu.memory_space<semaphore_mem>>)
      %dma_wait3A = arith.constant 0 : i32
      %dma_wait3A_41 = tpu.memref_slice %arg11[%dma_wait3A] : memref<512xf32, #tpu.memory_space<vmem>> -> memref<128xf32, #tpu.memory_space<vmem>>
      %dma_wait3A_42 = arith.constant 0 : i32
      %dma_wait3A_43 = tpu.memref_slice %arg6[%add3A_25, %dma_wait3A_42] : memref<128x128xf32, #tpu.memory_space<hbm>> -> memref<1x128xf32, #tpu.memory_space<hbm>>
      %dma_wait3A_44 = tpu.memref_squeeze %dma_wait3A_43 : memref<1x128xf32, #tpu.memory_space<hbm>> -> memref<128xf32, #tpu.memory_space<hbm>>
      %dma_wait3A_45 = arith.constant 0 : i32
      %dma_wait3A_46 = tpu.memref_slice %arg6[%add3A_25, %dma_wait3A_45] : memref<128x128xf32, #tpu.memory_space<hbm>> -> memref<1x128xf32, #tpu.memory_space<hbm>>
      %dma_wait3A_47 = tpu.memref_squeeze %dma_wait3A_46 : memref<1x128xf32, #tpu.memory_space<hbm>> -> memref<128xf32, #tpu.memory_space<hbm>>
      %dma_wait3A_48 = arith.constant 0 : i32
      %dma_wait3A_49 = tpu.memref_slice %arg11[%dma_wait3A_48] : memref<512xf32, #tpu.memory_space<vmem>> -> memref<128xf32, #tpu.memory_space<vmem>>
      tpu.wait_dma2 semaphore(%run_scoped3A : memref<!tpu.dma_semaphore, #tpu.memory_space<semaphore_mem>>) src(%dma_wait3A_49 : memref<128xf32, #tpu.memory_space<vmem>>) dst(%dma_wait3A_47 : memref<128xf32, #tpu.memory_space<hbm>>)
      tpu.yield
    }) : () -> ()
    %add3A_26 = arith.constant 1 : i32
    %add3A_27 = arith.addi %mul3A_2, %add3A_26 : i32
    "tpu.region"() ({
      %run_scoped3A = tpu.sem_alloc : memref<!tpu.dma_semaphore, #tpu.memory_space<semaphore_mem>>
      %dma_start3A = arith.constant 128 : i32
      %dma_start3A_32 = tpu.memref_slice %arg11[%dma_start3A] : memref<512xf32, #tpu.memory_space<vmem>> -> memref<128xf32, #tpu.memory_space<vmem>>
      %dma_start3A_33 = arith.constant 0 : i32
      %dma_start3A_34 = tpu.memref_slice %arg6[%add3A_27, %dma_start3A_33] : memref<128x128xf32, #tpu.memory_space<hbm>> -> memref<1x128xf32, #tpu.memory_space<hbm>>
      %dma_start3A_35 = tpu.memref_squeeze %dma_start3A_34 : memref<1x128xf32, #tpu.memory_space<hbm>> -> memref<128xf32, #tpu.memory_space<hbm>>
      %dma_start3A_36 = arith.constant 0 : i32
      %dma_start3A_37 = tpu.memref_slice %arg6[%add3A_27, %dma_start3A_36] : memref<128x128xf32, #tpu.memory_space<hbm>> -> memref<1x128xf32, #tpu.memory_space<hbm>>
      %dma_start3A_38 = tpu.memref_squeeze %dma_start3A_37 : memref<1x128xf32, #tpu.memory_space<hbm>> -> memref<128xf32, #tpu.memory_space<hbm>>
      %dma_start3A_39 = arith.constant 128 : i32
      %dma_start3A_40 = tpu.memref_slice %arg11[%dma_start3A_39] : memref<512xf32, #tpu.memory_space<vmem>> -> memref<128xf32, #tpu.memory_space<vmem>>
      tpu.enqueue_dma source(%dma_start3A_40 : memref<128xf32, #tpu.memory_space<vmem>>) target(%dma_start3A_38 : memref<128xf32, #tpu.memory_space<hbm>>) target_semaphore(%run_scoped3A : memref<!tpu.dma_semaphore, #tpu.memory_space<semaphore_mem>>)
      %dma_wait3A = arith.constant 128 : i32
      %dma_wait3A_41 = tpu.memref_slice %arg11[%dma_wait3A] : memref<512xf32, #tpu.memory_space<vmem>> -> memref<128xf32, #tpu.memory_space<vmem>>
      %dma_wait3A_42 = arith.constant 0 : i32
      %dma_wait3A_43 = tpu.memref_slice %arg6[%add3A_27, %dma_wait3A_42] : memref<128x128xf32, #tpu.memory_space<hbm>> -> memref<1x128xf32, #tpu.memory_space<hbm>>
      %dma_wait3A_44 = tpu.memref_squeeze %dma_wait3A_43 : memref<1x128xf32, #tpu.memory_space<hbm>> -> memref<128xf32, #tpu.memory_space<hbm>>
      %dma_wait3A_45 = arith.constant 0 : i32
      %dma_wait3A_46 = tpu.memref_slice %arg6[%add3A_27, %dma_wait3A_45] : memref<128x128xf32, #tpu.memory_space<hbm>> -> memref<1x128xf32, #tpu.memory_space<hbm>>
      %dma_wait3A_47 = tpu.memref_squeeze %dma_wait3A_46 : memref<1x128xf32, #tpu.memory_space<hbm>> -> memref<128xf32, #tpu.memory_space<hbm>>
      %dma_wait3A_48 = arith.constant 128 : i32
      %dma_wait3A_49 = tpu.memref_slice %arg11[%dma_wait3A_48] : memref<512xf32, #tpu.memory_space<vmem>> -> memref<128xf32, #tpu.memory_space<vmem>>
      tpu.wait_dma2 semaphore(%run_scoped3A : memref<!tpu.dma_semaphore, #tpu.memory_space<semaphore_mem>>) src(%dma_wait3A_49 : memref<128xf32, #tpu.memory_space<vmem>>) dst(%dma_wait3A_47 : memref<128xf32, #tpu.memory_space<hbm>>)
      tpu.yield
    }) : () -> ()
    %add3A_28 = arith.constant 2 : i32
    %add3A_29 = arith.addi %mul3A_2, %add3A_28 : i32
    "tpu.region"() ({
      %run_scoped3A = tpu.sem_alloc : memref<!tpu.dma_semaphore, #tpu.memory_space<semaphore_mem>>
      %dma_start3A = arith.constant 256 : i32
      %dma_start3A_32 = tpu.memref_slice %arg11[%dma_start3A] : memref<512xf32, #tpu.memory_space<vmem>> -> memref<128xf32, #tpu.memory_space<vmem>>
      %dma_start3A_33 = arith.constant 0 : i32
      %dma_start3A_34 = tpu.memref_slice %arg6[%add3A_29, %dma_start3A_33] : memref<128x128xf32, #tpu.memory_space<hbm>> -> memref<1x128xf32, #tpu.memory_space<hbm>>
      %dma_start3A_35 = tpu.memref_squeeze %dma_start3A_34 : memref<1x128xf32, #tpu.memory_space<hbm>> -> memref<128xf32, #tpu.memory_space<hbm>>
      %dma_start3A_36 = arith.constant 0 : i32
      %dma_start3A_37 = tpu.memref_slice %arg6[%add3A_29, %dma_start3A_36] : memref<128x128xf32, #tpu.memory_space<hbm>> -> memref<1x128xf32, #tpu.memory_space<hbm>>
      %dma_start3A_38 = tpu.memref_squeeze %dma_start3A_37 : memref<1x128xf32, #tpu.memory_space<hbm>> -> memref<128xf32, #tpu.memory_space<hbm>>
      %dma_start3A_39 = arith.constant 256 : i32
      %dma_start3A_40 = tpu.memref_slice %arg11[%dma_start3A_39] : memref<512xf32, #tpu.memory_space<vmem>> -> memref<128xf32, #tpu.memory_space<vmem>>
      tpu.enqueue_dma source(%dma_start3A_40 : memref<128xf32, #tpu.memory_space<vmem>>) target(%dma_start3A_38 : memref<128xf32, #tpu.memory_space<hbm>>) target_semaphore(%run_scoped3A : memref<!tpu.dma_semaphore, #tpu.memory_space<semaphore_mem>>)
      %dma_wait3A = arith.constant 256 : i32
      %dma_wait3A_41 = tpu.memref_slice %arg11[%dma_wait3A] : memref<512xf32, #tpu.memory_space<vmem>> -> memref<128xf32, #tpu.memory_space<vmem>>
      %dma_wait3A_42 = arith.constant 0 : i32
      %dma_wait3A_43 = tpu.memref_slice %arg6[%add3A_29, %dma_wait3A_42] : memref<128x128xf32, #tpu.memory_space<hbm>> -> memref<1x128xf32, #tpu.memory_space<hbm>>
      %dma_wait3A_44 = tpu.memref_squeeze %dma_wait3A_43 : memref<1x128xf32, #tpu.memory_space<hbm>> -> memref<128xf32, #tpu.memory_space<hbm>>
      %dma_wait3A_45 = arith.constant 0 : i32
      %dma_wait3A_46 = tpu.memref_slice %arg6[%add3A_29, %dma_wait3A_45] : memref<128x128xf32, #tpu.memory_space<hbm>> -> memref<1x128xf32, #tpu.memory_space<hbm>>
      %dma_wait3A_47 = tpu.memref_squeeze %dma_wait3A_46 : memref<1x128xf32, #tpu.memory_space<hbm>> -> memref<128xf32, #tpu.memory_space<hbm>>
      %dma_wait3A_48 = arith.constant 256 : i32
      %dma_wait3A_49 = tpu.memref_slice %arg11[%dma_wait3A_48] : memref<512xf32, #tpu.memory_space<vmem>> -> memref<128xf32, #tpu.memory_space<vmem>>
      tpu.wait_dma2 semaphore(%run_scoped3A : memref<!tpu.dma_semaphore, #tpu.memory_space<semaphore_mem>>) src(%dma_wait3A_49 : memref<128xf32, #tpu.memory_space<vmem>>) dst(%dma_wait3A_47 : memref<128xf32, #tpu.memory_space<hbm>>)
      tpu.yield
    }) : () -> ()
    %add3A_30 = arith.constant 3 : i32
    %add3A_31 = arith.addi %mul3A_2, %add3A_30 : i32
    "tpu.region"() ({
      %run_scoped3A = tpu.sem_alloc : memref<!tpu.dma_semaphore, #tpu.memory_space<semaphore_mem>>
      %dma_start3A = arith.constant 384 : i32
      %dma_start3A_32 = tpu.memref_slice %arg11[%dma_start3A] : memref<512xf32, #tpu.memory_space<vmem>> -> memref<128xf32, #tpu.memory_space<vmem>>
      %dma_start3A_33 = arith.constant 0 : i32
      %dma_start3A_34 = tpu.memref_slice %arg6[%add3A_31, %dma_start3A_33] : memref<128x128xf32, #tpu.memory_space<hbm>> -> memref<1x128xf32, #tpu.memory_space<hbm>>
      %dma_start3A_35 = tpu.memref_squeeze %dma_start3A_34 : memref<1x128xf32, #tpu.memory_space<hbm>> -> memref<128xf32, #tpu.memory_space<hbm>>
      %dma_start3A_36 = arith.constant 0 : i32
      %dma_start3A_37 = tpu.memref_slice %arg6[%add3A_31, %dma_start3A_36] : memref<128x128xf32, #tpu.memory_space<hbm>> -> memref<1x128xf32, #tpu.memory_space<hbm>>
      %dma_start3A_38 = tpu.memref_squeeze %dma_start3A_37 : memref<1x128xf32, #tpu.memory_space<hbm>> -> memref<128xf32, #tpu.memory_space<hbm>>
      %dma_start3A_39 = arith.constant 384 : i32
      %dma_start3A_40 = tpu.memref_slice %arg11[%dma_start3A_39] : memref<512xf32, #tpu.memory_space<vmem>> -> memref<128xf32, #tpu.memory_space<vmem>>
      tpu.enqueue_dma source(%dma_start3A_40 : memref<128xf32, #tpu.memory_space<vmem>>) target(%dma_start3A_38 : memref<128xf32, #tpu.memory_space<hbm>>) target_semaphore(%run_scoped3A : memref<!tpu.dma_semaphore, #tpu.memory_space<semaphore_mem>>)
      %dma_wait3A = arith.constant 384 : i32
      %dma_wait3A_41 = tpu.memref_slice %arg11[%dma_wait3A] : memref<512xf32, #tpu.memory_space<vmem>> -> memref<128xf32, #tpu.memory_space<vmem>>
      %dma_wait3A_42 = arith.constant 0 : i32
      %dma_wait3A_43 = tpu.memref_slice %arg6[%add3A_31, %dma_wait3A_42] : memref<128x128xf32, #tpu.memory_space<hbm>> -> memref<1x128xf32, #tpu.memory_space<hbm>>
      %dma_wait3A_44 = tpu.memref_squeeze %dma_wait3A_43 : memref<1x128xf32, #tpu.memory_space<hbm>> -> memref<128xf32, #tpu.memory_space<hbm>>
      %dma_wait3A_45 = arith.constant 0 : i32
      %dma_wait3A_46 = tpu.memref_slice %arg6[%add3A_31, %dma_wait3A_45] : memref<128x128xf32, #tpu.memory_space<hbm>> -> memref<1x128xf32, #tpu.memory_space<hbm>>
      %dma_wait3A_47 = tpu.memref_squeeze %dma_wait3A_46 : memref<1x128xf32, #tpu.memory_space<hbm>> -> memref<128xf32, #tpu.memory_space<hbm>>
      %dma_wait3A_48 = arith.constant 384 : i32
      %dma_wait3A_49 = tpu.memref_slice %arg11[%dma_wait3A_48] : memref<512xf32, #tpu.memory_space<vmem>> -> memref<128xf32, #tpu.memory_space<vmem>>
      tpu.wait_dma2 semaphore(%run_scoped3A : memref<!tpu.dma_semaphore, #tpu.memory_space<semaphore_mem>>) src(%dma_wait3A_49 : memref<128xf32, #tpu.memory_space<vmem>>) dst(%dma_wait3A_47 : memref<128xf32, #tpu.memory_space<hbm>>)
      tpu.yield
    }) : () -> ()
    return
  }
}

</mosaic_0001>

<sc_bundles>
// kernel: kernel.3.cloned.1.call-start
scs
__scs_entry_jumppad:
0x0: {  	(pc) =	sbr.rel $0x88, $3  }
0x1: {  	(tag) =	ssettag $0x0;
	lr =	simm.s32 $0x1  }
0x2: {  	[smem:$0x3F9D] =	sst lr;
	_ =	strace $0xD0000000  }
0x3: {  	_ = 	snop  }
0x4: {  	_ = 	snop  }
0x5: {  	_ = 	snop  }
0x6: {  	_ = 	snop  }
0x7: {  	_ = 	snop  }
__scs_overlays_trampoline_lowered:
0x8: {  	[smem:$0x3FAC] =	sst s0  }
0x9: {  	[smem:$0x3FAD] =	sst s1  }
0xa: {  	[smem:$0x3FAE] =	sst s2  }
0xb: {  	[smem:$0x3FAF] =	sst s3  }
0xc: {  	[smem:$0x3FB0] =	sst s4  }
0xd: {  	[smem:$0x3FB1] =	sst s5  }
0xe: {  	[smem:$0x3FB2] =	sst s6  }
0xf: {  	[smem:$0x3FB3] =	sst s7  }
0x10: {  	[smem:$0x3FB4] =	sst s8  }
0x11: {  	[smem:$0x3FB5] =	sst s9;
	s0 =	simm.s32 @!p0 $0x0  }
0x12: {  	s1 =	sld [smem:$0x3F9B];
	s0 =	simm.s32 @p0 $0x1  }
0x13: {  	[smem:$0x3FB6] =	sst s0;
	s0 =	simm.s32 @!p1 $0x0  }
0x14: {  	s2 =	sld [smem:$0x3F9A];
	s0 =	simm.s32 @p1 $0x1  }
0x15: {  	[smem:$0x3FB7] =	sst s0;
	s0 =	simm.s32 @!p2 $0x0  }
0x16: {  	s3 =	sld [smem:$0x3FDB];
	s0 =	simm.s32 @p2 $0x1  }
0x17: {  	s4 =	simm.s32 $0x1BF5;
	[smem:$0x3FB9] =	sst s0  }
0x18: {  	s0 =	sld [smem:$0x3F9C];
	_ =	swait.ge [sflag:s4], $0x0  }
0x19: {  	s7 =	sld [smem:$0x3F9D]  }
0x1a: {  	s8 =	sadd.s32 $0xFFFFE003, lr  }
0x1b: {  	s9 =	sadd.s32 $0xFFFFFEF7, lr;
	s5 =	simm.s32 $0xFFFFFFFF;
	p2 =	slt.u32 s8, $0xFFFFF086  }
0x1c: {  	p1 =	slt.u32 s9, $0xF7A;
	s5 =	simm.s32 @!p2 $0x0  }
0x1d: {  	s5 =	simm.s32 @p1 $0x1;
	p0 =	seq.s32 s7, s2  }
0x1e: {  	s7 =	smul.u32 @!p0 $0xF7A, s2;
	p2 =	seq.s32 @!p0 s5, $0x0  }
0x1f: {  	s9 =	smul.u32 $0xF7A, s1;
	s8 =	simm.s32 @!p0 $0x1BF5;
	p2 =	por !p2, p0  }
0x20: {  	[sflag:s8] =	ssyncset.s32 @!p0 $0xFFFFF086;
	s6 =	sadd.s32 @!p0 s3, s7;
	s7 =	simm.s32 @!p0 $0x108  }
0x21: {  	s3 =	sadd.s32 s3, s9;
	s6 =	sadd.s32 @!p0 $0x88, s6;
	s7 =	simm.s32 @p2 $0x1082  }
0x22: {  	[simem:s7], [sflag:s8] =	dma.local @!p0 [hbm:s6], $0xF7A  }
0x23: {  	s9 =	sor.u32 $0xD0000000, s2;
	s6 =	simm.s32 $0x108;
	_ =	swait.ge @!p0 [sflag:s8], $0x0  }
0x24: {  	s3 =	sadd.s32 $0x88, s3;
	s6 =	simm.s32 @!p1 $0x1082;
	[sflag:s4] =	ssyncset.s32 $0xFFFFF086  }
0x25: {  	[simem:s6], [sflag:s4] =	dma.local [hbm:s3], $0xF7A  }
0x26: {  	[smem:$0x3F9D] =	sst s1;
	(tag) =	ssettag s2;
	_ =	strace s9  }
0x27: {  	s1 =	sld [smem:$0x3FAD]  }
0x28: {  	s2 =	sld [smem:$0x3FAE]  }
0x29: {  	s4 =	sld [smem:$0x3FB0]  }
0x2a: {  	p0 =	seq.s32 s5, $0x0;
	s5 =	sld [smem:$0x3FB1]  }
0x2b: {  	s6 =	sld [smem:$0x3FB2]  }
0x2c: {  	s7 =	sld [smem:$0x3FB3]  }
0x2d: {  	s3 =	simm.s32 $0x108;
	s8 =	sld [smem:$0x3FB4]  }
0x2e: {  	s3 =	simm.s32 @!p0 $0x1082;
	s9 =	sld [smem:$0x3FB5]  }
0x2f: {  	lr =	sadd.s32 s0, s3;
	s0 =	sld [smem:$0x3FAC]  }
0x30: {  	s3 =	sld [smem:$0x3FAF]  }
0x31: {  	[smem:$0x3FB8] =	sst s10  }
0x32: {  	s10 =	sld [smem:$0x3FB6];
	_ =	sdelay $0x3  }
0x33: {  	p0 =	seq.s32 s10, $0x1;
	s10 =	sld [smem:$0x3FB8];
	_ =	sdelay $0x3  }
0x34: {  	[smem:$0x3FB8] =	sst s10  }
0x35: {  	s10 =	sld [smem:$0x3FB7];
	_ =	sdelay $0x3  }
0x36: {  	p1 =	seq.s32 s10, $0x1;
	s10 =	sld [smem:$0x3FB8];
	_ =	sdelay $0x3  }
0x37: {  	[smem:$0x3FB8] =	sst s10  }
0x38: {  	s10 =	sld [smem:$0x3FB9]  }
0x39: {  	_ = 	snop;
	(pc) =	sbr.ind lr, $3  }
0x3a: {  	_ = 	snop  }
0x3b: {  	_ = 	snop  }
0x3c: {  	p2 =	seq.s32 s10, $0x1;
	s10 =	sld [smem:$0x3FB8]  }
0x3d: {  	_ =	shalt  }
0x3e: {  	_ =	shalt  }
0x3f: {  	_ =	shalt  }
0x40: {  	_ =	shalt  }
0x41: {  	_ =	shalt  }
0x42: {  	_ =	shalt  }
0x43: {  	_ =	shalt  }
0x44: {  	_ =	shalt  }
0x45: {  	_ =	shalt  }
0x46: {  	_ =	shalt  }
0x47: {  	_ =	shalt  }
0x48: {  	_ =	shalt  }
0x49: {  	_ =	shalt  }
0x4a: {  	_ =	shalt  }
0x4b: {  	_ =	shalt  }
0x4c: {  	_ =	shalt  }
0x4d: {  	_ =	shalt  }
0x4e: {  	_ =	shalt  }
0x4f: {  	_ =	shalt  }
0x50: {  	_ =	shalt  }
0x51: {  	_ =	shalt  }
0x52: {  	_ =	shalt  }
0x53: {  	_ =	shalt  }
0x54: {  	_ =	shalt  }
0x55: {  	_ =	shalt  }
0x56: {  	_ =	shalt  }
0x57: {  	_ =	shalt  }
0x58: {  	_ =	shalt  }
0x59: {  	_ =	shalt  }
0x5a: {  	_ =	shalt  }
0x5b: {  	_ =	shalt  }
0x5c: {  	_ =	shalt  }
0x5d: {  	_ =	shalt  }
0x5e: {  	_ =	shalt  }
0x5f: {  	_ =	shalt  }
0x60: {  	_ =	shalt  }
0x61: {  	_ =	shalt  }
0x62: {  	_ =	shalt  }
0x63: {  	_ =	shalt  }
0x64: {  	_ =	shalt  }
0x65: {  	_ =	shalt  }
0x66: {  	_ =	shalt  }
0x67: {  	_ =	shalt  }
0x68: {  	_ =	shalt  }
0x69: {  	_ =	shalt  }
0x6a: {  	_ =	shalt  }
0x6b: {  	_ =	shalt  }
0x6c: {  	_ =	shalt  }
0x6d: {  	_ =	shalt  }
0x6e: {  	_ =	shalt  }
0x6f: {  	_ =	shalt  }
0x70: {  	_ =	shalt  }
0x71: {  	_ =	shalt  }
0x72: {  	_ =	shalt  }
0x73: {  	_ =	shalt  }
0x74: {  	_ =	shalt  }
0x75: {  	_ =	shalt  }
0x76: {  	_ =	shalt  }
0x77: {  	_ =	shalt  }
0x78: {  	_ =	shalt  }
0x79: {  	_ =	shalt  }
0x7a: {  	_ =	shalt  }
0x7b: {  	_ =	shalt  }
0x7c: {  	_ =	shalt  }
0x7d: {  	_ =	shalt  }
0x7e: {  	_ =	shalt  }
0x7f: {  	_ =	shalt  }
0x80: {  	_ =	shalt  }
0x81: {  	_ =	shalt  }
0x82: {  	_ =	shalt  }
0x83: {  	_ =	shalt  }
0x84: {  	_ =	shalt  }
0x85: {  	_ =	shalt  }
0x86: {  	_ =	shalt  }
0x87: {  	_ =	shalt  }
.Lfunc_end0:
.L_simem_size_0:
called_computation_lowered:
.L_overlay_start_0:
0x88: {  	s2 =	sld [smem:$0x3FD9]  }
0x89: {  	s3 =	sld [smem:$0x3FFE];
	_ =	sdelay $0x1  }
0x8a: {  	s1 =	srdreg.scid  }
0x8b: {  	s0 =	sand.u32 $0x1, s1  }
0x8c: {  	s17 =	sshll.u32 s0, $0xA;
	s2 =	sadd.s32 s3, s2  }
0x8d: {  	s2 =	sadd.s32 s2, s17  }
0x8e: {  	[smem:$0x3FC4] =	sst s2  }
0x8f: {  	_ = 	snop  }
0x90: {  	s2 =	sld [smem:$0x3FC9]  }
0x91: {  	s18 =	sld [smem:$0x3FC8]  }
0x92: {  	s4 =	sld [smem:$0x3FD0];
	(tm) =	ssettm $0x1  }
0x93: {  	s5 =	sld [smem:$0x3FFB];
	_ =	sdelay $0x3  }
0x94: {  	_ =	strace s5  }
0x95: {  	s5 =	sld [smem:$0x3FFC];
	_ =	sdelay $0x3  }
0x96: {  	_ =	strace s5  }
0x97: {  	s5 =	sld [smem:$0x3FFD];
	_ =	sdelay $0x3  }
0x98: {  	_ =	strace s5  }
0x99: {  	_ =	strace $0x8FFFFFFF  }
0x9a: {  	s19 =	sld [smem:$0x3FDB];
	_ =	sdelay $0x1  }
0x9b: {  	s6 =	simm.s32 $_scs_section_size  }
0x9c: {  	s7 =	simm.s32 $_size__tile_overlayer_lowered;
	s8 =	simm.s32 $_tile_overlayer_lowered  }
0x9d: {  	s22 =	simm.s32 $0x1BFF;
	s21 =	sshll.u32 s8, $0x1;
	s5 =	sadd.s32 s6, s19  }
0x9e: {  	s9 =	simm.s32 $0x0;
	s20 =	sshll.u32 s7, $0x1;
	s7 =	sadd.s32 s21, s5  }
0x9f: {  	[timem:s9], [sflag:s22] =	dma.local [hbm:s7], s20  }
0xa0: {  	_ =	swait.ge [sflag:s22], s20  }
0xa1: {  	s6 =	ssub.s32 $0x0, s20;
	[sflag:s22] =	ssyncset.done $0x0  }
0xa2: {  	[sflag:s22] =	ssyncadd.s32 s6;
	_ =	sdelay $0x1  }
0xa3: {  	s23 =	simm.s32 $0x1B8B  }
0xa4: {  	_ =	swait.ge [sflag:s23], $0x1  }
0xa5: {  	[sflag:s23] =	ssyncset.done $0x0  }
0xa6: {  	s25 =	simm.s32 $0x1B8E;
	s24 =	sld [smem:$0x3FFE];
	[sflag:s23] =	ssyncadd.s32 $0xFFFFFFFF  }
0xa7: {  	s26 =	simm.s32 $execute0_lowered;
	[smem:$0x3FD2] =	sst s25  }
0xa8: {  	s7 =	sshll.u32 s26, $0x1;
	_ =	strace $0x80000046;
	[dreg:$0x1] =	wrdreg $0xFFFFFFFF  }
0xa9: {  	s28 =	simm.s32 $_size_execute0_lowered;
	s5 =	sadd.s32 s5, s7;
	[dreg:$0x0] =	wrdreg $0x0  }
0xaa: {  	s7 =	sshll.u32 s28, $0x1;
	[dreg:$0x2] =	wrdreg s5  }
0xab: {  	[dreg:$0x3] =	wrdreg s7  }
0xac: {  	[dreg:$0x4] =	wrdreg $0xC0  }
0xad: {  	_ =	task [dreg:s9], $0x5FFFF  }
0xae: {  	[dreg:$0x1] =	wrdreg $0xFFFFFFFF  }
0xaf: {  	[dreg:$0x0] =	wrdreg $0x60  }
0xb0: {  	[dreg:$0x2] =	wrdreg s2  }
0xb1: {  	[dreg:$0x3] =	wrdreg s18  }
0xb2: {  	[dreg:$0x4] =	wrdreg s24  }
0xb3: {  	[dreg:$0x5] =	wrdreg s4  }
0xb4: {  	[dreg:$0x6] =	wrdreg $0x9  }
0xb5: {  	_ =	task.clear_ibuf [dreg:s9], $0x7FFFF;
	_ =	strace $0x90000046  }
0xb6: {  	s29 =	simm.s32 $0x9;
	_ =	strace $0x80000048  }
0xb7: {  	_ =	swait.ge [sflag:s29], $0x1  }
0xb8: {  	[sflag:s29] =	ssyncadd.s32 $0xFFFFFFFF  }
0xb9: {  	_ =	strace $0x90000048  }
0xba: {  	_ =	sfence  }
0xbb: {  	s30 =	sld [smem:$0x0];
	_ =	sdelay $0x2  }
0xbc: {  	s31 =	sshll.u32 s1, $0xD;
	s1 =	sshrl.u32 s1, $0x2  }
0xbd: {  	s3 =	sand.u32 $0x4000, s31;
	s1 =	sadd.s32 s1, s30  }
0xbe: {  	s0 =	sor.u32 s3, s0;
	s1 =	sshll.u32 s1, $0x11  }
0xbf: {  	s0 =	sor.u32 s1, s0  }
0xc0: {  	s0 =	sadd.s32 $0x8F2B, s0  }
0xc1: {  	[sflag:s0] =	ssyncadd.remote.s32 $0x1  }
0xc2: {  	_ =	sfence.sel $0xFFFF  }
0xc3: {  	[dreg:$0x0] =	wrdreg $0xFFFFFFFF;
	(pc) =	sbr.abs _section_cstart, $3  }
0xc4: {  	[dreg:$0x1] =	wrdreg $0xFFFFFFFF  }
0xc5: {  	_ =	task.clear_ibuf [dreg:s9], $0x2FFFF;
	_ =	strace $0x9FFFFFFF  }
0xc6: {  	(tm) =	ssettm $0x7FFFFFFF  }
0xc7: {  	_ =	shalt  }
tec
execute0_lowered:
.L_overlay_start_1:
0x0: {  	(tag) =	ssettag $0x1  }
0x1: {  	s11 =	rddreg [dreg:$0x0]  }
0x2: {  	s4 =	rddreg [dreg:$0x1]  }
0x3: {  	s3 =	rddreg [dreg:$0x2]  }
0x4: {  	s0 =	rddreg [dreg:$0x3];
	s1 =	simm.s32 $0x0  }
0x5: {  	s2 =	simm.s32 $0x400;
	[smem:$0x7FF] =	sst s1  }
0x6: {  	s12 =	simm.s32 $0x1400;
	_ =	strace $0x80000047;
	[dreg:$0x5] =	wrdreg s2  }
0x7: {  	s13 =	simm.s32 $0x480;
	[dreg:$0x6] =	wrdreg s12  }
0x8: {  	s14 =	simm.s32 $0x1480;
	[dreg:$0x7] =	wrdreg s13  }
0x9: {  	s15 =	simm.s32 $0x500;
	[dreg:$0x8] =	wrdreg s14  }
0xa: {  	s16 =	simm.s32 $0x1500;
	[dreg:$0x9] =	wrdreg s15  }
0xb: {  	s17 =	simm.s32 $0x580;
	[dreg:$0xa] =	wrdreg s16  }
0xc: {  	s18 =	simm.s32 $0x1580;
	[dreg:$0xb] =	wrdreg s17  }
0xd: {  	s19 =	simm.s32 $0x600;
	[dreg:$0xc] =	wrdreg s18  }
0xe: {  	s20 =	simm.s32 $0x1600;
	[dreg:$0xd] =	wrdreg s19  }
0xf: {  	s21 =	simm.s32 $0x680;
	[dreg:$0xe] =	wrdreg s20  }
0x10: {  	s22 =	simm.s32 $0x1680;
	[dreg:$0xf] =	wrdreg s21  }
0x11: {  	s23 =	simm.s32 $0x700;
	[dreg:$0x10] =	wrdreg s22  }
0x12: {  	s24 =	simm.s32 $0x1700;
	[dreg:$0x11] =	wrdreg s23  }
0x13: {  	s25 =	simm.s32 $0x780;
	[dreg:$0x12] =	wrdreg s24  }
0x14: {  	s26 =	simm.s32 $0x1780;
	[dreg:$0x13] =	wrdreg s25  }
0x15: {  	s5 =	simm.s32 $0x800;
	[dreg:$0x14] =	wrdreg s26  }
0x16: {  	s6 =	simm.s32 $0x1800;
	[dreg:$0x15] =	wrdreg s5  }
0x17: {  	s7 =	simm.s32 $0x880;
	[dreg:$0x16] =	wrdreg s6  }
0x18: {  	s8 =	simm.s32 $0x1880;
	[dreg:$0x17] =	wrdreg s7  }
0x19: {  	s9 =	simm.s32 $0x900;
	[dreg:$0x18] =	wrdreg s8  }
0x1a: {  	s10 =	simm.s32 $0x1900;
	[dreg:$0x19] =	wrdreg s9  }
0x1b: {  	[dreg:$0x1a] =	wrdreg s10;
	s12 =	simm.s32 $0x980  }
0x1c: {  	s13 =	simm.s32 $0x1980;
	[dreg:$0x1b] =	wrdreg s12  }
0x1d: {  	s14 =	simm.s32 $0xA00;
	[dreg:$0x1c] =	wrdreg s13  }
0x1e: {  	s15 =	simm.s32 $0x1A00;
	[dreg:$0x1d] =	wrdreg s14  }
0x1f: {  	s16 =	simm.s32 $0xA80;
	[dreg:$0x1e] =	wrdreg s15  }
0x20: {  	s17 =	simm.s32 $0x1A80;
	[dreg:$0x1f] =	wrdreg s16  }
0x21: {  	s18 =	simm.s32 $0xB00;
	[smem:$0x7D9] =	sst s17  }
0x22: {  	s19 =	simm.s32 $0x1B00;
	[smem:$0x7DA] =	sst s18  }
0x23: {  	s5 =	simm.s32 $0xB80;
	[smem:$0x7DB] =	sst s19  }
0x24: {  	s20 =	simm.s32 $0x1B80;
	[smem:$0x7DC] =	sst s5  }
0x25: {  	s21 =	simm.s32 $0xC00;
	[smem:$0x7DD] =	sst s20  }
0x26: {  	s22 =	simm.s32 $0x1C00;
	[smem:$0x7DE] =	sst s21  }
0x27: {  	s23 =	simm.s32 $0xC80;
	[smem:$0x7DF] =	sst s22  }
0x28: {  	s24 =	simm.s32 $0x1C80;
	[smem:$0x7E0] =	sst s23  }
0x29: {  	s25 =	simm.s32 $0xD00;
	[smem:$0x7E1] =	sst s24  }
0x2a: {  	s26 =	simm.s32 $0x1D00;
	[smem:$0x7E2] =	sst s25  }
0x2b: {  	s10 =	simm.s32 $0xD80;
	[smem:$0x7E3] =	sst s26  }
0x2c: {  	[smem:$0x7E4] =	sst s10;
	s13 =	simm.s32 $0x1D80  }
0x2d: {  	s14 =	simm.s32 $0xE00;
	[smem:$0x7E5] =	sst s13  }
0x2e: {  	s15 =	simm.s32 $0x1E00;
	[smem:$0x7E6] =	sst s14  }
0x2f: {  	s16 =	simm.s32 $0xE80;
	[smem:$0x7E7] =	sst s15  }
0x30: {  	s18 =	simm.s32 $0x1E80;
	[smem:$0x7E8] =	sst s16  }
0x31: {  	s19 =	simm.s32 $0xF00;
	[smem:$0x7E9] =	sst s18  }
0x32: {  	s20 =	simm.s32 $0x1F00;
	[smem:$0x7EA] =	sst s19  }
0x33: {  	s28 =	simm.s32 $0x2;
	s21 =	simm.s32 $0xF80;
	[smem:$0x7EB] =	sst s20  }
0x34: {  	s29 =	simm.s32 $0x3;
	s10 =	simm.s32 $0x1F80;
	[smem:$0x7EC] =	sst s21  }
0x35: {  	s30 =	simm.s32 $0x4;
	s22 =	simm.s32 $0x2000;
	[smem:$0x7ED] =	sst s10  }
0x36: {  	s31 =	simm.s32 $0x2400;
	s23 =	simm.s32 $0x1080;
	[smem:$0x7EF] =	sst s22  }
0x37: {  	s2 =	sadd.s32 $0x186E00, s3;
	s24 =	simm.s32 $0x1100;
	[smem:$0x7F0] =	sst s23  }
0x38: {  	s3 =	sadd.s32 $0x400, s3;
	s25 =	simm.s32 $0x2100;
	[smem:$0x7F2] =	sst s24  }
0x39: {  	s6 =	srdreg.scid;
	s26 =	simm.s32 $0x1180;
	[smem:$0x7F3] =	sst s25  }
0x3a: {  	s9 =	stileid.u32;
	s18 =	simm.s32 $0x2080;
	[smem:$0x7F4] =	sst s26  }
0x3b: {  	s6 =	sand.u32 $0x1, s6;
	s19 =	simm.s32 $0x1200;
	[smem:$0x7F1] =	sst s18  }
0x3c: {  	s12 =	sshll.u32 s9, $0x7;
	s20 =	simm.s32 $0x2200;
	[smem:$0x7F6] =	sst s19  }
0x3d: {  	s7 =	ssub.s32 $0x2, s6;
	s21 =	simm.s32 $0x1280;
	[smem:$0x7F7] =	sst s20  }
0x3e: {  	s6 =	sshll.u32 s6, $0x6;
	s22 =	simm.s32 $0x2280;
	[smem:$0x7F8] =	sst s21  }
0x3f: {  	s23 =	simm.s32 $0x1300;
	s24 =	simm.s32 $0x2300;
	[smem:$0x7F9] =	sst s22  }
0x40: {  	s25 =	simm.s32 $0x1380;
	s26 =	simm.s32 $0x2380;
	[smem:$0x7FA] =	sst s23  }
0x41: {  	s8 =	sshrl.u32 s7, $0x1;
	s13 =	sor.u32 s6, s12;
	[smem:$0x7FB] =	sst s24  }
0x42: {  	s12 =	simm.s32 $0x1000;
	s18 =	simm.s32 $0x2180;
	[smem:$0x7FC] =	sst s25  }
0x43: {  	[smem:$0x7FD] =	sst s26;
	s25 =	simm.s32 $0x380;
	s26 =	simm.s32 $0x1  }
0x44: {  	s19 =	simm.s32 $0x2580;
	s20 =	simm.s32 $0x0;
	s17 =	ssub.s32 s7, s8  }
0x45: {  	s5 =	sadd.s32 s11, s13;
	s6 =	sadd.s32 s4, s13;
	s14 =	sor.u32 $0x10, s13  }
0x46: {  	s15 =	sor.u32 $0x20, s13;
	[smem:$0x7EE] =	sst s12;
	s16 =	sor.u32 $0x30, s13  }
0x47: {  	vm0 =	vmmov $0x1;
	vm1 =	vmmov $0x3;
	vm2 =	vmmov $0x7;
	s13 =	sadd.s32 s0, s13;
	[smem:$0x7F5] =	sst s18;
	s18 =	simm.s32 $0x5  }
0x48: {  	vm3 =	vmmov $0xf;
	vm4 =	vmmov $0x1f;
	vm5 =	vmmov $0x3f;
	s7 =	sadd.s32 s11, s14;
	s8 =	sadd.s32 s4, s14;
	s9 =	sadd.s32 s11, s15  }
0x49: {  	vm6 =	vmmov $0x7f;
	vm7 =	vmmov $0xff;
	vm8 =	vmmov $0x1ff;
	s10 =	sadd.s32 s4, s15;
	s11 =	sadd.s32 s11, s16;
	s12 =	sadd.s32 s4, s16  }
0x4a: {  	vm9 =	vmmov $0x3ff;
	vm10 =	vmmov $0x7ff;
	vm11 =	vmmov $0xfff;
	s14 =	sadd.s32 s0, s14;
	s15 =	sadd.s32 s0, s15;
	s16 =	sadd.s32 s0, s16  }
0x4b: {  	vm12 =	vmmov $0x1fff;
	vm13 =	vmmov $0x3fff;
	vm14 =	vmmov $0x7fff;
	s17 =	smax.u32 s17, $0x1;
	s0 =	simm.s32 $0x2480;
	s4 =	simm.s32 $0x2500  }
.LBB2_1:
0x4c: {  	[tilespmem:s1], [sflag:$0x5] =	stream.linear.gather [hbm4b:s5+s1], $0x80, $0x38;
	[tilespmem:$0x2600] =	vst v63  }
0x4d: {  	_ =	swait.ge [sflag:s18], $0x80  }
0x4e: {  	[sflag:s18] =	ssyncset.done $0x0  }
0x4f: {  	s21 =	simm.s32 $0x200;
	[sflag:s18] =	ssyncadd.s32 $0xFFFFFF80  }
0x50: {  	[tilespmem:s21], [sflag:$0x5] =	stream.linear.gather [hbm4b:s6+s1], $0x80, $0x38;
	[tilespmem:$0x2600] =	vst v63  }
0x51: {  	_ =	swait.ge [sflag:s18], $0x80  }
0x52: {  	[sflag:s18] =	ssyncset.done $0x0  }
0x53: {  	s23 =	simm.s32 $0x80;
	[sflag:s18] =	ssyncadd.s32 $0xFFFFFF80  }
0x54: {  	[tilespmem:s23], [sflag:$0x5] =	stream.linear.gather [hbm4b:s7+s1], $0x80, $0x38;
	[tilespmem:$0x2600] =	vst v63  }
0x55: {  	_ =	swait.ge [sflag:s18], $0x80  }
0x56: {  	[sflag:s18] =	ssyncset.done $0x0  }
0x57: {  	s24 =	simm.s32 $0x280;
	[sflag:s18] =	ssyncadd.s32 $0xFFFFFF80  }
0x58: {  	[tilespmem:s24], [sflag:$0x5] =	stream.linear.gather [hbm4b:s8+s1], $0x80, $0x38;
	[tilespmem:$0x2600] =	vst v63  }
0x59: {  	_ =	swait.ge [sflag:s18], $0x80  }
0x5a: {  	[sflag:s18] =	ssyncset.done $0x0  }
0x5b: {  	s22 =	simm.s32 $0x100;
	[sflag:s18] =	ssyncadd.s32 $0xFFFFFF80  }
0x5c: {  	[tilespmem:s22], [sflag:$0x5] =	stream.linear.gather [hbm4b:s9+s1], $0x80, $0x38;
	[tilespmem:$0x2600] =	vst v63  }
0x5d: {  	_ =	swait.ge [sflag:s18], $0x80  }
0x5e: {  	[sflag:s18] =	ssyncset.done $0x0  }
0x5f: {  	s23 =	simm.s32 $0x300;
	[sflag:s18] =	ssyncadd.s32 $0xFFFFFF80  }
0x60: {  	[tilespmem:s23], [sflag:$0x5] =	stream.linear.gather [hbm4b:s10+s1], $0x80, $0x38;
	[tilespmem:$0x2600] =	vst v63  }
0x61: {  	_ =	swait.ge [sflag:s18], $0x80  }
0x62: {  	[sflag:s18] =	ssyncset.done $0x0  }
0x63: {  	s24 =	simm.s32 $0x180;
	[sflag:s18] =	ssyncadd.s32 $0xFFFFFF80  }
0x64: {  	[tilespmem:s24], [sflag:$0x5] =	stream.linear.gather [hbm4b:s11+s1], $0x80, $0x38;
	[tilespmem:$0x2600] =	vst v63  }
0x65: {  	_ =	swait.ge [sflag:s18], $0x80  }
0x66: {  	[sflag:s18] =	ssyncset.done $0x0  }
0x67: {  	[sflag:s18] =	ssyncadd.s32 $0xFFFFFF80  }
0x68: {  	[tilespmem:s25], [sflag:$0x5] =	stream.linear.gather [hbm4b:s12+s1], $0x80, $0x38;
	[tilespmem:$0x2600] =	vst v63  }
0x69: {  	_ =	swait.ge [sflag:s18], $0x80  }
0x6a: {  	[sflag:s18] =	ssyncset.done $0x0  }
0x6b: {  	s21 =	simm.s32 $0x0;
	[sflag:s18] =	ssyncadd.s32 $0xFFFFFF80  }
.LBB2_2:
0x6c: {  	s22 =	sshra.s32 s21, $0x2  }
0x6d: {  	v0 =	vld [tilespmem:s22+$0x0];
	_ =	sdelay $0x3  }
0x6e: {  	v2 =	vld [tilespmem:s22+$0x200]  }
0x6f: {  	v1 =	vshll.u32 v0, $0x4  }
0x70: {  	(v2sf) =	vpush v1, $0x0;
	_ =	sdelay $0x2  }
0x71: {  	v51 =	vshll.u32 v2, $0x4  }
0x72: {  	(v2sf) =	vpush v51, $0x0;
	_ =	sdelay $0x3  }
0x73: {  	(v2sf) =	vpush v1, $0x1;
	_ =	sdelay $0x3  }
0x74: {  	(v2sf) =	vpush v51, $0x1;
	_ =	sdelay $0x2  }
0x75: {  	s23 =	spop (v2sf)  }
0x76: {  	(v2sf) =	vpush v1, $0x2;
	s23 =	sand.u32 $0x1FFFFFF0, s23  }
0x77: {  	s24 =	rddreg [dreg:$0x5];
	s23 =	sadd.s32 s2, s23  }
0x78: {  	[tilespmem:s24], [sflag:$0x1] =	stream.linear.gather [hbm4b:s23+s1], $0x80, $0x38;
	[tilespmem:$0x2600] =	vst v63  }
0x79: {  	s23 =	spop (v2sf)  }
0x7a: {  	(v2sf) =	vpush v51, $0x2;
	s23 =	sand.u32 $0x1FFFFFF0, s23  }
0x7b: {  	s24 =	rddreg [dreg:$0x6];
	s23 =	sadd.s32 s3, s23  }
0x7c: {  	[tilespmem:s24], [sflag:$0x2] =	stream.linear.gather [hbm4b:s23+s1], $0x80, $0x38;
	[tilespmem:$0x2600] =	vst v63  }
0x7d: {  	s23 =	spop (v2sf)  }
0x7e: {  	(v2sf) =	vpush v1, $0x3;
	s23 =	sand.u32 $0x1FFFFFF0, s23  }
0x7f: {  	s24 =	rddreg [dreg:$0x7];
	s23 =	sadd.s32 s2, s23  }
0x80: {  	[tilespmem:s24], [sflag:$0x1] =	stream.linear.gather [hbm4b:s23+s1], $0x80, $0x38;
	[tilespmem:$0x2600] =	vst v63  }
0x81: {  	s23 =	spop (v2sf)  }
0x82: {  	(v2sf) =	vpush v51, $0x3;
	s23 =	sand.u32 $0x1FFFFFF0, s23  }
0x83: {  	s24 =	rddreg [dreg:$0x8];
	s23 =	sadd.s32 s3, s23  }
0x84: {  	[tilespmem:s24], [sflag:$0x2] =	stream.linear.gather [hbm4b:s23+s1], $0x80, $0x38;
	[tilespmem:$0x2600] =	vst v63  }
0x85: {  	s23 =	spop (v2sf)  }
0x86: {  	(v2sf) =	vpush v1, $0x4;
	s23 =	sand.u32 $0x1FFFFFF0, s23  }
0x87: {  	s24 =	rddreg [dreg:$0x9];
	s23 =	sadd.s32 s2, s23  }
0x88: {  	[tilespmem:s24], [sflag:$0x1] =	stream.linear.gather [hbm4b:s23+s1], $0x80, $0x38;
	[tilespmem:$0x2600] =	vst v63  }
0x89: {  	s23 =	spop (v2sf)  }
0x8a: {  	(v2sf) =	vpush v51, $0x4;
	s23 =	sand.u32 $0x1FFFFFF0, s23  }
0x8b: {  	s24 =	rddreg [dreg:$0xa];
	s23 =	sadd.s32 s3, s23  }
0x8c: {  	[tilespmem:s24], [sflag:$0x2] =	stream.linear.gather [hbm4b:s23+s1], $0x80, $0x38;
	[tilespmem:$0x2600] =	vst v63  }
0x8d: {  	s23 =	spop (v2sf)  }
0x8e: {  	(v2sf) =	vpush v1, $0x5;
	s23 =	sand.u32 $0x1FFFFFF0, s23  }
0x8f: {  	s24 =	rddreg [dreg:$0xb];
	s23 =	sadd.s32 s2, s23  }
0x90: {  	[tilespmem:s24], [sflag:$0x1] =	stream.linear.gather [hbm4b:s23+s1], $0x80, $0x38;
	[tilespmem:$0x2600] =	vst v63  }
0x91: {  	s23 =	spop (v2sf)  }
0x92: {  	(v2sf) =	vpush v51, $0x5;
	s23 =	sand.u32 $0x1FFFFFF0, s23  }
0x93: {  	s24 =	rddreg [dreg:$0xc];
	s23 =	sadd.s32 s3, s23  }
0x94: {  	[tilespmem:s24], [sflag:$0x2] =	stream.linear.gather [hbm4b:s23+s1], $0x80, $0x38;
	[tilespmem:$0x2600] =	vst v63  }
0x95: {  	s23 =	spop (v2sf)  }
0x96: {  	(v2sf) =	vpush v1, $0x6;
	s23 =	sand.u32 $0x1FFFFFF0, s23  }
0x97: {  	s24 =	rddreg [dreg:$0xd];
	s23 =	sadd.s32 s2, s23  }
0x98: {  	[tilespmem:s24], [sflag:$0x1] =	stream.linear.gather [hbm4b:s23+s1], $0x80, $0x38;
	[tilespmem:$0x2600] =	vst v63  }
0x99: {  	s23 =	spop (v2sf)  }
0x9a: {  	(v2sf) =	vpush v51, $0x6;
	s23 =	sand.u32 $0x1FFFFFF0, s23  }
0x9b: {  	s24 =	rddreg [dreg:$0xe];
	s23 =	sadd.s32 s3, s23  }
0x9c: {  	[tilespmem:s24], [sflag:$0x2] =	stream.linear.gather [hbm4b:s23+s1], $0x80, $0x38;
	[tilespmem:$0x2600] =	vst v63  }
0x9d: {  	s23 =	spop (v2sf)  }
0x9e: {  	(v2sf) =	vpush v1, $0x7;
	s23 =	sand.u32 $0x1FFFFFF0, s23  }
0x9f: {  	s24 =	rddreg [dreg:$0xf];
	s23 =	sadd.s32 s2, s23  }
0xa0: {  	[tilespmem:s24], [sflag:$0x1] =	stream.linear.gather [hbm4b:s23+s1], $0x80, $0x38;
	[tilespmem:$0x2600] =	vst v63  }
0xa1: {  	s23 =	spop (v2sf)  }
0xa2: {  	(v2sf) =	vpush v51, $0x7;
	s23 =	sand.u32 $0x1FFFFFF0, s23  }
0xa3: {  	s24 =	rddreg [dreg:$0x10];
	s23 =	sadd.s32 s3, s23  }
0xa4: {  	[tilespmem:s24], [sflag:$0x2] =	stream.linear.gather [hbm4b:s23+s1], $0x80, $0x38;
	[tilespmem:$0x2600] =	vst v63  }
0xa5: {  	s23 =	spop (v2sf)  }
0xa6: {  	(v2sf) =	vpush v1, $0x8;
	s23 =	sand.u32 $0x1FFFFFF0, s23  }
0xa7: {  	s24 =	rddreg [dreg:$0x11];
	s23 =	sadd.s32 s2, s23  }
0xa8: {  	[tilespmem:s24], [sflag:$0x1] =	stream.linear.gather [hbm4b:s23+s1], $0x80, $0x38;
	[tilespmem:$0x2600] =	vst v63  }
0xa9: {  	s23 =	spop (v2sf)  }
0xaa: {  	(v2sf) =	vpush v51, $0x8;
	s23 =	sand.u32 $0x1FFFFFF0, s23  }
0xab: {  	s24 =	rddreg [dreg:$0x12];
	s23 =	sadd.s32 s3, s23  }
0xac: {  	[tilespmem:s24], [sflag:$0x2] =	stream.linear.gather [hbm4b:s23+s1], $0x80, $0x38;
	[tilespmem:$0x2600] =	vst v63  }
0xad: {  	s23 =	spop (v2sf)  }
0xae: {  	(v2sf) =	vpush v1, $0x9;
	s23 =	sand.u32 $0x1FFFFFF0, s23  }
0xaf: {  	s24 =	rddreg [dreg:$0x13];
	s23 =	sadd.s32 s2, s23  }
0xb0: {  	[tilespmem:s24], [sflag:$0x1] =	stream.linear.gather [hbm4b:s23+s1], $0x80, $0x38;
	[tilespmem:$0x2600] =	vst v63  }
0xb1: {  	s23 =	spop (v2sf)  }
0xb2: {  	(v2sf) =	vpush v51, $0x9;
	s23 =	sand.u32 $0x1FFFFFF0, s23  }
0xb3: {  	s24 =	rddreg [dreg:$0x14];
	s23 =	sadd.s32 s3, s23  }
0xb4: {  	[tilespmem:s24], [sflag:$0x2] =	stream.linear.gather [hbm4b:s23+s1], $0x80, $0x38;
	[tilespmem:$0x2600] =	vst v63  }
0xb5: {  	s23 =	spop (v2sf)  }
0xb6: {  	s23 =	sand.u32 $0x1FFFFFF0, s23  }
0xb7: {  	s24 =	rddreg [dreg:$0x15];
	s23 =	sadd.s32 s2, s23  }
0xb8: {  	[tilespmem:s24], [sflag:$0x1] =	stream.linear.gather [hbm4b:s23+s1], $0x80, $0x38;
	[tilespmem:$0x2600] =	vst v63  }
0xb9: {  	s23 =	spop (v2sf)  }
0xba: {  	s23 =	sand.u32 $0x1FFFFFF0, s23  }
0xbb: {  	s24 =	rddreg [dreg:$0x16];
	s23 =	sadd.s32 s3, s23  }
0xbc: {  	[tilespmem:s24], [sflag:$0x2] =	stream.linear.gather [hbm4b:s23+s1], $0x80, $0x38;
	[tilespmem:$0x2600] =	vst v63  }
0xbd: {  	s23 =	spop (v2sf)  }
0xbe: {  	s23 =	sand.u32 $0x1FFFFFF0, s23  }
0xbf: {  	s24 =	rddreg [dreg:$0x17];
	s23 =	sadd.s32 s2, s23  }
0xc0: {  	[tilespmem:s24], [sflag:$0x1] =	stream.linear.gather [hbm4b:s23+s1], $0x80, $0x38;
	[tilespmem:$0x2600] =	vst v63  }
0xc1: {  	s23 =	spop (v2sf)  }
0xc2: {  	s23 =	sand.u32 $0x1FFFFFF0, s23  }
0xc3: {  	s24 =	rddreg [dreg:$0x18];
	s23 =	sadd.s32 s3, s23  }
0xc4: {  	[tilespmem:s24], [sflag:$0x2] =	stream.linear.gather [hbm4b:s23+s1], $0x80, $0x38;
	[tilespmem:$0x2600] =	vst v63  }
0xc5: {  	(v2sf) =	vpush v1, $0xA;
	_ =	sdelay $0x3  }
0xc6: {  	(v2sf) =	vpush v51, $0xA;
	_ =	sdelay $0x3  }
0xc7: {  	(v2sf) =	vpush v1, $0xB;
	_ =	sdelay $0x3  }
0xc8: {  	(v2sf) =	vpush v51, $0xB;
	_ =	sdelay $0x2  }
0xc9: {  	s23 =	spop (v2sf)  }
0xca: {  	(v2sf) =	vpush v1, $0xC;
	s23 =	sand.u32 $0x1FFFFFF0, s23  }
0xcb: {  	s24 =	rddreg [dreg:$0x19];
	s23 =	sadd.s32 s2, s23  }
0xcc: {  	[tilespmem:s24], [sflag:$0x1] =	stream.linear.gather [hbm4b:s23+s1], $0x80, $0x38;
	[tilespmem:$0x2600] =	vst v63  }
0xcd: {  	s23 =	spop (v2sf)  }
0xce: {  	(v2sf) =	vpush v51, $0xC;
	s23 =	sand.u32 $0x1FFFFFF0, s23  }
0xcf: {  	s24 =	rddreg [dreg:$0x1a];
	s23 =	sadd.s32 s3, s23  }
0xd0: {  	[tilespmem:s24], [sflag:$0x2] =	stream.linear.gather [hbm4b:s23+s1], $0x80, $0x38;
	[tilespmem:$0x2600] =	vst v63  }
0xd1: {  	s23 =	spop (v2sf)  }
0xd2: {  	(v2sf) =	vpush v1, $0xD;
	s23 =	sand.u32 $0x1FFFFFF0, s23  }
0xd3: {  	s24 =	rddreg [dreg:$0x1b];
	s23 =	sadd.s32 s2, s23  }
0xd4: {  	[tilespmem:s24], [sflag:$0x1] =	stream.linear.gather [hbm4b:s23+s1], $0x80, $0x38;
	[tilespmem:$0x2600] =	vst v63  }
0xd5: {  	s23 =	spop (v2sf)  }
0xd6: {  	(v2sf) =	vpush v51, $0xD;
	s23 =	sand.u32 $0x1FFFFFF0, s23  }
0xd7: {  	s24 =	rddreg [dreg:$0x1c];
	s23 =	sadd.s32 s3, s23  }
0xd8: {  	[tilespmem:s24], [sflag:$0x2] =	stream.linear.gather [hbm4b:s23+s1], $0x80, $0x38;
	[tilespmem:$0x2600] =	vst v63  }
0xd9: {  	s23 =	spop (v2sf)  }
0xda: {  	(v2sf) =	vpush v1, $0xE;
	s23 =	sand.u32 $0x1FFFFFF0, s23  }
0xdb: {  	s24 =	rddreg [dreg:$0x1d];
	s23 =	sadd.s32 s2, s23  }
0xdc: {  	[tilespmem:s24], [sflag:$0x1] =	stream.linear.gather [hbm4b:s23+s1], $0x80, $0x38;
	[tilespmem:$0x2600] =	vst v63  }
0xdd: {  	s23 =	spop (v2sf)  }
0xde: {  	(v2sf) =	vpush v51, $0xE;
	s23 =	sand.u32 $0x1FFFFFF0, s23  }
0xdf: {  	s24 =	rddreg [dreg:$0x1e];
	s23 =	sadd.s32 s3, s23  }
0xe0: {  	[tilespmem:s24], [sflag:$0x2] =	stream.linear.gather [hbm4b:s23+s1], $0x80, $0x38;
	[tilespmem:$0x2600] =	vst v63  }
0xe1: {  	s23 =	spop (v2sf)  }
0xe2: {  	(v2sf) =	vpush v1, $0xF;
	s23 =	sand.u32 $0x1FFFFFF0, s23  }
0xe3: {  	s24 =	rddreg [dreg:$0x1f];
	s23 =	sadd.s32 s2, s23  }
0xe4: {  	[tilespmem:s24], [sflag:$0x1] =	stream.linear.gather [hbm4b:s23+s1], $0x80, $0x38;
	[tilespmem:$0x2600] =	vst v63  }
0xe5: {  	s23 =	spop (v2sf);
	s24 =	sld [smem:$0x7D9]  }
0xe6: {  	(v2sf) =	vpush v51, $0xF;
	s23 =	sand.u32 $0x1FFFFFF0, s23  }
0xe7: {  	s23 =	sadd.s32 s3, s23  }
0xe8: {  	[tilespmem:s24], [sflag:$0x2] =	stream.linear.gather [hbm4b:s23+s1], $0x80, $0x38;
	[tilespmem:$0x2600] =	vst v63  }
0xe9: {  	s24 =	sld [smem:$0x7DA];
	s23 =	spop (v2sf)  }
0xea: {  	s23 =	sand.u32 $0x1FFFFFF0, s23  }
0xeb: {  	s23 =	sadd.s32 s2, s23  }
0xec: {  	[tilespmem:s24], [sflag:$0x1] =	stream.linear.gather [hbm4b:s23+s1], $0x80, $0x38;
	[tilespmem:$0x2600] =	vst v63  }
0xed: {  	s23 =	spop (v2sf);
	s24 =	sld [smem:$0x7DB]  }
0xee: {  	s23 =	sand.u32 $0x1FFFFFF0, s23  }
0xef: {  	s23 =	sadd.s32 s3, s23  }
0xf0: {  	[tilespmem:s24], [sflag:$0x2] =	stream.linear.gather [hbm4b:s23+s1], $0x80, $0x38;
	[tilespmem:$0x2600] =	vst v63  }
0xf1: {  	s23 =	spop (v2sf);
	s24 =	sld [smem:$0x7DC]  }
0xf2: {  	s23 =	sand.u32 $0x1FFFFFF0, s23  }
0xf3: {  	s23 =	sadd.s32 s2, s23  }
0xf4: {  	[tilespmem:s24], [sflag:$0x1] =	stream.linear.gather [hbm4b:s23+s1], $0x80, $0x38;
	[tilespmem:$0x2600] =	vst v63  }
0xf5: {  	s23 =	spop (v2sf);
	s24 =	sld [smem:$0x7DD]  }
0xf6: {  	s23 =	sand.u32 $0x1FFFFFF0, s23  }
0xf7: {  	s23 =	sadd.s32 s3, s23  }
0xf8: {  	[tilespmem:s24], [sflag:$0x2] =	stream.linear.gather [hbm4b:s23+s1], $0x80, $0x38;
	[tilespmem:$0x2600] =	vst v63  }
0xf9: {  	v52 =	vld [tilespmem:s22+$0x10];
	_ =	sdelay $0x3  }
0xfa: {  	v53 =	vld [tilespmem:s22+$0x210]  }
0xfb: {  	v54 =	vshll.u32 v52, $0x4  }
0xfc: {  	(v2sf) =	vpush v54, $0x0;
	_ =	sdelay $0x2  }
0xfd: {  	v55 =	vshll.u32 v53, $0x4  }
0xfe: {  	(v2sf) =	vpush v55, $0x0;
	_ =	sdelay $0x3  }
0xff: {  	(v2sf) =	vpush v54, $0x1;
	_ =	sdelay $0x3  }
0x100: {  	(v2sf) =	vpush v55, $0x1;
	_ =	sdelay $0x2  }
0x101: {  	s24 =	sld [smem:$0x7DE];
	s23 =	spop (v2sf)  }
0x102: {  	(v2sf) =	vpush v54, $0x2;
	s23 =	sand.u32 $0x1FFFFFF0, s23  }
0x103: {  	s23 =	sadd.s32 s2, s23  }
0x104: {  	[tilespmem:s24], [sflag:$0x3] =	stream.linear.gather [hbm4b:s23+s1], $0x80, $0x38;
	[tilespmem:$0x2600] =	vst v63  }
0x105: {  	s23 =	spop (v2sf);
	s24 =	sld [smem:$0x7DF]  }
0x106: {  	(v2sf) =	vpush v55, $0x2;
	s23 =	sand.u32 $0x1FFFFFF0, s23  }
0x107: {  	s23 =	sadd.s32 s3, s23  }
0x108: {  	[tilespmem:s24], [sflag:$0x4] =	stream.linear.gather [hbm4b:s23+s1], $0x80, $0x38;
	[tilespmem:$0x2600] =	vst v63  }
0x109: {  	s23 =	spop (v2sf);
	s24 =	sld [smem:$0x7E0]  }
0x10a: {  	(v2sf) =	vpush v54, $0x3;
	s23 =	sand.u32 $0x1FFFFFF0, s23  }
0x10b: {  	s23 =	sadd.s32 s2, s23  }
0x10c: {  	[tilespmem:s24], [sflag:$0x3] =	stream.linear.gather [hbm4b:s23+s1], $0x80, $0x38;
	[tilespmem:$0x2600] =	vst v63  }
0x10d: {  	s23 =	spop (v2sf);
	s24 =	sld [smem:$0x7E1]  }
0x10e: {  	(v2sf) =	vpush v55, $0x3;
	s23 =	sand.u32 $0x1FFFFFF0, s23  }
0x10f: {  	s23 =	sadd.s32 s3, s23  }
0x110: {  	[tilespmem:s24], [sflag:$0x4] =	stream.linear.gather [hbm4b:s23+s1], $0x80, $0x38;
	[tilespmem:$0x2600] =	vst v63  }
0x111: {  	s24 =	sld [smem:$0x7E2];
	s23 =	spop (v2sf)  }
0x112: {  	(v2sf) =	vpush v54, $0x4;
	s23 =	sand.u32 $0x1FFFFFF0, s23  }
0x113: {  	s23 =	sadd.s32 s2, s23  }
0x114: {  	[tilespmem:s24], [sflag:$0x3] =	stream.linear.gather [hbm4b:s23+s1], $0x80, $0x38;
	[tilespmem:$0x2600] =	vst v63  }
0x115: {  	s23 =	spop (v2sf);
	s24 =	sld [smem:$0x7E3]  }
0x116: {  	(v2sf) =	vpush v55, $0x4;
	s23 =	sand.u32 $0x1FFFFFF0, s23  }
0x117: {  	s23 =	sadd.s32 s3, s23  }
0x118: {  	[tilespmem:s24], [sflag:$0x4] =	stream.linear.gather [hbm4b:s23+s1], $0x80, $0x38;
	[tilespmem:$0x2600] =	vst v63  }
0x119: {  	s23 =	spop (v2sf);
	s24 =	sld [smem:$0x7E4]  }
0x11a: {  	(v2sf) =	vpush v54, $0x5;
	s23 =	sand.u32 $0x1FFFFFF0, s23  }
0x11b: {  	s23 =	sadd.s32 s2, s23  }
0x11c: {  	[tilespmem:s24], [sflag:$0x3] =	stream.linear.gather [hbm4b:s23+s1], $0x80, $0x38;
	[tilespmem:$0x2600] =	vst v63  }
0x11d: {  	s23 =	spop (v2sf);
	s24 =	sld [smem:$0x7E5]  }
0x11e: {  	(v2sf) =	vpush v55, $0x5;
	s23 =	sand.u32 $0x1FFFFFF0, s23  }
0x11f: {  	s23 =	sadd.s32 s3, s23  }
0x120: {  	[tilespmem:s24], [sflag:$0x4] =	stream.linear.gather [hbm4b:s23+s1], $0x80, $0x38;
	[tilespmem:$0x2600] =	vst v63  }
0x121: {  	s24 =	sld [smem:$0x7E6];
	s23 =	spop (v2sf)  }
0x122: {  	(v2sf) =	vpush v54, $0x6;
	s23 =	sand.u32 $0x1FFFFFF0, s23  }
0x123: {  	s23 =	sadd.s32 s2, s23  }
0x124: {  	[tilespmem:s24], [sflag:$0x3] =	stream.linear.gather [hbm4b:s23+s1], $0x80, $0x38;
	[tilespmem:$0x2600] =	vst v63  }
0x125: {  	s23 =	spop (v2sf);
	s24 =	sld [smem:$0x7E7]  }
0x126: {  	(v2sf) =	vpush v55, $0x6;
	s23 =	sand.u32 $0x1FFFFFF0, s23  }
0x127: {  	s23 =	sadd.s32 s3, s23  }
0x128: {  	[tilespmem:s24], [sflag:$0x4] =	stream.linear.gather [hbm4b:s23+s1], $0x80, $0x38;
	[tilespmem:$0x2600] =	vst v63  }
0x129: {  	s23 =	spop (v2sf);
	s24 =	sld [smem:$0x7E8]  }
0x12a: {  	(v2sf) =	vpush v54, $0x7;
	s23 =	sand.u32 $0x1FFFFFF0, s23  }
0x12b: {  	s23 =	sadd.s32 s2, s23  }
0x12c: {  	[tilespmem:s24], [sflag:$0x3] =	stream.linear.gather [hbm4b:s23+s1], $0x80, $0x38;
	[tilespmem:$0x2600] =	vst v63  }
0x12d: {  	s23 =	spop (v2sf);
	s24 =	sld [smem:$0x7E9]  }
0x12e: {  	(v2sf) =	vpush v55, $0x7;
	s23 =	sand.u32 $0x1FFFFFF0, s23  }
0x12f: {  	s23 =	sadd.s32 s3, s23  }
0x130: {  	[tilespmem:s24], [sflag:$0x4] =	stream.linear.gather [hbm4b:s23+s1], $0x80, $0x38;
	[tilespmem:$0x2600] =	vst v63  }
0x131: {  	s24 =	sld [smem:$0x7EA];
	s23 =	spop (v2sf)  }
0x132: {  	(v2sf) =	vpush v54, $0x8;
	s23 =	sand.u32 $0x1FFFFFF0, s23  }
0x133: {  	s23 =	sadd.s32 s2, s23  }
0x134: {  	[tilespmem:s24], [sflag:$0x3] =	stream.linear.gather [hbm4b:s23+s1], $0x80, $0x38;
	[tilespmem:$0x2600] =	vst v63  }
0x135: {  	s23 =	spop (v2sf);
	s24 =	sld [smem:$0x7EB]  }
0x136: {  	(v2sf) =	vpush v55, $0x8;
	s23 =	sand.u32 $0x1FFFFFF0, s23  }
0x137: {  	s23 =	sadd.s32 s3, s23  }
0x138: {  	[tilespmem:s24], [sflag:$0x4] =	stream.linear.gather [hbm4b:s23+s1], $0x80, $0x38;
	[tilespmem:$0x2600] =	vst v63  }
0x139: {  	s23 =	spop (v2sf);
	s24 =	sld [smem:$0x7EC]  }
0x13a: {  	(v2sf) =	vpush v54, $0x9;
	s23 =	sand.u32 $0x1FFFFFF0, s23  }
0x13b: {  	s23 =	sadd.s32 s2, s23  }
0x13c: {  	[tilespmem:s24], [sflag:$0x3] =	stream.linear.gather [hbm4b:s23+s1], $0x80, $0x38;
	[tilespmem:$0x2600] =	vst v63  }
0x13d: {  	s23 =	spop (v2sf);
	s24 =	sld [smem:$0x7ED]  }
0x13e: {  	(v2sf) =	vpush v55, $0x9;
	s23 =	sand.u32 $0x1FFFFFF0, s23  }
0x13f: {  	s23 =	sadd.s32 s3, s23  }
0x140: {  	[tilespmem:s24], [sflag:$0x4] =	stream.linear.gather [hbm4b:s23+s1], $0x80, $0x38;
	[tilespmem:$0x2600] =	vst v63  }
0x141: {  	s24 =	sld [smem:$0x7EE];
	s23 =	spop (v2sf)  }
0x142: {  	(v2sf) =	vpush v54, $0xA;
	s23 =	sand.u32 $0x1FFFFFF0, s23  }
0x143: {  	s23 =	sadd.s32 s2, s23  }
0x144: {  	[tilespmem:s24], [sflag:$0x3] =	stream.linear.gather [hbm4b:s23+s1], $0x80, $0x38;
	[tilespmem:$0x2600] =	vst v63  }
0x145: {  	s23 =	spop (v2sf);
	s24 =	sld [smem:$0x7EF]  }
0x146: {  	(v2sf) =	vpush v55, $0xA;
	s23 =	sand.u32 $0x1FFFFFF0, s23  }
0x147: {  	s23 =	sadd.s32 s3, s23  }
0x148: {  	[tilespmem:s24], [sflag:$0x4] =	stream.linear.gather [hbm4b:s23+s1], $0x80, $0x38;
	[tilespmem:$0x2600] =	vst v63  }
0x149: {  	s23 =	spop (v2sf);
	s24 =	sld [smem:$0x7F0]  }
0x14a: {  	(v2sf) =	vpush v54, $0xB;
	s23 =	sand.u32 $0x1FFFFFF0, s23  }
0x14b: {  	s23 =	sadd.s32 s2, s23  }
0x14c: {  	[tilespmem:s24], [sflag:$0x3] =	stream.linear.gather [hbm4b:s23+s1], $0x80, $0x38;
	[tilespmem:$0x2600] =	vst v63  }
0x14d: {  	s23 =	spop (v2sf);
	s24 =	sld [smem:$0x7F1]  }
0x14e: {  	(v2sf) =	vpush v55, $0xB;
	s23 =	sand.u32 $0x1FFFFFF0, s23  }
0x14f: {  	s23 =	sadd.s32 s3, s23  }
0x150: {  	[tilespmem:s24], [sflag:$0x4] =	stream.linear.gather [hbm4b:s23+s1], $0x80, $0x38;
	[tilespmem:$0x2600] =	vst v63  }
0x151: {  	s24 =	sld [smem:$0x7F2];
	s23 =	spop (v2sf)  }
0x152: {  	(v2sf) =	vpush v54, $0xC;
	s23 =	sand.u32 $0x1FFFFFF0, s23  }
0x153: {  	s23 =	sadd.s32 s2, s23  }
0x154: {  	[tilespmem:s24], [sflag:$0x3] =	stream.linear.gather [hbm4b:s23+s1], $0x80, $0x38;
	[tilespmem:$0x2600] =	vst v63  }
0x155: {  	s23 =	spop (v2sf);
	s24 =	sld [smem:$0x7F3]  }
0x156: {  	(v2sf) =	vpush v55, $0xC;
	s23 =	sand.u32 $0x1FFFFFF0, s23  }
0x157: {  	s23 =	sadd.s32 s3, s23  }
0x158: {  	[tilespmem:s24], [sflag:$0x4] =	stream.linear.gather [hbm4b:s23+s1], $0x80, $0x38;
	[tilespmem:$0x2600] =	vst v63  }
0x159: {  	s23 =	spop (v2sf);
	s24 =	sld [smem:$0x7F4]  }
0x15a: {  	(v2sf) =	vpush v54, $0xD;
	s23 =	sand.u32 $0x1FFFFFF0, s23  }
0x15b: {  	s23 =	sadd.s32 s2, s23  }
0x15c: {  	[tilespmem:s24], [sflag:$0x3] =	stream.linear.gather [hbm4b:s23+s1], $0x80, $0x38;
	[tilespmem:$0x2600] =	vst v63  }
0x15d: {  	s23 =	spop (v2sf);
	s24 =	sld [smem:$0x7F5]  }
0x15e: {  	(v2sf) =	vpush v55, $0xD;
	s23 =	sand.u32 $0x1FFFFFF0, s23  }
0x15f: {  	s23 =	sadd.s32 s3, s23  }
0x160: {  	[tilespmem:s24], [sflag:$0x4] =	stream.linear.gather [hbm4b:s23+s1], $0x80, $0x38;
	[tilespmem:$0x2600] =	vst v63  }
0x161: {  	s24 =	sld [smem:$0x7F6];
	s23 =	spop (v2sf)  }
0x162: {  	(v2sf) =	vpush v54, $0xE;
	s23 =	sand.u32 $0x1FFFFFF0, s23  }
0x163: {  	s23 =	sadd.s32 s2, s23  }
0x164: {  	[tilespmem:s24], [sflag:$0x3] =	stream.linear.gather [hbm4b:s23+s1], $0x80, $0x38;
	[tilespmem:$0x2600] =	vst v63  }
0x165: {  	s23 =	spop (v2sf);
	s24 =	sld [smem:$0x7F7]  }
0x166: {  	(v2sf) =	vpush v55, $0xE;
	s23 =	sand.u32 $0x1FFFFFF0, s23  }
0x167: {  	s23 =	sadd.s32 s3, s23  }
0x168: {  	[tilespmem:s24], [sflag:$0x4] =	stream.linear.gather [hbm4b:s23+s1], $0x80, $0x38;
	[tilespmem:$0x2600] =	vst v63  }
0x169: {  	s23 =	spop (v2sf);
	s24 =	sld [smem:$0x7F8]  }
0x16a: {  	(v2sf) =	vpush v54, $0xF;
	s23 =	sand.u32 $0x1FFFFFF0, s23  }
0x16b: {  	s23 =	sadd.s32 s2, s23  }
0x16c: {  	[tilespmem:s24], [sflag:$0x3] =	stream.linear.gather [hbm4b:s23+s1], $0x80, $0x38;
	[tilespmem:$0x2600] =	vst v63  }
0x16d: {  	s23 =	spop (v2sf);
	s24 =	sld [smem:$0x7F9]  }
0x16e: {  	(v2sf) =	vpush v55, $0xF;
	s23 =	sand.u32 $0x1FFFFFF0, s23  }
0x16f: {  	s23 =	sadd.s32 s3, s23  }
0x170: {  	[tilespmem:s24], [sflag:$0x4] =	stream.linear.gather [hbm4b:s23+s1], $0x80, $0x38;
	[tilespmem:$0x2600] =	vst v63  }
0x171: {  	s24 =	sld [smem:$0x7FA];
	s23 =	spop (v2sf)  }
0x172: {  	s23 =	sand.u32 $0x1FFFFFF0, s23  }
0x173: {  	s23 =	sadd.s32 s2, s23  }
0x174: {  	[tilespmem:s24], [sflag:$0x3] =	stream.linear.gather [hbm4b:s23+s1], $0x80, $0x38;
	[tilespmem:$0x2600] =	vst v63  }
0x175: {  	s23 =	spop (v2sf);
	s24 =	sld [smem:$0x7FB]  }
0x176: {  	s23 =	sand.u32 $0x1FFFFFF0, s23  }
0x177: {  	s23 =	sadd.s32 s3, s23  }
0x178: {  	[tilespmem:s24], [sflag:$0x4] =	stream.linear.gather [hbm4b:s23+s1], $0x80, $0x38;
	[tilespmem:$0x2600] =	vst v63  }
0x179: {  	s23 =	spop (v2sf);
	s24 =	sld [smem:$0x7FC]  }
0x17a: {  	s23 =	sand.u32 $0x1FFFFFF0, s23  }
0x17b: {  	s23 =	sadd.s32 s2, s23  }
0x17c: {  	[tilespmem:s24], [sflag:$0x3] =	stream.linear.gather [hbm4b:s23+s1], $0x80, $0x38;
	[tilespmem:$0x2600] =	vst v63  }
0x17d: {  	s23 =	spop (v2sf);
	s24 =	sld [smem:$0x7FD]  }
0x17e: {  	s23 =	sand.u32 $0x1FFFFFF0, s23  }
0x17f: {  	s23 =	sadd.s32 s3, s23  }
0x180: {  	[tilespmem:s24], [sflag:$0x4] =	stream.linear.gather [hbm4b:s23+s1], $0x80, $0x38;
	[tilespmem:$0x2600] =	vst v63  }
0x181: {  	_ =	swait.ge [sflag:s26], $0x80  }
0x182: {  	[sflag:s26] =	ssyncset.done $0x0  }
0x183: {  	[sflag:s26] =	ssyncadd.s32 $0xFFFFFF80  }
0x184: {  	_ =	swait.ge [sflag:s28], $0x80  }
0x185: {  	[sflag:s28] =	ssyncset.done $0x0  }
0x186: {  	[sflag:s28] =	ssyncadd.s32 $0xFFFFFF80  }
0x187: {  	_ =	swait.ge [sflag:s26], $0x80  }
0x188: {  	[sflag:s26] =	ssyncset.done $0x0  }
0x189: {  	[sflag:s26] =	ssyncadd.s32 $0xFFFFFF80  }
0x18a: {  	_ =	swait.ge [sflag:s28], $0x80  }
0x18b: {  	[sflag:s28] =	ssyncset.done $0x0  }
0x18c: {  	[sflag:s28] =	ssyncadd.s32 $0xFFFFFF80  }
0x18d: {  	_ =	swait.ge [sflag:s26], $0x80  }
0x18e: {  	[sflag:s26] =	ssyncset.done $0x0  }
0x18f: {  	[sflag:s26] =	ssyncadd.s32 $0xFFFFFF80  }
0x190: {  	_ =	swait.ge [sflag:s28], $0x80  }
0x191: {  	[sflag:s28] =	ssyncset.done $0x0  }
0x192: {  	[sflag:s28] =	ssyncadd.s32 $0xFFFFFF80  }
0x193: {  	_ =	swait.ge [sflag:s26], $0x80  }
0x194: {  	[sflag:s26] =	ssyncset.done $0x0  }
0x195: {  	[sflag:s26] =	ssyncadd.s32 $0xFFFFFF80  }
0x196: {  	_ =	swait.ge [sflag:s28], $0x80  }
0x197: {  	[sflag:s28] =	ssyncset.done $0x0  }
0x198: {  	[sflag:s28] =	ssyncadd.s32 $0xFFFFFF80  }
0x199: {  	_ =	swait.ge [sflag:s26], $0x80  }
0x19a: {  	[sflag:s26] =	ssyncset.done $0x0  }
0x19b: {  	[sflag:s26] =	ssyncadd.s32 $0xFFFFFF80  }
0x19c: {  	_ =	swait.ge [sflag:s28], $0x80  }
0x19d: {  	[sflag:s28] =	ssyncset.done $0x0  }
0x19e: {  	[sflag:s28] =	ssyncadd.s32 $0xFFFFFF80  }
0x19f: {  	_ =	swait.ge [sflag:s26], $0x80  }
0x1a0: {  	[sflag:s26] =	ssyncset.done $0x0  }
0x1a1: {  	[sflag:s26] =	ssyncadd.s32 $0xFFFFFF80  }
0x1a2: {  	_ =	swait.ge [sflag:s28], $0x80  }
0x1a3: {  	[sflag:s28] =	ssyncset.done $0x0  }
0x1a4: {  	[sflag:s28] =	ssyncadd.s32 $0xFFFFFF80  }
0x1a5: {  	_ =	swait.ge [sflag:s26], $0x80  }
0x1a6: {  	[sflag:s26] =	ssyncset.done $0x0  }
0x1a7: {  	[sflag:s26] =	ssyncadd.s32 $0xFFFFFF80  }
0x1a8: {  	_ =	swait.ge [sflag:s28], $0x80  }
0x1a9: {  	[sflag:s28] =	ssyncset.done $0x0  }
0x1aa: {  	[sflag:s28] =	ssyncadd.s32 $0xFFFFFF80  }
0x1ab: {  	_ =	swait.ge [sflag:s26], $0x80  }
0x1ac: {  	[sflag:s26] =	ssyncset.done $0x0  }
0x1ad: {  	[sflag:s26] =	ssyncadd.s32 $0xFFFFFF80  }
0x1ae: {  	_ =	swait.ge [sflag:s28], $0x80  }
0x1af: {  	[sflag:s28] =	ssyncset.done $0x0  }
0x1b0: {  	[sflag:s28] =	ssyncadd.s32 $0xFFFFFF80  }
0x1b1: {  	_ =	swait.ge [sflag:s26], $0x80  }
0x1b2: {  	[sflag:s26] =	ssyncset.done $0x0  }
0x1b3: {  	[sflag:s26] =	ssyncadd.s32 $0xFFFFFF80  }
0x1b4: {  	_ =	swait.ge [sflag:s28], $0x80  }
0x1b5: {  	[sflag:s28] =	ssyncset.done $0x0  }
0x1b6: {  	[sflag:s28] =	ssyncadd.s32 $0xFFFFFF80  }
0x1b7: {  	_ =	swait.ge [sflag:s26], $0x80  }
0x1b8: {  	[sflag:s26] =	ssyncset.done $0x0  }
0x1b9: {  	[sflag:s26] =	ssyncadd.s32 $0xFFFFFF80  }
0x1ba: {  	_ =	swait.ge [sflag:s28], $0x80  }
0x1bb: {  	[sflag:s28] =	ssyncset.done $0x0  }
0x1bc: {  	[sflag:s28] =	ssyncadd.s32 $0xFFFFFF80  }
0x1bd: {  	_ =	swait.ge [sflag:s26], $0x80  }
0x1be: {  	[sflag:s26] =	ssyncset.done $0x0  }
0x1bf: {  	[sflag:s26] =	ssyncadd.s32 $0xFFFFFF80  }
0x1c0: {  	_ =	swait.ge [sflag:s28], $0x80  }
0x1c1: {  	[sflag:s28] =	ssyncset.done $0x0  }
0x1c2: {  	[sflag:s28] =	ssyncadd.s32 $0xFFFFFF80  }
0x1c3: {  	_ =	swait.ge [sflag:s26], $0x80  }
0x1c4: {  	[sflag:s26] =	ssyncset.done $0x0  }
0x1c5: {  	[sflag:s26] =	ssyncadd.s32 $0xFFFFFF80  }
0x1c6: {  	_ =	swait.ge [sflag:s28], $0x80  }
0x1c7: {  	[sflag:s28] =	ssyncset.done $0x0  }
0x1c8: {  	[sflag:s28] =	ssyncadd.s32 $0xFFFFFF80  }
0x1c9: {  	_ =	swait.ge [sflag:s26], $0x80  }
0x1ca: {  	[sflag:s26] =	ssyncset.done $0x0  }
0x1cb: {  	[sflag:s26] =	ssyncadd.s32 $0xFFFFFF80  }
0x1cc: {  	_ =	swait.ge [sflag:s28], $0x80  }
0x1cd: {  	[sflag:s28] =	ssyncset.done $0x0  }
0x1ce: {  	[sflag:s28] =	ssyncadd.s32 $0xFFFFFF80  }
0x1cf: {  	_ =	swait.ge [sflag:s26], $0x80  }
0x1d0: {  	[sflag:s26] =	ssyncset.done $0x0  }
0x1d1: {  	[sflag:s26] =	ssyncadd.s32 $0xFFFFFF80  }
0x1d2: {  	_ =	swait.ge [sflag:s28], $0x80  }
0x1d3: {  	[sflag:s28] =	ssyncset.done $0x0  }
0x1d4: {  	[sflag:s28] =	ssyncadd.s32 $0xFFFFFF80  }
0x1d5: {  	_ =	swait.ge [sflag:s26], $0x80  }
0x1d6: {  	[sflag:s26] =	ssyncset.done $0x0  }
0x1d7: {  	[sflag:s26] =	ssyncadd.s32 $0xFFFFFF80  }
0x1d8: {  	_ =	swait.ge [sflag:s28], $0x80  }
0x1d9: {  	[sflag:s28] =	ssyncset.done $0x0  }
0x1da: {  	[sflag:s28] =	ssyncadd.s32 $0xFFFFFF80  }
0x1db: {  	_ =	swait.ge [sflag:s26], $0x80  }
0x1dc: {  	[sflag:s26] =	ssyncset.done $0x0  }
0x1dd: {  	[sflag:s26] =	ssyncadd.s32 $0xFFFFFF80  }
0x1de: {  	_ =	swait.ge [sflag:s28], $0x80  }
0x1df: {  	[sflag:s28] =	ssyncset.done $0x0  }
0x1e0: {  	[sflag:s28] =	ssyncadd.s32 $0xFFFFFF80  }
0x1e1: {  	v56 =	vld [tilespmem:$0x400]  }
0x1e2: {  	v57 =	vld [tilespmem:$0x410]  }
0x1e3: {  	v58 =	vld [tilespmem:$0x1400]  }
0x1e4: {  	v3 =	vld [tilespmem:$0x1410]  }
0x1e5: {  	v4 =	vld [tilespmem:$0x480]  }
0x1e6: {  	v5 =	vld [tilespmem:$0x490]  }
0x1e7: {  	v6 =	vld [tilespmem:$0x1480]  }
0x1e8: {  	v7 =	vld [tilespmem:$0x1490]  }
0x1e9: {  	v8 =	vld [tilespmem:$0x500]  }
0x1ea: {  	v9 =	vld [tilespmem:$0x510]  }
0x1eb: {  	v10 =	vld [tilespmem:$0x1500]  }
0x1ec: {  	v11 =	vld [tilespmem:$0x1510]  }
0x1ed: {  	v12 =	vld [tilespmem:$0x580]  }
0x1ee: {  	v13 =	vld [tilespmem:$0x590]  }
0x1ef: {  	v14 =	vld [tilespmem:$0x1580]  }
0x1f0: {  	v15 =	vld [tilespmem:$0x1590]  }
0x1f1: {  	v16 =	vld [tilespmem:$0x600]  }
0x1f2: {  	v17 =	vld [tilespmem:$0x610]  }
0x1f3: {  	v18 =	vld [tilespmem:$0x1600]  }
0x1f4: {  	v19 =	vld [tilespmem:$0x1610]  }
0x1f5: {  	v20 =	vld [tilespmem:$0x680]  }
0x1f6: {  	v21 =	vld [tilespmem:$0x690]  }
0x1f7: {  	v22 =	vld [tilespmem:$0x1680]  }
0x1f8: {  	v23 =	vld [tilespmem:$0x1690]  }
0x1f9: {  	v24 =	vld [tilespmem:$0x700]  }
0x1fa: {  	v25 =	vld [tilespmem:$0x710]  }
0x1fb: {  	v26 =	vld [tilespmem:$0x1700]  }
0x1fc: {  	v27 =	vld [tilespmem:$0x1710]  }
0x1fd: {  	v28 =	vld [tilespmem:$0x780]  }
0x1fe: {  	v29 =	vld [tilespmem:$0x790]  }
0x1ff: {  	v30 =	vld [tilespmem:$0x1780]  }
0x200: {  	v31 =	vld [tilespmem:$0x1790]  }
0x201: {  	v32 =	vld [tilespmem:$0x800]  }
0x202: {  	v33 =	vld [tilespmem:$0x810]  }
0x203: {  	v34 =	vld [tilespmem:$0x1800]  }
0x204: {  	v35 =	vld [tilespmem:$0x1810]  }
0x205: {  	v36 =	vld [tilespmem:$0x880]  }
0x206: {  	v37 =	vld [tilespmem:$0x890]  }
0x207: {  	v38 =	vld [tilespmem:$0x1880]  }
0x208: {  	v39 =	vld [tilespmem:$0x1890]  }
0x209: {  	v40 =	vld [tilespmem:$0x900]  }
0x20a: {  	v41 =	vld [tilespmem:$0x910]  }
0x20b: {  	v42 =	vld [tilespmem:$0x1900]  }
0x20c: {  	v43 =	vld [tilespmem:$0x1910]  }
0x20d: {  	v44 =	vld [tilespmem:$0x980]  }
0x20e: {  	v45 =	vld [tilespmem:$0x990]  }
0x20f: {  	v46 =	vld [tilespmem:$0x1980]  }
0x210: {  	v47 =	vld [tilespmem:$0x1990]  }
0x211: {  	v48 =	vld [tilespmem:$0xA00]  }
0x212: {  	v49 =	vld [tilespmem:$0xA10]  }
0x213: {  	v2 =	vld [tilespmem:$0x1A00];
	v0 =	vmul.f32 v58, v56;
	v1 =	vmul.f32 v3, v57  }
0x214: {  	v51 =	vld [tilespmem:$0x1B10];
	v59 =	vmul.f32 v6, v4;
	v60 =	vmul.f32 v7, v5  }
0x215: {  	v5 =	vld [tilespmem:$0x1A10];
	v61 =	vmul.f32 v10, v8;
	v62 =	vmul.f32 v11, v9;
	v0 =	vadd.f32 v1, v0  }
0x216: {  	v7 =	vld [tilespmem:$0xA80];
	v3 =	vadd.f32 v60, v59  }
0x217: {  	v4 =	vld [tilespmem:$0xA90];
	v14 =	vmul.f32 v14, v12;
	v15 =	vmul.f32 v15, v13;
	v63 =	vadd.f32 v62, v61;
	(xrf2) =	vadd.scan.msk.f32 $0xffff, v0  }
0x218: {  	v8 =	vld [tilespmem:$0x1A80];
	v16 =	vmul.f32 v18, v16;
	v18 =	vmul.f32 v19, v17;
	(xrf2) =	vadd.scan.msk.f32 $0xffff, v3  }
0x219: {  	v10 =	vld [tilespmem:$0x1A90];
	v22 =	vmul.f32 v22, v20;
	v23 =	vmul.f32 v23, v21;
	v19 =	vadd.f32 v15, v14;
	(xrf2) =	vadd.scan.msk.f32 $0xffff, v63  }
0x21a: {  	v11 =	vld [tilespmem:$0xB00];
	v24 =	vmul.f32 v26, v24;
	v25 =	vmul.f32 v27, v25;
	v3 =	vadd.f32 v18, v16  }
0x21b: {  	v26 =	vld [tilespmem:$0xB10];
	v28 =	vmul.f32 v30, v28;
	v29 =	vmul.f32 v31, v29;
	v27 =	vadd.f32 v23, v22;
	(xrf2) =	vadd.scan.msk.f32 $0xffff, v19  }
0x21c: {  	v30 =	vld [tilespmem:$0x1B00];
	v34 =	vmul.f32 v34, v32;
	v50 =	vmul.f32 v35, v33;
	v31 =	vadd.f32 v25, v24;
	(xrf2) =	vadd.scan.msk.f32 $0xffff, v3  }
0x21d: {  	v53 =	vmul.f32 v38, v36;
	v54 =	vmul.f32 v39, v37;
	v20 =	vld [tilespmem:$0x1B90];
	v52 =	vadd.f32 v29, v28;
	(xrf2) =	vadd.scan.msk.f32 $0xffff, v27  }
0x21e: {  	v57 =	vmul.f32 v42, v40;
	v58 =	vmul.f32 v43, v41;
	v56 =	vadd.f32 v50, v34;
	v59 =	vld [tilespmem:$0xB90];
	(xrf2) =	vadd.scan.msk.f32 $0xffff, v31  }
0x21f: {  	v55 =	vld [tilespmem:$0xB80];
	v60 =	vadd.f32 v54, v53;
	v61 =	vmul.f32 v46, v44;
	v62 =	vmul.f32 v47, v45;
	(xrf2) =	vadd.scan.msk.f32 $0xffff, v52  }
0x220: {  	v2 =	vmul.f32 v2, v48;
	v5 =	vmul.f32 v5, v49;
	v63 =	vld [tilespmem:$0x1B80];
	v19 =	vadd.f32 v58, v57;
	(xrf2) =	vadd.scan.msk.f32 $0xffff, v56  }
0x221: {  	v22 =	vadd.f32 v62, v61;
	v23 =	vmul.f32 v8, v7;
	v4 =	vmul.f32 v10, v4;
	v21, _, _ =	vpop (xrf2);
	(xrf2) =	vadd.scan.msk.f32 $0xffff, v60  }
0x222: {  	v25 =	vmul.f32 v30, v11;
	v26 =	vmul.f32 v51, v26;
	v2 =	vadd.f32 v5, v2;
	v24, _, _ =	vpop (xrf2);
	(xrf2) =	vadd.scan.msk.f32 $0xffff, v19  }
0x223: {  	v29 =	vadd.f32 v4, v23;
	v35 =	vmul.f32 v20, v59;
	v28, _, _ =	vpop (xrf2);
	(xrf2) =	vadd.scan.msk.f32 $0xffff, v22  }
0x224: {  	v32 =	vadd.f32 v26, v25;
	v27 =	vbroadcast v21, $0xF;
	v30 =	vbroadcast v24, $0xF;
	(xrf2) =	vadd.scan.msk.f32 $0xffff, v2  }
0x225: {  	v34 =	vmul.f32 v63, v55;
	v31 =	vbroadcast v28, $0xF;
	v33, _, _ =	vpop (xrf2);
	(xrf2) =	vadd.scan.msk.f32 $0xffff, v29  }
0x226: {  	v1 =	vsel vm0, v27, v30;
	v3 =	vbroadcast v33, $0xF;
	v36, _, _ =	vpop (xrf2);
	(xrf2) =	vadd.scan.msk.f32 $0xffff, v32  }
0x227: {  	v0 =	vadd.f32 v35, v34;
	v1 =	vsel vm1, v1, v31;
	v37 =	vbroadcast v36, $0xF;
	v38, _, _ =	vpop (xrf2)  }
0x228: {  	v1 =	vsel vm2, v1, v3;
	v39 =	vbroadcast v38, $0xF;
	v40, _, _ =	vpop (xrf2)  }
0x229: {  	v1 =	vsel vm3, v1, v37;
	v41 =	vbroadcast v40, $0xF;
	v42, _, _ =	vpop (xrf2);
	(xrf2) =	vadd.scan.msk.f32 $0xffff, v0  }
0x22a: {  	v43 =	vsel vm4, v1, v39;
	v44 =	vbroadcast v42, $0xF;
	v45, _, _ =	vpop (xrf2)  }
0x22b: {  	v0 =	vsel vm5, v43, v41;
	v46 =	vbroadcast v45, $0xF;
	v47, _, _ =	vpop (xrf2)  }
0x22c: {  	v0 =	vsel vm6, v0, v44;
	v48 =	vbroadcast v47, $0xF;
	v49, _, _ =	vpop (xrf2)  }
0x22d: {  	v0 =	vsel vm7, v0, v46;
	v50 =	vbroadcast v49, $0xF;
	v51, _, _ =	vpop (xrf2)  }
0x22e: {  	v0 =	vsel vm8, v0, v48;
	v52 =	vbroadcast v51, $0xF;
	v53, _, _ =	vpop (xrf2)  }
0x22f: {  	v0 =	vsel vm9, v0, v50;
	v54 =	vbroadcast v53, $0xF;
	v55, _, _ =	vpop (xrf2)  }
0x230: {  	v0 =	vsel vm10, v0, v52;
	v56 =	vbroadcast v55, $0xF;
	v57, _, _ =	vpop (xrf2)  }
0x231: {  	v0 =	vsel vm11, v0, v54;
	v58 =	vbroadcast v57, $0xF  }
0x232: {  	v0 =	vsel vm12, v0, v56  }
0x233: {  	v59, _, _ =	vpop (xrf2);
	v0 =	vsel vm13, v0, v58  }
0x234: {  	v0 =	vsel vm14, v0, v59  }
0x235: {  	[tilespmem:s22+$0x2400] =	vst v0  }
0x236: {  	_ =	swait.ge [sflag:s29], $0x80  }
0x237: {  	[sflag:s29] =	ssyncset.done $0x0  }
0x238: {  	[sflag:s29] =	ssyncadd.s32 $0xFFFFFF80  }
0x239: {  	_ =	swait.ge [sflag:s30], $0x80  }
0x23a: {  	[sflag:s30] =	ssyncset.done $0x0  }
0x23b: {  	[sflag:s30] =	ssyncadd.s32 $0xFFFFFF80  }
0x23c: {  	_ =	swait.ge [sflag:s29], $0x80  }
0x23d: {  	[sflag:s29] =	ssyncset.done $0x0  }
0x23e: {  	[sflag:s29] =	ssyncadd.s32 $0xFFFFFF80  }
0x23f: {  	_ =	swait.ge [sflag:s30], $0x80  }
0x240: {  	[sflag:s30] =	ssyncset.done $0x0  }
0x241: {  	[sflag:s30] =	ssyncadd.s32 $0xFFFFFF80  }
0x242: {  	_ =	swait.ge [sflag:s29], $0x80  }
0x243: {  	[sflag:s29] =	ssyncset.done $0x0  }
0x244: {  	[sflag:s29] =	ssyncadd.s32 $0xFFFFFF80  }
0x245: {  	_ =	swait.ge [sflag:s30], $0x80  }
0x246: {  	[sflag:s30] =	ssyncset.done $0x0  }
0x247: {  	[sflag:s30] =	ssyncadd.s32 $0xFFFFFF80  }
0x248: {  	_ =	swait.ge [sflag:s29], $0x80  }
0x249: {  	[sflag:s29] =	ssyncset.done $0x0  }
0x24a: {  	[sflag:s29] =	ssyncadd.s32 $0xFFFFFF80  }
0x24b: {  	_ =	swait.ge [sflag:s30], $0x80  }
0x24c: {  	[sflag:s30] =	ssyncset.done $0x0  }
0x24d: {  	[sflag:s30] =	ssyncadd.s32 $0xFFFFFF80  }
0x24e: {  	_ =	swait.ge [sflag:s29], $0x80  }
0x24f: {  	[sflag:s29] =	ssyncset.done $0x0  }
0x250: {  	[sflag:s29] =	ssyncadd.s32 $0xFFFFFF80  }
0x251: {  	_ =	swait.ge [sflag:s30], $0x80  }
0x252: {  	[sflag:s30] =	ssyncset.done $0x0  }
0x253: {  	[sflag:s30] =	ssyncadd.s32 $0xFFFFFF80  }
0x254: {  	_ =	swait.ge [sflag:s29], $0x80  }
0x255: {  	[sflag:s29] =	ssyncset.done $0x0  }
0x256: {  	[sflag:s29] =	ssyncadd.s32 $0xFFFFFF80  }
0x257: {  	_ =	swait.ge [sflag:s30], $0x80  }
0x258: {  	[sflag:s30] =	ssyncset.done $0x0  }
0x259: {  	[sflag:s30] =	ssyncadd.s32 $0xFFFFFF80  }
0x25a: {  	_ =	swait.ge [sflag:s29], $0x80  }
0x25b: {  	[sflag:s29] =	ssyncset.done $0x0  }
0x25c: {  	[sflag:s29] =	ssyncadd.s32 $0xFFFFFF80  }
0x25d: {  	_ =	swait.ge [sflag:s30], $0x80  }
0x25e: {  	[sflag:s30] =	ssyncset.done $0x0  }
0x25f: {  	[sflag:s30] =	ssyncadd.s32 $0xFFFFFF80  }
0x260: {  	_ =	swait.ge [sflag:s29], $0x80  }
0x261: {  	[sflag:s29] =	ssyncset.done $0x0  }
0x262: {  	[sflag:s29] =	ssyncadd.s32 $0xFFFFFF80  }
0x263: {  	_ =	swait.ge [sflag:s30], $0x80  }
0x264: {  	[sflag:s30] =	ssyncset.done $0x0  }
0x265: {  	[sflag:s30] =	ssyncadd.s32 $0xFFFFFF80  }
0x266: {  	_ =	swait.ge [sflag:s29], $0x80  }
0x267: {  	[sflag:s29] =	ssyncset.done $0x0  }
0x268: {  	[sflag:s29] =	ssyncadd.s32 $0xFFFFFF80  }
0x269: {  	_ =	swait.ge [sflag:s30], $0x80  }
0x26a: {  	[sflag:s30] =	ssyncset.done $0x0  }
0x26b: {  	[sflag:s30] =	ssyncadd.s32 $0xFFFFFF80  }
0x26c: {  	_ =	swait.ge [sflag:s29], $0x80  }
0x26d: {  	[sflag:s29] =	ssyncset.done $0x0  }
0x26e: {  	[sflag:s29] =	ssyncadd.s32 $0xFFFFFF80  }
0x26f: {  	_ =	swait.ge [sflag:s30], $0x80  }
0x270: {  	[sflag:s30] =	ssyncset.done $0x0  }
0x271: {  	[sflag:s30] =	ssyncadd.s32 $0xFFFFFF80  }
0x272: {  	_ =	swait.ge [sflag:s29], $0x80  }
0x273: {  	[sflag:s29] =	ssyncset.done $0x0  }
0x274: {  	[sflag:s29] =	ssyncadd.s32 $0xFFFFFF80  }
0x275: {  	_ =	swait.ge [sflag:s30], $0x80  }
0x276: {  	[sflag:s30] =	ssyncset.done $0x0  }
0x277: {  	[sflag:s30] =	ssyncadd.s32 $0xFFFFFF80  }
0x278: {  	_ =	swait.ge [sflag:s29], $0x80  }
0x279: {  	[sflag:s29] =	ssyncset.done $0x0  }
0x27a: {  	[sflag:s29] =	ssyncadd.s32 $0xFFFFFF80  }
0x27b: {  	_ =	swait.ge [sflag:s30], $0x80  }
0x27c: {  	[sflag:s30] =	ssyncset.done $0x0  }
0x27d: {  	[sflag:s30] =	ssyncadd.s32 $0xFFFFFF80  }
0x27e: {  	_ =	swait.ge [sflag:s29], $0x80  }
0x27f: {  	[sflag:s29] =	ssyncset.done $0x0  }
0x280: {  	[sflag:s29] =	ssyncadd.s32 $0xFFFFFF80  }
0x281: {  	_ =	swait.ge [sflag:s30], $0x80  }
0x282: {  	[sflag:s30] =	ssyncset.done $0x0  }
0x283: {  	[sflag:s30] =	ssyncadd.s32 $0xFFFFFF80  }
0x284: {  	_ =	swait.ge [sflag:s29], $0x80  }
0x285: {  	[sflag:s29] =	ssyncset.done $0x0  }
0x286: {  	[sflag:s29] =	ssyncadd.s32 $0xFFFFFF80  }
0x287: {  	_ =	swait.ge [sflag:s30], $0x80  }
0x288: {  	[sflag:s30] =	ssyncset.done $0x0  }
0x289: {  	[sflag:s30] =	ssyncadd.s32 $0xFFFFFF80  }
0x28a: {  	_ =	swait.ge [sflag:s29], $0x80  }
0x28b: {  	[sflag:s29] =	ssyncset.done $0x0  }
0x28c: {  	[sflag:s29] =	ssyncadd.s32 $0xFFFFFF80  }
0x28d: {  	_ =	swait.ge [sflag:s30], $0x80  }
0x28e: {  	[sflag:s30] =	ssyncset.done $0x0  }
0x28f: {  	[sflag:s30] =	ssyncadd.s32 $0xFFFFFF80  }
0x290: {  	_ =	swait.ge [sflag:s29], $0x80  }
0x291: {  	[sflag:s29] =	ssyncset.done $0x0  }
0x292: {  	[sflag:s29] =	ssyncadd.s32 $0xFFFFFF80  }
0x293: {  	_ =	swait.ge [sflag:s30], $0x80  }
0x294: {  	[sflag:s30] =	ssyncset.done $0x0  }
0x295: {  	[sflag:s30] =	ssyncadd.s32 $0xFFFFFF80  }
0x296: {  	v0 =	vld [tilespmem:$0xC00]  }
0x297: {  	v1 =	vld [tilespmem:$0xC10]  }
0x298: {  	v2 =	vld [tilespmem:$0x1C00]  }
0x299: {  	v3 =	vld [tilespmem:$0x1C10]  }
0x29a: {  	v4 =	vld [tilespmem:$0xC80]  }
0x29b: {  	v5 =	vld [tilespmem:$0xC90]  }
0x29c: {  	v60 =	vld [tilespmem:$0x1C80]  }
0x29d: {  	v61 =	vld [tilespmem:$0x1C90]  }
0x29e: {  	v8 =	vld [tilespmem:$0xD00]  }
0x29f: {  	v9 =	vld [tilespmem:$0xD10]  }
0x2a0: {  	v62 =	vld [tilespmem:$0x1D00]  }
0x2a1: {  	v63 =	vld [tilespmem:$0x1D10]  }
0x2a2: {  	v12 =	vld [tilespmem:$0xD80]  }
0x2a3: {  	v13 =	vld [tilespmem:$0xD90]  }
0x2a4: {  	v14 =	vld [tilespmem:$0x1D80]  }
0x2a5: {  	v15 =	vld [tilespmem:$0x1D90]  }
0x2a6: {  	v16 =	vld [tilespmem:$0xE00]  }
0x2a7: {  	v17 =	vld [tilespmem:$0xE10]  }
0x2a8: {  	v18 =	vld [tilespmem:$0x1E00]  }
0x2a9: {  	v19 =	vld [tilespmem:$0x1E10]  }
0x2aa: {  	v20 =	vld [tilespmem:$0xE80]  }
0x2ab: {  	v21 =	vld [tilespmem:$0xE90]  }
0x2ac: {  	v22 =	vld [tilespmem:$0x1E80]  }
0x2ad: {  	v23 =	vld [tilespmem:$0x1E90]  }
0x2ae: {  	v24 =	vld [tilespmem:$0xF00]  }
0x2af: {  	v25 =	vld [tilespmem:$0xF10]  }
0x2b0: {  	v26 =	vld [tilespmem:$0x1F00]  }
0x2b1: {  	v27 =	vld [tilespmem:$0x1F10]  }
0x2b2: {  	v28 =	vld [tilespmem:$0xF80]  }
0x2b3: {  	v29 =	vld [tilespmem:$0xF90]  }
0x2b4: {  	v30 =	vld [tilespmem:$0x1F80]  }
0x2b5: {  	v52 =	vld [tilespmem:$0x1F90]  }
0x2b6: {  	v53 =	vld [tilespmem:$0x1000]  }
0x2b7: {  	v54 =	vld [tilespmem:$0x1010]  }
0x2b8: {  	v55 =	vld [tilespmem:$0x2000]  }
0x2b9: {  	v56 =	vld [tilespmem:$0x2010]  }
0x2ba: {  	v57 =	vld [tilespmem:$0x1080]  }
0x2bb: {  	v37 =	vld [tilespmem:$0x1090]  }
0x2bc: {  	v58 =	vld [tilespmem:$0x2080]  }
0x2bd: {  	v59 =	vld [tilespmem:$0x2090]  }
0x2be: {  	v40 =	vld [tilespmem:$0x1100]  }
0x2bf: {  	v41 =	vld [tilespmem:$0x1110]  }
0x2c0: {  	v42 =	vld [tilespmem:$0x2100]  }
0x2c1: {  	v43 =	vld [tilespmem:$0x2110]  }
0x2c2: {  	v44 =	vld [tilespmem:$0x1180]  }
0x2c3: {  	v45 =	vld [tilespmem:$0x1190]  }
0x2c4: {  	v46 =	vld [tilespmem:$0x2180]  }
0x2c5: {  	v47 =	vld [tilespmem:$0x2190]  }
0x2c6: {  	v48 =	vld [tilespmem:$0x1200]  }
0x2c7: {  	v49 =	vld [tilespmem:$0x1210]  }
0x2c8: {  	v50 =	vld [tilespmem:$0x2200];
	v0 =	vmul.f32 v2, v0  }
0x2c9: {  	v7 =	vld [tilespmem:$0x1290];
	v1 =	vmul.f32 v3, v1;
	v60 =	vmul.f32 v60, v4  }
0x2ca: {  	v10 =	vld [tilespmem:$0x2290];
	v61 =	vmul.f32 v61, v5;
	v62 =	vmul.f32 v62, v8  }
0x2cb: {  	v11 =	vld [tilespmem:$0x1300];
	v63 =	vmul.f32 v63, v9;
	v12 =	vmul.f32 v14, v12;
	v0 =	vadd.f32 v1, v0  }
0x2cc: {  	v51 =	vld [tilespmem:$0x2300];
	v14 =	vmul.f32 v15, v13;
	v16 =	vmul.f32 v18, v16;
	v3 =	vadd.f32 v61, v60  }
0x2cd: {  	v2 =	vld [tilespmem:$0x2210];
	v18 =	vmul.f32 v19, v17;
	v20 =	vmul.f32 v22, v20;
	v15 =	vadd.f32 v63, v62;
	(xrf2) =	vadd.scan.msk.f32 $0xffff, v0  }
0x2ce: {  	v5 =	vld [tilespmem:$0x1280];
	v22 =	vmul.f32 v23, v21;
	v24 =	vmul.f32 v26, v24;
	v19 =	vadd.f32 v14, v12;
	(xrf2) =	vadd.scan.msk.f32 $0xffff, v3  }
0x2cf: {  	v9 =	vld [tilespmem:$0x2280];
	v26 =	vmul.f32 v27, v25;
	v30 =	vmul.f32 v30, v28;
	v23 =	vadd.f32 v18, v16;
	(xrf2) =	vadd.scan.msk.f32 $0xffff, v15  }
0x2d0: {  	v31 =	vmul.f32 v52, v29;
	v53 =	vmul.f32 v55, v53;
	v55 =	vld [tilespmem:$0x2310];
	v27 =	vadd.f32 v22, v20;
	(xrf2) =	vadd.scan.msk.f32 $0xffff, v19  }
0x2d1: {  	v54 =	vmul.f32 v56, v54;
	v12 =	vld [tilespmem:$0x1310];
	v52 =	vadd.f32 v26, v24;
	(xrf2) =	vadd.scan.msk.f32 $0xffff, v23  }
0x2d2: {  	v57 =	vmul.f32 v58, v57;
	v58 =	vmul.f32 v59, v37;
	v56 =	vadd.f32 v31, v30;
	v63 =	vld [tilespmem:$0x1390];
	(xrf2) =	vadd.scan.msk.f32 $0xffff, v27  }
0x2d3: {  	v60 =	vadd.f32 v54, v53;
	v61 =	vmul.f32 v42, v40;
	v62 =	vmul.f32 v43, v41;
	v26 =	vld [tilespmem:$0x2390];
	(xrf2) =	vadd.scan.msk.f32 $0xffff, v52  }
0x2d4: {  	v59 =	vld [tilespmem:$0x1380];
	v21 =	vmul.f32 v46, v44;
	v20 =	vadd.f32 v58, v57;
	v22 =	vmul.f32 v47, v45;
	(xrf2) =	vadd.scan.msk.f32 $0xffff, v56  }
0x2d5: {  	v25 =	vmul.f32 v50, v48;
	v24 =	vadd.f32 v62, v61;
	v2 =	vmul.f32 v2, v49;
	v23 =	vld [tilespmem:$0x2380];
	(xrf2) =	vadd.scan.msk.f32 $0xffff, v60  }
0x2d6: {  	v29 =	vmul.f32 v10, v7;
	v28 =	vmul.f32 v9, v5;
	v27 =	vadd.f32 v22, v21;
	(xrf2) =	vadd.scan.msk.f32 $0xffff, v20  }
0x2d7: {  	v32 =	vmul.f32 v51, v11;
	v31 =	vadd.f32 v2, v25;
	v33 =	vmul.f32 v55, v12;
	v30, _, _ =	vpop (xrf2);
	(xrf2) =	vadd.scan.msk.f32 $0xffff, v24  }
0x2d8: {  	v4 =	vadd.f32 v29, v28;
	v41 =	vmul.f32 v26, v63;
	v34, _, _ =	vpop (xrf2);
	(xrf2) =	vadd.scan.msk.f32 $0xffff, v27  }
0x2d9: {  	v37 =	vadd.f32 v33, v32;
	v35 =	vbroadcast v30, $0xF;
	v36, _, _ =	vpop (xrf2);
	(xrf2) =	vadd.scan.msk.f32 $0xffff, v31;
	v38 =	vbroadcast v34, $0xF  }
0x2da: {  	v39 =	vmul.f32 v23, v59;
	v40, _, _ =	vpop (xrf2);
	(xrf2) =	vadd.scan.msk.f32 $0xffff, v4;
	v5 =	vbroadcast v36, $0xF  }
0x2db: {  	v1 =	vsel vm0, v35, v38;
	v42 =	vbroadcast v40, $0xF;
	v43, _, _ =	vpop (xrf2);
	(xrf2) =	vadd.scan.msk.f32 $0xffff, v37  }
0x2dc: {  	v2 =	vadd.f32 v41, v39;
	v44, _, _ =	vpop (xrf2);
	v1 =	vsel vm1, v1, v5;
	v45 =	vbroadcast v43, $0xF  }
0x2dd: {  	v46, _, _ =	vpop (xrf2);
	v1 =	vsel vm2, v1, v42;
	v0 =	vbroadcast v44, $0xF  }
0x2de: {  	(xrf2) =	vadd.scan.msk.f32 $0xffff, v2;
	v1 =	vsel vm3, v1, v45;
	v47 =	vbroadcast v46, $0xF;
	v48, _, _ =	vpop (xrf2)  }
0x2df: {  	v49, _, _ =	vpop (xrf2);
	v0 =	vsel vm4, v1, v0;
	v50 =	vbroadcast v48, $0xF  }
0x2e0: {  	v51, _, _ =	vpop (xrf2);
	v0 =	vsel vm5, v0, v47;
	v2 =	vbroadcast v49, $0xF  }
0x2e1: {  	v52, _, _ =	vpop (xrf2);
	v0 =	vsel vm6, v0, v50;
	v53 =	vbroadcast v51, $0xF  }
0x2e2: {  	v54, _, _ =	vpop (xrf2);
	v0 =	vsel vm7, v0, v2;
	v55 =	vbroadcast v52, $0xF  }
0x2e3: {  	v56, _, _ =	vpop (xrf2);
	v0 =	vsel vm8, v0, v53;
	v57 =	vbroadcast v54, $0xF  }
0x2e4: {  	v58, _, _ =	vpop (xrf2);
	v0 =	vsel vm9, v0, v55;
	v59 =	vbroadcast v56, $0xF  }
0x2e5: {  	p0 =	sne.s32 s21, $0x780;
	v60, _, _ =	vpop (xrf2);
	v0 =	vsel vm10, v0, v57;
	v61 =	vbroadcast v58, $0xF  }
.Ltmp0:
0x2e6: {  	v0 =	vsel vm11, v0, v59;
	v62 =	vbroadcast v60, $0xF;
	(pc) =	sbr.rel @p0 .LBB2_2-.Ltmp0, $4  }
0x2e7: {  	v0 =	vsel vm12, v0, v61  }
0x2e8: {  	v63, _, _ =	vpop (xrf2);
	v0 =	vsel vm13, v0, v62  }
0x2e9: {  	v0 =	vsel vm14, v0, v63  }
0x2ea: {  	s21 =	sadd.s32 $0x80, s21;
	[tilespmem:s22+$0x2410] =	vst v0  }
0x2eb: {  	[hbm4b:s13+s1] =	stream.linear.scatter [tilespmem:s31], [sflag:$0x5], $0x80, $0x38;
	[tilespmem:$0x2600] =	vst v63  }
0x2ec: {  	_ =	swait.ge [sflag:s18], $0x80  }
0x2ed: {  	[sflag:s18] =	ssyncset.done $0x0  }
0x2ee: {  	[sflag:s18] =	ssyncadd.s32 $0xFFFFFF80  }
0x2ef: {  	[hbm4b:s14+s1] =	stream.linear.scatter [tilespmem:s0], [sflag:$0x5], $0x80, $0x38;
	[tilespmem:$0x2600] =	vst v63  }
0x2f0: {  	_ =	swait.ge [sflag:s18], $0x80  }
0x2f1: {  	[sflag:s18] =	ssyncset.done $0x0  }
0x2f2: {  	[sflag:s18] =	ssyncadd.s32 $0xFFFFFF80  }
0x2f3: {  	[hbm4b:s15+s1] =	stream.linear.scatter [tilespmem:s4], [sflag:$0x5], $0x80, $0x38;
	[tilespmem:$0x2600] =	vst v63  }
0x2f4: {  	s20 =	sadd.s32 $0x1, s20;
	_ =	swait.ge [sflag:s18], $0x80  }
0x2f5: {  	p0 =	sne.s32 s20, s17;
	[sflag:s18] =	ssyncset.done $0x0  }
.Ltmp1:
0x2f6: {  	[sflag:s18] =	ssyncadd.s32 $0xFFFFFF80;
	(pc) =	sbr.rel @p0 .LBB2_1-.Ltmp1, $4  }
0x2f7: {  	[hbm4b:s16+s1] =	stream.linear.scatter [tilespmem:s19], [sflag:$0x5], $0x80, $0x38;
	[tilespmem:$0x2600] =	vst v63  }
0x2f8: {  	_ =	swait.ge [sflag:s18], $0x80  }
0x2f9: {  	[sflag:s18] =	ssyncset.done $0x0  }
0x2fa: {  	[sflag:s18] =	ssyncadd.s32 $0xFFFFFF80  }
0x2fb: {  	_ =	sfence.sel $0x180000  }
0x2fc: {  	[bflag:$0x0] =	sbarrier.arrive $0xFFFF  }
0x2fd: {  	_ =	strace $0x90000047  }
0x2fe: {  	s0 =	stileid.u32;
	[bflag:$0x2] =	sbarrier.arrive $0xFFFF  }
0x2ff: {  	p0 =	sne.s32 s0, $0x0;
	s0 =	rddreg [dreg:$0x4]  }
0x300: {  	s0 =	sadd.s32 @!p0 $0x100000, s0  }
0x301: {  	[sflag:s0] =	ssyncadd.tile.s32 @!p0 $0x1;
	_ =	shalt  }
.Lfunc_end2:
_tile_overlayer_lowered:
.L_overlay_start_2:
0x302: {  	(tag) =	ssettag $0x2  }
0x303: {  	s0 =	rddreg [dreg:$0x0];
	s2 =	stileid.u32  }
0x304: {  	s1 =	rddreg [dreg:$0x1];
	p0 =	sne.s32 s2, $0x0  }
0x305: {  	s3 =	rddreg [dreg:$0x2];
	[bflag:$0x3] =	sbarrier.arrive $0xFFFF;
	s2 =	simm.s32 @!p0 $0x1C05  }
0x306: {  	[timem:s3], [sflag:s2] =	dma.local @!p0 [hbm:s0], s1  }
0x307: {  	s0 =	simm.s32 @!p0 $0x5  }
0x308: {  	_ =	swait.ge @!p0 [sflag:s0], s1  }
0x309: {  	s1 =	ssub.s32 @!p0 $0x0, s1;
	[sflag:s0] =	ssyncset.done @!p0 $0x0  }
0x30a: {  	[sflag:s0] =	ssyncadd.s32 @!p0 s1  }
0x30b: {  	[bflag:$0x3] =	sbarrier.arrive $0xFFFF  }
0x30c: {  	_ =	shalt  }

</sc_bundles>
